<compile_context>
chip_gen: v7x
topology: tpu7x:2x2x1
jax: 0.10.2.dev20260603
libtpu: 0.0.44.dev20260713+nightly
codegen_flags: <defaults>
</compile_context>

<pallas_src>
import functools

import jax
import jax.numpy as jnp
from jax import lax
from jax.experimental import pallas as pl
from jax.experimental.pallas import tpu as pltpu
from jax.experimental.pallas import tpu_sc as plsc

VOCAB = 1000000
EMB_D = 32
NC = 2
NS = 16
NW = NC * NS

N_TILE = VOCAB // 128
TAIL = VOCAB - N_TILE * 128
T128_ROWS = (VOCAB + 127) // 128 * 32
PER_W1 = N_TILE // NW
EXTRA1 = N_TILE - PER_W1 * NW

_CP = pltpu.CompilerParams(
    needs_layout_passes=False, disable_bounds_checks=True
)


def _worker_id():
    return lax.axis_index("s") * NC + lax.axis_index("c")


@functools.cache
def _build_transpose():
    mesh = plsc.VectorSubcoreMesh(core_axis_name="c", subcore_axis_name="s")

    @functools.partial(
        pl.kernel,
        mesh=mesh,
        compiler_params=_CP,
        out_type=jax.ShapeDtypeStruct((T128_ROWS, 128), jnp.float32),
        scratch_types=[
            pltpu.VMEM((32, 129), jnp.float32),
            pltpu.VMEM((32, 129), jnp.float32),
            pltpu.VMEM((32, 128), jnp.float32),
            pltpu.VMEM((32, 128), jnp.float32),
            pltpu.VMEM((32, 64), jnp.float32),
            pltpu.VMEM((16, 128), jnp.float32),
            pltpu.SemaphoreType.DMA,
            pltpu.SemaphoreType.DMA,
            pltpu.SemaphoreType.DMA,
            pltpu.SemaphoreType.DMA,
        ],
    )
    def k1(src_hbm, out_hbm, buf0, buf1, dst0, dst1, tbuf, tdst,
           si0, si1, so0, so1):
        w = _worker_id()
        start = w * PER_W1
        iota = lax.iota(jnp.int32, 16)
        dlo = iota * 129
        dhi = dlo + 16 * 129

        def in_copies(c, buf, sem):
            c_off = pl.multiple_of(c * 128, 128)
            return [
                pltpu.make_async_copy(
                    src_hbm.at[pl.ds(dblk * 8, 8), pl.ds(c_off, 128)],
                    buf.at[pl.ds(dblk * 8, 8), pl.ds(0, 128)],
                    sem,
                )
                for dblk in range(4)
            ]

        def out_copy(c, dst, sem):
            r_off = pl.multiple_of(c * 32, 32)
            return pltpu.make_async_copy(
                dst, out_hbm.at[pl.ds(r_off, 32), :], sem
            )

        ihi = iota + 16

        def shuffle(buf, dst, n_r=32):
            @plsc.parallel_loop(0, n_r, 1, unroll=8)
            def _(r):
                base = r * 4
                for q in range(8):
                    dvec = ihi if q % 2 else iota
                    isp = jnp.full((16,), base + q // 2, jnp.int32)
                    dst[r, pl.ds(16 * q, 16)] = plsc.load_gather(buf, [dvec, isp])

        for cp in in_copies(start, buf0, si0):
            cp.start()

        def body(u, _):
            t0 = start + 2 * u
            t1 = t0 + 1

            for cp in in_copies(t1, buf1, si1):
                cp.start()
            for cp in in_copies(t0, buf0, si0):
                cp.wait()

            @pl.when(u >= 1)
            def _():
                out_copy(t0 - 2, dst0, so0).wait()

            shuffle(buf0, dst0)
            out_copy(t0, dst0, so0).start()

            @pl.when(u + 1 < PER_W1 // 2)
            def _():
                for cp in in_copies(t0 + 2, buf0, si0):
                    cp.start()

            for cp in in_copies(t1, buf1, si1):
                cp.wait()

            @pl.when(u >= 1)
            def _():
                out_copy(t1 - 2, dst1, so1).wait()

            shuffle(buf1, dst1)
            out_copy(t1, dst1, so1).start()
            return 0

        lax.fori_loop(0, PER_W1 // 2, body, 0, unroll=False)

        out_copy(start + PER_W1 - 2, dst0, so0).wait()
        out_copy(start + PER_W1 - 1, dst1, so1).wait()

        @pl.when(w < EXTRA1)
        def _():
            c = NW * PER_W1 + w
            for cp in in_copies(c, buf0, si0):
                cp.start()
            for cp in in_copies(c, buf0, si0):
                cp.wait()
            shuffle(buf0, dst0)
            out_copy(c, dst0, so0).start()
            out_copy(c, dst0, so0).wait()

        @pl.when(w == EXTRA1)
        def _():
            for dblk in range(4):
                pltpu.sync_copy(
                    src_hbm.at[pl.ds(dblk * 8, 8), pl.ds(N_TILE * 128, TAIL)],
                    tbuf.at[pl.ds(dblk * 8, 8), :],
                )
            shuffle(tbuf, tdst, n_r=16)
            pltpu.sync_copy(tdst, out_hbm.at[pl.ds(N_TILE * 32, 16), :])

    return k1


@functools.cache
def _build_gather(n_batch: int, n_fields: int):
    mesh = plsc.VectorSubcoreMesh(core_axis_name="c", subcore_axis_name="s")
    n_bblk = n_batch // 128
    n_blocks = n_fields * n_bblk
    assert n_blocks % (2 * NW) == 0
    per_w = n_blocks // NW
    n_pair = per_w // 2

    @functools.partial(
        pl.kernel,
        mesh=mesh,
        compiler_params=pltpu.CompilerParams(
            needs_layout_passes=False,
            disable_bounds_checks=True,
            use_tc_tiling_on_sc=False,
        ),
        out_type=jax.ShapeDtypeStruct((n_fields * 4 * n_bblk, 8, 128), jnp.float32),
        scratch_types=[
            pltpu.VMEM((256,), jnp.int32),
            pltpu.VMEM((256,), jnp.int32),
            pltpu.VMEM((128,), jnp.int32),
            pltpu.VMEM((128,), jnp.int32),
            pltpu.VMEM((128, 32), jnp.float32),
            pltpu.VMEM((128, 32), jnp.float32),
            pltpu.VMEM((32, 129), jnp.float32),
            pltpu.VMEM((32, 129), jnp.float32),
            pltpu.SemaphoreType.DMA,
            pltpu.SemaphoreType.DMA,
            pltpu.SemaphoreType.DMA,
            pltpu.SemaphoreType.DMA,
            pltpu.SemaphoreType.DMA,
        ],
    )
    def k2(t128_hbm, idx_hbm, out_hbm, idxa, idxb, rowv0, rowv1,
           rows0, rows1, dst0, dst1, sem_i, sg0, sg1, so0, so1):
        w = _worker_id()
        start = w * per_w
        iota = lax.iota(jnp.int32, 16)
        ihi = iota + 16

        def idx_copy(u):
            blk = start + 2 * u
            f = blk // n_bblk
            b_off = pl.multiple_of((blk % n_bblk) * 128, 128)
            return pltpu.make_async_copy(
                idx_hbm.at[f, pl.ds(b_off, 256)], idxb, sem_i
            )

        def gather_copy(rowv, rows, sem):
            return pltpu.make_async_copy(t128_hbm.at[rowv], rows, sem)

        def out_copies(t, dst, sem):
            blk = start + t
            f = blk // n_bblk
            bb = blk % n_bblk
            return [
                pltpu.make_async_copy(
                    dst.at[pl.ds(dblk * 8, 8), pl.ds(0, 128)],
                    out_hbm.at[(f * 4 + dblk) * n_bblk + bb],
                    sem,
                )
                for dblk in range(4)
            ]

        def prep(half, rowv):
            for j in range(8):
                rowv[pl.ds(j * 16, 16)] = idxa[pl.ds(half * 128 + j * 16, 16)]

        idx_copy(0).start()
        idx_copy(0).wait()
        for j in range(16):
            idxa[pl.ds(j * 16, 16)] = idxb[pl.ds(j * 16, 16)]
        prep(0, rowv0)
        gather_copy(rowv0, rows0, sg0).start()

        def select(rows, dst):
            @plsc.parallel_loop(0, 128, 1, unroll=4)
            def _(b):
                bsp = jnp.full((16,), b, jnp.int32)
                plsc.store_scatter(dst, [iota, bsp], rows[b, pl.ds(0, 16)])
                plsc.store_scatter(dst, [ihi, bsp], rows[b, pl.ds(16, 16)])

        def body(u, _):
            t0 = 2 * u
            t1 = t0 + 1

            @pl.when(u + 1 < n_pair)
            def _():
                idx_copy(u + 1).start()

            prep(1, rowv1)
            gather_copy(rowv1, rows1, sg1).start()

            gather_copy(rowv0, rows0, sg0).wait()

            @pl.when(u >= 1)
            def _():
                for cp in out_copies(t0 - 2, dst0, so0):
                    cp.wait()

            select(rows0, dst0)
            for cp in out_copies(t0, dst0, so0):
                cp.start()

            @pl.when(u + 1 < n_pair)
            def _():
                idx_copy(u + 1).wait()
                for j in range(16):
                    idxa[pl.ds(j * 16, 16)] = idxb[pl.ds(j * 16, 16)]
                prep(0, rowv0)
                gather_copy(rowv0, rows0, sg0).start()

            gather_copy(rowv1, rows1, sg1).wait()

            @pl.when(u >= 1)
            def _():
                for cp in out_copies(t1 - 2, dst1, so1):
                    cp.wait()

            select(rows1, dst1)
            for cp in out_copies(t1, dst1, so1):
                cp.start()
            return 0

        lax.fori_loop(0, n_pair, body, 0, unroll=False)

        for cp in out_copies(per_w - 2, dst0, so0):
            cp.wait()
        for cp in out_copies(per_w - 1, dst1, so1):
            cp.wait()

    return k2


def kernel(input, embedding):
    b, f = input.shape
    idx_t = input.T.astype(jnp.int32)
    table_t = embedding.T
    t128 = _build_transpose()(table_t)
    t_rows = t128.reshape(T128_ROWS * 4, EMB_D)
    out_t = _build_gather(b, f)(t_rows, idx_t)
    out5 = out_t.reshape(f, 4, b // 128, 8, 128)
    out = out5.transpose(2, 4, 0, 1, 3).reshape(b, f, EMB_D)
    return out

# --- scband reference (transcript-rebuilt; emitter-appended) ---
"""Pipeline reference for scband-full-embed-39350490366090 (READ-ONLY COPY).

The authoritative reference and input builder live on the scoring server;
editing this copy changes nothing except your own understanding.
"""

import jax, jax.numpy as jnp
import numpy as np

VOCAB_SIZE = 1000000
EMB_SIZE = 32
BATCH = 16384
N_FIELDS = 26

def setup_inputs(seed: int = 0) -> dict:
    key = jax.random.key(seed)
    k_idx, k_emb = jax.random.split(key)
    inp = jax.random.randint(k_idx, (BATCH, N_FIELDS), 0, VOCAB_SIZE, dtype=jnp.int64 if jax.config.jax_enable_x64 else jnp.int32)
    embedding = jax.random.normal(k_emb, (VOCAB_SIZE, EMB_SIZE), dtype=jnp.float32)
    return {"input": inp, "embedding": embedding}

def reference(input, embedding):
    # Faithful translation of FullEmbed.full_embed: input_emb = self.embedding[input]
    input_emb = jnp.take(embedding, input, axis=0)
    return input_emb

if __name__ == "__main__":
    import jax
    _d = setup_inputs()
    print(jax.jit(kernel)(*tuple(_d.values())))

</pallas_src>

<mosaic_0001>
#map = affine_map<(d0, d1) -> (0, 0)>
module attributes {stable_mosaic.version = 14 : i64} {
  func.func @k1(%arg0: i32, %arg1: i32, %arg2: memref<32x1000000xf32, #tpu.memory_space<hbm>>, %arg3: memref<250016x128xf32, #tpu.memory_space<hbm>>, %arg4: memref<32x129xf32, #tpu.memory_space<vmem>>, %arg5: memref<32x129xf32, #tpu.memory_space<vmem>>, %arg6: memref<32x128xf32, #tpu.memory_space<vmem>>, %arg7: memref<32x128xf32, #tpu.memory_space<vmem>>, %arg8: memref<32x64xf32, #tpu.memory_space<vmem>>, %arg9: memref<16x128xf32, #tpu.memory_space<vmem>>, %arg10: memref<!tpu.dma_semaphore, #tpu.memory_space<semaphore_mem>>, %arg11: memref<!tpu.dma_semaphore, #tpu.memory_space<semaphore_mem>>, %arg12: memref<!tpu.dma_semaphore, #tpu.memory_space<semaphore_mem>>, %arg13: memref<!tpu.dma_semaphore, #tpu.memory_space<semaphore_mem>>) attributes {dimension_semantics = [#tpu.dimension_semantics<core_parallel>, #tpu.dimension_semantics<subcore_parallel>], iteration_bounds = array<i64: 2, 16>, scalar_prefetch = 0 : i64, scratch_operands = 10 : i64, tpu.core_type = #tpu.core_type<sc_vector_subcore>, window_params = [{transform_indices = #map}, {transform_indices = #map}]} {
    %mul3A = arith.constant 2 : i32
    %mul3A_0 = arith.muli %arg1, %mul3A : i32
    %add3A = arith.addi %mul3A_0, %arg0 : i32
    %mul3A_1 = arith.constant 244 : i32
    %mul3A_2 = arith.muli %add3A, %mul3A_1 : i32
    %iota3A = tpu.iota {dimensions = array<i32: 0>} : vector<16xi32>
    %mul3A_3 = arith.constant 129 : i32
    %mul3A_4 = vector.broadcast %mul3A_3 : i32 to vector<16xi32>
    %mul3A_5 = arith.muli %iota3A, %mul3A_4 : vector<16xi32>
    %add3A_6 = arith.constant 2064 : i32
    %add3A_7 = vector.broadcast %add3A_6 : i32 to vector<16xi32>
    %add3A_8 = arith.addi %mul3A_5, %add3A_7 : vector<16xi32>
    %add3A_9 = arith.constant 16 : i32
    %add3A_10 = vector.broadcast %add3A_9 : i32 to vector<16xi32>
    %add3A_11 = arith.addi %iota3A, %add3A_10 : vector<16xi32>
    %mul3A_12 = arith.constant 128 : i32
    %mul3A_13 = arith.muli %mul3A_2, %mul3A_12 : i32
    %multiple_of3A = tpu.assume_multiple %mul3A_13, 128 : i32
    %dma_start3A = arith.constant 0 : i32
    %dma_start3A_14 = arith.constant 0 : i32
    %dma_start3A_15 = tpu.memref_slice %arg4[%dma_start3A, %dma_start3A_14] : memref<32x129xf32, #tpu.memory_space<vmem>> -> memref<8x128xf32, #tpu.memory_space<vmem>>
    %dma_start3A_16 = arith.constant 0 : i32
    %dma_start3A_17 = tpu.memref_slice %arg2[%dma_start3A_16, %multiple_of3A] : memref<32x1000000xf32, #tpu.memory_space<hbm>> -> memref<8x128xf32, #tpu.memory_space<hbm>>
    %dma_start3A_18 = arith.constant 0 : i32
    %dma_start3A_19 = arith.constant 0 : i32
    %dma_start3A_20 = tpu.memref_slice %arg4[%dma_start3A_18, %dma_start3A_19] : memref<32x129xf32, #tpu.memory_space<vmem>> -> memref<8x128xf32, #tpu.memory_space<vmem>>
    %dma_start3A_21 = arith.constant 0 : i32
    %dma_start3A_22 = tpu.memref_slice %arg2[%dma_start3A_21, %multiple_of3A] : memref<32x1000000xf32, #tpu.memory_space<hbm>> -> memref<8x128xf32, #tpu.memory_space<hbm>>
    tpu.enqueue_dma source(%dma_start3A_22 : memref<8x128xf32, #tpu.memory_space<hbm>>) target(%dma_start3A_20 : memref<8x128xf32, #tpu.memory_space<vmem>>) target_semaphore(%arg10 : memref<!tpu.dma_semaphore, #tpu.memory_space<semaphore_mem>>)
    %dma_start3A_23 = arith.constant 8 : i32
    %dma_start3A_24 = arith.constant 0 : i32
    %dma_start3A_25 = tpu.memref_slice %arg4[%dma_start3A_23, %dma_start3A_24] : memref<32x129xf32, #tpu.memory_space<vmem>> -> memref<8x128xf32, #tpu.memory_space<vmem>>
    %dma_start3A_26 = arith.constant 8 : i32
    %dma_start3A_27 = tpu.memref_slice %arg2[%dma_start3A_26, %multiple_of3A] : memref<32x1000000xf32, #tpu.memory_space<hbm>> -> memref<8x128xf32, #tpu.memory_space<hbm>>
    %dma_start3A_28 = arith.constant 8 : i32
    %dma_start3A_29 = arith.constant 0 : i32
    %dma_start3A_30 = tpu.memref_slice %arg4[%dma_start3A_28, %dma_start3A_29] : memref<32x129xf32, #tpu.memory_space<vmem>> -> memref<8x128xf32, #tpu.memory_space<vmem>>
    %dma_start3A_31 = arith.constant 8 : i32
    %dma_start3A_32 = tpu.memref_slice %arg2[%dma_start3A_31, %multiple_of3A] : memref<32x1000000xf32, #tpu.memory_space<hbm>> -> memref<8x128xf32, #tpu.memory_space<hbm>>
    tpu.enqueue_dma source(%dma_start3A_32 : memref<8x128xf32, #tpu.memory_space<hbm>>) target(%dma_start3A_30 : memref<8x128xf32, #tpu.memory_space<vmem>>) target_semaphore(%arg10 : memref<!tpu.dma_semaphore, #tpu.memory_space<semaphore_mem>>)
    %dma_start3A_33 = arith.constant 16 : i32
    %dma_start3A_34 = arith.constant 0 : i32
    %dma_start3A_35 = tpu.memref_slice %arg4[%dma_start3A_33, %dma_start3A_34] : memref<32x129xf32, #tpu.memory_space<vmem>> -> memref<8x128xf32, #tpu.memory_space<vmem>>
    %dma_start3A_36 = arith.constant 16 : i32
    %dma_start3A_37 = tpu.memref_slice %arg2[%dma_start3A_36, %multiple_of3A] : memref<32x1000000xf32, #tpu.memory_space<hbm>> -> memref<8x128xf32, #tpu.memory_space<hbm>>
    %dma_start3A_38 = arith.constant 16 : i32
    %dma_start3A_39 = arith.constant 0 : i32
    %dma_start3A_40 = tpu.memref_slice %arg4[%dma_start3A_38, %dma_start3A_39] : memref<32x129xf32, #tpu.memory_space<vmem>> -> memref<8x128xf32, #tpu.memory_space<vmem>>
    %dma_start3A_41 = arith.constant 16 : i32
    %dma_start3A_42 = tpu.memref_slice %arg2[%dma_start3A_41, %multiple_of3A] : memref<32x1000000xf32, #tpu.memory_space<hbm>> -> memref<8x128xf32, #tpu.memory_space<hbm>>
    tpu.enqueue_dma source(%dma_start3A_42 : memref<8x128xf32, #tpu.memory_space<hbm>>) target(%dma_start3A_40 : memref<8x128xf32, #tpu.memory_space<vmem>>) target_semaphore(%arg10 : memref<!tpu.dma_semaphore, #tpu.memory_space<semaphore_mem>>)
    %dma_start3A_43 = arith.constant 24 : i32
    %dma_start3A_44 = arith.constant 0 : i32
    %dma_start3A_45 = tpu.memref_slice %arg4[%dma_start3A_43, %dma_start3A_44] : memref<32x129xf32, #tpu.memory_space<vmem>> -> memref<8x128xf32, #tpu.memory_space<vmem>>
    %dma_start3A_46 = arith.constant 24 : i32
    %dma_start3A_47 = tpu.memref_slice %arg2[%dma_start3A_46, %multiple_of3A] : memref<32x1000000xf32, #tpu.memory_space<hbm>> -> memref<8x128xf32, #tpu.memory_space<hbm>>
    %dma_start3A_48 = arith.constant 24 : i32
    %dma_start3A_49 = arith.constant 0 : i32
    %dma_start3A_50 = tpu.memref_slice %arg4[%dma_start3A_48, %dma_start3A_49] : memref<32x129xf32, #tpu.memory_space<vmem>> -> memref<8x128xf32, #tpu.memory_space<vmem>>
    %dma_start3A_51 = arith.constant 24 : i32
    %dma_start3A_52 = tpu.memref_slice %arg2[%dma_start3A_51, %multiple_of3A] : memref<32x1000000xf32, #tpu.memory_space<hbm>> -> memref<8x128xf32, #tpu.memory_space<hbm>>
    tpu.enqueue_dma source(%dma_start3A_52 : memref<8x128xf32, #tpu.memory_space<hbm>>) target(%dma_start3A_50 : memref<8x128xf32, #tpu.memory_space<vmem>>) target_semaphore(%arg10 : memref<!tpu.dma_semaphore, #tpu.memory_space<semaphore_mem>>)
    %scan3A = arith.constant 0 : i32
    %scan3A_53 = arith.constant 0 : i32
    %scan3A_54 = arith.constant 122 : i32
    %scan3A_55 = arith.addi %scan3A_53, %scan3A_54 : i32
    %scan3A_56 = arith.constant 1 : i32
    %scan3A_57 = scf.for %scan3A_85 = %scan3A_53 to %scan3A_55 step %scan3A_56 iter_args(%scan3A_86 = %scan3A) -> (i32)  : i32 {
      %mul3A_87 = arith.constant 2 : i32
      %mul3A_88 = arith.muli %mul3A_87, %scan3A_85 : i32
      %add3A_89 = arith.addi %mul3A_2, %mul3A_88 : i32
      %add3A_90 = arith.constant 1 : i32
      %add3A_91 = arith.addi %add3A_89, %add3A_90 : i32
      %mul3A_92 = arith.constant 128 : i32
      %mul3A_93 = arith.muli %add3A_91, %mul3A_92 : i32
      %multiple_of3A_94 = tpu.assume_multiple %mul3A_93, 128 : i32
      %dma_start3A_95 = arith.constant 0 : i32
      %dma_start3A_96 = arith.constant 0 : i32
      %dma_start3A_97 = tpu.memref_slice %arg5[%dma_start3A_95, %dma_start3A_96] : memref<32x129xf32, #tpu.memory_space<vmem>> -> memref<8x128xf32, #tpu.memory_space<vmem>>
      %dma_start3A_98 = arith.constant 0 : i32
      %dma_start3A_99 = tpu.memref_slice %arg2[%dma_start3A_98, %multiple_of3A_94] : memref<32x1000000xf32, #tpu.memory_space<hbm>> -> memref<8x128xf32, #tpu.memory_space<hbm>>
      %dma_start3A_100 = arith.constant 0 : i32
      %dma_start3A_101 = arith.constant 0 : i32
      %dma_start3A_102 = tpu.memref_slice %arg5[%dma_start3A_100, %dma_start3A_101] : memref<32x129xf32, #tpu.memory_space<vmem>> -> memref<8x128xf32, #tpu.memory_space<vmem>>
      %dma_start3A_103 = arith.constant 0 : i32
      %dma_start3A_104 = tpu.memref_slice %arg2[%dma_start3A_103, %multiple_of3A_94] : memref<32x1000000xf32, #tpu.memory_space<hbm>> -> memref<8x128xf32, #tpu.memory_space<hbm>>
      tpu.enqueue_dma source(%dma_start3A_104 : memref<8x128xf32, #tpu.memory_space<hbm>>) target(%dma_start3A_102 : memref<8x128xf32, #tpu.memory_space<vmem>>) target_semaphore(%arg11 : memref<!tpu.dma_semaphore, #tpu.memory_space<semaphore_mem>>)
      %dma_start3A_105 = arith.constant 8 : i32
      %dma_start3A_106 = arith.constant 0 : i32
      %dma_start3A_107 = tpu.memref_slice %arg5[%dma_start3A_105, %dma_start3A_106] : memref<32x129xf32, #tpu.memory_space<vmem>> -> memref<8x128xf32, #tpu.memory_space<vmem>>
      %dma_start3A_108 = arith.constant 8 : i32
      %dma_start3A_109 = tpu.memref_slice %arg2[%dma_start3A_108, %multiple_of3A_94] : memref<32x1000000xf32, #tpu.memory_space<hbm>> -> memref<8x128xf32, #tpu.memory_space<hbm>>
      %dma_start3A_110 = arith.constant 8 : i32
      %dma_start3A_111 = arith.constant 0 : i32
      %dma_start3A_112 = tpu.memref_slice %arg5[%dma_start3A_110, %dma_start3A_111] : memref<32x129xf32, #tpu.memory_space<vmem>> -> memref<8x128xf32, #tpu.memory_space<vmem>>
      %dma_start3A_113 = arith.constant 8 : i32
      %dma_start3A_114 = tpu.memref_slice %arg2[%dma_start3A_113, %multiple_of3A_94] : memref<32x1000000xf32, #tpu.memory_space<hbm>> -> memref<8x128xf32, #tpu.memory_space<hbm>>
      tpu.enqueue_dma source(%dma_start3A_114 : memref<8x128xf32, #tpu.memory_space<hbm>>) target(%dma_start3A_112 : memref<8x128xf32, #tpu.memory_space<vmem>>) target_semaphore(%arg11 : memref<!tpu.dma_semaphore, #tpu.memory_space<semaphore_mem>>)
      %dma_start3A_115 = arith.constant 16 : i32
      %dma_start3A_116 = arith.constant 0 : i32
      %dma_start3A_117 = tpu.memref_slice %arg5[%dma_start3A_115, %dma_start3A_116] : memref<32x129xf32, #tpu.memory_space<vmem>> -> memref<8x128xf32, #tpu.memory_space<vmem>>
      %dma_start3A_118 = arith.constant 16 : i32
      %dma_start3A_119 = tpu.memref_slice %arg2[%dma_start3A_118, %multiple_of3A_94] : memref<32x1000000xf32, #tpu.memory_space<hbm>> -> memref<8x128xf32, #tpu.memory_space<hbm>>
      %dma_start3A_120 = arith.constant 16 : i32
      %dma_start3A_121 = arith.constant 0 : i32
      %dma_start3A_122 = tpu.memref_slice %arg5[%dma_start3A_120, %dma_start3A_121] : memref<32x129xf32, #tpu.memory_space<vmem>> -> memref<8x128xf32, #tpu.memory_space<vmem>>
      %dma_start3A_123 = arith.constant 16 : i32
      %dma_start3A_124 = tpu.memref_slice %arg2[%dma_start3A_123, %multiple_of3A_94] : memref<32x1000000xf32, #tpu.memory_space<hbm>> -> memref<8x128xf32, #tpu.memory_space<hbm>>
      tpu.enqueue_dma source(%dma_start3A_124 : memref<8x128xf32, #tpu.memory_space<hbm>>) target(%dma_start3A_122 : memref<8x128xf32, #tpu.memory_space<vmem>>) target_semaphore(%arg11 : memref<!tpu.dma_semaphore, #tpu.memory_space<semaphore_mem>>)
      %dma_start3A_125 = arith.constant 24 : i32
      %dma_start3A_126 = arith.constant 0 : i32
      %dma_start3A_127 = tpu.memref_slice %arg5[%dma_start3A_125, %dma_start3A_126] : memref<32x129xf32, #tpu.memory_space<vmem>> -> memref<8x128xf32, #tpu.memory_space<vmem>>
      %dma_start3A_128 = arith.constant 24 : i32
      %dma_start3A_129 = tpu.memref_slice %arg2[%dma_start3A_128, %multiple_of3A_94] : memref<32x1000000xf32, #tpu.memory_space<hbm>> -> memref<8x128xf32, #tpu.memory_space<hbm>>
      %dma_start3A_130 = arith.constant 24 : i32
      %dma_start3A_131 = arith.constant 0 : i32
      %dma_start3A_132 = tpu.memref_slice %arg5[%dma_start3A_130, %dma_start3A_131] : memref<32x129xf32, #tpu.memory_space<vmem>> -> memref<8x128xf32, #tpu.memory_space<vmem>>
      %dma_start3A_133 = arith.constant 24 : i32
      %dma_start3A_134 = tpu.memref_slice %arg2[%dma_start3A_133, %multiple_of3A_94] : memref<32x1000000xf32, #tpu.memory_space<hbm>> -> memref<8x128xf32, #tpu.memory_space<hbm>>
      tpu.enqueue_dma source(%dma_start3A_134 : memref<8x128xf32, #tpu.memory_space<hbm>>) target(%dma_start3A_132 : memref<8x128xf32, #tpu.memory_space<vmem>>) target_semaphore(%arg11 : memref<!tpu.dma_semaphore, #tpu.memory_space<semaphore_mem>>)
      %mul3A_135 = arith.constant 128 : i32
      %mul3A_136 = arith.muli %add3A_89, %mul3A_135 : i32
      %multiple_of3A_137 = tpu.assume_multiple %mul3A_136, 128 : i32
      %dma_wait3A_138 = arith.constant 0 : i32
      %dma_wait3A_139 = arith.constant 0 : i32
      %dma_wait3A_140 = tpu.memref_slice %arg4[%dma_wait3A_138, %dma_wait3A_139] : memref<32x129xf32, #tpu.memory_space<vmem>> -> memref<8x128xf32, #tpu.memory_space<vmem>>
      %dma_wait3A_141 = arith.constant 0 : i32
      %dma_wait3A_142 = tpu.memref_slice %arg2[%dma_wait3A_141, %multiple_of3A_137] : memref<32x1000000xf32, #tpu.memory_space<hbm>> -> memref<8x128xf32, #tpu.memory_space<hbm>>
      %dma_wait3A_143 = arith.constant 0 : i32
      %dma_wait3A_144 = arith.constant 0 : i32
      %dma_wait3A_145 = tpu.memref_slice %arg4[%dma_wait3A_143, %dma_wait3A_144] : memref<32x129xf32, #tpu.memory_space<vmem>> -> memref<8x128xf32, #tpu.memory_space<vmem>>
      %dma_wait3A_146 = arith.constant 0 : i32
      %dma_wait3A_147 = tpu.memref_slice %arg2[%dma_wait3A_146, %multiple_of3A_137] : memref<32x1000000xf32, #tpu.memory_space<hbm>> -> memref<8x128xf32, #tpu.memory_space<hbm>>
      tpu.wait_dma2 semaphore(%arg10 : memref<!tpu.dma_semaphore, #tpu.memory_space<semaphore_mem>>) src(%dma_wait3A_147 : memref<8x128xf32, #tpu.memory_space<hbm>>) dst(%dma_wait3A_145 : memref<8x128xf32, #tpu.memory_space<vmem>>)
      %dma_wait3A_148 = arith.constant 8 : i32
      %dma_wait3A_149 = arith.constant 0 : i32
      %dma_wait3A_150 = tpu.memref_slice %arg4[%dma_wait3A_148, %dma_wait3A_149] : memref<32x129xf32, #tpu.memory_space<vmem>> -> memref<8x128xf32, #tpu.memory_space<vmem>>
      %dma_wait3A_151 = arith.constant 8 : i32
      %dma_wait3A_152 = tpu.memref_slice %arg2[%dma_wait3A_151, %multiple_of3A_137] : memref<32x1000000xf32, #tpu.memory_space<hbm>> -> memref<8x128xf32, #tpu.memory_space<hbm>>
      %dma_wait3A_153 = arith.constant 8 : i32
      %dma_wait3A_154 = arith.constant 0 : i32
      %dma_wait3A_155 = tpu.memref_slice %arg4[%dma_wait3A_153, %dma_wait3A_154] : memref<32x129xf32, #tpu.memory_space<vmem>> -> memref<8x128xf32, #tpu.memory_space<vmem>>
      %dma_wait3A_156 = arith.constant 8 : i32
      %dma_wait3A_157 = tpu.memref_slice %arg2[%dma_wait3A_156, %multiple_of3A_137] : memref<32x1000000xf32, #tpu.memory_space<hbm>> -> memref<8x128xf32, #tpu.memory_space<hbm>>
      tpu.wait_dma2 semaphore(%arg10 : memref<!tpu.dma_semaphore, #tpu.memory_space<semaphore_mem>>) src(%dma_wait3A_157 : memref<8x128xf32, #tpu.memory_space<hbm>>) dst(%dma_wait3A_155 : memref<8x128xf32, #tpu.memory_space<vmem>>)
      %dma_wait3A_158 = arith.constant 16 : i32
      %dma_wait3A_159 = arith.constant 0 : i32
      %dma_wait3A_160 = tpu.memref_slice %arg4[%dma_wait3A_158, %dma_wait3A_159] : memref<32x129xf32, #tpu.memory_space<vmem>> -> memref<8x128xf32, #tpu.memory_space<vmem>>
      %dma_wait3A_161 = arith.constant 16 : i32
      %dma_wait3A_162 = tpu.memref_slice %arg2[%dma_wait3A_161, %multiple_of3A_137] : memref<32x1000000xf32, #tpu.memory_space<hbm>> -> memref<8x128xf32, #tpu.memory_space<hbm>>
      %dma_wait3A_163 = arith.constant 16 : i32
      %dma_wait3A_164 = arith.constant 0 : i32
      %dma_wait3A_165 = tpu.memref_slice %arg4[%dma_wait3A_163, %dma_wait3A_164] : memref<32x129xf32, #tpu.memory_space<vmem>> -> memref<8x128xf32, #tpu.memory_space<vmem>>
      %dma_wait3A_166 = arith.constant 16 : i32
      %dma_wait3A_167 = tpu.memref_slice %arg2[%dma_wait3A_166, %multiple_of3A_137] : memref<32x1000000xf32, #tpu.memory_space<hbm>> -> memref<8x128xf32, #tpu.memory_space<hbm>>
      tpu.wait_dma2 semaphore(%arg10 : memref<!tpu.dma_semaphore, #tpu.memory_space<semaphore_mem>>) src(%dma_wait3A_167 : memref<8x128xf32, #tpu.memory_space<hbm>>) dst(%dma_wait3A_165 : memref<8x128xf32, #tpu.memory_space<vmem>>)
      %dma_wait3A_168 = arith.constant 24 : i32
      %dma_wait3A_169 = arith.constant 0 : i32
      %dma_wait3A_170 = tpu.memref_slice %arg4[%dma_wait3A_168, %dma_wait3A_169] : memref<32x129xf32, #tpu.memory_space<vmem>> -> memref<8x128xf32, #tpu.memory_space<vmem>>
      %dma_wait3A_171 = arith.constant 24 : i32
      %dma_wait3A_172 = tpu.memref_slice %arg2[%dma_wait3A_171, %multiple_of3A_137] : memref<32x1000000xf32, #tpu.memory_space<hbm>> -> memref<8x128xf32, #tpu.memory_space<hbm>>
      %dma_wait3A_173 = arith.constant 24 : i32
      %dma_wait3A_174 = arith.constant 0 : i32
      %dma_wait3A_175 = tpu.memref_slice %arg4[%dma_wait3A_173, %dma_wait3A_174] : memref<32x129xf32, #tpu.memory_space<vmem>> -> memref<8x128xf32, #tpu.memory_space<vmem>>
      %dma_wait3A_176 = arith.constant 24 : i32
      %dma_wait3A_177 = tpu.memref_slice %arg2[%dma_wait3A_176, %multiple_of3A_137] : memref<32x1000000xf32, #tpu.memory_space<hbm>> -> memref<8x128xf32, #tpu.memory_space<hbm>>
      tpu.wait_dma2 semaphore(%arg10 : memref<!tpu.dma_semaphore, #tpu.memory_space<semaphore_mem>>) src(%dma_wait3A_177 : memref<8x128xf32, #tpu.memory_space<hbm>>) dst(%dma_wait3A_175 : memref<8x128xf32, #tpu.memory_space<vmem>>)
      %ge3A = arith.constant 1 : i32
      %ge3A_178 = arith.cmpi sge, %scan3A_85, %ge3A : i32
      %convert_element_type3A_179 = arith.extui %ge3A_178 : i1 to i32
      %cond3A_180 = arith.constant 0 : i32
      %cond3A_181 = arith.cmpi ne, %convert_element_type3A_179, %cond3A_180 : i32
      scf.if %cond3A_181 {
        %sub3A_257 = arith.constant 2 : i32
        %sub3A_258 = arith.subi %add3A_89, %sub3A_257 : i32
        %mul3A_259 = arith.constant 32 : i32
        %mul3A_260 = arith.muli %sub3A_258, %mul3A_259 : i32
        %multiple_of3A_261 = tpu.assume_multiple %mul3A_260, 32 : i32
        %dma_wait3A_262 = arith.constant 0 : i32
        %dma_wait3A_263 = tpu.memref_slice %arg3[%multiple_of3A_261, %dma_wait3A_262] : memref<250016x128xf32, #tpu.memory_space<hbm>> -> memref<32x128xf32, #tpu.memory_space<hbm>>
        %dma_wait3A_264 = arith.constant 0 : i32
        %dma_wait3A_265 = tpu.memref_slice %arg3[%multiple_of3A_261, %dma_wait3A_264] : memref<250016x128xf32, #tpu.memory_space<hbm>> -> memref<32x128xf32, #tpu.memory_space<hbm>>
        tpu.wait_dma2 semaphore(%arg12 : memref<!tpu.dma_semaphore, #tpu.memory_space<semaphore_mem>>) src(%arg6 : memref<32x128xf32, #tpu.memory_space<vmem>>) dst(%dma_wait3A_265 : memref<32x128xf32, #tpu.memory_space<hbm>>)
      } else {
      }
      %parallel_loop3A = arith.constant 0 : i32
      %parallel_loop3A_182 = arith.constant 32 : i32
      %parallel_loop3A_183 = arith.constant 1 : i32
      scf.for %parallel_loop3A_257 = %parallel_loop3A to %parallel_loop3A_182 step %parallel_loop3A_183  : i32 {
        %parallel_loop3A_258 = arith.constant 4 : i32
        %parallel_loop3A_259 = arith.muli %parallel_loop3A_257, %parallel_loop3A_258 : i32
        %parallel_loop3A_260 = arith.constant 0 : i32
        %parallel_loop3A_261 = arith.addi %parallel_loop3A_259, %parallel_loop3A_260 : i32
        %parallel_loop3A_262 = vector.broadcast %parallel_loop3A_261 : i32 to vector<16xi32>
        %parallel_loop3A_263 = tpu.vector_load_idx %arg4[%iota3A, %parallel_loop3A_262] : memref<32x129xf32, #tpu.memory_space<vmem>>[vector<16xi32>, vector<16xi32>], vector<16xf32>,
        %parallel_loop3A_264 = arith.index_cast %parallel_loop3A_257 : i32 to index
        %parallel_loop3A_265 = arith.constant 0 : index
        %parallel_loop3A_266 = tpu.vector_load %arg6[%parallel_loop3A_264, %parallel_loop3A_265] {strides = array<i32>} : memref<32x128xf32, #tpu.memory_space<vmem>>, vector<16xf32>,
        tpu.vector_store %arg6[%parallel_loop3A_264, %parallel_loop3A_265], %parallel_loop3A_263 {strides = array<i32>} : memref<32x128xf32, #tpu.memory_space<vmem>>, vector<16xf32>,
        %parallel_loop3A_267 = arith.constant 0 : i32
        %parallel_loop3A_268 = arith.addi %parallel_loop3A_259, %parallel_loop3A_267 : i32
        %parallel_loop3A_269 = vector.broadcast %parallel_loop3A_268 : i32 to vector<16xi32>
        %parallel_loop3A_270 = tpu.vector_load_idx %arg4[%add3A_11, %parallel_loop3A_269] : memref<32x129xf32, #tpu.memory_space<vmem>>[vector<16xi32>, vector<16xi32>], vector<16xf32>,
        %parallel_loop3A_271 = arith.index_cast %parallel_loop3A_257 : i32 to index
        %parallel_loop3A_272 = arith.constant 16 : index
        %parallel_loop3A_273 = tpu.vector_load %arg6[%parallel_loop3A_271, %parallel_loop3A_272] {strides = array<i32>} : memref<32x128xf32, #tpu.memory_space<vmem>>, vector<16xf32>,
        tpu.vector_store %arg6[%parallel_loop3A_271, %parallel_loop3A_272], %parallel_loop3A_270 {strides = array<i32>} : memref<32x128xf32, #tpu.memory_space<vmem>>, vector<16xf32>,
        %parallel_loop3A_274 = arith.constant 1 : i32
        %parallel_loop3A_275 = arith.addi %parallel_loop3A_259, %parallel_loop3A_274 : i32
        %parallel_loop3A_276 = vector.broadcast %parallel_loop3A_275 : i32 to vector<16xi32>
        %parallel_loop3A_277 = tpu.vector_load_idx %arg4[%iota3A, %parallel_loop3A_276] : memref<32x129xf32, #tpu.memory_space<vmem>>[vector<16xi32>, vector<16xi32>], vector<16xf32>,
        %parallel_loop3A_278 = arith.index_cast %parallel_loop3A_257 : i32 to index
        %parallel_loop3A_279 = arith.constant 32 : index
        %parallel_loop3A_280 = tpu.vector_load %arg6[%parallel_loop3A_278, %parallel_loop3A_279] {strides = array<i32>} : memref<32x128xf32, #tpu.memory_space<vmem>>, vector<16xf32>,
        tpu.vector_store %arg6[%parallel_loop3A_278, %parallel_loop3A_279], %parallel_loop3A_277 {strides = array<i32>} : memref<32x128xf32, #tpu.memory_space<vmem>>, vector<16xf32>,
        %parallel_loop3A_281 = arith.constant 1 : i32
        %parallel_loop3A_282 = arith.addi %parallel_loop3A_259, %parallel_loop3A_281 : i32
        %parallel_loop3A_283 = vector.broadcast %parallel_loop3A_282 : i32 to vector<16xi32>
        %parallel_loop3A_284 = tpu.vector_load_idx %arg4[%add3A_11, %parallel_loop3A_283] : memref<32x129xf32, #tpu.memory_space<vmem>>[vector<16xi32>, vector<16xi32>], vector<16xf32>,
        %parallel_loop3A_285 = arith.index_cast %parallel_loop3A_257 : i32 to index
        %parallel_loop3A_286 = arith.constant 48 : index
        %parallel_loop3A_287 = tpu.vector_load %arg6[%parallel_loop3A_285, %parallel_loop3A_286] {strides = array<i32>} : memref<32x128xf32, #tpu.memory_space<vmem>>, vector<16xf32>,
        tpu.vector_store %arg6[%parallel_loop3A_285, %parallel_loop3A_286], %parallel_loop3A_284 {strides = array<i32>} : memref<32x128xf32, #tpu.memory_space<vmem>>, vector<16xf32>,
        %parallel_loop3A_288 = arith.constant 2 : i32
        %parallel_loop3A_289 = arith.addi %parallel_loop3A_259, %parallel_loop3A_288 : i32
        %parallel_loop3A_290 = vector.broadcast %parallel_loop3A_289 : i32 to vector<16xi32>
        %parallel_loop3A_291 = tpu.vector_load_idx %arg4[%iota3A, %parallel_loop3A_290] : memref<32x129xf32, #tpu.memory_space<vmem>>[vector<16xi32>, vector<16xi32>], vector<16xf32>,
        %parallel_loop3A_292 = arith.index_cast %parallel_loop3A_257 : i32 to index
        %parallel_loop3A_293 = arith.constant 64 : index
        %parallel_loop3A_294 = tpu.vector_load %arg6[%parallel_loop3A_292, %parallel_loop3A_293] {strides = array<i32>} : memref<32x128xf32, #tpu.memory_space<vmem>>, vector<16xf32>,
        tpu.vector_store %arg6[%parallel_loop3A_292, %parallel_loop3A_293], %parallel_loop3A_291 {strides = array<i32>} : memref<32x128xf32, #tpu.memory_space<vmem>>, vector<16xf32>,
        %parallel_loop3A_295 = arith.constant 2 : i32
        %parallel_loop3A_296 = arith.addi %parallel_loop3A_259, %parallel_loop3A_295 : i32
        %parallel_loop3A_297 = vector.broadcast %parallel_loop3A_296 : i32 to vector<16xi32>
        %parallel_loop3A_298 = tpu.vector_load_idx %arg4[%add3A_11, %parallel_loop3A_297] : memref<32x129xf32, #tpu.memory_space<vmem>>[vector<16xi32>, vector<16xi32>], vector<16xf32>,
        %parallel_loop3A_299 = arith.index_cast %parallel_loop3A_257 : i32 to index
        %parallel_loop3A_300 = arith.constant 80 : index
        %parallel_loop3A_301 = tpu.vector_load %arg6[%parallel_loop3A_299, %parallel_loop3A_300] {strides = array<i32>} : memref<32x128xf32, #tpu.memory_space<vmem>>, vector<16xf32>,
        tpu.vector_store %arg6[%parallel_loop3A_299, %parallel_loop3A_300], %parallel_loop3A_298 {strides = array<i32>} : memref<32x128xf32, #tpu.memory_space<vmem>>, vector<16xf32>,
        %parallel_loop3A_302 = arith.constant 3 : i32
        %parallel_loop3A_303 = arith.addi %parallel_loop3A_259, %parallel_loop3A_302 : i32
        %parallel_loop3A_304 = vector.broadcast %parallel_loop3A_303 : i32 to vector<16xi32>
        %parallel_loop3A_305 = tpu.vector_load_idx %arg4[%iota3A, %parallel_loop3A_304] : memref<32x129xf32, #tpu.memory_space<vmem>>[vector<16xi32>, vector<16xi32>], vector<16xf32>,
        %parallel_loop3A_306 = arith.index_cast %parallel_loop3A_257 : i32 to index
        %parallel_loop3A_307 = arith.constant 96 : index
        %parallel_loop3A_308 = tpu.vector_load %arg6[%parallel_loop3A_306, %parallel_loop3A_307] {strides = array<i32>} : memref<32x128xf32, #tpu.memory_space<vmem>>, vector<16xf32>,
        tpu.vector_store %arg6[%parallel_loop3A_306, %parallel_loop3A_307], %parallel_loop3A_305 {strides = array<i32>} : memref<32x128xf32, #tpu.memory_space<vmem>>, vector<16xf32>,
        %parallel_loop3A_309 = arith.constant 3 : i32
        %parallel_loop3A_310 = arith.addi %parallel_loop3A_259, %parallel_loop3A_309 : i32
        %parallel_loop3A_311 = vector.broadcast %parallel_loop3A_310 : i32 to vector<16xi32>
        %parallel_loop3A_312 = tpu.vector_load_idx %arg4[%add3A_11, %parallel_loop3A_311] : memref<32x129xf32, #tpu.memory_space<vmem>>[vector<16xi32>, vector<16xi32>], vector<16xf32>,
        %parallel_loop3A_313 = arith.index_cast %parallel_loop3A_257 : i32 to index
        %parallel_loop3A_314 = arith.constant 112 : index
        %parallel_loop3A_315 = tpu.vector_load %arg6[%parallel_loop3A_313, %parallel_loop3A_314] {strides = array<i32>} : memref<32x128xf32, #tpu.memory_space<vmem>>, vector<16xf32>,
        tpu.vector_store %arg6[%parallel_loop3A_313, %parallel_loop3A_314], %parallel_loop3A_312 {strides = array<i32>} : memref<32x128xf32, #tpu.memory_space<vmem>>, vector<16xf32>,
      } {sc.loop_unroll_factor = 8 : i64, sc.parallel_access}
      %mul3A_184 = arith.constant 32 : i32
      %mul3A_185 = arith.muli %add3A_89, %mul3A_184 : i32
      %multiple_of3A_186 = tpu.assume_multiple %mul3A_185, 32 : i32
      %dma_start3A_187 = arith.constant 0 : i32
      %dma_start3A_188 = tpu.memref_slice %arg3[%multiple_of3A_186, %dma_start3A_187] : memref<250016x128xf32, #tpu.memory_space<hbm>> -> memref<32x128xf32, #tpu.memory_space<hbm>>
      %dma_start3A_189 = arith.constant 0 : i32
      %dma_start3A_190 = tpu.memref_slice %arg3[%multiple_of3A_186, %dma_start3A_189] : memref<250016x128xf32, #tpu.memory_space<hbm>> -> memref<32x128xf32, #tpu.memory_space<hbm>>
      tpu.enqueue_dma source(%arg6 : memref<32x128xf32, #tpu.memory_space<vmem>>) target(%dma_start3A_190 : memref<32x128xf32, #tpu.memory_space<hbm>>) target_semaphore(%arg12 : memref<!tpu.dma_semaphore, #tpu.memory_space<semaphore_mem>>)
      %add3A_191 = arith.constant 1 : i32
      %add3A_192 = arith.addi %scan3A_85, %add3A_191 : i32
      %lt3A_193 = arith.constant 122 : i32
      %lt3A_194 = arith.cmpi slt, %add3A_192, %lt3A_193 : i32
      %convert_element_type3A_195 = arith.extui %lt3A_194 : i1 to i32
      %cond3A_196 = arith.constant 0 : i32
      %cond3A_197 = arith.cmpi ne, %convert_element_type3A_195, %cond3A_196 : i32
      scf.if %cond3A_197 {
        %add3A_257 = arith.constant 2 : i32
        %add3A_258 = arith.addi %add3A_89, %add3A_257 : i32
        %mul3A_259 = arith.constant 128 : i32
        %mul3A_260 = arith.muli %add3A_258, %mul3A_259 : i32
        %multiple_of3A_261 = tpu.assume_multiple %mul3A_260, 128 : i32
        %dma_start3A_262 = arith.constant 0 : i32
        %dma_start3A_263 = arith.constant 0 : i32
        %dma_start3A_264 = tpu.memref_slice %arg4[%dma_start3A_262, %dma_start3A_263] : memref<32x129xf32, #tpu.memory_space<vmem>> -> memref<8x128xf32, #tpu.memory_space<vmem>>
        %dma_start3A_265 = arith.constant 0 : i32
        %dma_start3A_266 = tpu.memref_slice %arg2[%dma_start3A_265, %multiple_of3A_261] : memref<32x1000000xf32, #tpu.memory_space<hbm>> -> memref<8x128xf32, #tpu.memory_space<hbm>>
        %dma_start3A_267 = arith.constant 0 : i32
        %dma_start3A_268 = arith.constant 0 : i32
        %dma_start3A_269 = tpu.memref_slice %arg4[%dma_start3A_267, %dma_start3A_268] : memref<32x129xf32, #tpu.memory_space<vmem>> -> memref<8x128xf32, #tpu.memory_space<vmem>>
        %dma_start3A_270 = arith.constant 0 : i32
        %dma_start3A_271 = tpu.memref_slice %arg2[%dma_start3A_270, %multiple_of3A_261] : memref<32x1000000xf32, #tpu.memory_space<hbm>> -> memref<8x128xf32, #tpu.memory_space<hbm>>
        tpu.enqueue_dma source(%dma_start3A_271 : memref<8x128xf32, #tpu.memory_space<hbm>>) target(%dma_start3A_269 : memref<8x128xf32, #tpu.memory_space<vmem>>) target_semaphore(%arg10 : memref<!tpu.dma_semaphore, #tpu.memory_space<semaphore_mem>>)
        %dma_start3A_272 = arith.constant 8 : i32
        %dma_start3A_273 = arith.constant 0 : i32
        %dma_start3A_274 = tpu.memref_slice %arg4[%dma_start3A_272, %dma_start3A_273] : memref<32x129xf32, #tpu.memory_space<vmem>> -> memref<8x128xf32, #tpu.memory_space<vmem>>
        %dma_start3A_275 = arith.constant 8 : i32
        %dma_start3A_276 = tpu.memref_slice %arg2[%dma_start3A_275, %multiple_of3A_261] : memref<32x1000000xf32, #tpu.memory_space<hbm>> -> memref<8x128xf32, #tpu.memory_space<hbm>>
        %dma_start3A_277 = arith.constant 8 : i32
        %dma_start3A_278 = arith.constant 0 : i32
        %dma_start3A_279 = tpu.memref_slice %arg4[%dma_start3A_277, %dma_start3A_278] : memref<32x129xf32, #tpu.memory_space<vmem>> -> memref<8x128xf32, #tpu.memory_space<vmem>>
        %dma_start3A_280 = arith.constant 8 : i32
        %dma_start3A_281 = tpu.memref_slice %arg2[%dma_start3A_280, %multiple_of3A_261] : memref<32x1000000xf32, #tpu.memory_space<hbm>> -> memref<8x128xf32, #tpu.memory_space<hbm>>
        tpu.enqueue_dma source(%dma_start3A_281 : memref<8x128xf32, #tpu.memory_space<hbm>>) target(%dma_start3A_279 : memref<8x128xf32, #tpu.memory_space<vmem>>) target_semaphore(%arg10 : memref<!tpu.dma_semaphore, #tpu.memory_space<semaphore_mem>>)
        %dma_start3A_282 = arith.constant 16 : i32
        %dma_start3A_283 = arith.constant 0 : i32
        %dma_start3A_284 = tpu.memref_slice %arg4[%dma_start3A_282, %dma_start3A_283] : memref<32x129xf32, #tpu.memory_space<vmem>> -> memref<8x128xf32, #tpu.memory_space<vmem>>
        %dma_start3A_285 = arith.constant 16 : i32
        %dma_start3A_286 = tpu.memref_slice %arg2[%dma_start3A_285, %multiple_of3A_261] : memref<32x1000000xf32, #tpu.memory_space<hbm>> -> memref<8x128xf32, #tpu.memory_space<hbm>>
        %dma_start3A_287 = arith.constant 16 : i32
        %dma_start3A_288 = arith.constant 0 : i32
        %dma_start3A_289 = tpu.memref_slice %arg4[%dma_start3A_287, %dma_start3A_288] : memref<32x129xf32, #tpu.memory_space<vmem>> -> memref<8x128xf32, #tpu.memory_space<vmem>>
        %dma_start3A_290 = arith.constant 16 : i32
        %dma_start3A_291 = tpu.memref_slice %arg2[%dma_start3A_290, %multiple_of3A_261] : memref<32x1000000xf32, #tpu.memory_space<hbm>> -> memref<8x128xf32, #tpu.memory_space<hbm>>
        tpu.enqueue_dma source(%dma_start3A_291 : memref<8x128xf32, #tpu.memory_space<hbm>>) target(%dma_start3A_289 : memref<8x128xf32, #tpu.memory_space<vmem>>) target_semaphore(%arg10 : memref<!tpu.dma_semaphore, #tpu.memory_space<semaphore_mem>>)
        %dma_start3A_292 = arith.constant 24 : i32
        %dma_start3A_293 = arith.constant 0 : i32
        %dma_start3A_294 = tpu.memref_slice %arg4[%dma_start3A_292, %dma_start3A_293] : memref<32x129xf32, #tpu.memory_space<vmem>> -> memref<8x128xf32, #tpu.memory_space<vmem>>
        %dma_start3A_295 = arith.constant 24 : i32
        %dma_start3A_296 = tpu.memref_slice %arg2[%dma_start3A_295, %multiple_of3A_261] : memref<32x1000000xf32, #tpu.memory_space<hbm>> -> memref<8x128xf32, #tpu.memory_space<hbm>>
        %dma_start3A_297 = arith.constant 24 : i32
        %dma_start3A_298 = arith.constant 0 : i32
        %dma_start3A_299 = tpu.memref_slice %arg4[%dma_start3A_297, %dma_start3A_298] : memref<32x129xf32, #tpu.memory_space<vmem>> -> memref<8x128xf32, #tpu.memory_space<vmem>>
        %dma_start3A_300 = arith.constant 24 : i32
        %dma_start3A_301 = tpu.memref_slice %arg2[%dma_start3A_300, %multiple_of3A_261] : memref<32x1000000xf32, #tpu.memory_space<hbm>> -> memref<8x128xf32, #tpu.memory_space<hbm>>
        tpu.enqueue_dma source(%dma_start3A_301 : memref<8x128xf32, #tpu.memory_space<hbm>>) target(%dma_start3A_299 : memref<8x128xf32, #tpu.memory_space<vmem>>) target_semaphore(%arg10 : memref<!tpu.dma_semaphore, #tpu.memory_space<semaphore_mem>>)
      } else {
      }
      %mul3A_198 = arith.constant 128 : i32
      %mul3A_199 = arith.muli %add3A_91, %mul3A_198 : i32
      %multiple_of3A_200 = tpu.assume_multiple %mul3A_199, 128 : i32
      %dma_wait3A_201 = arith.constant 0 : i32
      %dma_wait3A_202 = arith.constant 0 : i32
      %dma_wait3A_203 = tpu.memref_slice %arg5[%dma_wait3A_201, %dma_wait3A_202] : memref<32x129xf32, #tpu.memory_space<vmem>> -> memref<8x128xf32, #tpu.memory_space<vmem>>
      %dma_wait3A_204 = arith.constant 0 : i32
      %dma_wait3A_205 = tpu.memref_slice %arg2[%dma_wait3A_204, %multiple_of3A_200] : memref<32x1000000xf32, #tpu.memory_space<hbm>> -> memref<8x128xf32, #tpu.memory_space<hbm>>
      %dma_wait3A_206 = arith.constant 0 : i32
      %dma_wait3A_207 = arith.constant 0 : i32
      %dma_wait3A_208 = tpu.memref_slice %arg5[%dma_wait3A_206, %dma_wait3A_207] : memref<32x129xf32, #tpu.memory_space<vmem>> -> memref<8x128xf32, #tpu.memory_space<vmem>>
      %dma_wait3A_209 = arith.constant 0 : i32
      %dma_wait3A_210 = tpu.memref_slice %arg2[%dma_wait3A_209, %multiple_of3A_200] : memref<32x1000000xf32, #tpu.memory_space<hbm>> -> memref<8x128xf32, #tpu.memory_space<hbm>>
      tpu.wait_dma2 semaphore(%arg11 : memref<!tpu.dma_semaphore, #tpu.memory_space<semaphore_mem>>) src(%dma_wait3A_210 : memref<8x128xf32, #tpu.memory_space<hbm>>) dst(%dma_wait3A_208 : memref<8x128xf32, #tpu.memory_space<vmem>>)
      %dma_wait3A_211 = arith.constant 8 : i32
      %dma_wait3A_212 = arith.constant 0 : i32
      %dma_wait3A_213 = tpu.memref_slice %arg5[%dma_wait3A_211, %dma_wait3A_212] : memref<32x129xf32, #tpu.memory_space<vmem>> -> memref<8x128xf32, #tpu.memory_space<vmem>>
      %dma_wait3A_214 = arith.constant 8 : i32
      %dma_wait3A_215 = tpu.memref_slice %arg2[%dma_wait3A_214, %multiple_of3A_200] : memref<32x1000000xf32, #tpu.memory_space<hbm>> -> memref<8x128xf32, #tpu.memory_space<hbm>>
      %dma_wait3A_216 = arith.constant 8 : i32
      %dma_wait3A_217 = arith.constant 0 : i32
      %dma_wait3A_218 = tpu.memref_slice %arg5[%dma_wait3A_216, %dma_wait3A_217] : memref<32x129xf32, #tpu.memory_space<vmem>> -> memref<8x128xf32, #tpu.memory_space<vmem>>
      %dma_wait3A_219 = arith.constant 8 : i32
      %dma_wait3A_220 = tpu.memref_slice %arg2[%dma_wait3A_219, %multiple_of3A_200] : memref<32x1000000xf32, #tpu.memory_space<hbm>> -> memref<8x128xf32, #tpu.memory_space<hbm>>
      tpu.wait_dma2 semaphore(%arg11 : memref<!tpu.dma_semaphore, #tpu.memory_space<semaphore_mem>>) src(%dma_wait3A_220 : memref<8x128xf32, #tpu.memory_space<hbm>>) dst(%dma_wait3A_218 : memref<8x128xf32, #tpu.memory_space<vmem>>)
      %dma_wait3A_221 = arith.constant 16 : i32
      %dma_wait3A_222 = arith.constant 0 : i32
      %dma_wait3A_223 = tpu.memref_slice %arg5[%dma_wait3A_221, %dma_wait3A_222] : memref<32x129xf32, #tpu.memory_space<vmem>> -> memref<8x128xf32, #tpu.memory_space<vmem>>
      %dma_wait3A_224 = arith.constant 16 : i32
      %dma_wait3A_225 = tpu.memref_slice %arg2[%dma_wait3A_224, %multiple_of3A_200] : memref<32x1000000xf32, #tpu.memory_space<hbm>> -> memref<8x128xf32, #tpu.memory_space<hbm>>
      %dma_wait3A_226 = arith.constant 16 : i32
      %dma_wait3A_227 = arith.constant 0 : i32
      %dma_wait3A_228 = tpu.memref_slice %arg5[%dma_wait3A_226, %dma_wait3A_227] : memref<32x129xf32, #tpu.memory_space<vmem>> -> memref<8x128xf32, #tpu.memory_space<vmem>>
      %dma_wait3A_229 = arith.constant 16 : i32
      %dma_wait3A_230 = tpu.memref_slice %arg2[%dma_wait3A_229, %multiple_of3A_200] : memref<32x1000000xf32, #tpu.memory_space<hbm>> -> memref<8x128xf32, #tpu.memory_space<hbm>>
      tpu.wait_dma2 semaphore(%arg11 : memref<!tpu.dma_semaphore, #tpu.memory_space<semaphore_mem>>) src(%dma_wait3A_230 : memref<8x128xf32, #tpu.memory_space<hbm>>) dst(%dma_wait3A_228 : memref<8x128xf32, #tpu.memory_space<vmem>>)
      %dma_wait3A_231 = arith.constant 24 : i32
      %dma_wait3A_232 = arith.constant 0 : i32
      %dma_wait3A_233 = tpu.memref_slice %arg5[%dma_wait3A_231, %dma_wait3A_232] : memref<32x129xf32, #tpu.memory_space<vmem>> -> memref<8x128xf32, #tpu.memory_space<vmem>>
      %dma_wait3A_234 = arith.constant 24 : i32
      %dma_wait3A_235 = tpu.memref_slice %arg2[%dma_wait3A_234, %multiple_of3A_200] : memref<32x1000000xf32, #tpu.memory_space<hbm>> -> memref<8x128xf32, #tpu.memory_space<hbm>>
      %dma_wait3A_236 = arith.constant 24 : i32
      %dma_wait3A_237 = arith.constant 0 : i32
      %dma_wait3A_238 = tpu.memref_slice %arg5[%dma_wait3A_236, %dma_wait3A_237] : memref<32x129xf32, #tpu.memory_space<vmem>> -> memref<8x128xf32, #tpu.memory_space<vmem>>
      %dma_wait3A_239 = arith.constant 24 : i32
      %dma_wait3A_240 = tpu.memref_slice %arg2[%dma_wait3A_239, %multiple_of3A_200] : memref<32x1000000xf32, #tpu.memory_space<hbm>> -> memref<8x128xf32, #tpu.memory_space<hbm>>
      tpu.wait_dma2 semaphore(%arg11 : memref<!tpu.dma_semaphore, #tpu.memory_space<semaphore_mem>>) src(%dma_wait3A_240 : memref<8x128xf32, #tpu.memory_space<hbm>>) dst(%dma_wait3A_238 : memref<8x128xf32, #tpu.memory_space<vmem>>)
      %ge3A_241 = arith.constant 1 : i32
      %ge3A_242 = arith.cmpi sge, %scan3A_85, %ge3A_241 : i32
      %convert_element_type3A_243 = arith.extui %ge3A_242 : i1 to i32
      %cond3A_244 = arith.constant 0 : i32
      %cond3A_245 = arith.cmpi ne, %convert_element_type3A_243, %cond3A_244 : i32
      scf.if %cond3A_245 {
        %sub3A_257 = arith.constant 2 : i32
        %sub3A_258 = arith.subi %add3A_91, %sub3A_257 : i32
        %mul3A_259 = arith.constant 32 : i32
        %mul3A_260 = arith.muli %sub3A_258, %mul3A_259 : i32
        %multiple_of3A_261 = tpu.assume_multiple %mul3A_260, 32 : i32
        %dma_wait3A_262 = arith.constant 0 : i32
        %dma_wait3A_263 = tpu.memref_slice %arg3[%multiple_of3A_261, %dma_wait3A_262] : memref<250016x128xf32, #tpu.memory_space<hbm>> -> memref<32x128xf32, #tpu.memory_space<hbm>>
        %dma_wait3A_264 = arith.constant 0 : i32
        %dma_wait3A_265 = tpu.memref_slice %arg3[%multiple_of3A_261, %dma_wait3A_264] : memref<250016x128xf32, #tpu.memory_space<hbm>> -> memref<32x128xf32, #tpu.memory_space<hbm>>
        tpu.wait_dma2 semaphore(%arg13 : memref<!tpu.dma_semaphore, #tpu.memory_space<semaphore_mem>>) src(%arg7 : memref<32x128xf32, #tpu.memory_space<vmem>>) dst(%dma_wait3A_265 : memref<32x128xf32, #tpu.memory_space<hbm>>)
      } else {
      }
      %parallel_loop3A_246 = arith.constant 0 : i32
      %parallel_loop3A_247 = arith.constant 32 : i32
      %parallel_loop3A_248 = arith.constant 1 : i32
      scf.for %parallel_loop3A_257 = %parallel_loop3A_246 to %parallel_loop3A_247 step %parallel_loop3A_248  : i32 {
        %parallel_loop3A_258 = arith.constant 4 : i32
        %parallel_loop3A_259 = arith.muli %parallel_loop3A_257, %parallel_loop3A_258 : i32
        %parallel_loop3A_260 = arith.constant 0 : i32
        %parallel_loop3A_261 = arith.addi %parallel_loop3A_259, %parallel_loop3A_260 : i32
        %parallel_loop3A_262 = vector.broadcast %parallel_loop3A_261 : i32 to vector<16xi32>
        %parallel_loop3A_263 = tpu.vector_load_idx %arg5[%iota3A, %parallel_loop3A_262] : memref<32x129xf32, #tpu.memory_space<vmem>>[vector<16xi32>, vector<16xi32>], vector<16xf32>,
        %parallel_loop3A_264 = arith.index_cast %parallel_loop3A_257 : i32 to index
        %parallel_loop3A_265 = arith.constant 0 : index
        %parallel_loop3A_266 = tpu.vector_load %arg7[%parallel_loop3A_264, %parallel_loop3A_265] {strides = array<i32>} : memref<32x128xf32, #tpu.memory_space<vmem>>, vector<16xf32>,
        tpu.vector_store %arg7[%parallel_loop3A_264, %parallel_loop3A_265], %parallel_loop3A_263 {strides = array<i32>} : memref<32x128xf32, #tpu.memory_space<vmem>>, vector<16xf32>,
        %parallel_loop3A_267 = arith.constant 0 : i32
        %parallel_loop3A_268 = arith.addi %parallel_loop3A_259, %parallel_loop3A_267 : i32
        %parallel_loop3A_269 = vector.broadcast %parallel_loop3A_268 : i32 to vector<16xi32>
        %parallel_loop3A_270 = tpu.vector_load_idx %arg5[%add3A_11, %parallel_loop3A_269] : memref<32x129xf32, #tpu.memory_space<vmem>>[vector<16xi32>, vector<16xi32>], vector<16xf32>,
        %parallel_loop3A_271 = arith.index_cast %parallel_loop3A_257 : i32 to index
        %parallel_loop3A_272 = arith.constant 16 : index
        %parallel_loop3A_273 = tpu.vector_load %arg7[%parallel_loop3A_271, %parallel_loop3A_272] {strides = array<i32>} : memref<32x128xf32, #tpu.memory_space<vmem>>, vector<16xf32>,
        tpu.vector_store %arg7[%parallel_loop3A_271, %parallel_loop3A_272], %parallel_loop3A_270 {strides = array<i32>} : memref<32x128xf32, #tpu.memory_space<vmem>>, vector<16xf32>,
        %parallel_loop3A_274 = arith.constant 1 : i32
        %parallel_loop3A_275 = arith.addi %parallel_loop3A_259, %parallel_loop3A_274 : i32
        %parallel_loop3A_276 = vector.broadcast %parallel_loop3A_275 : i32 to vector<16xi32>
        %parallel_loop3A_277 = tpu.vector_load_idx %arg5[%iota3A, %parallel_loop3A_276] : memref<32x129xf32, #tpu.memory_space<vmem>>[vector<16xi32>, vector<16xi32>], vector<16xf32>,
        %parallel_loop3A_278 = arith.index_cast %parallel_loop3A_257 : i32 to index
        %parallel_loop3A_279 = arith.constant 32 : index
        %parallel_loop3A_280 = tpu.vector_load %arg7[%parallel_loop3A_278, %parallel_loop3A_279] {strides = array<i32>} : memref<32x128xf32, #tpu.memory_space<vmem>>, vector<16xf32>,
        tpu.vector_store %arg7[%parallel_loop3A_278, %parallel_loop3A_279], %parallel_loop3A_277 {strides = array<i32>} : memref<32x128xf32, #tpu.memory_space<vmem>>, vector<16xf32>,
        %parallel_loop3A_281 = arith.constant 1 : i32
        %parallel_loop3A_282 = arith.addi %parallel_loop3A_259, %parallel_loop3A_281 : i32
        %parallel_loop3A_283 = vector.broadcast %parallel_loop3A_282 : i32 to vector<16xi32>
        %parallel_loop3A_284 = tpu.vector_load_idx %arg5[%add3A_11, %parallel_loop3A_283] : memref<32x129xf32, #tpu.memory_space<vmem>>[vector<16xi32>, vector<16xi32>], vector<16xf32>,
        %parallel_loop3A_285 = arith.index_cast %parallel_loop3A_257 : i32 to index
        %parallel_loop3A_286 = arith.constant 48 : index
        %parallel_loop3A_287 = tpu.vector_load %arg7[%parallel_loop3A_285, %parallel_loop3A_286] {strides = array<i32>} : memref<32x128xf32, #tpu.memory_space<vmem>>, vector<16xf32>,
        tpu.vector_store %arg7[%parallel_loop3A_285, %parallel_loop3A_286], %parallel_loop3A_284 {strides = array<i32>} : memref<32x128xf32, #tpu.memory_space<vmem>>, vector<16xf32>,
        %parallel_loop3A_288 = arith.constant 2 : i32
        %parallel_loop3A_289 = arith.addi %parallel_loop3A_259, %parallel_loop3A_288 : i32
        %parallel_loop3A_290 = vector.broadcast %parallel_loop3A_289 : i32 to vector<16xi32>
        %parallel_loop3A_291 = tpu.vector_load_idx %arg5[%iota3A, %parallel_loop3A_290] : memref<32x129xf32, #tpu.memory_space<vmem>>[vector<16xi32>, vector<16xi32>], vector<16xf32>,
        %parallel_loop3A_292 = arith.index_cast %parallel_loop3A_257 : i32 to index
        %parallel_loop3A_293 = arith.constant 64 : index
        %parallel_loop3A_294 = tpu.vector_load %arg7[%parallel_loop3A_292, %parallel_loop3A_293] {strides = array<i32>} : memref<32x128xf32, #tpu.memory_space<vmem>>, vector<16xf32>,
        tpu.vector_store %arg7[%parallel_loop3A_292, %parallel_loop3A_293], %parallel_loop3A_291 {strides = array<i32>} : memref<32x128xf32, #tpu.memory_space<vmem>>, vector<16xf32>,
        %parallel_loop3A_295 = arith.constant 2 : i32
        %parallel_loop3A_296 = arith.addi %parallel_loop3A_259, %parallel_loop3A_295 : i32
        %parallel_loop3A_297 = vector.broadcast %parallel_loop3A_296 : i32 to vector<16xi32>
        %parallel_loop3A_298 = tpu.vector_load_idx %arg5[%add3A_11, %parallel_loop3A_297] : memref<32x129xf32, #tpu.memory_space<vmem>>[vector<16xi32>, vector<16xi32>], vector<16xf32>,
        %parallel_loop3A_299 = arith.index_cast %parallel_loop3A_257 : i32 to index
        %parallel_loop3A_300 = arith.constant 80 : index
        %parallel_loop3A_301 = tpu.vector_load %arg7[%parallel_loop3A_299, %parallel_loop3A_300] {strides = array<i32>} : memref<32x128xf32, #tpu.memory_space<vmem>>, vector<16xf32>,
        tpu.vector_store %arg7[%parallel_loop3A_299, %parallel_loop3A_300], %parallel_loop3A_298 {strides = array<i32>} : memref<32x128xf32, #tpu.memory_space<vmem>>, vector<16xf32>,
        %parallel_loop3A_302 = arith.constant 3 : i32
        %parallel_loop3A_303 = arith.addi %parallel_loop3A_259, %parallel_loop3A_302 : i32
        %parallel_loop3A_304 = vector.broadcast %parallel_loop3A_303 : i32 to vector<16xi32>
        %parallel_loop3A_305 = tpu.vector_load_idx %arg5[%iota3A, %parallel_loop3A_304] : memref<32x129xf32, #tpu.memory_space<vmem>>[vector<16xi32>, vector<16xi32>], vector<16xf32>,
        %parallel_loop3A_306 = arith.index_cast %parallel_loop3A_257 : i32 to index
        %parallel_loop3A_307 = arith.constant 96 : index
        %parallel_loop3A_308 = tpu.vector_load %arg7[%parallel_loop3A_306, %parallel_loop3A_307] {strides = array<i32>} : memref<32x128xf32, #tpu.memory_space<vmem>>, vector<16xf32>,
        tpu.vector_store %arg7[%parallel_loop3A_306, %parallel_loop3A_307], %parallel_loop3A_305 {strides = array<i32>} : memref<32x128xf32, #tpu.memory_space<vmem>>, vector<16xf32>,
        %parallel_loop3A_309 = arith.constant 3 : i32
        %parallel_loop3A_310 = arith.addi %parallel_loop3A_259, %parallel_loop3A_309 : i32
        %parallel_loop3A_311 = vector.broadcast %parallel_loop3A_310 : i32 to vector<16xi32>
        %parallel_loop3A_312 = tpu.vector_load_idx %arg5[%add3A_11, %parallel_loop3A_311] : memref<32x129xf32, #tpu.memory_space<vmem>>[vector<16xi32>, vector<16xi32>], vector<16xf32>,
        %parallel_loop3A_313 = arith.index_cast %parallel_loop3A_257 : i32 to index
        %parallel_loop3A_314 = arith.constant 112 : index
        %parallel_loop3A_315 = tpu.vector_load %arg7[%parallel_loop3A_313, %parallel_loop3A_314] {strides = array<i32>} : memref<32x128xf32, #tpu.memory_space<vmem>>, vector<16xf32>,
        tpu.vector_store %arg7[%parallel_loop3A_313, %parallel_loop3A_314], %parallel_loop3A_312 {strides = array<i32>} : memref<32x128xf32, #tpu.memory_space<vmem>>, vector<16xf32>,
      } {sc.loop_unroll_factor = 8 : i64, sc.parallel_access}
      %mul3A_249 = arith.constant 32 : i32
      %mul3A_250 = arith.muli %add3A_91, %mul3A_249 : i32
      %multiple_of3A_251 = tpu.assume_multiple %mul3A_250, 32 : i32
      %dma_start3A_252 = arith.constant 0 : i32
      %dma_start3A_253 = tpu.memref_slice %arg3[%multiple_of3A_251, %dma_start3A_252] : memref<250016x128xf32, #tpu.memory_space<hbm>> -> memref<32x128xf32, #tpu.memory_space<hbm>>
      %dma_start3A_254 = arith.constant 0 : i32
      %dma_start3A_255 = tpu.memref_slice %arg3[%multiple_of3A_251, %dma_start3A_254] : memref<250016x128xf32, #tpu.memory_space<hbm>> -> memref<32x128xf32, #tpu.memory_space<hbm>>
      tpu.enqueue_dma source(%arg7 : memref<32x128xf32, #tpu.memory_space<vmem>>) target(%dma_start3A_255 : memref<32x128xf32, #tpu.memory_space<hbm>>) target_semaphore(%arg13 : memref<!tpu.dma_semaphore, #tpu.memory_space<semaphore_mem>>)
      %scan3A_256 = arith.constant 0 : i32
      scf.yield %scan3A_256 : i32
    }
    %scan3A_58 = arith.constant 122 : i32
    %add3A_59 = arith.constant 244 : i32
    %add3A_60 = arith.addi %mul3A_2, %add3A_59 : i32
    %sub3A = arith.constant 2 : i32
    %sub3A_61 = arith.subi %add3A_60, %sub3A : i32
    %mul3A_62 = arith.constant 32 : i32
    %mul3A_63 = arith.muli %sub3A_61, %mul3A_62 : i32
    %multiple_of3A_64 = tpu.assume_multiple %mul3A_63, 32 : i32
    %dma_wait3A = arith.constant 0 : i32
    %dma_wait3A_65 = tpu.memref_slice %arg3[%multiple_of3A_64, %dma_wait3A] : memref<250016x128xf32, #tpu.memory_space<hbm>> -> memref<32x128xf32, #tpu.memory_space<hbm>>
    %dma_wait3A_66 = arith.constant 0 : i32
    %dma_wait3A_67 = tpu.memref_slice %arg3[%multiple_of3A_64, %dma_wait3A_66] : memref<250016x128xf32, #tpu.memory_space<hbm>> -> memref<32x128xf32, #tpu.memory_space<hbm>>
    tpu.wait_dma2 semaphore(%arg12 : memref<!tpu.dma_semaphore, #tpu.memory_space<semaphore_mem>>) src(%arg6 : memref<32x128xf32, #tpu.memory_space<vmem>>) dst(%dma_wait3A_67 : memref<32x128xf32, #tpu.memory_space<hbm>>)
    %add3A_68 = arith.constant 244 : i32
    %add3A_69 = arith.addi %mul3A_2, %add3A_68 : i32
    %sub3A_70 = arith.constant 1 : i32
    %sub3A_71 = arith.subi %add3A_69, %sub3A_70 : i32
    %mul3A_72 = arith.constant 32 : i32
    %mul3A_73 = arith.muli %sub3A_71, %mul3A_72 : i32
    %multiple_of3A_74 = tpu.assume_multiple %mul3A_73, 32 : i32
    %dma_wait3A_75 = arith.constant 0 : i32
    %dma_wait3A_76 = tpu.memref_slice %arg3[%multiple_of3A_74, %dma_wait3A_75] : memref<250016x128xf32, #tpu.memory_space<hbm>> -> memref<32x128xf32, #tpu.memory_space<hbm>>
    %dma_wait3A_77 = arith.constant 0 : i32
    %dma_wait3A_78 = tpu.memref_slice %arg3[%multiple_of3A_74, %dma_wait3A_77] : memref<250016x128xf32, #tpu.memory_space<hbm>> -> memref<32x128xf32, #tpu.memory_space<hbm>>
    tpu.wait_dma2 semaphore(%arg13 : memref<!tpu.dma_semaphore, #tpu.memory_space<semaphore_mem>>) src(%arg7 : memref<32x128xf32, #tpu.memory_space<vmem>>) dst(%dma_wait3A_78 : memref<32x128xf32, #tpu.memory_space<hbm>>)
    %lt3A = arith.constant 4 : i32
    %lt3A_79 = arith.cmpi slt, %add3A, %lt3A : i32
    %convert_element_type3A = arith.extui %lt3A_79 : i1 to i32
    %cond3A = arith.constant 0 : i32
    %cond3A_80 = arith.cmpi ne, %convert_element_type3A, %cond3A : i32
    scf.if %cond3A_80 {
      %add3A_85 = arith.constant 7808 : i32
      %add3A_86 = arith.addi %add3A_85, %add3A : i32
      %mul3A_87 = arith.constant 128 : i32
      %mul3A_88 = arith.muli %add3A_86, %mul3A_87 : i32
      %multiple_of3A_89 = tpu.assume_multiple %mul3A_88, 128 : i32
      %dma_start3A_90 = arith.constant 0 : i32
      %dma_start3A_91 = arith.constant 0 : i32
      %dma_start3A_92 = tpu.memref_slice %arg4[%dma_start3A_90, %dma_start3A_91] : memref<32x129xf32, #tpu.memory_space<vmem>> -> memref<8x128xf32, #tpu.memory_space<vmem>>
      %dma_start3A_93 = arith.constant 0 : i32
      %dma_start3A_94 = tpu.memref_slice %arg2[%dma_start3A_93, %multiple_of3A_89] : memref<32x1000000xf32, #tpu.memory_space<hbm>> -> memref<8x128xf32, #tpu.memory_space<hbm>>
      %dma_start3A_95 = arith.constant 0 : i32
      %dma_start3A_96 = arith.constant 0 : i32
      %dma_start3A_97 = tpu.memref_slice %arg4[%dma_start3A_95, %dma_start3A_96] : memref<32x129xf32, #tpu.memory_space<vmem>> -> memref<8x128xf32, #tpu.memory_space<vmem>>
      %dma_start3A_98 = arith.constant 0 : i32
      %dma_start3A_99 = tpu.memref_slice %arg2[%dma_start3A_98, %multiple_of3A_89] : memref<32x1000000xf32, #tpu.memory_space<hbm>> -> memref<8x128xf32, #tpu.memory_space<hbm>>
      tpu.enqueue_dma source(%dma_start3A_99 : memref<8x128xf32, #tpu.memory_space<hbm>>) target(%dma_start3A_97 : memref<8x128xf32, #tpu.memory_space<vmem>>) target_semaphore(%arg10 : memref<!tpu.dma_semaphore, #tpu.memory_space<semaphore_mem>>)
      %dma_start3A_100 = arith.constant 8 : i32
      %dma_start3A_101 = arith.constant 0 : i32
      %dma_start3A_102 = tpu.memref_slice %arg4[%dma_start3A_100, %dma_start3A_101] : memref<32x129xf32, #tpu.memory_space<vmem>> -> memref<8x128xf32, #tpu.memory_space<vmem>>
      %dma_start3A_103 = arith.constant 8 : i32
      %dma_start3A_104 = tpu.memref_slice %arg2[%dma_start3A_103, %multiple_of3A_89] : memref<32x1000000xf32, #tpu.memory_space<hbm>> -> memref<8x128xf32, #tpu.memory_space<hbm>>
      %dma_start3A_105 = arith.constant 8 : i32
      %dma_start3A_106 = arith.constant 0 : i32
      %dma_start3A_107 = tpu.memref_slice %arg4[%dma_start3A_105, %dma_start3A_106] : memref<32x129xf32, #tpu.memory_space<vmem>> -> memref<8x128xf32, #tpu.memory_space<vmem>>
      %dma_start3A_108 = arith.constant 8 : i32
      %dma_start3A_109 = tpu.memref_slice %arg2[%dma_start3A_108, %multiple_of3A_89] : memref<32x1000000xf32, #tpu.memory_space<hbm>> -> memref<8x128xf32, #tpu.memory_space<hbm>>
      tpu.enqueue_dma source(%dma_start3A_109 : memref<8x128xf32, #tpu.memory_space<hbm>>) target(%dma_start3A_107 : memref<8x128xf32, #tpu.memory_space<vmem>>) target_semaphore(%arg10 : memref<!tpu.dma_semaphore, #tpu.memory_space<semaphore_mem>>)
      %dma_start3A_110 = arith.constant 16 : i32
      %dma_start3A_111 = arith.constant 0 : i32
      %dma_start3A_112 = tpu.memref_slice %arg4[%dma_start3A_110, %dma_start3A_111] : memref<32x129xf32, #tpu.memory_space<vmem>> -> memref<8x128xf32, #tpu.memory_space<vmem>>
      %dma_start3A_113 = arith.constant 16 : i32
      %dma_start3A_114 = tpu.memref_slice %arg2[%dma_start3A_113, %multiple_of3A_89] : memref<32x1000000xf32, #tpu.memory_space<hbm>> -> memref<8x128xf32, #tpu.memory_space<hbm>>
      %dma_start3A_115 = arith.constant 16 : i32
      %dma_start3A_116 = arith.constant 0 : i32
      %dma_start3A_117 = tpu.memref_slice %arg4[%dma_start3A_115, %dma_start3A_116] : memref<32x129xf32, #tpu.memory_space<vmem>> -> memref<8x128xf32, #tpu.memory_space<vmem>>
      %dma_start3A_118 = arith.constant 16 : i32
      %dma_start3A_119 = tpu.memref_slice %arg2[%dma_start3A_118, %multiple_of3A_89] : memref<32x1000000xf32, #tpu.memory_space<hbm>> -> memref<8x128xf32, #tpu.memory_space<hbm>>
      tpu.enqueue_dma source(%dma_start3A_119 : memref<8x128xf32, #tpu.memory_space<hbm>>) target(%dma_start3A_117 : memref<8x128xf32, #tpu.memory_space<vmem>>) target_semaphore(%arg10 : memref<!tpu.dma_semaphore, #tpu.memory_space<semaphore_mem>>)
      %dma_start3A_120 = arith.constant 24 : i32
      %dma_start3A_121 = arith.constant 0 : i32
      %dma_start3A_122 = tpu.memref_slice %arg4[%dma_start3A_120, %dma_start3A_121] : memref<32x129xf32, #tpu.memory_space<vmem>> -> memref<8x128xf32, #tpu.memory_space<vmem>>
      %dma_start3A_123 = arith.constant 24 : i32
      %dma_start3A_124 = tpu.memref_slice %arg2[%dma_start3A_123, %multiple_of3A_89] : memref<32x1000000xf32, #tpu.memory_space<hbm>> -> memref<8x128xf32, #tpu.memory_space<hbm>>
      %dma_start3A_125 = arith.constant 24 : i32
      %dma_start3A_126 = arith.constant 0 : i32
      %dma_start3A_127 = tpu.memref_slice %arg4[%dma_start3A_125, %dma_start3A_126] : memref<32x129xf32, #tpu.memory_space<vmem>> -> memref<8x128xf32, #tpu.memory_space<vmem>>
      %dma_start3A_128 = arith.constant 24 : i32
      %dma_start3A_129 = tpu.memref_slice %arg2[%dma_start3A_128, %multiple_of3A_89] : memref<32x1000000xf32, #tpu.memory_space<hbm>> -> memref<8x128xf32, #tpu.memory_space<hbm>>
      tpu.enqueue_dma source(%dma_start3A_129 : memref<8x128xf32, #tpu.memory_space<hbm>>) target(%dma_start3A_127 : memref<8x128xf32, #tpu.memory_space<vmem>>) target_semaphore(%arg10 : memref<!tpu.dma_semaphore, #tpu.memory_space<semaphore_mem>>)
      %mul3A_130 = arith.constant 128 : i32
      %mul3A_131 = arith.muli %add3A_86, %mul3A_130 : i32
      %multiple_of3A_132 = tpu.assume_multiple %mul3A_131, 128 : i32
      %dma_wait3A_133 = arith.constant 0 : i32
      %dma_wait3A_134 = arith.constant 0 : i32
      %dma_wait3A_135 = tpu.memref_slice %arg4[%dma_wait3A_133, %dma_wait3A_134] : memref<32x129xf32, #tpu.memory_space<vmem>> -> memref<8x128xf32, #tpu.memory_space<vmem>>
      %dma_wait3A_136 = arith.constant 0 : i32
      %dma_wait3A_137 = tpu.memref_slice %arg2[%dma_wait3A_136, %multiple_of3A_132] : memref<32x1000000xf32, #tpu.memory_space<hbm>> -> memref<8x128xf32, #tpu.memory_space<hbm>>
      %dma_wait3A_138 = arith.constant 0 : i32
      %dma_wait3A_139 = arith.constant 0 : i32
      %dma_wait3A_140 = tpu.memref_slice %arg4[%dma_wait3A_138, %dma_wait3A_139] : memref<32x129xf32, #tpu.memory_space<vmem>> -> memref<8x128xf32, #tpu.memory_space<vmem>>
      %dma_wait3A_141 = arith.constant 0 : i32
      %dma_wait3A_142 = tpu.memref_slice %arg2[%dma_wait3A_141, %multiple_of3A_132] : memref<32x1000000xf32, #tpu.memory_space<hbm>> -> memref<8x128xf32, #tpu.memory_space<hbm>>
      tpu.wait_dma2 semaphore(%arg10 : memref<!tpu.dma_semaphore, #tpu.memory_space<semaphore_mem>>) src(%dma_wait3A_142 : memref<8x128xf32, #tpu.memory_space<hbm>>) dst(%dma_wait3A_140 : memref<8x128xf32, #tpu.memory_space<vmem>>)
      %dma_wait3A_143 = arith.constant 8 : i32
      %dma_wait3A_144 = arith.constant 0 : i32
      %dma_wait3A_145 = tpu.memref_slice %arg4[%dma_wait3A_143, %dma_wait3A_144] : memref<32x129xf32, #tpu.memory_space<vmem>> -> memref<8x128xf32, #tpu.memory_space<vmem>>
      %dma_wait3A_146 = arith.constant 8 : i32
      %dma_wait3A_147 = tpu.memref_slice %arg2[%dma_wait3A_146, %multiple_of3A_132] : memref<32x1000000xf32, #tpu.memory_space<hbm>> -> memref<8x128xf32, #tpu.memory_space<hbm>>
      %dma_wait3A_148 = arith.constant 8 : i32
      %dma_wait3A_149 = arith.constant 0 : i32
      %dma_wait3A_150 = tpu.memref_slice %arg4[%dma_wait3A_148, %dma_wait3A_149] : memref<32x129xf32, #tpu.memory_space<vmem>> -> memref<8x128xf32, #tpu.memory_space<vmem>>
      %dma_wait3A_151 = arith.constant 8 : i32
      %dma_wait3A_152 = tpu.memref_slice %arg2[%dma_wait3A_151, %multiple_of3A_132] : memref<32x1000000xf32, #tpu.memory_space<hbm>> -> memref<8x128xf32, #tpu.memory_space<hbm>>
      tpu.wait_dma2 semaphore(%arg10 : memref<!tpu.dma_semaphore, #tpu.memory_space<semaphore_mem>>) src(%dma_wait3A_152 : memref<8x128xf32, #tpu.memory_space<hbm>>) dst(%dma_wait3A_150 : memref<8x128xf32, #tpu.memory_space<vmem>>)
      %dma_wait3A_153 = arith.constant 16 : i32
      %dma_wait3A_154 = arith.constant 0 : i32
      %dma_wait3A_155 = tpu.memref_slice %arg4[%dma_wait3A_153, %dma_wait3A_154] : memref<32x129xf32, #tpu.memory_space<vmem>> -> memref<8x128xf32, #tpu.memory_space<vmem>>
      %dma_wait3A_156 = arith.constant 16 : i32
      %dma_wait3A_157 = tpu.memref_slice %arg2[%dma_wait3A_156, %multiple_of3A_132] : memref<32x1000000xf32, #tpu.memory_space<hbm>> -> memref<8x128xf32, #tpu.memory_space<hbm>>
      %dma_wait3A_158 = arith.constant 16 : i32
      %dma_wait3A_159 = arith.constant 0 : i32
      %dma_wait3A_160 = tpu.memref_slice %arg4[%dma_wait3A_158, %dma_wait3A_159] : memref<32x129xf32, #tpu.memory_space<vmem>> -> memref<8x128xf32, #tpu.memory_space<vmem>>
      %dma_wait3A_161 = arith.constant 16 : i32
      %dma_wait3A_162 = tpu.memref_slice %arg2[%dma_wait3A_161, %multiple_of3A_132] : memref<32x1000000xf32, #tpu.memory_space<hbm>> -> memref<8x128xf32, #tpu.memory_space<hbm>>
      tpu.wait_dma2 semaphore(%arg10 : memref<!tpu.dma_semaphore, #tpu.memory_space<semaphore_mem>>) src(%dma_wait3A_162 : memref<8x128xf32, #tpu.memory_space<hbm>>) dst(%dma_wait3A_160 : memref<8x128xf32, #tpu.memory_space<vmem>>)
      %dma_wait3A_163 = arith.constant 24 : i32
      %dma_wait3A_164 = arith.constant 0 : i32
      %dma_wait3A_165 = tpu.memref_slice %arg4[%dma_wait3A_163, %dma_wait3A_164] : memref<32x129xf32, #tpu.memory_space<vmem>> -> memref<8x128xf32, #tpu.memory_space<vmem>>
      %dma_wait3A_166 = arith.constant 24 : i32
      %dma_wait3A_167 = tpu.memref_slice %arg2[%dma_wait3A_166, %multiple_of3A_132] : memref<32x1000000xf32, #tpu.memory_space<hbm>> -> memref<8x128xf32, #tpu.memory_space<hbm>>
      %dma_wait3A_168 = arith.constant 24 : i32
      %dma_wait3A_169 = arith.constant 0 : i32
      %dma_wait3A_170 = tpu.memref_slice %arg4[%dma_wait3A_168, %dma_wait3A_169] : memref<32x129xf32, #tpu.memory_space<vmem>> -> memref<8x128xf32, #tpu.memory_space<vmem>>
      %dma_wait3A_171 = arith.constant 24 : i32
      %dma_wait3A_172 = tpu.memref_slice %arg2[%dma_wait3A_171, %multiple_of3A_132] : memref<32x1000000xf32, #tpu.memory_space<hbm>> -> memref<8x128xf32, #tpu.memory_space<hbm>>
      tpu.wait_dma2 semaphore(%arg10 : memref<!tpu.dma_semaphore, #tpu.memory_space<semaphore_mem>>) src(%dma_wait3A_172 : memref<8x128xf32, #tpu.memory_space<hbm>>) dst(%dma_wait3A_170 : memref<8x128xf32, #tpu.memory_space<vmem>>)
      %parallel_loop3A = arith.constant 0 : i32
      %parallel_loop3A_173 = arith.constant 32 : i32
      %parallel_loop3A_174 = arith.constant 1 : i32
      scf.for %parallel_loop3A_189 = %parallel_loop3A to %parallel_loop3A_173 step %parallel_loop3A_174  : i32 {
        %parallel_loop3A_190 = arith.constant 4 : i32
        %parallel_loop3A_191 = arith.muli %parallel_loop3A_189, %parallel_loop3A_190 : i32
        %parallel_loop3A_192 = arith.constant 0 : i32
        %parallel_loop3A_193 = arith.addi %parallel_loop3A_191, %parallel_loop3A_192 : i32
        %parallel_loop3A_194 = vector.broadcast %parallel_loop3A_193 : i32 to vector<16xi32>
        %parallel_loop3A_195 = tpu.vector_load_idx %arg4[%iota3A, %parallel_loop3A_194] : memref<32x129xf32, #tpu.memory_space<vmem>>[vector<16xi32>, vector<16xi32>], vector<16xf32>,
        %parallel_loop3A_196 = arith.index_cast %parallel_loop3A_189 : i32 to index
        %parallel_loop3A_197 = arith.constant 0 : index
        %parallel_loop3A_198 = tpu.vector_load %arg6[%parallel_loop3A_196, %parallel_loop3A_197] {strides = array<i32>} : memref<32x128xf32, #tpu.memory_space<vmem>>, vector<16xf32>,
        tpu.vector_store %arg6[%parallel_loop3A_196, %parallel_loop3A_197], %parallel_loop3A_195 {strides = array<i32>} : memref<32x128xf32, #tpu.memory_space<vmem>>, vector<16xf32>,
        %parallel_loop3A_199 = arith.constant 0 : i32
        %parallel_loop3A_200 = arith.addi %parallel_loop3A_191, %parallel_loop3A_199 : i32
        %parallel_loop3A_201 = vector.broadcast %parallel_loop3A_200 : i32 to vector<16xi32>
        %parallel_loop3A_202 = tpu.vector_load_idx %arg4[%add3A_11, %parallel_loop3A_201] : memref<32x129xf32, #tpu.memory_space<vmem>>[vector<16xi32>, vector<16xi32>], vector<16xf32>,
        %parallel_loop3A_203 = arith.index_cast %parallel_loop3A_189 : i32 to index
        %parallel_loop3A_204 = arith.constant 16 : index
        %parallel_loop3A_205 = tpu.vector_load %arg6[%parallel_loop3A_203, %parallel_loop3A_204] {strides = array<i32>} : memref<32x128xf32, #tpu.memory_space<vmem>>, vector<16xf32>,
        tpu.vector_store %arg6[%parallel_loop3A_203, %parallel_loop3A_204], %parallel_loop3A_202 {strides = array<i32>} : memref<32x128xf32, #tpu.memory_space<vmem>>, vector<16xf32>,
        %parallel_loop3A_206 = arith.constant 1 : i32
        %parallel_loop3A_207 = arith.addi %parallel_loop3A_191, %parallel_loop3A_206 : i32
        %parallel_loop3A_208 = vector.broadcast %parallel_loop3A_207 : i32 to vector<16xi32>
        %parallel_loop3A_209 = tpu.vector_load_idx %arg4[%iota3A, %parallel_loop3A_208] : memref<32x129xf32, #tpu.memory_space<vmem>>[vector<16xi32>, vector<16xi32>], vector<16xf32>,
        %parallel_loop3A_210 = arith.index_cast %parallel_loop3A_189 : i32 to index
        %parallel_loop3A_211 = arith.constant 32 : index
        %parallel_loop3A_212 = tpu.vector_load %arg6[%parallel_loop3A_210, %parallel_loop3A_211] {strides = array<i32>} : memref<32x128xf32, #tpu.memory_space<vmem>>, vector<16xf32>,
        tpu.vector_store %arg6[%parallel_loop3A_210, %parallel_loop3A_211], %parallel_loop3A_209 {strides = array<i32>} : memref<32x128xf32, #tpu.memory_space<vmem>>, vector<16xf32>,
        %parallel_loop3A_213 = arith.constant 1 : i32
        %parallel_loop3A_214 = arith.addi %parallel_loop3A_191, %parallel_loop3A_213 : i32
        %parallel_loop3A_215 = vector.broadcast %parallel_loop3A_214 : i32 to vector<16xi32>
        %parallel_loop3A_216 = tpu.vector_load_idx %arg4[%add3A_11, %parallel_loop3A_215] : memref<32x129xf32, #tpu.memory_space<vmem>>[vector<16xi32>, vector<16xi32>], vector<16xf32>,
        %parallel_loop3A_217 = arith.index_cast %parallel_loop3A_189 : i32 to index
        %parallel_loop3A_218 = arith.constant 48 : index
        %parallel_loop3A_219 = tpu.vector_load %arg6[%parallel_loop3A_217, %parallel_loop3A_218] {strides = array<i32>} : memref<32x128xf32, #tpu.memory_space<vmem>>, vector<16xf32>,
        tpu.vector_store %arg6[%parallel_loop3A_217, %parallel_loop3A_218], %parallel_loop3A_216 {strides = array<i32>} : memref<32x128xf32, #tpu.memory_space<vmem>>, vector<16xf32>,
        %parallel_loop3A_220 = arith.constant 2 : i32
        %parallel_loop3A_221 = arith.addi %parallel_loop3A_191, %parallel_loop3A_220 : i32
        %parallel_loop3A_222 = vector.broadcast %parallel_loop3A_221 : i32 to vector<16xi32>
        %parallel_loop3A_223 = tpu.vector_load_idx %arg4[%iota3A, %parallel_loop3A_222] : memref<32x129xf32, #tpu.memory_space<vmem>>[vector<16xi32>, vector<16xi32>], vector<16xf32>,
        %parallel_loop3A_224 = arith.index_cast %parallel_loop3A_189 : i32 to index
        %parallel_loop3A_225 = arith.constant 64 : index
        %parallel_loop3A_226 = tpu.vector_load %arg6[%parallel_loop3A_224, %parallel_loop3A_225] {strides = array<i32>} : memref<32x128xf32, #tpu.memory_space<vmem>>, vector<16xf32>,
        tpu.vector_store %arg6[%parallel_loop3A_224, %parallel_loop3A_225], %parallel_loop3A_223 {strides = array<i32>} : memref<32x128xf32, #tpu.memory_space<vmem>>, vector<16xf32>,
        %parallel_loop3A_227 = arith.constant 2 : i32
        %parallel_loop3A_228 = arith.addi %parallel_loop3A_191, %parallel_loop3A_227 : i32
        %parallel_loop3A_229 = vector.broadcast %parallel_loop3A_228 : i32 to vector<16xi32>
        %parallel_loop3A_230 = tpu.vector_load_idx %arg4[%add3A_11, %parallel_loop3A_229] : memref<32x129xf32, #tpu.memory_space<vmem>>[vector<16xi32>, vector<16xi32>], vector<16xf32>,
        %parallel_loop3A_231 = arith.index_cast %parallel_loop3A_189 : i32 to index
        %parallel_loop3A_232 = arith.constant 80 : index
        %parallel_loop3A_233 = tpu.vector_load %arg6[%parallel_loop3A_231, %parallel_loop3A_232] {strides = array<i32>} : memref<32x128xf32, #tpu.memory_space<vmem>>, vector<16xf32>,
        tpu.vector_store %arg6[%parallel_loop3A_231, %parallel_loop3A_232], %parallel_loop3A_230 {strides = array<i32>} : memref<32x128xf32, #tpu.memory_space<vmem>>, vector<16xf32>,
        %parallel_loop3A_234 = arith.constant 3 : i32
        %parallel_loop3A_235 = arith.addi %parallel_loop3A_191, %parallel_loop3A_234 : i32
        %parallel_loop3A_236 = vector.broadcast %parallel_loop3A_235 : i32 to vector<16xi32>
        %parallel_loop3A_237 = tpu.vector_load_idx %arg4[%iota3A, %parallel_loop3A_236] : memref<32x129xf32, #tpu.memory_space<vmem>>[vector<16xi32>, vector<16xi32>], vector<16xf32>,
        %parallel_loop3A_238 = arith.index_cast %parallel_loop3A_189 : i32 to index
        %parallel_loop3A_239 = arith.constant 96 : index
        %parallel_loop3A_240 = tpu.vector_load %arg6[%parallel_loop3A_238, %parallel_loop3A_239] {strides = array<i32>} : memref<32x128xf32, #tpu.memory_space<vmem>>, vector<16xf32>,
        tpu.vector_store %arg6[%parallel_loop3A_238, %parallel_loop3A_239], %parallel_loop3A_237 {strides = array<i32>} : memref<32x128xf32, #tpu.memory_space<vmem>>, vector<16xf32>,
        %parallel_loop3A_241 = arith.constant 3 : i32
        %parallel_loop3A_242 = arith.addi %parallel_loop3A_191, %parallel_loop3A_241 : i32
        %parallel_loop3A_243 = vector.broadcast %parallel_loop3A_242 : i32 to vector<16xi32>
        %parallel_loop3A_244 = tpu.vector_load_idx %arg4[%add3A_11, %parallel_loop3A_243] : memref<32x129xf32, #tpu.memory_space<vmem>>[vector<16xi32>, vector<16xi32>], vector<16xf32>,
        %parallel_loop3A_245 = arith.index_cast %parallel_loop3A_189 : i32 to index
        %parallel_loop3A_246 = arith.constant 112 : index
        %parallel_loop3A_247 = tpu.vector_load %arg6[%parallel_loop3A_245, %parallel_loop3A_246] {strides = array<i32>} : memref<32x128xf32, #tpu.memory_space<vmem>>, vector<16xf32>,
        tpu.vector_store %arg6[%parallel_loop3A_245, %parallel_loop3A_246], %parallel_loop3A_244 {strides = array<i32>} : memref<32x128xf32, #tpu.memory_space<vmem>>, vector<16xf32>,
      } {sc.loop_unroll_factor = 8 : i64, sc.parallel_access}
      %mul3A_175 = arith.constant 32 : i32
      %mul3A_176 = arith.muli %add3A_86, %mul3A_175 : i32
      %multiple_of3A_177 = tpu.assume_multiple %mul3A_176, 32 : i32
      %dma_start3A_178 = arith.constant 0 : i32
      %dma_start3A_179 = tpu.memref_slice %arg3[%multiple_of3A_177, %dma_start3A_178] : memref<250016x128xf32, #tpu.memory_space<hbm>> -> memref<32x128xf32, #tpu.memory_space<hbm>>
      %dma_start3A_180 = arith.constant 0 : i32
      %dma_start3A_181 = tpu.memref_slice %arg3[%multiple_of3A_177, %dma_start3A_180] : memref<250016x128xf32, #tpu.memory_space<hbm>> -> memref<32x128xf32, #tpu.memory_space<hbm>>
      tpu.enqueue_dma source(%arg6 : memref<32x128xf32, #tpu.memory_space<vmem>>) target(%dma_start3A_181 : memref<32x128xf32, #tpu.memory_space<hbm>>) target_semaphore(%arg12 : memref<!tpu.dma_semaphore, #tpu.memory_space<semaphore_mem>>)
      %mul3A_182 = arith.constant 32 : i32
      %mul3A_183 = arith.muli %add3A_86, %mul3A_182 : i32
      %multiple_of3A_184 = tpu.assume_multiple %mul3A_183, 32 : i32
      %dma_wait3A_185 = arith.constant 0 : i32
      %dma_wait3A_186 = tpu.memref_slice %arg3[%multiple_of3A_184, %dma_wait3A_185] : memref<250016x128xf32, #tpu.memory_space<hbm>> -> memref<32x128xf32, #tpu.memory_space<hbm>>
      %dma_wait3A_187 = arith.constant 0 : i32
      %dma_wait3A_188 = tpu.memref_slice %arg3[%multiple_of3A_184, %dma_wait3A_187] : memref<250016x128xf32, #tpu.memory_space<hbm>> -> memref<32x128xf32, #tpu.memory_space<hbm>>
      tpu.wait_dma2 semaphore(%arg12 : memref<!tpu.dma_semaphore, #tpu.memory_space<semaphore_mem>>) src(%arg6 : memref<32x128xf32, #tpu.memory_space<vmem>>) dst(%dma_wait3A_188 : memref<32x128xf32, #tpu.memory_space<hbm>>)
    } else {
    }
    %eq3A = arith.constant 4 : i32
    %eq3A_81 = arith.cmpi eq, %add3A, %eq3A : i32
    %convert_element_type3A_82 = arith.extui %eq3A_81 : i1 to i32
    %cond3A_83 = arith.constant 0 : i32
    %cond3A_84 = arith.cmpi ne, %convert_element_type3A_82, %cond3A_83 : i32
    scf.if %cond3A_84 {
      "tpu.region"() ({
        %run_scoped3A = tpu.sem_alloc : memref<!tpu.dma_semaphore, #tpu.memory_space<semaphore_mem>>
        %dma_start3A_87 = arith.constant 0 : i32
        %dma_start3A_88 = arith.constant 0 : i32
        %dma_start3A_89 = tpu.memref_slice %arg8[%dma_start3A_87, %dma_start3A_88] : memref<32x64xf32, #tpu.memory_space<vmem>> -> memref<8x64xf32, #tpu.memory_space<vmem>>
        %dma_start3A_90 = arith.constant 0 : i32
        %dma_start3A_91 = arith.constant 999936 : i32
        %dma_start3A_92 = tpu.memref_slice %arg2[%dma_start3A_90, %dma_start3A_91] : memref<32x1000000xf32, #tpu.memory_space<hbm>> -> memref<8x64xf32, #tpu.memory_space<hbm>>
        %dma_start3A_93 = arith.constant 0 : i32
        %dma_start3A_94 = arith.constant 0 : i32
        %dma_start3A_95 = tpu.memref_slice %arg8[%dma_start3A_93, %dma_start3A_94] : memref<32x64xf32, #tpu.memory_space<vmem>> -> memref<8x64xf32, #tpu.memory_space<vmem>>
        %dma_start3A_96 = arith.constant 0 : i32
        %dma_start3A_97 = arith.constant 999936 : i32
        %dma_start3A_98 = tpu.memref_slice %arg2[%dma_start3A_96, %dma_start3A_97] : memref<32x1000000xf32, #tpu.memory_space<hbm>> -> memref<8x64xf32, #tpu.memory_space<hbm>>
        tpu.enqueue_dma source(%dma_start3A_98 : memref<8x64xf32, #tpu.memory_space<hbm>>) target(%dma_start3A_95 : memref<8x64xf32, #tpu.memory_space<vmem>>) target_semaphore(%run_scoped3A : memref<!tpu.dma_semaphore, #tpu.memory_space<semaphore_mem>>)
        %dma_wait3A_99 = arith.constant 0 : i32
        %dma_wait3A_100 = arith.constant 0 : i32
        %dma_wait3A_101 = tpu.memref_slice %arg8[%dma_wait3A_99, %dma_wait3A_100] : memref<32x64xf32, #tpu.memory_space<vmem>> -> memref<8x64xf32, #tpu.memory_space<vmem>>
        %dma_wait3A_102 = arith.constant 0 : i32
        %dma_wait3A_103 = arith.constant 999936 : i32
        %dma_wait3A_104 = tpu.memref_slice %arg2[%dma_wait3A_102, %dma_wait3A_103] : memref<32x1000000xf32, #tpu.memory_space<hbm>> -> memref<8x64xf32, #tpu.memory_space<hbm>>
        %dma_wait3A_105 = arith.constant 0 : i32
        %dma_wait3A_106 = arith.constant 0 : i32
        %dma_wait3A_107 = tpu.memref_slice %arg8[%dma_wait3A_105, %dma_wait3A_106] : memref<32x64xf32, #tpu.memory_space<vmem>> -> memref<8x64xf32, #tpu.memory_space<vmem>>
        %dma_wait3A_108 = arith.constant 0 : i32
        %dma_wait3A_109 = arith.constant 999936 : i32
        %dma_wait3A_110 = tpu.memref_slice %arg2[%dma_wait3A_108, %dma_wait3A_109] : memref<32x1000000xf32, #tpu.memory_space<hbm>> -> memref<8x64xf32, #tpu.memory_space<hbm>>
        tpu.wait_dma2 semaphore(%run_scoped3A : memref<!tpu.dma_semaphore, #tpu.memory_space<semaphore_mem>>) src(%dma_wait3A_110 : memref<8x64xf32, #tpu.memory_space<hbm>>) dst(%dma_wait3A_107 : memref<8x64xf32, #tpu.memory_space<vmem>>)
        tpu.yield
      }) : () -> ()
      "tpu.region"() ({
        %run_scoped3A = tpu.sem_alloc : memref<!tpu.dma_semaphore, #tpu.memory_space<semaphore_mem>>
        %dma_start3A_87 = arith.constant 8 : i32
        %dma_start3A_88 = arith.constant 0 : i32
        %dma_start3A_89 = tpu.memref_slice %arg8[%dma_start3A_87, %dma_start3A_88] : memref<32x64xf32, #tpu.memory_space<vmem>> -> memref<8x64xf32, #tpu.memory_space<vmem>>
        %dma_start3A_90 = arith.constant 8 : i32
        %dma_start3A_91 = arith.constant 999936 : i32
        %dma_start3A_92 = tpu.memref_slice %arg2[%dma_start3A_90, %dma_start3A_91] : memref<32x1000000xf32, #tpu.memory_space<hbm>> -> memref<8x64xf32, #tpu.memory_space<hbm>>
        %dma_start3A_93 = arith.constant 8 : i32
        %dma_start3A_94 = arith.constant 0 : i32
        %dma_start3A_95 = tpu.memref_slice %arg8[%dma_start3A_93, %dma_start3A_94] : memref<32x64xf32, #tpu.memory_space<vmem>> -> memref<8x64xf32, #tpu.memory_space<vmem>>
        %dma_start3A_96 = arith.constant 8 : i32
        %dma_start3A_97 = arith.constant 999936 : i32
        %dma_start3A_98 = tpu.memref_slice %arg2[%dma_start3A_96, %dma_start3A_97] : memref<32x1000000xf32, #tpu.memory_space<hbm>> -> memref<8x64xf32, #tpu.memory_space<hbm>>
        tpu.enqueue_dma source(%dma_start3A_98 : memref<8x64xf32, #tpu.memory_space<hbm>>) target(%dma_start3A_95 : memref<8x64xf32, #tpu.memory_space<vmem>>) target_semaphore(%run_scoped3A : memref<!tpu.dma_semaphore, #tpu.memory_space<semaphore_mem>>)
        %dma_wait3A_99 = arith.constant 8 : i32
        %dma_wait3A_100 = arith.constant 0 : i32
        %dma_wait3A_101 = tpu.memref_slice %arg8[%dma_wait3A_99, %dma_wait3A_100] : memref<32x64xf32, #tpu.memory_space<vmem>> -> memref<8x64xf32, #tpu.memory_space<vmem>>
        %dma_wait3A_102 = arith.constant 8 : i32
        %dma_wait3A_103 = arith.constant 999936 : i32
        %dma_wait3A_104 = tpu.memref_slice %arg2[%dma_wait3A_102, %dma_wait3A_103] : memref<32x1000000xf32, #tpu.memory_space<hbm>> -> memref<8x64xf32, #tpu.memory_space<hbm>>
        %dma_wait3A_105 = arith.constant 8 : i32
        %dma_wait3A_106 = arith.constant 0 : i32
        %dma_wait3A_107 = tpu.memref_slice %arg8[%dma_wait3A_105, %dma_wait3A_106] : memref<32x64xf32, #tpu.memory_space<vmem>> -> memref<8x64xf32, #tpu.memory_space<vmem>>
        %dma_wait3A_108 = arith.constant 8 : i32
        %dma_wait3A_109 = arith.constant 999936 : i32
        %dma_wait3A_110 = tpu.memref_slice %arg2[%dma_wait3A_108, %dma_wait3A_109] : memref<32x1000000xf32, #tpu.memory_space<hbm>> -> memref<8x64xf32, #tpu.memory_space<hbm>>
        tpu.wait_dma2 semaphore(%run_scoped3A : memref<!tpu.dma_semaphore, #tpu.memory_space<semaphore_mem>>) src(%dma_wait3A_110 : memref<8x64xf32, #tpu.memory_space<hbm>>) dst(%dma_wait3A_107 : memref<8x64xf32, #tpu.memory_space<vmem>>)
        tpu.yield
      }) : () -> ()
      "tpu.region"() ({
        %run_scoped3A = tpu.sem_alloc : memref<!tpu.dma_semaphore, #tpu.memory_space<semaphore_mem>>
        %dma_start3A_87 = arith.constant 16 : i32
        %dma_start3A_88 = arith.constant 0 : i32
        %dma_start3A_89 = tpu.memref_slice %arg8[%dma_start3A_87, %dma_start3A_88] : memref<32x64xf32, #tpu.memory_space<vmem>> -> memref<8x64xf32, #tpu.memory_space<vmem>>
        %dma_start3A_90 = arith.constant 16 : i32
        %dma_start3A_91 = arith.constant 999936 : i32
        %dma_start3A_92 = tpu.memref_slice %arg2[%dma_start3A_90, %dma_start3A_91] : memref<32x1000000xf32, #tpu.memory_space<hbm>> -> memref<8x64xf32, #tpu.memory_space<hbm>>
        %dma_start3A_93 = arith.constant 16 : i32
        %dma_start3A_94 = arith.constant 0 : i32
        %dma_start3A_95 = tpu.memref_slice %arg8[%dma_start3A_93, %dma_start3A_94] : memref<32x64xf32, #tpu.memory_space<vmem>> -> memref<8x64xf32, #tpu.memory_space<vmem>>
        %dma_start3A_96 = arith.constant 16 : i32
        %dma_start3A_97 = arith.constant 999936 : i32
        %dma_start3A_98 = tpu.memref_slice %arg2[%dma_start3A_96, %dma_start3A_97] : memref<32x1000000xf32, #tpu.memory_space<hbm>> -> memref<8x64xf32, #tpu.memory_space<hbm>>
        tpu.enqueue_dma source(%dma_start3A_98 : memref<8x64xf32, #tpu.memory_space<hbm>>) target(%dma_start3A_95 : memref<8x64xf32, #tpu.memory_space<vmem>>) target_semaphore(%run_scoped3A : memref<!tpu.dma_semaphore, #tpu.memory_space<semaphore_mem>>)
        %dma_wait3A_99 = arith.constant 16 : i32
        %dma_wait3A_100 = arith.constant 0 : i32
        %dma_wait3A_101 = tpu.memref_slice %arg8[%dma_wait3A_99, %dma_wait3A_100] : memref<32x64xf32, #tpu.memory_space<vmem>> -> memref<8x64xf32, #tpu.memory_space<vmem>>
        %dma_wait3A_102 = arith.constant 16 : i32
        %dma_wait3A_103 = arith.constant 999936 : i32
        %dma_wait3A_104 = tpu.memref_slice %arg2[%dma_wait3A_102, %dma_wait3A_103] : memref<32x1000000xf32, #tpu.memory_space<hbm>> -> memref<8x64xf32, #tpu.memory_space<hbm>>
        %dma_wait3A_105 = arith.constant 16 : i32
        %dma_wait3A_106 = arith.constant 0 : i32
        %dma_wait3A_107 = tpu.memref_slice %arg8[%dma_wait3A_105, %dma_wait3A_106] : memref<32x64xf32, #tpu.memory_space<vmem>> -> memref<8x64xf32, #tpu.memory_space<vmem>>
        %dma_wait3A_108 = arith.constant 16 : i32
        %dma_wait3A_109 = arith.constant 999936 : i32
        %dma_wait3A_110 = tpu.memref_slice %arg2[%dma_wait3A_108, %dma_wait3A_109] : memref<32x1000000xf32, #tpu.memory_space<hbm>> -> memref<8x64xf32, #tpu.memory_space<hbm>>
        tpu.wait_dma2 semaphore(%run_scoped3A : memref<!tpu.dma_semaphore, #tpu.memory_space<semaphore_mem>>) src(%dma_wait3A_110 : memref<8x64xf32, #tpu.memory_space<hbm>>) dst(%dma_wait3A_107 : memref<8x64xf32, #tpu.memory_space<vmem>>)
        tpu.yield
      }) : () -> ()
      "tpu.region"() ({
        %run_scoped3A = tpu.sem_alloc : memref<!tpu.dma_semaphore, #tpu.memory_space<semaphore_mem>>
        %dma_start3A_87 = arith.constant 24 : i32
        %dma_start3A_88 = arith.constant 0 : i32
        %dma_start3A_89 = tpu.memref_slice %arg8[%dma_start3A_87, %dma_start3A_88] : memref<32x64xf32, #tpu.memory_space<vmem>> -> memref<8x64xf32, #tpu.memory_space<vmem>>
        %dma_start3A_90 = arith.constant 24 : i32
        %dma_start3A_91 = arith.constant 999936 : i32
        %dma_start3A_92 = tpu.memref_slice %arg2[%dma_start3A_90, %dma_start3A_91] : memref<32x1000000xf32, #tpu.memory_space<hbm>> -> memref<8x64xf32, #tpu.memory_space<hbm>>
        %dma_start3A_93 = arith.constant 24 : i32
        %dma_start3A_94 = arith.constant 0 : i32
        %dma_start3A_95 = tpu.memref_slice %arg8[%dma_start3A_93, %dma_start3A_94] : memref<32x64xf32, #tpu.memory_space<vmem>> -> memref<8x64xf32, #tpu.memory_space<vmem>>
        %dma_start3A_96 = arith.constant 24 : i32
        %dma_start3A_97 = arith.constant 999936 : i32
        %dma_start3A_98 = tpu.memref_slice %arg2[%dma_start3A_96, %dma_start3A_97] : memref<32x1000000xf32, #tpu.memory_space<hbm>> -> memref<8x64xf32, #tpu.memory_space<hbm>>
        tpu.enqueue_dma source(%dma_start3A_98 : memref<8x64xf32, #tpu.memory_space<hbm>>) target(%dma_start3A_95 : memref<8x64xf32, #tpu.memory_space<vmem>>) target_semaphore(%run_scoped3A : memref<!tpu.dma_semaphore, #tpu.memory_space<semaphore_mem>>)
        %dma_wait3A_99 = arith.constant 24 : i32
        %dma_wait3A_100 = arith.constant 0 : i32
        %dma_wait3A_101 = tpu.memref_slice %arg8[%dma_wait3A_99, %dma_wait3A_100] : memref<32x64xf32, #tpu.memory_space<vmem>> -> memref<8x64xf32, #tpu.memory_space<vmem>>
        %dma_wait3A_102 = arith.constant 24 : i32
        %dma_wait3A_103 = arith.constant 999936 : i32
        %dma_wait3A_104 = tpu.memref_slice %arg2[%dma_wait3A_102, %dma_wait3A_103] : memref<32x1000000xf32, #tpu.memory_space<hbm>> -> memref<8x64xf32, #tpu.memory_space<hbm>>
        %dma_wait3A_105 = arith.constant 24 : i32
        %dma_wait3A_106 = arith.constant 0 : i32
        %dma_wait3A_107 = tpu.memref_slice %arg8[%dma_wait3A_105, %dma_wait3A_106] : memref<32x64xf32, #tpu.memory_space<vmem>> -> memref<8x64xf32, #tpu.memory_space<vmem>>
        %dma_wait3A_108 = arith.constant 24 : i32
        %dma_wait3A_109 = arith.constant 999936 : i32
        %dma_wait3A_110 = tpu.memref_slice %arg2[%dma_wait3A_108, %dma_wait3A_109] : memref<32x1000000xf32, #tpu.memory_space<hbm>> -> memref<8x64xf32, #tpu.memory_space<hbm>>
        tpu.wait_dma2 semaphore(%run_scoped3A : memref<!tpu.dma_semaphore, #tpu.memory_space<semaphore_mem>>) src(%dma_wait3A_110 : memref<8x64xf32, #tpu.memory_space<hbm>>) dst(%dma_wait3A_107 : memref<8x64xf32, #tpu.memory_space<vmem>>)
        tpu.yield
      }) : () -> ()
      %parallel_loop3A = arith.constant 0 : i32
      %parallel_loop3A_85 = arith.constant 16 : i32
      %parallel_loop3A_86 = arith.constant 1 : i32
      scf.for %parallel_loop3A_87 = %parallel_loop3A to %parallel_loop3A_85 step %parallel_loop3A_86  : i32 {
        %parallel_loop3A_88 = arith.constant 4 : i32
        %parallel_loop3A_89 = arith.muli %parallel_loop3A_87, %parallel_loop3A_88 : i32
        %parallel_loop3A_90 = arith.constant 0 : i32
        %parallel_loop3A_91 = arith.addi %parallel_loop3A_89, %parallel_loop3A_90 : i32
        %parallel_loop3A_92 = vector.broadcast %parallel_loop3A_91 : i32 to vector<16xi32>
        %parallel_loop3A_93 = tpu.vector_load_idx %arg8[%iota3A, %parallel_loop3A_92] : memref<32x64xf32, #tpu.memory_space<vmem>>[vector<16xi32>, vector<16xi32>], vector<16xf32>,
        %parallel_loop3A_94 = arith.index_cast %parallel_loop3A_87 : i32 to index
        %parallel_loop3A_95 = arith.constant 0 : index
        %parallel_loop3A_96 = tpu.vector_load %arg9[%parallel_loop3A_94, %parallel_loop3A_95] {strides = array<i32>} : memref<16x128xf32, #tpu.memory_space<vmem>>, vector<16xf32>,
        tpu.vector_store %arg9[%parallel_loop3A_94, %parallel_loop3A_95], %parallel_loop3A_93 {strides = array<i32>} : memref<16x128xf32, #tpu.memory_space<vmem>>, vector<16xf32>,
        %parallel_loop3A_97 = arith.constant 0 : i32
        %parallel_loop3A_98 = arith.addi %parallel_loop3A_89, %parallel_loop3A_97 : i32
        %parallel_loop3A_99 = vector.broadcast %parallel_loop3A_98 : i32 to vector<16xi32>
        %parallel_loop3A_100 = tpu.vector_load_idx %arg8[%add3A_11, %parallel_loop3A_99] : memref<32x64xf32, #tpu.memory_space<vmem>>[vector<16xi32>, vector<16xi32>], vector<16xf32>,
        %parallel_loop3A_101 = arith.index_cast %parallel_loop3A_87 : i32 to index
        %parallel_loop3A_102 = arith.constant 16 : index
        %parallel_loop3A_103 = tpu.vector_load %arg9[%parallel_loop3A_101, %parallel_loop3A_102] {strides = array<i32>} : memref<16x128xf32, #tpu.memory_space<vmem>>, vector<16xf32>,
        tpu.vector_store %arg9[%parallel_loop3A_101, %parallel_loop3A_102], %parallel_loop3A_100 {strides = array<i32>} : memref<16x128xf32, #tpu.memory_space<vmem>>, vector<16xf32>,
        %parallel_loop3A_104 = arith.constant 1 : i32
        %parallel_loop3A_105 = arith.addi %parallel_loop3A_89, %parallel_loop3A_104 : i32
        %parallel_loop3A_106 = vector.broadcast %parallel_loop3A_105 : i32 to vector<16xi32>
        %parallel_loop3A_107 = tpu.vector_load_idx %arg8[%iota3A, %parallel_loop3A_106] : memref<32x64xf32, #tpu.memory_space<vmem>>[vector<16xi32>, vector<16xi32>], vector<16xf32>,
        %parallel_loop3A_108 = arith.index_cast %parallel_loop3A_87 : i32 to index
        %parallel_loop3A_109 = arith.constant 32 : index
        %parallel_loop3A_110 = tpu.vector_load %arg9[%parallel_loop3A_108, %parallel_loop3A_109] {strides = array<i32>} : memref<16x128xf32, #tpu.memory_space<vmem>>, vector<16xf32>,
        tpu.vector_store %arg9[%parallel_loop3A_108, %parallel_loop3A_109], %parallel_loop3A_107 {strides = array<i32>} : memref<16x128xf32, #tpu.memory_space<vmem>>, vector<16xf32>,
        %parallel_loop3A_111 = arith.constant 1 : i32
        %parallel_loop3A_112 = arith.addi %parallel_loop3A_89, %parallel_loop3A_111 : i32
        %parallel_loop3A_113 = vector.broadcast %parallel_loop3A_112 : i32 to vector<16xi32>
        %parallel_loop3A_114 = tpu.vector_load_idx %arg8[%add3A_11, %parallel_loop3A_113] : memref<32x64xf32, #tpu.memory_space<vmem>>[vector<16xi32>, vector<16xi32>], vector<16xf32>,
        %parallel_loop3A_115 = arith.index_cast %parallel_loop3A_87 : i32 to index
        %parallel_loop3A_116 = arith.constant 48 : index
        %parallel_loop3A_117 = tpu.vector_load %arg9[%parallel_loop3A_115, %parallel_loop3A_116] {strides = array<i32>} : memref<16x128xf32, #tpu.memory_space<vmem>>, vector<16xf32>,
        tpu.vector_store %arg9[%parallel_loop3A_115, %parallel_loop3A_116], %parallel_loop3A_114 {strides = array<i32>} : memref<16x128xf32, #tpu.memory_space<vmem>>, vector<16xf32>,
        %parallel_loop3A_118 = arith.constant 2 : i32
        %parallel_loop3A_119 = arith.addi %parallel_loop3A_89, %parallel_loop3A_118 : i32
        %parallel_loop3A_120 = vector.broadcast %parallel_loop3A_119 : i32 to vector<16xi32>
        %parallel_loop3A_121 = tpu.vector_load_idx %arg8[%iota3A, %parallel_loop3A_120] : memref<32x64xf32, #tpu.memory_space<vmem>>[vector<16xi32>, vector<16xi32>], vector<16xf32>,
        %parallel_loop3A_122 = arith.index_cast %parallel_loop3A_87 : i32 to index
        %parallel_loop3A_123 = arith.constant 64 : index
        %parallel_loop3A_124 = tpu.vector_load %arg9[%parallel_loop3A_122, %parallel_loop3A_123] {strides = array<i32>} : memref<16x128xf32, #tpu.memory_space<vmem>>, vector<16xf32>,
        tpu.vector_store %arg9[%parallel_loop3A_122, %parallel_loop3A_123], %parallel_loop3A_121 {strides = array<i32>} : memref<16x128xf32, #tpu.memory_space<vmem>>, vector<16xf32>,
        %parallel_loop3A_125 = arith.constant 2 : i32
        %parallel_loop3A_126 = arith.addi %parallel_loop3A_89, %parallel_loop3A_125 : i32
        %parallel_loop3A_127 = vector.broadcast %parallel_loop3A_126 : i32 to vector<16xi32>
        %parallel_loop3A_128 = tpu.vector_load_idx %arg8[%add3A_11, %parallel_loop3A_127] : memref<32x64xf32, #tpu.memory_space<vmem>>[vector<16xi32>, vector<16xi32>], vector<16xf32>,
        %parallel_loop3A_129 = arith.index_cast %parallel_loop3A_87 : i32 to index
        %parallel_loop3A_130 = arith.constant 80 : index
        %parallel_loop3A_131 = tpu.vector_load %arg9[%parallel_loop3A_129, %parallel_loop3A_130] {strides = array<i32>} : memref<16x128xf32, #tpu.memory_space<vmem>>, vector<16xf32>,
        tpu.vector_store %arg9[%parallel_loop3A_129, %parallel_loop3A_130], %parallel_loop3A_128 {strides = array<i32>} : memref<16x128xf32, #tpu.memory_space<vmem>>, vector<16xf32>,
        %parallel_loop3A_132 = arith.constant 3 : i32
        %parallel_loop3A_133 = arith.addi %parallel_loop3A_89, %parallel_loop3A_132 : i32
        %parallel_loop3A_134 = vector.broadcast %parallel_loop3A_133 : i32 to vector<16xi32>
        %parallel_loop3A_135 = tpu.vector_load_idx %arg8[%iota3A, %parallel_loop3A_134] : memref<32x64xf32, #tpu.memory_space<vmem>>[vector<16xi32>, vector<16xi32>], vector<16xf32>,
        %parallel_loop3A_136 = arith.index_cast %parallel_loop3A_87 : i32 to index
        %parallel_loop3A_137 = arith.constant 96 : index
        %parallel_loop3A_138 = tpu.vector_load %arg9[%parallel_loop3A_136, %parallel_loop3A_137] {strides = array<i32>} : memref<16x128xf32, #tpu.memory_space<vmem>>, vector<16xf32>,
        tpu.vector_store %arg9[%parallel_loop3A_136, %parallel_loop3A_137], %parallel_loop3A_135 {strides = array<i32>} : memref<16x128xf32, #tpu.memory_space<vmem>>, vector<16xf32>,
        %parallel_loop3A_139 = arith.constant 3 : i32
        %parallel_loop3A_140 = arith.addi %parallel_loop3A_89, %parallel_loop3A_139 : i32
        %parallel_loop3A_141 = vector.broadcast %parallel_loop3A_140 : i32 to vector<16xi32>
        %parallel_loop3A_142 = tpu.vector_load_idx %arg8[%add3A_11, %parallel_loop3A_141] : memref<32x64xf32, #tpu.memory_space<vmem>>[vector<16xi32>, vector<16xi32>], vector<16xf32>,
        %parallel_loop3A_143 = arith.index_cast %parallel_loop3A_87 : i32 to index
        %parallel_loop3A_144 = arith.constant 112 : index
        %parallel_loop3A_145 = tpu.vector_load %arg9[%parallel_loop3A_143, %parallel_loop3A_144] {strides = array<i32>} : memref<16x128xf32, #tpu.memory_space<vmem>>, vector<16xf32>,
        tpu.vector_store %arg9[%parallel_loop3A_143, %parallel_loop3A_144], %parallel_loop3A_142 {strides = array<i32>} : memref<16x128xf32, #tpu.memory_space<vmem>>, vector<16xf32>,
      } {sc.loop_unroll_factor = 8 : i64, sc.parallel_access}
      "tpu.region"() ({
        %run_scoped3A = tpu.sem_alloc : memref<!tpu.dma_semaphore, #tpu.memory_space<semaphore_mem>>
        %dma_start3A_87 = arith.constant 249984 : i32
        %dma_start3A_88 = arith.constant 0 : i32
        %dma_start3A_89 = tpu.memref_slice %arg3[%dma_start3A_87, %dma_start3A_88] : memref<250016x128xf32, #tpu.memory_space<hbm>> -> memref<16x128xf32, #tpu.memory_space<hbm>>
        %dma_start3A_90 = arith.constant 249984 : i32
        %dma_start3A_91 = arith.constant 0 : i32
        %dma_start3A_92 = tpu.memref_slice %arg3[%dma_start3A_90, %dma_start3A_91] : memref<250016x128xf32, #tpu.memory_space<hbm>> -> memref<16x128xf32, #tpu.memory_space<hbm>>
        tpu.enqueue_dma source(%arg9 : memref<16x128xf32, #tpu.memory_space<vmem>>) target(%dma_start3A_92 : memref<16x128xf32, #tpu.memory_space<hbm>>) target_semaphore(%run_scoped3A : memref<!tpu.dma_semaphore, #tpu.memory_space<semaphore_mem>>)
        %dma_wait3A_93 = arith.constant 249984 : i32
        %dma_wait3A_94 = arith.constant 0 : i32
        %dma_wait3A_95 = tpu.memref_slice %arg3[%dma_wait3A_93, %dma_wait3A_94] : memref<250016x128xf32, #tpu.memory_space<hbm>> -> memref<16x128xf32, #tpu.memory_space<hbm>>
        %dma_wait3A_96 = arith.constant 249984 : i32
        %dma_wait3A_97 = arith.constant 0 : i32
        %dma_wait3A_98 = tpu.memref_slice %arg3[%dma_wait3A_96, %dma_wait3A_97] : memref<250016x128xf32, #tpu.memory_space<hbm>> -> memref<16x128xf32, #tpu.memory_space<hbm>>
        tpu.wait_dma2 semaphore(%run_scoped3A : memref<!tpu.dma_semaphore, #tpu.memory_space<semaphore_mem>>) src(%arg9 : memref<16x128xf32, #tpu.memory_space<vmem>>) dst(%dma_wait3A_98 : memref<16x128xf32, #tpu.memory_space<hbm>>)
        tpu.yield
      }) : () -> ()
    } else {
    }
    return
  }
}

#map = affine_map<(d0, d1) -> (0, 0)>
#map1 = affine_map<(d0, d1) -> (0, 0, 0)>
module attributes {stable_mosaic.version = 14 : i64} {
  func.func @k2(%arg0: i32, %arg1: i32, %arg2: memref<1000064x32xf32, #tpu.memory_space<hbm>>, %arg3: memref<26x16384xi32, #tpu.memory_space<hbm>>, %arg4: memref<13312x8x128xf32, #tpu.memory_space<hbm>>, %arg5: memref<256xi32, #tpu.memory_space<vmem>>, %arg6: memref<256xi32, #tpu.memory_space<vmem>>, %arg7: memref<128xi32, #tpu.memory_space<vmem>>, %arg8: memref<128xi32, #tpu.memory_space<vmem>>, %arg9: memref<128x32xf32, #tpu.memory_space<vmem>>, %arg10: memref<128x32xf32, #tpu.memory_space<vmem>>, %arg11: memref<32x129xf32, #tpu.memory_space<vmem>>, %arg12: memref<32x129xf32, #tpu.memory_space<vmem>>, %arg13: memref<!tpu.dma_semaphore, #tpu.memory_space<semaphore_mem>>, %arg14: memref<!tpu.dma_semaphore, #tpu.memory_space<semaphore_mem>>, %arg15: memref<!tpu.dma_semaphore, #tpu.memory_space<semaphore_mem>>, %arg16: memref<!tpu.dma_semaphore, #tpu.memory_space<semaphore_mem>>, %arg17: memref<!tpu.dma_semaphore, #tpu.memory_space<semaphore_mem>>) attributes {dimension_semantics = [#tpu.dimension_semantics<core_parallel>, #tpu.dimension_semantics<subcore_parallel>], iteration_bounds = array<i64: 2, 16>, scalar_prefetch = 0 : i64, scratch_operands = 13 : i64, tpu.core_type = #tpu.core_type<sc_vector_subcore>, window_params = [{transform_indices = #map}, {transform_indices = #map}, {transform_indices = #map1}]} {
    %mul3A = arith.constant 2 : i32
    %mul3A_0 = arith.muli %arg1, %mul3A : i32
    %add3A = arith.addi %mul3A_0, %arg0 : i32
    %mul3A_1 = arith.constant 104 : i32
    %mul3A_2 = arith.muli %add3A, %mul3A_1 : i32
    %iota3A = tpu.iota {dimensions = array<i32: 0>} : vector<16xi32>
    %add3A_3 = arith.constant 16 : i32
    %add3A_4 = vector.broadcast %add3A_3 : i32 to vector<16xi32>
    %add3A_5 = arith.addi %iota3A, %add3A_4 : vector<16xi32>
    %add3A_6 = arith.constant 0 : i32
    %add3A_7 = arith.addi %mul3A_2, %add3A_6 : i32
    %jit3A = arith.constant 128 : i32
    %div3A = arith.divsi %add3A_7, %jit3A : i32
    %sign3A = arith.constant 0 : i32
    %sign3A_8 = arith.cmpi sgt, %add3A_7, %sign3A : i32
    %sign3A_9 = arith.extui %sign3A_8 : i1 to i32
    %sign3A_10 = arith.constant 0 : i32
    %sign3A_11 = arith.cmpi slt, %add3A_7, %sign3A_10 : i32
    %sign3A_12 = arith.extui %sign3A_11 : i1 to i32
    %sign3A_13 = arith.subi %sign3A_9, %sign3A_12 : i32
    %sign3A_14 = arith.constant 0 : i32
    %sign3A_15 = arith.cmpi sgt, %jit3A, %sign3A_14 : i32
    %sign3A_16 = arith.extui %sign3A_15 : i1 to i32
    %sign3A_17 = arith.constant 0 : i32
    %sign3A_18 = arith.cmpi slt, %jit3A, %sign3A_17 : i32
    %sign3A_19 = arith.extui %sign3A_18 : i1 to i32
    %sign3A_20 = arith.subi %sign3A_16, %sign3A_19 : i32
    %ne3A = arith.cmpi ne, %sign3A_13, %sign3A_20 : i32
    %rem3A = arith.remsi %add3A_7, %jit3A : i32
    %ne3A_21 = arith.constant 0 : i32
    %ne3A_22 = arith.cmpi ne, %rem3A, %ne3A_21 : i32
    %and3A = arith.andi %ne3A, %ne3A_22 : i1
    %sub3A = arith.constant 1 : i32
    %sub3A_23 = arith.subi %div3A, %sub3A : i32
    %select_n3A = arith.select %and3A, %sub3A_23, %div3A : i32
    %jit3A_24 = arith.constant 128 : i32
    %eq3A = arith.constant 0 : i32
    %eq3A_25 = arith.cmpi eq, %jit3A_24, %eq3A : i32
    %jit3A_26 = arith.constant 1 : i32
    %select_n3A_27 = arith.select %eq3A_25, %jit3A_26, %jit3A_24 : i32
    %rem3A_28 = arith.remsi %add3A_7, %select_n3A_27 : i32
    %ne3A_29 = arith.constant 0 : i32
    %ne3A_30 = arith.cmpi ne, %rem3A_28, %ne3A_29 : i32
    %lt3A = arith.constant 0 : i32
    %lt3A_31 = arith.cmpi slt, %rem3A_28, %lt3A : i32
    %lt3A_32 = arith.constant 0 : i32
    %lt3A_33 = arith.cmpi slt, %select_n3A_27, %lt3A_32 : i32
    %ne3A_34 = arith.xori %lt3A_31, %lt3A_33 : i1
    %and3A_35 = arith.andi %ne3A_34, %ne3A_30 : i1
    %add3A_36 = arith.addi %rem3A_28, %select_n3A_27 : i32
    %select_n3A_37 = arith.select %and3A_35, %add3A_36, %rem3A_28 : i32
    %mul3A_38 = arith.constant 128 : i32
    %mul3A_39 = arith.muli %select_n3A_37, %mul3A_38 : i32
    %multiple_of3A = tpu.assume_multiple %mul3A_39, 128 : i32
    %dma_start3A = tpu.memref_slice %arg3[%select_n3A, %multiple_of3A] : memref<26x16384xi32, #tpu.memory_space<hbm>> -> memref<1x256xi32, #tpu.memory_space<hbm>>
    %dma_start3A_40 = tpu.memref_squeeze %dma_start3A : memref<1x256xi32, #tpu.memory_space<hbm>> -> memref<256xi32, #tpu.memory_space<hbm>>
    %dma_start3A_41 = tpu.memref_slice %arg3[%select_n3A, %multiple_of3A] : memref<26x16384xi32, #tpu.memory_space<hbm>> -> memref<1x256xi32, #tpu.memory_space<hbm>>
    %dma_start3A_42 = tpu.memref_squeeze %dma_start3A_41 : memref<1x256xi32, #tpu.memory_space<hbm>> -> memref<256xi32, #tpu.memory_space<hbm>>
    tpu.enqueue_dma source(%dma_start3A_42 : memref<256xi32, #tpu.memory_space<hbm>>) target(%arg6 : memref<256xi32, #tpu.memory_space<vmem>>) target_semaphore(%arg13 : memref<!tpu.dma_semaphore, #tpu.memory_space<semaphore_mem>>)
    %add3A_43 = arith.constant 0 : i32
    %add3A_44 = arith.addi %mul3A_2, %add3A_43 : i32
    %jit3A_45 = arith.constant 128 : i32
    %div3A_46 = arith.divsi %add3A_44, %jit3A_45 : i32
    %sign3A_47 = arith.constant 0 : i32
    %sign3A_48 = arith.cmpi sgt, %add3A_44, %sign3A_47 : i32
    %sign3A_49 = arith.extui %sign3A_48 : i1 to i32
    %sign3A_50 = arith.constant 0 : i32
    %sign3A_51 = arith.cmpi slt, %add3A_44, %sign3A_50 : i32
    %sign3A_52 = arith.extui %sign3A_51 : i1 to i32
    %sign3A_53 = arith.subi %sign3A_49, %sign3A_52 : i32
    %sign3A_54 = arith.constant 0 : i32
    %sign3A_55 = arith.cmpi sgt, %jit3A_45, %sign3A_54 : i32
    %sign3A_56 = arith.extui %sign3A_55 : i1 to i32
    %sign3A_57 = arith.constant 0 : i32
    %sign3A_58 = arith.cmpi slt, %jit3A_45, %sign3A_57 : i32
    %sign3A_59 = arith.extui %sign3A_58 : i1 to i32
    %sign3A_60 = arith.subi %sign3A_56, %sign3A_59 : i32
    %ne3A_61 = arith.cmpi ne, %sign3A_53, %sign3A_60 : i32
    %rem3A_62 = arith.remsi %add3A_44, %jit3A_45 : i32
    %ne3A_63 = arith.constant 0 : i32
    %ne3A_64 = arith.cmpi ne, %rem3A_62, %ne3A_63 : i32
    %and3A_65 = arith.andi %ne3A_61, %ne3A_64 : i1
    %sub3A_66 = arith.constant 1 : i32
    %sub3A_67 = arith.subi %div3A_46, %sub3A_66 : i32
    %select_n3A_68 = arith.select %and3A_65, %sub3A_67, %div3A_46 : i32
    %jit3A_69 = arith.constant 128 : i32
    %eq3A_70 = arith.constant 0 : i32
    %eq3A_71 = arith.cmpi eq, %jit3A_69, %eq3A_70 : i32
    %jit3A_72 = arith.constant 1 : i32
    %select_n3A_73 = arith.select %eq3A_71, %jit3A_72, %jit3A_69 : i32
    %rem3A_74 = arith.remsi %add3A_44, %select_n3A_73 : i32
    %ne3A_75 = arith.constant 0 : i32
    %ne3A_76 = arith.cmpi ne, %rem3A_74, %ne3A_75 : i32
    %lt3A_77 = arith.constant 0 : i32
    %lt3A_78 = arith.cmpi slt, %rem3A_74, %lt3A_77 : i32
    %lt3A_79 = arith.constant 0 : i32
    %lt3A_80 = arith.cmpi slt, %select_n3A_73, %lt3A_79 : i32
    %ne3A_81 = arith.xori %lt3A_78, %lt3A_80 : i1
    %and3A_82 = arith.andi %ne3A_81, %ne3A_76 : i1
    %add3A_83 = arith.addi %rem3A_74, %select_n3A_73 : i32
    %select_n3A_84 = arith.select %and3A_82, %add3A_83, %rem3A_74 : i32
    %mul3A_85 = arith.constant 128 : i32
    %mul3A_86 = arith.muli %select_n3A_84, %mul3A_85 : i32
    %multiple_of3A_87 = tpu.assume_multiple %mul3A_86, 128 : i32
    %dma_wait3A = tpu.memref_slice %arg3[%select_n3A_68, %multiple_of3A_87] : memref<26x16384xi32, #tpu.memory_space<hbm>> -> memref<1x256xi32, #tpu.memory_space<hbm>>
    %dma_wait3A_88 = tpu.memref_squeeze %dma_wait3A : memref<1x256xi32, #tpu.memory_space<hbm>> -> memref<256xi32, #tpu.memory_space<hbm>>
    %dma_wait3A_89 = tpu.memref_slice %arg3[%select_n3A_68, %multiple_of3A_87] : memref<26x16384xi32, #tpu.memory_space<hbm>> -> memref<1x256xi32, #tpu.memory_space<hbm>>
    %dma_wait3A_90 = tpu.memref_squeeze %dma_wait3A_89 : memref<1x256xi32, #tpu.memory_space<hbm>> -> memref<256xi32, #tpu.memory_space<hbm>>
    tpu.wait_dma2 semaphore(%arg13 : memref<!tpu.dma_semaphore, #tpu.memory_space<semaphore_mem>>) src(%dma_wait3A_90 : memref<256xi32, #tpu.memory_space<hbm>>) dst(%arg6 : memref<256xi32, #tpu.memory_space<vmem>>)
    %get3A = arith.constant 0 : index
    %get3A_91 = tpu.vector_load %arg6[%get3A] {strides = array<i32>} : memref<256xi32, #tpu.memory_space<vmem>>, vector<16xi32>,
    %swap3A = arith.constant 0 : index
    %swap3A_92 = tpu.vector_load %arg5[%swap3A] {strides = array<i32>} : memref<256xi32, #tpu.memory_space<vmem>>, vector<16xi32>,
    tpu.vector_store %arg5[%swap3A], %get3A_91 {strides = array<i32>} : memref<256xi32, #tpu.memory_space<vmem>>, vector<16xi32>,
    %get3A_93 = arith.constant 16 : index
    %get3A_94 = tpu.vector_load %arg6[%get3A_93] {strides = array<i32>} : memref<256xi32, #tpu.memory_space<vmem>>, vector<16xi32>,
    %swap3A_95 = arith.constant 16 : index
    %swap3A_96 = tpu.vector_load %arg5[%swap3A_95] {strides = array<i32>} : memref<256xi32, #tpu.memory_space<vmem>>, vector<16xi32>,
    tpu.vector_store %arg5[%swap3A_95], %get3A_94 {strides = array<i32>} : memref<256xi32, #tpu.memory_space<vmem>>, vector<16xi32>,
    %get3A_97 = arith.constant 32 : index
    %get3A_98 = tpu.vector_load %arg6[%get3A_97] {strides = array<i32>} : memref<256xi32, #tpu.memory_space<vmem>>, vector<16xi32>,
    %swap3A_99 = arith.constant 32 : index
    %swap3A_100 = tpu.vector_load %arg5[%swap3A_99] {strides = array<i32>} : memref<256xi32, #tpu.memory_space<vmem>>, vector<16xi32>,
    tpu.vector_store %arg5[%swap3A_99], %get3A_98 {strides = array<i32>} : memref<256xi32, #tpu.memory_space<vmem>>, vector<16xi32>,
    %get3A_101 = arith.constant 48 : index
    %get3A_102 = tpu.vector_load %arg6[%get3A_101] {strides = array<i32>} : memref<256xi32, #tpu.memory_space<vmem>>, vector<16xi32>,
    %swap3A_103 = arith.constant 48 : index
    %swap3A_104 = tpu.vector_load %arg5[%swap3A_103] {strides = array<i32>} : memref<256xi32, #tpu.memory_space<vmem>>, vector<16xi32>,
    tpu.vector_store %arg5[%swap3A_103], %get3A_102 {strides = array<i32>} : memref<256xi32, #tpu.memory_space<vmem>>, vector<16xi32>,
    %get3A_105 = arith.constant 64 : index
    %get3A_106 = tpu.vector_load %arg6[%get3A_105] {strides = array<i32>} : memref<256xi32, #tpu.memory_space<vmem>>, vector<16xi32>,
    %swap3A_107 = arith.constant 64 : index
    %swap3A_108 = tpu.vector_load %arg5[%swap3A_107] {strides = array<i32>} : memref<256xi32, #tpu.memory_space<vmem>>, vector<16xi32>,
    tpu.vector_store %arg5[%swap3A_107], %get3A_106 {strides = array<i32>} : memref<256xi32, #tpu.memory_space<vmem>>, vector<16xi32>,
    %get3A_109 = arith.constant 80 : index
    %get3A_110 = tpu.vector_load %arg6[%get3A_109] {strides = array<i32>} : memref<256xi32, #tpu.memory_space<vmem>>, vector<16xi32>,
    %swap3A_111 = arith.constant 80 : index
    %swap3A_112 = tpu.vector_load %arg5[%swap3A_111] {strides = array<i32>} : memref<256xi32, #tpu.memory_space<vmem>>, vector<16xi32>,
    tpu.vector_store %arg5[%swap3A_111], %get3A_110 {strides = array<i32>} : memref<256xi32, #tpu.memory_space<vmem>>, vector<16xi32>,
    %get3A_113 = arith.constant 96 : index
    %get3A_114 = tpu.vector_load %arg6[%get3A_113] {strides = array<i32>} : memref<256xi32, #tpu.memory_space<vmem>>, vector<16xi32>,
    %swap3A_115 = arith.constant 96 : index
    %swap3A_116 = tpu.vector_load %arg5[%swap3A_115] {strides = array<i32>} : memref<256xi32, #tpu.memory_space<vmem>>, vector<16xi32>,
    tpu.vector_store %arg5[%swap3A_115], %get3A_114 {strides = array<i32>} : memref<256xi32, #tpu.memory_space<vmem>>, vector<16xi32>,
    %get3A_117 = arith.constant 112 : index
    %get3A_118 = tpu.vector_load %arg6[%get3A_117] {strides = array<i32>} : memref<256xi32, #tpu.memory_space<vmem>>, vector<16xi32>,
    %swap3A_119 = arith.constant 112 : index
    %swap3A_120 = tpu.vector_load %arg5[%swap3A_119] {strides = array<i32>} : memref<256xi32, #tpu.memory_space<vmem>>, vector<16xi32>,
    tpu.vector_store %arg5[%swap3A_119], %get3A_118 {strides = array<i32>} : memref<256xi32, #tpu.memory_space<vmem>>, vector<16xi32>,
    %get3A_121 = arith.constant 128 : index
    %get3A_122 = tpu.vector_load %arg6[%get3A_121] {strides = array<i32>} : memref<256xi32, #tpu.memory_space<vmem>>, vector<16xi32>,
    %swap3A_123 = arith.constant 128 : index
    %swap3A_124 = tpu.vector_load %arg5[%swap3A_123] {strides = array<i32>} : memref<256xi32, #tpu.memory_space<vmem>>, vector<16xi32>,
    tpu.vector_store %arg5[%swap3A_123], %get3A_122 {strides = array<i32>} : memref<256xi32, #tpu.memory_space<vmem>>, vector<16xi32>,
    %get3A_125 = arith.constant 144 : index
    %get3A_126 = tpu.vector_load %arg6[%get3A_125] {strides = array<i32>} : memref<256xi32, #tpu.memory_space<vmem>>, vector<16xi32>,
    %swap3A_127 = arith.constant 144 : index
    %swap3A_128 = tpu.vector_load %arg5[%swap3A_127] {strides = array<i32>} : memref<256xi32, #tpu.memory_space<vmem>>, vector<16xi32>,
    tpu.vector_store %arg5[%swap3A_127], %get3A_126 {strides = array<i32>} : memref<256xi32, #tpu.memory_space<vmem>>, vector<16xi32>,
    %get3A_129 = arith.constant 160 : index
    %get3A_130 = tpu.vector_load %arg6[%get3A_129] {strides = array<i32>} : memref<256xi32, #tpu.memory_space<vmem>>, vector<16xi32>,
    %swap3A_131 = arith.constant 160 : index
    %swap3A_132 = tpu.vector_load %arg5[%swap3A_131] {strides = array<i32>} : memref<256xi32, #tpu.memory_space<vmem>>, vector<16xi32>,
    tpu.vector_store %arg5[%swap3A_131], %get3A_130 {strides = array<i32>} : memref<256xi32, #tpu.memory_space<vmem>>, vector<16xi32>,
    %get3A_133 = arith.constant 176 : index
    %get3A_134 = tpu.vector_load %arg6[%get3A_133] {strides = array<i32>} : memref<256xi32, #tpu.memory_space<vmem>>, vector<16xi32>,
    %swap3A_135 = arith.constant 176 : index
    %swap3A_136 = tpu.vector_load %arg5[%swap3A_135] {strides = array<i32>} : memref<256xi32, #tpu.memory_space<vmem>>, vector<16xi32>,
    tpu.vector_store %arg5[%swap3A_135], %get3A_134 {strides = array<i32>} : memref<256xi32, #tpu.memory_space<vmem>>, vector<16xi32>,
    %get3A_137 = arith.constant 192 : index
    %get3A_138 = tpu.vector_load %arg6[%get3A_137] {strides = array<i32>} : memref<256xi32, #tpu.memory_space<vmem>>, vector<16xi32>,
    %swap3A_139 = arith.constant 192 : index
    %swap3A_140 = tpu.vector_load %arg5[%swap3A_139] {strides = array<i32>} : memref<256xi32, #tpu.memory_space<vmem>>, vector<16xi32>,
    tpu.vector_store %arg5[%swap3A_139], %get3A_138 {strides = array<i32>} : memref<256xi32, #tpu.memory_space<vmem>>, vector<16xi32>,
    %get3A_141 = arith.constant 208 : index
    %get3A_142 = tpu.vector_load %arg6[%get3A_141] {strides = array<i32>} : memref<256xi32, #tpu.memory_space<vmem>>, vector<16xi32>,
    %swap3A_143 = arith.constant 208 : index
    %swap3A_144 = tpu.vector_load %arg5[%swap3A_143] {strides = array<i32>} : memref<256xi32, #tpu.memory_space<vmem>>, vector<16xi32>,
    tpu.vector_store %arg5[%swap3A_143], %get3A_142 {strides = array<i32>} : memref<256xi32, #tpu.memory_space<vmem>>, vector<16xi32>,
    %get3A_145 = arith.constant 224 : index
    %get3A_146 = tpu.vector_load %arg6[%get3A_145] {strides = array<i32>} : memref<256xi32, #tpu.memory_space<vmem>>, vector<16xi32>,
    %swap3A_147 = arith.constant 224 : index
    %swap3A_148 = tpu.vector_load %arg5[%swap3A_147] {strides = array<i32>} : memref<256xi32, #tpu.memory_space<vmem>>, vector<16xi32>,
    tpu.vector_store %arg5[%swap3A_147], %get3A_146 {strides = array<i32>} : memref<256xi32, #tpu.memory_space<vmem>>, vector<16xi32>,
    %get3A_149 = arith.constant 240 : index
    %get3A_150 = tpu.vector_load %arg6[%get3A_149] {strides = array<i32>} : memref<256xi32, #tpu.memory_space<vmem>>, vector<16xi32>,
    %swap3A_151 = arith.constant 240 : index
    %swap3A_152 = tpu.vector_load %arg5[%swap3A_151] {strides = array<i32>} : memref<256xi32, #tpu.memory_space<vmem>>, vector<16xi32>,
    tpu.vector_store %arg5[%swap3A_151], %get3A_150 {strides = array<i32>} : memref<256xi32, #tpu.memory_space<vmem>>, vector<16xi32>,
    %get3A_153 = arith.constant 0 : index
    %get3A_154 = tpu.vector_load %arg5[%get3A_153] {strides = array<i32>} : memref<256xi32, #tpu.memory_space<vmem>>, vector<16xi32>,
    %swap3A_155 = arith.constant 0 : index
    %swap3A_156 = tpu.vector_load %arg7[%swap3A_155] {strides = array<i32>} : memref<128xi32, #tpu.memory_space<vmem>>, vector<16xi32>,
    tpu.vector_store %arg7[%swap3A_155], %get3A_154 {strides = array<i32>} : memref<128xi32, #tpu.memory_space<vmem>>, vector<16xi32>,
    %get3A_157 = arith.constant 16 : index
    %get3A_158 = tpu.vector_load %arg5[%get3A_157] {strides = array<i32>} : memref<256xi32, #tpu.memory_space<vmem>>, vector<16xi32>,
    %swap3A_159 = arith.constant 16 : index
    %swap3A_160 = tpu.vector_load %arg7[%swap3A_159] {strides = array<i32>} : memref<128xi32, #tpu.memory_space<vmem>>, vector<16xi32>,
    tpu.vector_store %arg7[%swap3A_159], %get3A_158 {strides = array<i32>} : memref<128xi32, #tpu.memory_space<vmem>>, vector<16xi32>,
    %get3A_161 = arith.constant 32 : index
    %get3A_162 = tpu.vector_load %arg5[%get3A_161] {strides = array<i32>} : memref<256xi32, #tpu.memory_space<vmem>>, vector<16xi32>,
    %swap3A_163 = arith.constant 32 : index
    %swap3A_164 = tpu.vector_load %arg7[%swap3A_163] {strides = array<i32>} : memref<128xi32, #tpu.memory_space<vmem>>, vector<16xi32>,
    tpu.vector_store %arg7[%swap3A_163], %get3A_162 {strides = array<i32>} : memref<128xi32, #tpu.memory_space<vmem>>, vector<16xi32>,
    %get3A_165 = arith.constant 48 : index
    %get3A_166 = tpu.vector_load %arg5[%get3A_165] {strides = array<i32>} : memref<256xi32, #tpu.memory_space<vmem>>, vector<16xi32>,
    %swap3A_167 = arith.constant 48 : index
    %swap3A_168 = tpu.vector_load %arg7[%swap3A_167] {strides = array<i32>} : memref<128xi32, #tpu.memory_space<vmem>>, vector<16xi32>,
    tpu.vector_store %arg7[%swap3A_167], %get3A_166 {strides = array<i32>} : memref<128xi32, #tpu.memory_space<vmem>>, vector<16xi32>,
    %get3A_169 = arith.constant 64 : index
    %get3A_170 = tpu.vector_load %arg5[%get3A_169] {strides = array<i32>} : memref<256xi32, #tpu.memory_space<vmem>>, vector<16xi32>,
    %swap3A_171 = arith.constant 64 : index
    %swap3A_172 = tpu.vector_load %arg7[%swap3A_171] {strides = array<i32>} : memref<128xi32, #tpu.memory_space<vmem>>, vector<16xi32>,
    tpu.vector_store %arg7[%swap3A_171], %get3A_170 {strides = array<i32>} : memref<128xi32, #tpu.memory_space<vmem>>, vector<16xi32>,
    %get3A_173 = arith.constant 80 : index
    %get3A_174 = tpu.vector_load %arg5[%get3A_173] {strides = array<i32>} : memref<256xi32, #tpu.memory_space<vmem>>, vector<16xi32>,
    %swap3A_175 = arith.constant 80 : index
    %swap3A_176 = tpu.vector_load %arg7[%swap3A_175] {strides = array<i32>} : memref<128xi32, #tpu.memory_space<vmem>>, vector<16xi32>,
    tpu.vector_store %arg7[%swap3A_175], %get3A_174 {strides = array<i32>} : memref<128xi32, #tpu.memory_space<vmem>>, vector<16xi32>,
    %get3A_177 = arith.constant 96 : index
    %get3A_178 = tpu.vector_load %arg5[%get3A_177] {strides = array<i32>} : memref<256xi32, #tpu.memory_space<vmem>>, vector<16xi32>,
    %swap3A_179 = arith.constant 96 : index
    %swap3A_180 = tpu.vector_load %arg7[%swap3A_179] {strides = array<i32>} : memref<128xi32, #tpu.memory_space<vmem>>, vector<16xi32>,
    tpu.vector_store %arg7[%swap3A_179], %get3A_178 {strides = array<i32>} : memref<128xi32, #tpu.memory_space<vmem>>, vector<16xi32>,
    %get3A_181 = arith.constant 112 : index
    %get3A_182 = tpu.vector_load %arg5[%get3A_181] {strides = array<i32>} : memref<256xi32, #tpu.memory_space<vmem>>, vector<16xi32>,
    %swap3A_183 = arith.constant 112 : index
    %swap3A_184 = tpu.vector_load %arg7[%swap3A_183] {strides = array<i32>} : memref<128xi32, #tpu.memory_space<vmem>>, vector<16xi32>,
    tpu.vector_store %arg7[%swap3A_183], %get3A_182 {strides = array<i32>} : memref<128xi32, #tpu.memory_space<vmem>>, vector<16xi32>,
    %dma_start3A_185 = arith.constant 0 : i32
    %dma_start3A_186 = arith.constant 0 : i32
    %dma_start3A_187 = tpu.memref_slice %arg2[%dma_start3A_185, %dma_start3A_186] : memref<1000064x32xf32, #tpu.memory_space<hbm>> -> memref<1000064x32xf32, #tpu.memory_space<hbm>>
    tpu.enqueue_indirect_dma source(%dma_start3A_187 : memref<1000064x32xf32, #tpu.memory_space<hbm>>) target(%arg9 : memref<128x32xf32, #tpu.memory_space<vmem>>) offsets(%arg7 : memref<128xi32, #tpu.memory_space<vmem>>) semaphore(%arg14 : memref<!tpu.dma_semaphore, #tpu.memory_space<semaphore_mem>>)
    %scan3A = arith.constant 0 : i32
    %scan3A_188 = arith.constant 0 : i32
    %scan3A_189 = arith.constant 52 : i32
    %scan3A_190 = arith.addi %scan3A_188, %scan3A_189 : i32
    %scan3A_191 = arith.constant 1 : i32
    %scan3A_192 = scf.for %scan3A_446 = %scan3A_188 to %scan3A_190 step %scan3A_191 iter_args(%scan3A_447 = %scan3A) -> (i32)  : i32 {
      %mul3A_448 = arith.constant 2 : i32
      %mul3A_449 = arith.muli %mul3A_448, %scan3A_446 : i32
      %add3A_450 = arith.constant 1 : i32
      %add3A_451 = arith.addi %mul3A_449, %add3A_450 : i32
      %add3A_452 = arith.constant 1 : i32
      %add3A_453 = arith.addi %scan3A_446, %add3A_452 : i32
      %lt3A_454 = arith.constant 52 : i32
      %lt3A_455 = arith.cmpi slt, %add3A_453, %lt3A_454 : i32
      %convert_element_type3A = arith.extui %lt3A_455 : i1 to i32
      %cond3A = arith.constant 0 : i32
      %cond3A_456 = arith.cmpi ne, %convert_element_type3A, %cond3A : i32
      scf.if %cond3A_456 {
        %add3A_770 = arith.constant 1 : i32
        %add3A_771 = arith.addi %scan3A_446, %add3A_770 : i32
        %mul3A_772 = arith.constant 2 : i32
        %mul3A_773 = arith.muli %mul3A_772, %add3A_771 : i32
        %add3A_774 = arith.addi %mul3A_2, %mul3A_773 : i32
        %jit3A_775 = arith.constant 128 : i32
        %div3A_776 = arith.divsi %add3A_774, %jit3A_775 : i32
        %sign3A_777 = arith.constant 0 : i32
        %sign3A_778 = arith.cmpi sgt, %add3A_774, %sign3A_777 : i32
        %sign3A_779 = arith.extui %sign3A_778 : i1 to i32
        %sign3A_780 = arith.constant 0 : i32
        %sign3A_781 = arith.cmpi slt, %add3A_774, %sign3A_780 : i32
        %sign3A_782 = arith.extui %sign3A_781 : i1 to i32
        %sign3A_783 = arith.subi %sign3A_779, %sign3A_782 : i32
        %sign3A_784 = arith.constant 0 : i32
        %sign3A_785 = arith.cmpi sgt, %jit3A_775, %sign3A_784 : i32
        %sign3A_786 = arith.extui %sign3A_785 : i1 to i32
        %sign3A_787 = arith.constant 0 : i32
        %sign3A_788 = arith.cmpi slt, %jit3A_775, %sign3A_787 : i32
        %sign3A_789 = arith.extui %sign3A_788 : i1 to i32
        %sign3A_790 = arith.subi %sign3A_786, %sign3A_789 : i32
        %ne3A_791 = arith.cmpi ne, %sign3A_783, %sign3A_790 : i32
        %rem3A_792 = arith.remsi %add3A_774, %jit3A_775 : i32
        %ne3A_793 = arith.constant 0 : i32
        %ne3A_794 = arith.cmpi ne, %rem3A_792, %ne3A_793 : i32
        %and3A_795 = arith.andi %ne3A_791, %ne3A_794 : i1
        %sub3A_796 = arith.constant 1 : i32
        %sub3A_797 = arith.subi %div3A_776, %sub3A_796 : i32
        %select_n3A_798 = arith.select %and3A_795, %sub3A_797, %div3A_776 : i32
        %jit3A_799 = arith.constant 128 : i32
        %eq3A_800 = arith.constant 0 : i32
        %eq3A_801 = arith.cmpi eq, %jit3A_799, %eq3A_800 : i32
        %jit3A_802 = arith.constant 1 : i32
        %select_n3A_803 = arith.select %eq3A_801, %jit3A_802, %jit3A_799 : i32
        %rem3A_804 = arith.remsi %add3A_774, %select_n3A_803 : i32
        %ne3A_805 = arith.constant 0 : i32
        %ne3A_806 = arith.cmpi ne, %rem3A_804, %ne3A_805 : i32
        %lt3A_807 = arith.constant 0 : i32
        %lt3A_808 = arith.cmpi slt, %rem3A_804, %lt3A_807 : i32
        %lt3A_809 = arith.constant 0 : i32
        %lt3A_810 = arith.cmpi slt, %select_n3A_803, %lt3A_809 : i32
        %ne3A_811 = arith.xori %lt3A_808, %lt3A_810 : i1
        %and3A_812 = arith.andi %ne3A_811, %ne3A_806 : i1
        %add3A_813 = arith.addi %rem3A_804, %select_n3A_803 : i32
        %select_n3A_814 = arith.select %and3A_812, %add3A_813, %rem3A_804 : i32
        %mul3A_815 = arith.constant 128 : i32
        %mul3A_816 = arith.muli %select_n3A_814, %mul3A_815 : i32
        %multiple_of3A_817 = tpu.assume_multiple %mul3A_816, 128 : i32
        %dma_start3A_818 = tpu.memref_slice %arg3[%select_n3A_798, %multiple_of3A_817] : memref<26x16384xi32, #tpu.memory_space<hbm>> -> memref<1x256xi32, #tpu.memory_space<hbm>>
        %dma_start3A_819 = tpu.memref_squeeze %dma_start3A_818 : memref<1x256xi32, #tpu.memory_space<hbm>> -> memref<256xi32, #tpu.memory_space<hbm>>
        %dma_start3A_820 = tpu.memref_slice %arg3[%select_n3A_798, %multiple_of3A_817] : memref<26x16384xi32, #tpu.memory_space<hbm>> -> memref<1x256xi32, #tpu.memory_space<hbm>>
        %dma_start3A_821 = tpu.memref_squeeze %dma_start3A_820 : memref<1x256xi32, #tpu.memory_space<hbm>> -> memref<256xi32, #tpu.memory_space<hbm>>
        tpu.enqueue_dma source(%dma_start3A_821 : memref<256xi32, #tpu.memory_space<hbm>>) target(%arg6 : memref<256xi32, #tpu.memory_space<vmem>>) target_semaphore(%arg13 : memref<!tpu.dma_semaphore, #tpu.memory_space<semaphore_mem>>)
      } else {
      }
      %get3A_457 = arith.constant 128 : index
      %get3A_458 = tpu.vector_load %arg5[%get3A_457] {strides = array<i32>} : memref<256xi32, #tpu.memory_space<vmem>>, vector<16xi32>,
      %swap3A_459 = arith.constant 0 : index
      %swap3A_460 = tpu.vector_load %arg8[%swap3A_459] {strides = array<i32>} : memref<128xi32, #tpu.memory_space<vmem>>, vector<16xi32>,
      tpu.vector_store %arg8[%swap3A_459], %get3A_458 {strides = array<i32>} : memref<128xi32, #tpu.memory_space<vmem>>, vector<16xi32>,
      %get3A_461 = arith.constant 144 : index
      %get3A_462 = tpu.vector_load %arg5[%get3A_461] {strides = array<i32>} : memref<256xi32, #tpu.memory_space<vmem>>, vector<16xi32>,
      %swap3A_463 = arith.constant 16 : index
      %swap3A_464 = tpu.vector_load %arg8[%swap3A_463] {strides = array<i32>} : memref<128xi32, #tpu.memory_space<vmem>>, vector<16xi32>,
      tpu.vector_store %arg8[%swap3A_463], %get3A_462 {strides = array<i32>} : memref<128xi32, #tpu.memory_space<vmem>>, vector<16xi32>,
      %get3A_465 = arith.constant 160 : index
      %get3A_466 = tpu.vector_load %arg5[%get3A_465] {strides = array<i32>} : memref<256xi32, #tpu.memory_space<vmem>>, vector<16xi32>,
      %swap3A_467 = arith.constant 32 : index
      %swap3A_468 = tpu.vector_load %arg8[%swap3A_467] {strides = array<i32>} : memref<128xi32, #tpu.memory_space<vmem>>, vector<16xi32>,
      tpu.vector_store %arg8[%swap3A_467], %get3A_466 {strides = array<i32>} : memref<128xi32, #tpu.memory_space<vmem>>, vector<16xi32>,
      %get3A_469 = arith.constant 176 : index
      %get3A_470 = tpu.vector_load %arg5[%get3A_469] {strides = array<i32>} : memref<256xi32, #tpu.memory_space<vmem>>, vector<16xi32>,
      %swap3A_471 = arith.constant 48 : index
      %swap3A_472 = tpu.vector_load %arg8[%swap3A_471] {strides = array<i32>} : memref<128xi32, #tpu.memory_space<vmem>>, vector<16xi32>,
      tpu.vector_store %arg8[%swap3A_471], %get3A_470 {strides = array<i32>} : memref<128xi32, #tpu.memory_space<vmem>>, vector<16xi32>,
      %get3A_473 = arith.constant 192 : index
      %get3A_474 = tpu.vector_load %arg5[%get3A_473] {strides = array<i32>} : memref<256xi32, #tpu.memory_space<vmem>>, vector<16xi32>,
      %swap3A_475 = arith.constant 64 : index
      %swap3A_476 = tpu.vector_load %arg8[%swap3A_475] {strides = array<i32>} : memref<128xi32, #tpu.memory_space<vmem>>, vector<16xi32>,
      tpu.vector_store %arg8[%swap3A_475], %get3A_474 {strides = array<i32>} : memref<128xi32, #tpu.memory_space<vmem>>, vector<16xi32>,
      %get3A_477 = arith.constant 208 : index
      %get3A_478 = tpu.vector_load %arg5[%get3A_477] {strides = array<i32>} : memref<256xi32, #tpu.memory_space<vmem>>, vector<16xi32>,
      %swap3A_479 = arith.constant 80 : index
      %swap3A_480 = tpu.vector_load %arg8[%swap3A_479] {strides = array<i32>} : memref<128xi32, #tpu.memory_space<vmem>>, vector<16xi32>,
      tpu.vector_store %arg8[%swap3A_479], %get3A_478 {strides = array<i32>} : memref<128xi32, #tpu.memory_space<vmem>>, vector<16xi32>,
      %get3A_481 = arith.constant 224 : index
      %get3A_482 = tpu.vector_load %arg5[%get3A_481] {strides = array<i32>} : memref<256xi32, #tpu.memory_space<vmem>>, vector<16xi32>,
      %swap3A_483 = arith.constant 96 : index
      %swap3A_484 = tpu.vector_load %arg8[%swap3A_483] {strides = array<i32>} : memref<128xi32, #tpu.memory_space<vmem>>, vector<16xi32>,
      tpu.vector_store %arg8[%swap3A_483], %get3A_482 {strides = array<i32>} : memref<128xi32, #tpu.memory_space<vmem>>, vector<16xi32>,
      %get3A_485 = arith.constant 240 : index
      %get3A_486 = tpu.vector_load %arg5[%get3A_485] {strides = array<i32>} : memref<256xi32, #tpu.memory_space<vmem>>, vector<16xi32>,
      %swap3A_487 = arith.constant 112 : index
      %swap3A_488 = tpu.vector_load %arg8[%swap3A_487] {strides = array<i32>} : memref<128xi32, #tpu.memory_space<vmem>>, vector<16xi32>,
      tpu.vector_store %arg8[%swap3A_487], %get3A_486 {strides = array<i32>} : memref<128xi32, #tpu.memory_space<vmem>>, vector<16xi32>,
      %dma_start3A_489 = arith.constant 0 : i32
      %dma_start3A_490 = arith.constant 0 : i32
      %dma_start3A_491 = tpu.memref_slice %arg2[%dma_start3A_489, %dma_start3A_490] : memref<1000064x32xf32, #tpu.memory_space<hbm>> -> memref<1000064x32xf32, #tpu.memory_space<hbm>>
      tpu.enqueue_indirect_dma source(%dma_start3A_491 : memref<1000064x32xf32, #tpu.memory_space<hbm>>) target(%arg10 : memref<128x32xf32, #tpu.memory_space<vmem>>) offsets(%arg8 : memref<128xi32, #tpu.memory_space<vmem>>) semaphore(%arg15 : memref<!tpu.dma_semaphore, #tpu.memory_space<semaphore_mem>>)
      %dma_wait3A_492 = arith.constant 0 : i32
      %dma_wait3A_493 = arith.constant 0 : i32
      %dma_wait3A_494 = tpu.memref_slice %arg2[%dma_wait3A_492, %dma_wait3A_493] : memref<1000064x32xf32, #tpu.memory_space<hbm>> -> memref<1000064x32xf32, #tpu.memory_space<hbm>>
      tpu.wait_indirect_dma semaphore(%arg14 : memref<!tpu.dma_semaphore, #tpu.memory_space<semaphore_mem>>) src(%dma_wait3A_494 : memref<1000064x32xf32, #tpu.memory_space<hbm>>) dst(%arg9 : memref<128x32xf32, #tpu.memory_space<vmem>>)
      %ge3A = arith.constant 1 : i32
      %ge3A_495 = arith.cmpi sge, %scan3A_446, %ge3A : i32
      %convert_element_type3A_496 = arith.extui %ge3A_495 : i1 to i32
      %cond3A_497 = arith.constant 0 : i32
      %cond3A_498 = arith.cmpi ne, %convert_element_type3A_496, %cond3A_497 : i32
      scf.if %cond3A_498 {
        %sub3A_770 = arith.constant 2 : i32
        %sub3A_771 = arith.subi %mul3A_449, %sub3A_770 : i32
        %add3A_772 = arith.addi %mul3A_2, %sub3A_771 : i32
        %jit3A_773 = arith.constant 128 : i32
        %div3A_774 = arith.divsi %add3A_772, %jit3A_773 : i32
        %sign3A_775 = arith.constant 0 : i32
        %sign3A_776 = arith.cmpi sgt, %add3A_772, %sign3A_775 : i32
        %sign3A_777 = arith.extui %sign3A_776 : i1 to i32
        %sign3A_778 = arith.constant 0 : i32
        %sign3A_779 = arith.cmpi slt, %add3A_772, %sign3A_778 : i32
        %sign3A_780 = arith.extui %sign3A_779 : i1 to i32
        %sign3A_781 = arith.subi %sign3A_777, %sign3A_780 : i32
        %sign3A_782 = arith.constant 0 : i32
        %sign3A_783 = arith.cmpi sgt, %jit3A_773, %sign3A_782 : i32
        %sign3A_784 = arith.extui %sign3A_783 : i1 to i32
        %sign3A_785 = arith.constant 0 : i32
        %sign3A_786 = arith.cmpi slt, %jit3A_773, %sign3A_785 : i32
        %sign3A_787 = arith.extui %sign3A_786 : i1 to i32
        %sign3A_788 = arith.subi %sign3A_784, %sign3A_787 : i32
        %ne3A_789 = arith.cmpi ne, %sign3A_781, %sign3A_788 : i32
        %rem3A_790 = arith.remsi %add3A_772, %jit3A_773 : i32
        %ne3A_791 = arith.constant 0 : i32
        %ne3A_792 = arith.cmpi ne, %rem3A_790, %ne3A_791 : i32
        %and3A_793 = arith.andi %ne3A_789, %ne3A_792 : i1
        %sub3A_794 = arith.constant 1 : i32
        %sub3A_795 = arith.subi %div3A_774, %sub3A_794 : i32
        %select_n3A_796 = arith.select %and3A_793, %sub3A_795, %div3A_774 : i32
        %jit3A_797 = arith.constant 128 : i32
        %eq3A_798 = arith.constant 0 : i32
        %eq3A_799 = arith.cmpi eq, %jit3A_797, %eq3A_798 : i32
        %jit3A_800 = arith.constant 1 : i32
        %select_n3A_801 = arith.select %eq3A_799, %jit3A_800, %jit3A_797 : i32
        %rem3A_802 = arith.remsi %add3A_772, %select_n3A_801 : i32
        %ne3A_803 = arith.constant 0 : i32
        %ne3A_804 = arith.cmpi ne, %rem3A_802, %ne3A_803 : i32
        %lt3A_805 = arith.constant 0 : i32
        %lt3A_806 = arith.cmpi slt, %rem3A_802, %lt3A_805 : i32
        %lt3A_807 = arith.constant 0 : i32
        %lt3A_808 = arith.cmpi slt, %select_n3A_801, %lt3A_807 : i32
        %ne3A_809 = arith.xori %lt3A_806, %lt3A_808 : i1
        %and3A_810 = arith.andi %ne3A_809, %ne3A_804 : i1
        %add3A_811 = arith.addi %rem3A_802, %select_n3A_801 : i32
        %select_n3A_812 = arith.select %and3A_810, %add3A_811, %rem3A_802 : i32
        %mul3A_813 = arith.constant 4 : i32
        %mul3A_814 = arith.muli %select_n3A_796, %mul3A_813 : i32
        %add3A_815 = arith.constant 0 : i32
        %add3A_816 = arith.addi %mul3A_814, %add3A_815 : i32
        %mul3A_817 = arith.constant 128 : i32
        %mul3A_818 = arith.muli %add3A_816, %mul3A_817 : i32
        %add3A_819 = arith.addi %mul3A_818, %select_n3A_812 : i32
        %mul3A_820 = arith.constant 4 : i32
        %mul3A_821 = arith.muli %select_n3A_796, %mul3A_820 : i32
        %add3A_822 = arith.constant 1 : i32
        %add3A_823 = arith.addi %mul3A_821, %add3A_822 : i32
        %mul3A_824 = arith.constant 128 : i32
        %mul3A_825 = arith.muli %add3A_823, %mul3A_824 : i32
        %add3A_826 = arith.addi %mul3A_825, %select_n3A_812 : i32
        %mul3A_827 = arith.constant 4 : i32
        %mul3A_828 = arith.muli %select_n3A_796, %mul3A_827 : i32
        %add3A_829 = arith.constant 2 : i32
        %add3A_830 = arith.addi %mul3A_828, %add3A_829 : i32
        %mul3A_831 = arith.constant 128 : i32
        %mul3A_832 = arith.muli %add3A_830, %mul3A_831 : i32
        %add3A_833 = arith.addi %mul3A_832, %select_n3A_812 : i32
        %mul3A_834 = arith.constant 4 : i32
        %mul3A_835 = arith.muli %select_n3A_796, %mul3A_834 : i32
        %add3A_836 = arith.constant 3 : i32
        %add3A_837 = arith.addi %mul3A_835, %add3A_836 : i32
        %mul3A_838 = arith.constant 128 : i32
        %mul3A_839 = arith.muli %add3A_837, %mul3A_838 : i32
        %add3A_840 = arith.addi %mul3A_839, %select_n3A_812 : i32
        %dma_wait3A_841 = arith.constant 0 : i32
        %dma_wait3A_842 = arith.constant 0 : i32
        %dma_wait3A_843 = tpu.memref_slice %arg11[%dma_wait3A_841, %dma_wait3A_842] : memref<32x129xf32, #tpu.memory_space<vmem>> -> memref<8x128xf32, #tpu.memory_space<vmem>>
        %dma_wait3A_844 = arith.constant 0 : i32
        %dma_wait3A_845 = arith.constant 0 : i32
        %dma_wait3A_846 = tpu.memref_slice %arg4[%add3A_819, %dma_wait3A_844, %dma_wait3A_845] : memref<13312x8x128xf32, #tpu.memory_space<hbm>> -> memref<1x8x128xf32, #tpu.memory_space<hbm>>
        %dma_wait3A_847 = tpu.memref_squeeze %dma_wait3A_846 : memref<1x8x128xf32, #tpu.memory_space<hbm>> -> memref<8x128xf32, #tpu.memory_space<hbm>>
        %dma_wait3A_848 = arith.constant 0 : i32
        %dma_wait3A_849 = arith.constant 0 : i32
        %dma_wait3A_850 = tpu.memref_slice %arg4[%add3A_819, %dma_wait3A_848, %dma_wait3A_849] : memref<13312x8x128xf32, #tpu.memory_space<hbm>> -> memref<1x8x128xf32, #tpu.memory_space<hbm>>
        %dma_wait3A_851 = tpu.memref_squeeze %dma_wait3A_850 : memref<1x8x128xf32, #tpu.memory_space<hbm>> -> memref<8x128xf32, #tpu.memory_space<hbm>>
        %dma_wait3A_852 = arith.constant 0 : i32
        %dma_wait3A_853 = arith.constant 0 : i32
        %dma_wait3A_854 = tpu.memref_slice %arg11[%dma_wait3A_852, %dma_wait3A_853] : memref<32x129xf32, #tpu.memory_space<vmem>> -> memref<8x128xf32, #tpu.memory_space<vmem>>
        tpu.wait_dma2 semaphore(%arg16 : memref<!tpu.dma_semaphore, #tpu.memory_space<semaphore_mem>>) src(%dma_wait3A_854 : memref<8x128xf32, #tpu.memory_space<vmem>>) dst(%dma_wait3A_851 : memref<8x128xf32, #tpu.memory_space<hbm>>)
        %dma_wait3A_855 = arith.constant 8 : i32
        %dma_wait3A_856 = arith.constant 0 : i32
        %dma_wait3A_857 = tpu.memref_slice %arg11[%dma_wait3A_855, %dma_wait3A_856] : memref<32x129xf32, #tpu.memory_space<vmem>> -> memref<8x128xf32, #tpu.memory_space<vmem>>
        %dma_wait3A_858 = arith.constant 0 : i32
        %dma_wait3A_859 = arith.constant 0 : i32
        %dma_wait3A_860 = tpu.memref_slice %arg4[%add3A_826, %dma_wait3A_858, %dma_wait3A_859] : memref<13312x8x128xf32, #tpu.memory_space<hbm>> -> memref<1x8x128xf32, #tpu.memory_space<hbm>>
        %dma_wait3A_861 = tpu.memref_squeeze %dma_wait3A_860 : memref<1x8x128xf32, #tpu.memory_space<hbm>> -> memref<8x128xf32, #tpu.memory_space<hbm>>
        %dma_wait3A_862 = arith.constant 0 : i32
        %dma_wait3A_863 = arith.constant 0 : i32
        %dma_wait3A_864 = tpu.memref_slice %arg4[%add3A_826, %dma_wait3A_862, %dma_wait3A_863] : memref<13312x8x128xf32, #tpu.memory_space<hbm>> -> memref<1x8x128xf32, #tpu.memory_space<hbm>>
        %dma_wait3A_865 = tpu.memref_squeeze %dma_wait3A_864 : memref<1x8x128xf32, #tpu.memory_space<hbm>> -> memref<8x128xf32, #tpu.memory_space<hbm>>
        %dma_wait3A_866 = arith.constant 8 : i32
        %dma_wait3A_867 = arith.constant 0 : i32
        %dma_wait3A_868 = tpu.memref_slice %arg11[%dma_wait3A_866, %dma_wait3A_867] : memref<32x129xf32, #tpu.memory_space<vmem>> -> memref<8x128xf32, #tpu.memory_space<vmem>>
        tpu.wait_dma2 semaphore(%arg16 : memref<!tpu.dma_semaphore, #tpu.memory_space<semaphore_mem>>) src(%dma_wait3A_868 : memref<8x128xf32, #tpu.memory_space<vmem>>) dst(%dma_wait3A_865 : memref<8x128xf32, #tpu.memory_space<hbm>>)
        %dma_wait3A_869 = arith.constant 16 : i32
        %dma_wait3A_870 = arith.constant 0 : i32
        %dma_wait3A_871 = tpu.memref_slice %arg11[%dma_wait3A_869, %dma_wait3A_870] : memref<32x129xf32, #tpu.memory_space<vmem>> -> memref<8x128xf32, #tpu.memory_space<vmem>>
        %dma_wait3A_872 = arith.constant 0 : i32
        %dma_wait3A_873 = arith.constant 0 : i32
        %dma_wait3A_874 = tpu.memref_slice %arg4[%add3A_833, %dma_wait3A_872, %dma_wait3A_873] : memref<13312x8x128xf32, #tpu.memory_space<hbm>> -> memref<1x8x128xf32, #tpu.memory_space<hbm>>
        %dma_wait3A_875 = tpu.memref_squeeze %dma_wait3A_874 : memref<1x8x128xf32, #tpu.memory_space<hbm>> -> memref<8x128xf32, #tpu.memory_space<hbm>>
        %dma_wait3A_876 = arith.constant 0 : i32
        %dma_wait3A_877 = arith.constant 0 : i32
        %dma_wait3A_878 = tpu.memref_slice %arg4[%add3A_833, %dma_wait3A_876, %dma_wait3A_877] : memref<13312x8x128xf32, #tpu.memory_space<hbm>> -> memref<1x8x128xf32, #tpu.memory_space<hbm>>
        %dma_wait3A_879 = tpu.memref_squeeze %dma_wait3A_878 : memref<1x8x128xf32, #tpu.memory_space<hbm>> -> memref<8x128xf32, #tpu.memory_space<hbm>>
        %dma_wait3A_880 = arith.constant 16 : i32
        %dma_wait3A_881 = arith.constant 0 : i32
        %dma_wait3A_882 = tpu.memref_slice %arg11[%dma_wait3A_880, %dma_wait3A_881] : memref<32x129xf32, #tpu.memory_space<vmem>> -> memref<8x128xf32, #tpu.memory_space<vmem>>
        tpu.wait_dma2 semaphore(%arg16 : memref<!tpu.dma_semaphore, #tpu.memory_space<semaphore_mem>>) src(%dma_wait3A_882 : memref<8x128xf32, #tpu.memory_space<vmem>>) dst(%dma_wait3A_879 : memref<8x128xf32, #tpu.memory_space<hbm>>)
        %dma_wait3A_883 = arith.constant 24 : i32
        %dma_wait3A_884 = arith.constant 0 : i32
        %dma_wait3A_885 = tpu.memref_slice %arg11[%dma_wait3A_883, %dma_wait3A_884] : memref<32x129xf32, #tpu.memory_space<vmem>> -> memref<8x128xf32, #tpu.memory_space<vmem>>
        %dma_wait3A_886 = arith.constant 0 : i32
        %dma_wait3A_887 = arith.constant 0 : i32
        %dma_wait3A_888 = tpu.memref_slice %arg4[%add3A_840, %dma_wait3A_886, %dma_wait3A_887] : memref<13312x8x128xf32, #tpu.memory_space<hbm>> -> memref<1x8x128xf32, #tpu.memory_space<hbm>>
        %dma_wait3A_889 = tpu.memref_squeeze %dma_wait3A_888 : memref<1x8x128xf32, #tpu.memory_space<hbm>> -> memref<8x128xf32, #tpu.memory_space<hbm>>
        %dma_wait3A_890 = arith.constant 0 : i32
        %dma_wait3A_891 = arith.constant 0 : i32
        %dma_wait3A_892 = tpu.memref_slice %arg4[%add3A_840, %dma_wait3A_890, %dma_wait3A_891] : memref<13312x8x128xf32, #tpu.memory_space<hbm>> -> memref<1x8x128xf32, #tpu.memory_space<hbm>>
        %dma_wait3A_893 = tpu.memref_squeeze %dma_wait3A_892 : memref<1x8x128xf32, #tpu.memory_space<hbm>> -> memref<8x128xf32, #tpu.memory_space<hbm>>
        %dma_wait3A_894 = arith.constant 24 : i32
        %dma_wait3A_895 = arith.constant 0 : i32
        %dma_wait3A_896 = tpu.memref_slice %arg11[%dma_wait3A_894, %dma_wait3A_895] : memref<32x129xf32, #tpu.memory_space<vmem>> -> memref<8x128xf32, #tpu.memory_space<vmem>>
        tpu.wait_dma2 semaphore(%arg16 : memref<!tpu.dma_semaphore, #tpu.memory_space<semaphore_mem>>) src(%dma_wait3A_896 : memref<8x128xf32, #tpu.memory_space<vmem>>) dst(%dma_wait3A_893 : memref<8x128xf32, #tpu.memory_space<hbm>>)
      } else {
      }
      %parallel_loop3A = arith.constant 0 : i32
      %parallel_loop3A_499 = arith.constant 128 : i32
      %parallel_loop3A_500 = arith.constant 1 : i32
      scf.for %parallel_loop3A_770 = %parallel_loop3A to %parallel_loop3A_499 step %parallel_loop3A_500  : i32 {
        %parallel_loop3A_771 = vector.broadcast %parallel_loop3A_770 : i32 to vector<16xi32>
        %parallel_loop3A_772 = arith.index_cast %parallel_loop3A_770 : i32 to index
        %parallel_loop3A_773 = arith.constant 0 : index
        %parallel_loop3A_774 = tpu.vector_load %arg9[%parallel_loop3A_772, %parallel_loop3A_773] {strides = array<i32>} : memref<128x32xf32, #tpu.memory_space<vmem>>, vector<16xf32>,
        tpu.vector_store_idx %arg11[%iota3A, %parallel_loop3A_771], %parallel_loop3A_774 : memref<32x129xf32, #tpu.memory_space<vmem>>[vector<16xi32>, vector<16xi32>], vector<16xf32>,
        %parallel_loop3A_775 = arith.index_cast %parallel_loop3A_770 : i32 to index
        %parallel_loop3A_776 = arith.constant 16 : index
        %parallel_loop3A_777 = tpu.vector_load %arg9[%parallel_loop3A_775, %parallel_loop3A_776] {strides = array<i32>} : memref<128x32xf32, #tpu.memory_space<vmem>>, vector<16xf32>,
        tpu.vector_store_idx %arg11[%add3A_5, %parallel_loop3A_771], %parallel_loop3A_777 : memref<32x129xf32, #tpu.memory_space<vmem>>[vector<16xi32>, vector<16xi32>], vector<16xf32>,
      } {sc.loop_unroll_factor = 4 : i64, sc.parallel_access}
      %add3A_501 = arith.addi %mul3A_2, %mul3A_449 : i32
      %jit3A_502 = arith.constant 128 : i32
      %div3A_503 = arith.divsi %add3A_501, %jit3A_502 : i32
      %sign3A_504 = arith.constant 0 : i32
      %sign3A_505 = arith.cmpi sgt, %add3A_501, %sign3A_504 : i32
      %sign3A_506 = arith.extui %sign3A_505 : i1 to i32
      %sign3A_507 = arith.constant 0 : i32
      %sign3A_508 = arith.cmpi slt, %add3A_501, %sign3A_507 : i32
      %sign3A_509 = arith.extui %sign3A_508 : i1 to i32
      %sign3A_510 = arith.subi %sign3A_506, %sign3A_509 : i32
      %sign3A_511 = arith.constant 0 : i32
      %sign3A_512 = arith.cmpi sgt, %jit3A_502, %sign3A_511 : i32
      %sign3A_513 = arith.extui %sign3A_512 : i1 to i32
      %sign3A_514 = arith.constant 0 : i32
      %sign3A_515 = arith.cmpi slt, %jit3A_502, %sign3A_514 : i32
      %sign3A_516 = arith.extui %sign3A_515 : i1 to i32
      %sign3A_517 = arith.subi %sign3A_513, %sign3A_516 : i32
      %ne3A_518 = arith.cmpi ne, %sign3A_510, %sign3A_517 : i32
      %rem3A_519 = arith.remsi %add3A_501, %jit3A_502 : i32
      %ne3A_520 = arith.constant 0 : i32
      %ne3A_521 = arith.cmpi ne, %rem3A_519, %ne3A_520 : i32
      %and3A_522 = arith.andi %ne3A_518, %ne3A_521 : i1
      %sub3A_523 = arith.constant 1 : i32
      %sub3A_524 = arith.subi %div3A_503, %sub3A_523 : i32
      %select_n3A_525 = arith.select %and3A_522, %sub3A_524, %div3A_503 : i32
      %jit3A_526 = arith.constant 128 : i32
      %eq3A_527 = arith.constant 0 : i32
      %eq3A_528 = arith.cmpi eq, %jit3A_526, %eq3A_527 : i32
      %jit3A_529 = arith.constant 1 : i32
      %select_n3A_530 = arith.select %eq3A_528, %jit3A_529, %jit3A_526 : i32
      %rem3A_531 = arith.remsi %add3A_501, %select_n3A_530 : i32
      %ne3A_532 = arith.constant 0 : i32
      %ne3A_533 = arith.cmpi ne, %rem3A_531, %ne3A_532 : i32
      %lt3A_534 = arith.constant 0 : i32
      %lt3A_535 = arith.cmpi slt, %rem3A_531, %lt3A_534 : i32
      %lt3A_536 = arith.constant 0 : i32
      %lt3A_537 = arith.cmpi slt, %select_n3A_530, %lt3A_536 : i32
      %ne3A_538 = arith.xori %lt3A_535, %lt3A_537 : i1
      %and3A_539 = arith.andi %ne3A_538, %ne3A_533 : i1
      %add3A_540 = arith.addi %rem3A_531, %select_n3A_530 : i32
      %select_n3A_541 = arith.select %and3A_539, %add3A_540, %rem3A_531 : i32
      %mul3A_542 = arith.constant 4 : i32
      %mul3A_543 = arith.muli %select_n3A_525, %mul3A_542 : i32
      %add3A_544 = arith.constant 0 : i32
      %add3A_545 = arith.addi %mul3A_543, %add3A_544 : i32
      %mul3A_546 = arith.constant 128 : i32
      %mul3A_547 = arith.muli %add3A_545, %mul3A_546 : i32
      %add3A_548 = arith.addi %mul3A_547, %select_n3A_541 : i32
      %mul3A_549 = arith.constant 4 : i32
      %mul3A_550 = arith.muli %select_n3A_525, %mul3A_549 : i32
      %add3A_551 = arith.constant 1 : i32
      %add3A_552 = arith.addi %mul3A_550, %add3A_551 : i32
      %mul3A_553 = arith.constant 128 : i32
      %mul3A_554 = arith.muli %add3A_552, %mul3A_553 : i32
      %add3A_555 = arith.addi %mul3A_554, %select_n3A_541 : i32
      %mul3A_556 = arith.constant 4 : i32
      %mul3A_557 = arith.muli %select_n3A_525, %mul3A_556 : i32
      %add3A_558 = arith.constant 2 : i32
      %add3A_559 = arith.addi %mul3A_557, %add3A_558 : i32
      %mul3A_560 = arith.constant 128 : i32
      %mul3A_561 = arith.muli %add3A_559, %mul3A_560 : i32
      %add3A_562 = arith.addi %mul3A_561, %select_n3A_541 : i32
      %mul3A_563 = arith.constant 4 : i32
      %mul3A_564 = arith.muli %select_n3A_525, %mul3A_563 : i32
      %add3A_565 = arith.constant 3 : i32
      %add3A_566 = arith.addi %mul3A_564, %add3A_565 : i32
      %mul3A_567 = arith.constant 128 : i32
      %mul3A_568 = arith.muli %add3A_566, %mul3A_567 : i32
      %add3A_569 = arith.addi %mul3A_568, %select_n3A_541 : i32
      %dma_start3A_570 = arith.constant 0 : i32
      %dma_start3A_571 = arith.constant 0 : i32
      %dma_start3A_572 = tpu.memref_slice %arg11[%dma_start3A_570, %dma_start3A_571] : memref<32x129xf32, #tpu.memory_space<vmem>> -> memref<8x128xf32, #tpu.memory_space<vmem>>
      %dma_start3A_573 = arith.constant 0 : i32
      %dma_start3A_574 = arith.constant 0 : i32
      %dma_start3A_575 = tpu.memref_slice %arg4[%add3A_548, %dma_start3A_573, %dma_start3A_574] : memref<13312x8x128xf32, #tpu.memory_space<hbm>> -> memref<1x8x128xf32, #tpu.memory_space<hbm>>
      %dma_start3A_576 = tpu.memref_squeeze %dma_start3A_575 : memref<1x8x128xf32, #tpu.memory_space<hbm>> -> memref<8x128xf32, #tpu.memory_space<hbm>>
      %dma_start3A_577 = arith.constant 0 : i32
      %dma_start3A_578 = arith.constant 0 : i32
      %dma_start3A_579 = tpu.memref_slice %arg4[%add3A_548, %dma_start3A_577, %dma_start3A_578] : memref<13312x8x128xf32, #tpu.memory_space<hbm>> -> memref<1x8x128xf32, #tpu.memory_space<hbm>>
      %dma_start3A_580 = tpu.memref_squeeze %dma_start3A_579 : memref<1x8x128xf32, #tpu.memory_space<hbm>> -> memref<8x128xf32, #tpu.memory_space<hbm>>
      %dma_start3A_581 = arith.constant 0 : i32
      %dma_start3A_582 = arith.constant 0 : i32
      %dma_start3A_583 = tpu.memref_slice %arg11[%dma_start3A_581, %dma_start3A_582] : memref<32x129xf32, #tpu.memory_space<vmem>> -> memref<8x128xf32, #tpu.memory_space<vmem>>
      tpu.enqueue_dma source(%dma_start3A_583 : memref<8x128xf32, #tpu.memory_space<vmem>>) target(%dma_start3A_580 : memref<8x128xf32, #tpu.memory_space<hbm>>) target_semaphore(%arg16 : memref<!tpu.dma_semaphore, #tpu.memory_space<semaphore_mem>>)
      %dma_start3A_584 = arith.constant 8 : i32
      %dma_start3A_585 = arith.constant 0 : i32
      %dma_start3A_586 = tpu.memref_slice %arg11[%dma_start3A_584, %dma_start3A_585] : memref<32x129xf32, #tpu.memory_space<vmem>> -> memref<8x128xf32, #tpu.memory_space<vmem>>
      %dma_start3A_587 = arith.constant 0 : i32
      %dma_start3A_588 = arith.constant 0 : i32
      %dma_start3A_589 = tpu.memref_slice %arg4[%add3A_555, %dma_start3A_587, %dma_start3A_588] : memref<13312x8x128xf32, #tpu.memory_space<hbm>> -> memref<1x8x128xf32, #tpu.memory_space<hbm>>
      %dma_start3A_590 = tpu.memref_squeeze %dma_start3A_589 : memref<1x8x128xf32, #tpu.memory_space<hbm>> -> memref<8x128xf32, #tpu.memory_space<hbm>>
      %dma_start3A_591 = arith.constant 0 : i32
      %dma_start3A_592 = arith.constant 0 : i32
      %dma_start3A_593 = tpu.memref_slice %arg4[%add3A_555, %dma_start3A_591, %dma_start3A_592] : memref<13312x8x128xf32, #tpu.memory_space<hbm>> -> memref<1x8x128xf32, #tpu.memory_space<hbm>>
      %dma_start3A_594 = tpu.memref_squeeze %dma_start3A_593 : memref<1x8x128xf32, #tpu.memory_space<hbm>> -> memref<8x128xf32, #tpu.memory_space<hbm>>
      %dma_start3A_595 = arith.constant 8 : i32
      %dma_start3A_596 = arith.constant 0 : i32
      %dma_start3A_597 = tpu.memref_slice %arg11[%dma_start3A_595, %dma_start3A_596] : memref<32x129xf32, #tpu.memory_space<vmem>> -> memref<8x128xf32, #tpu.memory_space<vmem>>
      tpu.enqueue_dma source(%dma_start3A_597 : memref<8x128xf32, #tpu.memory_space<vmem>>) target(%dma_start3A_594 : memref<8x128xf32, #tpu.memory_space<hbm>>) target_semaphore(%arg16 : memref<!tpu.dma_semaphore, #tpu.memory_space<semaphore_mem>>)
      %dma_start3A_598 = arith.constant 16 : i32
      %dma_start3A_599 = arith.constant 0 : i32
      %dma_start3A_600 = tpu.memref_slice %arg11[%dma_start3A_598, %dma_start3A_599] : memref<32x129xf32, #tpu.memory_space<vmem>> -> memref<8x128xf32, #tpu.memory_space<vmem>>
      %dma_start3A_601 = arith.constant 0 : i32
      %dma_start3A_602 = arith.constant 0 : i32
      %dma_start3A_603 = tpu.memref_slice %arg4[%add3A_562, %dma_start3A_601, %dma_start3A_602] : memref<13312x8x128xf32, #tpu.memory_space<hbm>> -> memref<1x8x128xf32, #tpu.memory_space<hbm>>
      %dma_start3A_604 = tpu.memref_squeeze %dma_start3A_603 : memref<1x8x128xf32, #tpu.memory_space<hbm>> -> memref<8x128xf32, #tpu.memory_space<hbm>>
      %dma_start3A_605 = arith.constant 0 : i32
      %dma_start3A_606 = arith.constant 0 : i32
      %dma_start3A_607 = tpu.memref_slice %arg4[%add3A_562, %dma_start3A_605, %dma_start3A_606] : memref<13312x8x128xf32, #tpu.memory_space<hbm>> -> memref<1x8x128xf32, #tpu.memory_space<hbm>>
      %dma_start3A_608 = tpu.memref_squeeze %dma_start3A_607 : memref<1x8x128xf32, #tpu.memory_space<hbm>> -> memref<8x128xf32, #tpu.memory_space<hbm>>
      %dma_start3A_609 = arith.constant 16 : i32
      %dma_start3A_610 = arith.constant 0 : i32
      %dma_start3A_611 = tpu.memref_slice %arg11[%dma_start3A_609, %dma_start3A_610] : memref<32x129xf32, #tpu.memory_space<vmem>> -> memref<8x128xf32, #tpu.memory_space<vmem>>
      tpu.enqueue_dma source(%dma_start3A_611 : memref<8x128xf32, #tpu.memory_space<vmem>>) target(%dma_start3A_608 : memref<8x128xf32, #tpu.memory_space<hbm>>) target_semaphore(%arg16 : memref<!tpu.dma_semaphore, #tpu.memory_space<semaphore_mem>>)
      %dma_start3A_612 = arith.constant 24 : i32
      %dma_start3A_613 = arith.constant 0 : i32
      %dma_start3A_614 = tpu.memref_slice %arg11[%dma_start3A_612, %dma_start3A_613] : memref<32x129xf32, #tpu.memory_space<vmem>> -> memref<8x128xf32, #tpu.memory_space<vmem>>
      %dma_start3A_615 = arith.constant 0 : i32
      %dma_start3A_616 = arith.constant 0 : i32
      %dma_start3A_617 = tpu.memref_slice %arg4[%add3A_569, %dma_start3A_615, %dma_start3A_616] : memref<13312x8x128xf32, #tpu.memory_space<hbm>> -> memref<1x8x128xf32, #tpu.memory_space<hbm>>
      %dma_start3A_618 = tpu.memref_squeeze %dma_start3A_617 : memref<1x8x128xf32, #tpu.memory_space<hbm>> -> memref<8x128xf32, #tpu.memory_space<hbm>>
      %dma_start3A_619 = arith.constant 0 : i32
      %dma_start3A_620 = arith.constant 0 : i32
      %dma_start3A_621 = tpu.memref_slice %arg4[%add3A_569, %dma_start3A_619, %dma_start3A_620] : memref<13312x8x128xf32, #tpu.memory_space<hbm>> -> memref<1x8x128xf32, #tpu.memory_space<hbm>>
      %dma_start3A_622 = tpu.memref_squeeze %dma_start3A_621 : memref<1x8x128xf32, #tpu.memory_space<hbm>> -> memref<8x128xf32, #tpu.memory_space<hbm>>
      %dma_start3A_623 = arith.constant 24 : i32
      %dma_start3A_624 = arith.constant 0 : i32
      %dma_start3A_625 = tpu.memref_slice %arg11[%dma_start3A_623, %dma_start3A_624] : memref<32x129xf32, #tpu.memory_space<vmem>> -> memref<8x128xf32, #tpu.memory_space<vmem>>
      tpu.enqueue_dma source(%dma_start3A_625 : memref<8x128xf32, #tpu.memory_space<vmem>>) target(%dma_start3A_622 : memref<8x128xf32, #tpu.memory_space<hbm>>) target_semaphore(%arg16 : memref<!tpu.dma_semaphore, #tpu.memory_space<semaphore_mem>>)
      %add3A_626 = arith.constant 1 : i32
      %add3A_627 = arith.addi %scan3A_446, %add3A_626 : i32
      %lt3A_628 = arith.constant 52 : i32
      %lt3A_629 = arith.cmpi slt, %add3A_627, %lt3A_628 : i32
      %convert_element_type3A_630 = arith.extui %lt3A_629 : i1 to i32
      %cond3A_631 = arith.constant 0 : i32
      %cond3A_632 = arith.cmpi ne, %convert_element_type3A_630, %cond3A_631 : i32
      scf.if %cond3A_632 {
        %add3A_770 = arith.constant 1 : i32
        %add3A_771 = arith.addi %scan3A_446, %add3A_770 : i32
        %mul3A_772 = arith.constant 2 : i32
        %mul3A_773 = arith.muli %mul3A_772, %add3A_771 : i32
        %add3A_774 = arith.addi %mul3A_2, %mul3A_773 : i32
        %jit3A_775 = arith.constant 128 : i32
        %div3A_776 = arith.divsi %add3A_774, %jit3A_775 : i32
        %sign3A_777 = arith.constant 0 : i32
        %sign3A_778 = arith.cmpi sgt, %add3A_774, %sign3A_777 : i32
        %sign3A_779 = arith.extui %sign3A_778 : i1 to i32
        %sign3A_780 = arith.constant 0 : i32
        %sign3A_781 = arith.cmpi slt, %add3A_774, %sign3A_780 : i32
        %sign3A_782 = arith.extui %sign3A_781 : i1 to i32
        %sign3A_783 = arith.subi %sign3A_779, %sign3A_782 : i32
        %sign3A_784 = arith.constant 0 : i32
        %sign3A_785 = arith.cmpi sgt, %jit3A_775, %sign3A_784 : i32
        %sign3A_786 = arith.extui %sign3A_785 : i1 to i32
        %sign3A_787 = arith.constant 0 : i32
        %sign3A_788 = arith.cmpi slt, %jit3A_775, %sign3A_787 : i32
        %sign3A_789 = arith.extui %sign3A_788 : i1 to i32
        %sign3A_790 = arith.subi %sign3A_786, %sign3A_789 : i32
        %ne3A_791 = arith.cmpi ne, %sign3A_783, %sign3A_790 : i32
        %rem3A_792 = arith.remsi %add3A_774, %jit3A_775 : i32
        %ne3A_793 = arith.constant 0 : i32
        %ne3A_794 = arith.cmpi ne, %rem3A_792, %ne3A_793 : i32
        %and3A_795 = arith.andi %ne3A_791, %ne3A_794 : i1
        %sub3A_796 = arith.constant 1 : i32
        %sub3A_797 = arith.subi %div3A_776, %sub3A_796 : i32
        %select_n3A_798 = arith.select %and3A_795, %sub3A_797, %div3A_776 : i32
        %jit3A_799 = arith.constant 128 : i32
        %eq3A_800 = arith.constant 0 : i32
        %eq3A_801 = arith.cmpi eq, %jit3A_799, %eq3A_800 : i32
        %jit3A_802 = arith.constant 1 : i32
        %select_n3A_803 = arith.select %eq3A_801, %jit3A_802, %jit3A_799 : i32
        %rem3A_804 = arith.remsi %add3A_774, %select_n3A_803 : i32
        %ne3A_805 = arith.constant 0 : i32
        %ne3A_806 = arith.cmpi ne, %rem3A_804, %ne3A_805 : i32
        %lt3A_807 = arith.constant 0 : i32
        %lt3A_808 = arith.cmpi slt, %rem3A_804, %lt3A_807 : i32
        %lt3A_809 = arith.constant 0 : i32
        %lt3A_810 = arith.cmpi slt, %select_n3A_803, %lt3A_809 : i32
        %ne3A_811 = arith.xori %lt3A_808, %lt3A_810 : i1
        %and3A_812 = arith.andi %ne3A_811, %ne3A_806 : i1
        %add3A_813 = arith.addi %rem3A_804, %select_n3A_803 : i32
        %select_n3A_814 = arith.select %and3A_812, %add3A_813, %rem3A_804 : i32
        %mul3A_815 = arith.constant 128 : i32
        %mul3A_816 = arith.muli %select_n3A_814, %mul3A_815 : i32
        %multiple_of3A_817 = tpu.assume_multiple %mul3A_816, 128 : i32
        %dma_wait3A_818 = tpu.memref_slice %arg3[%select_n3A_798, %multiple_of3A_817] : memref<26x16384xi32, #tpu.memory_space<hbm>> -> memref<1x256xi32, #tpu.memory_space<hbm>>
        %dma_wait3A_819 = tpu.memref_squeeze %dma_wait3A_818 : memref<1x256xi32, #tpu.memory_space<hbm>> -> memref<256xi32, #tpu.memory_space<hbm>>
        %dma_wait3A_820 = tpu.memref_slice %arg3[%select_n3A_798, %multiple_of3A_817] : memref<26x16384xi32, #tpu.memory_space<hbm>> -> memref<1x256xi32, #tpu.memory_space<hbm>>
        %dma_wait3A_821 = tpu.memref_squeeze %dma_wait3A_820 : memref<1x256xi32, #tpu.memory_space<hbm>> -> memref<256xi32, #tpu.memory_space<hbm>>
        tpu.wait_dma2 semaphore(%arg13 : memref<!tpu.dma_semaphore, #tpu.memory_space<semaphore_mem>>) src(%dma_wait3A_821 : memref<256xi32, #tpu.memory_space<hbm>>) dst(%arg6 : memref<256xi32, #tpu.memory_space<vmem>>)
        %get3A_822 = arith.constant 0 : index
        %get3A_823 = tpu.vector_load %arg6[%get3A_822] {strides = array<i32>} : memref<256xi32, #tpu.memory_space<vmem>>, vector<16xi32>,
        %swap3A_824 = arith.constant 0 : index
        %swap3A_825 = tpu.vector_load %arg5[%swap3A_824] {strides = array<i32>} : memref<256xi32, #tpu.memory_space<vmem>>, vector<16xi32>,
        tpu.vector_store %arg5[%swap3A_824], %get3A_823 {strides = array<i32>} : memref<256xi32, #tpu.memory_space<vmem>>, vector<16xi32>,
        %get3A_826 = arith.constant 16 : index
        %get3A_827 = tpu.vector_load %arg6[%get3A_826] {strides = array<i32>} : memref<256xi32, #tpu.memory_space<vmem>>, vector<16xi32>,
        %swap3A_828 = arith.constant 16 : index
        %swap3A_829 = tpu.vector_load %arg5[%swap3A_828] {strides = array<i32>} : memref<256xi32, #tpu.memory_space<vmem>>, vector<16xi32>,
        tpu.vector_store %arg5[%swap3A_828], %get3A_827 {strides = array<i32>} : memref<256xi32, #tpu.memory_space<vmem>>, vector<16xi32>,
        %get3A_830 = arith.constant 32 : index
        %get3A_831 = tpu.vector_load %arg6[%get3A_830] {strides = array<i32>} : memref<256xi32, #tpu.memory_space<vmem>>, vector<16xi32>,
        %swap3A_832 = arith.constant 32 : index
        %swap3A_833 = tpu.vector_load %arg5[%swap3A_832] {strides = array<i32>} : memref<256xi32, #tpu.memory_space<vmem>>, vector<16xi32>,
        tpu.vector_store %arg5[%swap3A_832], %get3A_831 {strides = array<i32>} : memref<256xi32, #tpu.memory_space<vmem>>, vector<16xi32>,
        %get3A_834 = arith.constant 48 : index
        %get3A_835 = tpu.vector_load %arg6[%get3A_834] {strides = array<i32>} : memref<256xi32, #tpu.memory_space<vmem>>, vector<16xi32>,
        %swap3A_836 = arith.constant 48 : index
        %swap3A_837 = tpu.vector_load %arg5[%swap3A_836] {strides = array<i32>} : memref<256xi32, #tpu.memory_space<vmem>>, vector<16xi32>,
        tpu.vector_store %arg5[%swap3A_836], %get3A_835 {strides = array<i32>} : memref<256xi32, #tpu.memory_space<vmem>>, vector<16xi32>,
        %get3A_838 = arith.constant 64 : index
        %get3A_839 = tpu.vector_load %arg6[%get3A_838] {strides = array<i32>} : memref<256xi32, #tpu.memory_space<vmem>>, vector<16xi32>,
        %swap3A_840 = arith.constant 64 : index
        %swap3A_841 = tpu.vector_load %arg5[%swap3A_840] {strides = array<i32>} : memref<256xi32, #tpu.memory_space<vmem>>, vector<16xi32>,
        tpu.vector_store %arg5[%swap3A_840], %get3A_839 {strides = array<i32>} : memref<256xi32, #tpu.memory_space<vmem>>, vector<16xi32>,
        %get3A_842 = arith.constant 80 : index
        %get3A_843 = tpu.vector_load %arg6[%get3A_842] {strides = array<i32>} : memref<256xi32, #tpu.memory_space<vmem>>, vector<16xi32>,
        %swap3A_844 = arith.constant 80 : index
        %swap3A_845 = tpu.vector_load %arg5[%swap3A_844] {strides = array<i32>} : memref<256xi32, #tpu.memory_space<vmem>>, vector<16xi32>,
        tpu.vector_store %arg5[%swap3A_844], %get3A_843 {strides = array<i32>} : memref<256xi32, #tpu.memory_space<vmem>>, vector<16xi32>,
        %get3A_846 = arith.constant 96 : index
        %get3A_847 = tpu.vector_load %arg6[%get3A_846] {strides = array<i32>} : memref<256xi32, #tpu.memory_space<vmem>>, vector<16xi32>,
        %swap3A_848 = arith.constant 96 : index
        %swap3A_849 = tpu.vector_load %arg5[%swap3A_848] {strides = array<i32>} : memref<256xi32, #tpu.memory_space<vmem>>, vector<16xi32>,
        tpu.vector_store %arg5[%swap3A_848], %get3A_847 {strides = array<i32>} : memref<256xi32, #tpu.memory_space<vmem>>, vector<16xi32>,
        %get3A_850 = arith.constant 112 : index
        %get3A_851 = tpu.vector_load %arg6[%get3A_850] {strides = array<i32>} : memref<256xi32, #tpu.memory_space<vmem>>, vector<16xi32>,
        %swap3A_852 = arith.constant 112 : index
        %swap3A_853 = tpu.vector_load %arg5[%swap3A_852] {strides = array<i32>} : memref<256xi32, #tpu.memory_space<vmem>>, vector<16xi32>,
        tpu.vector_store %arg5[%swap3A_852], %get3A_851 {strides = array<i32>} : memref<256xi32, #tpu.memory_space<vmem>>, vector<16xi32>,
        %get3A_854 = arith.constant 128 : index
        %get3A_855 = tpu.vector_load %arg6[%get3A_854] {strides = array<i32>} : memref<256xi32, #tpu.memory_space<vmem>>, vector<16xi32>,
        %swap3A_856 = arith.constant 128 : index
        %swap3A_857 = tpu.vector_load %arg5[%swap3A_856] {strides = array<i32>} : memref<256xi32, #tpu.memory_space<vmem>>, vector<16xi32>,
        tpu.vector_store %arg5[%swap3A_856], %get3A_855 {strides = array<i32>} : memref<256xi32, #tpu.memory_space<vmem>>, vector<16xi32>,
        %get3A_858 = arith.constant 144 : index
        %get3A_859 = tpu.vector_load %arg6[%get3A_858] {strides = array<i32>} : memref<256xi32, #tpu.memory_space<vmem>>, vector<16xi32>,
        %swap3A_860 = arith.constant 144 : index
        %swap3A_861 = tpu.vector_load %arg5[%swap3A_860] {strides = array<i32>} : memref<256xi32, #tpu.memory_space<vmem>>, vector<16xi32>,
        tpu.vector_store %arg5[%swap3A_860], %get3A_859 {strides = array<i32>} : memref<256xi32, #tpu.memory_space<vmem>>, vector<16xi32>,
        %get3A_862 = arith.constant 160 : index
        %get3A_863 = tpu.vector_load %arg6[%get3A_862] {strides = array<i32>} : memref<256xi32, #tpu.memory_space<vmem>>, vector<16xi32>,
        %swap3A_864 = arith.constant 160 : index
        %swap3A_865 = tpu.vector_load %arg5[%swap3A_864] {strides = array<i32>} : memref<256xi32, #tpu.memory_space<vmem>>, vector<16xi32>,
        tpu.vector_store %arg5[%swap3A_864], %get3A_863 {strides = array<i32>} : memref<256xi32, #tpu.memory_space<vmem>>, vector<16xi32>,
        %get3A_866 = arith.constant 176 : index
        %get3A_867 = tpu.vector_load %arg6[%get3A_866] {strides = array<i32>} : memref<256xi32, #tpu.memory_space<vmem>>, vector<16xi32>,
        %swap3A_868 = arith.constant 176 : index
        %swap3A_869 = tpu.vector_load %arg5[%swap3A_868] {strides = array<i32>} : memref<256xi32, #tpu.memory_space<vmem>>, vector<16xi32>,
        tpu.vector_store %arg5[%swap3A_868], %get3A_867 {strides = array<i32>} : memref<256xi32, #tpu.memory_space<vmem>>, vector<16xi32>,
        %get3A_870 = arith.constant 192 : index
        %get3A_871 = tpu.vector_load %arg6[%get3A_870] {strides = array<i32>} : memref<256xi32, #tpu.memory_space<vmem>>, vector<16xi32>,
        %swap3A_872 = arith.constant 192 : index
        %swap3A_873 = tpu.vector_load %arg5[%swap3A_872] {strides = array<i32>} : memref<256xi32, #tpu.memory_space<vmem>>, vector<16xi32>,
        tpu.vector_store %arg5[%swap3A_872], %get3A_871 {strides = array<i32>} : memref<256xi32, #tpu.memory_space<vmem>>, vector<16xi32>,
        %get3A_874 = arith.constant 208 : index
        %get3A_875 = tpu.vector_load %arg6[%get3A_874] {strides = array<i32>} : memref<256xi32, #tpu.memory_space<vmem>>, vector<16xi32>,
        %swap3A_876 = arith.constant 208 : index
        %swap3A_877 = tpu.vector_load %arg5[%swap3A_876] {strides = array<i32>} : memref<256xi32, #tpu.memory_space<vmem>>, vector<16xi32>,
        tpu.vector_store %arg5[%swap3A_876], %get3A_875 {strides = array<i32>} : memref<256xi32, #tpu.memory_space<vmem>>, vector<16xi32>,
        %get3A_878 = arith.constant 224 : index
        %get3A_879 = tpu.vector_load %arg6[%get3A_878] {strides = array<i32>} : memref<256xi32, #tpu.memory_space<vmem>>, vector<16xi32>,
        %swap3A_880 = arith.constant 224 : index
        %swap3A_881 = tpu.vector_load %arg5[%swap3A_880] {strides = array<i32>} : memref<256xi32, #tpu.memory_space<vmem>>, vector<16xi32>,
        tpu.vector_store %arg5[%swap3A_880], %get3A_879 {strides = array<i32>} : memref<256xi32, #tpu.memory_space<vmem>>, vector<16xi32>,
        %get3A_882 = arith.constant 240 : index
        %get3A_883 = tpu.vector_load %arg6[%get3A_882] {strides = array<i32>} : memref<256xi32, #tpu.memory_space<vmem>>, vector<16xi32>,
        %swap3A_884 = arith.constant 240 : index
        %swap3A_885 = tpu.vector_load %arg5[%swap3A_884] {strides = array<i32>} : memref<256xi32, #tpu.memory_space<vmem>>, vector<16xi32>,
        tpu.vector_store %arg5[%swap3A_884], %get3A_883 {strides = array<i32>} : memref<256xi32, #tpu.memory_space<vmem>>, vector<16xi32>,
        %get3A_886 = arith.constant 0 : index
        %get3A_887 = tpu.vector_load %arg5[%get3A_886] {strides = array<i32>} : memref<256xi32, #tpu.memory_space<vmem>>, vector<16xi32>,
        %swap3A_888 = arith.constant 0 : index
        %swap3A_889 = tpu.vector_load %arg7[%swap3A_888] {strides = array<i32>} : memref<128xi32, #tpu.memory_space<vmem>>, vector<16xi32>,
        tpu.vector_store %arg7[%swap3A_888], %get3A_887 {strides = array<i32>} : memref<128xi32, #tpu.memory_space<vmem>>, vector<16xi32>,
        %get3A_890 = arith.constant 16 : index
        %get3A_891 = tpu.vector_load %arg5[%get3A_890] {strides = array<i32>} : memref<256xi32, #tpu.memory_space<vmem>>, vector<16xi32>,
        %swap3A_892 = arith.constant 16 : index
        %swap3A_893 = tpu.vector_load %arg7[%swap3A_892] {strides = array<i32>} : memref<128xi32, #tpu.memory_space<vmem>>, vector<16xi32>,
        tpu.vector_store %arg7[%swap3A_892], %get3A_891 {strides = array<i32>} : memref<128xi32, #tpu.memory_space<vmem>>, vector<16xi32>,
        %get3A_894 = arith.constant 32 : index
        %get3A_895 = tpu.vector_load %arg5[%get3A_894] {strides = array<i32>} : memref<256xi32, #tpu.memory_space<vmem>>, vector<16xi32>,
        %swap3A_896 = arith.constant 32 : index
        %swap3A_897 = tpu.vector_load %arg7[%swap3A_896] {strides = array<i32>} : memref<128xi32, #tpu.memory_space<vmem>>, vector<16xi32>,
        tpu.vector_store %arg7[%swap3A_896], %get3A_895 {strides = array<i32>} : memref<128xi32, #tpu.memory_space<vmem>>, vector<16xi32>,
        %get3A_898 = arith.constant 48 : index
        %get3A_899 = tpu.vector_load %arg5[%get3A_898] {strides = array<i32>} : memref<256xi32, #tpu.memory_space<vmem>>, vector<16xi32>,
        %swap3A_900 = arith.constant 48 : index
        %swap3A_901 = tpu.vector_load %arg7[%swap3A_900] {strides = array<i32>} : memref<128xi32, #tpu.memory_space<vmem>>, vector<16xi32>,
        tpu.vector_store %arg7[%swap3A_900], %get3A_899 {strides = array<i32>} : memref<128xi32, #tpu.memory_space<vmem>>, vector<16xi32>,
        %get3A_902 = arith.constant 64 : index
        %get3A_903 = tpu.vector_load %arg5[%get3A_902] {strides = array<i32>} : memref<256xi32, #tpu.memory_space<vmem>>, vector<16xi32>,
        %swap3A_904 = arith.constant 64 : index
        %swap3A_905 = tpu.vector_load %arg7[%swap3A_904] {strides = array<i32>} : memref<128xi32, #tpu.memory_space<vmem>>, vector<16xi32>,
        tpu.vector_store %arg7[%swap3A_904], %get3A_903 {strides = array<i32>} : memref<128xi32, #tpu.memory_space<vmem>>, vector<16xi32>,
        %get3A_906 = arith.constant 80 : index
        %get3A_907 = tpu.vector_load %arg5[%get3A_906] {strides = array<i32>} : memref<256xi32, #tpu.memory_space<vmem>>, vector<16xi32>,
        %swap3A_908 = arith.constant 80 : index
        %swap3A_909 = tpu.vector_load %arg7[%swap3A_908] {strides = array<i32>} : memref<128xi32, #tpu.memory_space<vmem>>, vector<16xi32>,
        tpu.vector_store %arg7[%swap3A_908], %get3A_907 {strides = array<i32>} : memref<128xi32, #tpu.memory_space<vmem>>, vector<16xi32>,
        %get3A_910 = arith.constant 96 : index
        %get3A_911 = tpu.vector_load %arg5[%get3A_910] {strides = array<i32>} : memref<256xi32, #tpu.memory_space<vmem>>, vector<16xi32>,
        %swap3A_912 = arith.constant 96 : index
        %swap3A_913 = tpu.vector_load %arg7[%swap3A_912] {strides = array<i32>} : memref<128xi32, #tpu.memory_space<vmem>>, vector<16xi32>,
        tpu.vector_store %arg7[%swap3A_912], %get3A_911 {strides = array<i32>} : memref<128xi32, #tpu.memory_space<vmem>>, vector<16xi32>,
        %get3A_914 = arith.constant 112 : index
        %get3A_915 = tpu.vector_load %arg5[%get3A_914] {strides = array<i32>} : memref<256xi32, #tpu.memory_space<vmem>>, vector<16xi32>,
        %swap3A_916 = arith.constant 112 : index
        %swap3A_917 = tpu.vector_load %arg7[%swap3A_916] {strides = array<i32>} : memref<128xi32, #tpu.memory_space<vmem>>, vector<16xi32>,
        tpu.vector_store %arg7[%swap3A_916], %get3A_915 {strides = array<i32>} : memref<128xi32, #tpu.memory_space<vmem>>, vector<16xi32>,
        %dma_start3A_918 = arith.constant 0 : i32
        %dma_start3A_919 = arith.constant 0 : i32
        %dma_start3A_920 = tpu.memref_slice %arg2[%dma_start3A_918, %dma_start3A_919] : memref<1000064x32xf32, #tpu.memory_space<hbm>> -> memref<1000064x32xf32, #tpu.memory_space<hbm>>
        tpu.enqueue_indirect_dma source(%dma_start3A_920 : memref<1000064x32xf32, #tpu.memory_space<hbm>>) target(%arg9 : memref<128x32xf32, #tpu.memory_space<vmem>>) offsets(%arg7 : memref<128xi32, #tpu.memory_space<vmem>>) semaphore(%arg14 : memref<!tpu.dma_semaphore, #tpu.memory_space<semaphore_mem>>)
      } else {
      }
      %dma_wait3A_633 = arith.constant 0 : i32
      %dma_wait3A_634 = arith.constant 0 : i32
      %dma_wait3A_635 = tpu.memref_slice %arg2[%dma_wait3A_633, %dma_wait3A_634] : memref<1000064x32xf32, #tpu.memory_space<hbm>> -> memref<1000064x32xf32, #tpu.memory_space<hbm>>
      tpu.wait_indirect_dma semaphore(%arg15 : memref<!tpu.dma_semaphore, #tpu.memory_space<semaphore_mem>>) src(%dma_wait3A_635 : memref<1000064x32xf32, #tpu.memory_space<hbm>>) dst(%arg10 : memref<128x32xf32, #tpu.memory_space<vmem>>)
      %ge3A_636 = arith.constant 1 : i32
      %ge3A_637 = arith.cmpi sge, %scan3A_446, %ge3A_636 : i32
      %convert_element_type3A_638 = arith.extui %ge3A_637 : i1 to i32
      %cond3A_639 = arith.constant 0 : i32
      %cond3A_640 = arith.cmpi ne, %convert_element_type3A_638, %cond3A_639 : i32
      scf.if %cond3A_640 {
        %sub3A_770 = arith.constant 2 : i32
        %sub3A_771 = arith.subi %add3A_451, %sub3A_770 : i32
        %add3A_772 = arith.addi %mul3A_2, %sub3A_771 : i32
        %jit3A_773 = arith.constant 128 : i32
        %div3A_774 = arith.divsi %add3A_772, %jit3A_773 : i32
        %sign3A_775 = arith.constant 0 : i32
        %sign3A_776 = arith.cmpi sgt, %add3A_772, %sign3A_775 : i32
        %sign3A_777 = arith.extui %sign3A_776 : i1 to i32
        %sign3A_778 = arith.constant 0 : i32
        %sign3A_779 = arith.cmpi slt, %add3A_772, %sign3A_778 : i32
        %sign3A_780 = arith.extui %sign3A_779 : i1 to i32
        %sign3A_781 = arith.subi %sign3A_777, %sign3A_780 : i32
        %sign3A_782 = arith.constant 0 : i32
        %sign3A_783 = arith.cmpi sgt, %jit3A_773, %sign3A_782 : i32
        %sign3A_784 = arith.extui %sign3A_783 : i1 to i32
        %sign3A_785 = arith.constant 0 : i32
        %sign3A_786 = arith.cmpi slt, %jit3A_773, %sign3A_785 : i32
        %sign3A_787 = arith.extui %sign3A_786 : i1 to i32
        %sign3A_788 = arith.subi %sign3A_784, %sign3A_787 : i32
        %ne3A_789 = arith.cmpi ne, %sign3A_781, %sign3A_788 : i32
        %rem3A_790 = arith.remsi %add3A_772, %jit3A_773 : i32
        %ne3A_791 = arith.constant 0 : i32
        %ne3A_792 = arith.cmpi ne, %rem3A_790, %ne3A_791 : i32
        %and3A_793 = arith.andi %ne3A_789, %ne3A_792 : i1
        %sub3A_794 = arith.constant 1 : i32
        %sub3A_795 = arith.subi %div3A_774, %sub3A_794 : i32
        %select_n3A_796 = arith.select %and3A_793, %sub3A_795, %div3A_774 : i32
        %jit3A_797 = arith.constant 128 : i32
        %eq3A_798 = arith.constant 0 : i32
        %eq3A_799 = arith.cmpi eq, %jit3A_797, %eq3A_798 : i32
        %jit3A_800 = arith.constant 1 : i32
        %select_n3A_801 = arith.select %eq3A_799, %jit3A_800, %jit3A_797 : i32
        %rem3A_802 = arith.remsi %add3A_772, %select_n3A_801 : i32
        %ne3A_803 = arith.constant 0 : i32
        %ne3A_804 = arith.cmpi ne, %rem3A_802, %ne3A_803 : i32
        %lt3A_805 = arith.constant 0 : i32
        %lt3A_806 = arith.cmpi slt, %rem3A_802, %lt3A_805 : i32
        %lt3A_807 = arith.constant 0 : i32
        %lt3A_808 = arith.cmpi slt, %select_n3A_801, %lt3A_807 : i32
        %ne3A_809 = arith.xori %lt3A_806, %lt3A_808 : i1
        %and3A_810 = arith.andi %ne3A_809, %ne3A_804 : i1
        %add3A_811 = arith.addi %rem3A_802, %select_n3A_801 : i32
        %select_n3A_812 = arith.select %and3A_810, %add3A_811, %rem3A_802 : i32
        %mul3A_813 = arith.constant 4 : i32
        %mul3A_814 = arith.muli %select_n3A_796, %mul3A_813 : i32
        %add3A_815 = arith.constant 0 : i32
        %add3A_816 = arith.addi %mul3A_814, %add3A_815 : i32
        %mul3A_817 = arith.constant 128 : i32
        %mul3A_818 = arith.muli %add3A_816, %mul3A_817 : i32
        %add3A_819 = arith.addi %mul3A_818, %select_n3A_812 : i32
        %mul3A_820 = arith.constant 4 : i32
        %mul3A_821 = arith.muli %select_n3A_796, %mul3A_820 : i32
        %add3A_822 = arith.constant 1 : i32
        %add3A_823 = arith.addi %mul3A_821, %add3A_822 : i32
        %mul3A_824 = arith.constant 128 : i32
        %mul3A_825 = arith.muli %add3A_823, %mul3A_824 : i32
        %add3A_826 = arith.addi %mul3A_825, %select_n3A_812 : i32
        %mul3A_827 = arith.constant 4 : i32
        %mul3A_828 = arith.muli %select_n3A_796, %mul3A_827 : i32
        %add3A_829 = arith.constant 2 : i32
        %add3A_830 = arith.addi %mul3A_828, %add3A_829 : i32
        %mul3A_831 = arith.constant 128 : i32
        %mul3A_832 = arith.muli %add3A_830, %mul3A_831 : i32
        %add3A_833 = arith.addi %mul3A_832, %select_n3A_812 : i32
        %mul3A_834 = arith.constant 4 : i32
        %mul3A_835 = arith.muli %select_n3A_796, %mul3A_834 : i32
        %add3A_836 = arith.constant 3 : i32
        %add3A_837 = arith.addi %mul3A_835, %add3A_836 : i32
        %mul3A_838 = arith.constant 128 : i32
        %mul3A_839 = arith.muli %add3A_837, %mul3A_838 : i32
        %add3A_840 = arith.addi %mul3A_839, %select_n3A_812 : i32
        %dma_wait3A_841 = arith.constant 0 : i32
        %dma_wait3A_842 = arith.constant 0 : i32
        %dma_wait3A_843 = tpu.memref_slice %arg12[%dma_wait3A_841, %dma_wait3A_842] : memref<32x129xf32, #tpu.memory_space<vmem>> -> memref<8x128xf32, #tpu.memory_space<vmem>>
        %dma_wait3A_844 = arith.constant 0 : i32
        %dma_wait3A_845 = arith.constant 0 : i32
        %dma_wait3A_846 = tpu.memref_slice %arg4[%add3A_819, %dma_wait3A_844, %dma_wait3A_845] : memref<13312x8x128xf32, #tpu.memory_space<hbm>> -> memref<1x8x128xf32, #tpu.memory_space<hbm>>
        %dma_wait3A_847 = tpu.memref_squeeze %dma_wait3A_846 : memref<1x8x128xf32, #tpu.memory_space<hbm>> -> memref<8x128xf32, #tpu.memory_space<hbm>>
        %dma_wait3A_848 = arith.constant 0 : i32
        %dma_wait3A_849 = arith.constant 0 : i32
        %dma_wait3A_850 = tpu.memref_slice %arg4[%add3A_819, %dma_wait3A_848, %dma_wait3A_849] : memref<13312x8x128xf32, #tpu.memory_space<hbm>> -> memref<1x8x128xf32, #tpu.memory_space<hbm>>
        %dma_wait3A_851 = tpu.memref_squeeze %dma_wait3A_850 : memref<1x8x128xf32, #tpu.memory_space<hbm>> -> memref<8x128xf32, #tpu.memory_space<hbm>>
        %dma_wait3A_852 = arith.constant 0 : i32
        %dma_wait3A_853 = arith.constant 0 : i32
        %dma_wait3A_854 = tpu.memref_slice %arg12[%dma_wait3A_852, %dma_wait3A_853] : memref<32x129xf32, #tpu.memory_space<vmem>> -> memref<8x128xf32, #tpu.memory_space<vmem>>
        tpu.wait_dma2 semaphore(%arg17 : memref<!tpu.dma_semaphore, #tpu.memory_space<semaphore_mem>>) src(%dma_wait3A_854 : memref<8x128xf32, #tpu.memory_space<vmem>>) dst(%dma_wait3A_851 : memref<8x128xf32, #tpu.memory_space<hbm>>)
        %dma_wait3A_855 = arith.constant 8 : i32
        %dma_wait3A_856 = arith.constant 0 : i32
        %dma_wait3A_857 = tpu.memref_slice %arg12[%dma_wait3A_855, %dma_wait3A_856] : memref<32x129xf32, #tpu.memory_space<vmem>> -> memref<8x128xf32, #tpu.memory_space<vmem>>
        %dma_wait3A_858 = arith.constant 0 : i32
        %dma_wait3A_859 = arith.constant 0 : i32
        %dma_wait3A_860 = tpu.memref_slice %arg4[%add3A_826, %dma_wait3A_858, %dma_wait3A_859] : memref<13312x8x128xf32, #tpu.memory_space<hbm>> -> memref<1x8x128xf32, #tpu.memory_space<hbm>>
        %dma_wait3A_861 = tpu.memref_squeeze %dma_wait3A_860 : memref<1x8x128xf32, #tpu.memory_space<hbm>> -> memref<8x128xf32, #tpu.memory_space<hbm>>
        %dma_wait3A_862 = arith.constant 0 : i32
        %dma_wait3A_863 = arith.constant 0 : i32
        %dma_wait3A_864 = tpu.memref_slice %arg4[%add3A_826, %dma_wait3A_862, %dma_wait3A_863] : memref<13312x8x128xf32, #tpu.memory_space<hbm>> -> memref<1x8x128xf32, #tpu.memory_space<hbm>>
        %dma_wait3A_865 = tpu.memref_squeeze %dma_wait3A_864 : memref<1x8x128xf32, #tpu.memory_space<hbm>> -> memref<8x128xf32, #tpu.memory_space<hbm>>
        %dma_wait3A_866 = arith.constant 8 : i32
        %dma_wait3A_867 = arith.constant 0 : i32
        %dma_wait3A_868 = tpu.memref_slice %arg12[%dma_wait3A_866, %dma_wait3A_867] : memref<32x129xf32, #tpu.memory_space<vmem>> -> memref<8x128xf32, #tpu.memory_space<vmem>>
        tpu.wait_dma2 semaphore(%arg17 : memref<!tpu.dma_semaphore, #tpu.memory_space<semaphore_mem>>) src(%dma_wait3A_868 : memref<8x128xf32, #tpu.memory_space<vmem>>) dst(%dma_wait3A_865 : memref<8x128xf32, #tpu.memory_space<hbm>>)
        %dma_wait3A_869 = arith.constant 16 : i32
        %dma_wait3A_870 = arith.constant 0 : i32
        %dma_wait3A_871 = tpu.memref_slice %arg12[%dma_wait3A_869, %dma_wait3A_870] : memref<32x129xf32, #tpu.memory_space<vmem>> -> memref<8x128xf32, #tpu.memory_space<vmem>>
        %dma_wait3A_872 = arith.constant 0 : i32
        %dma_wait3A_873 = arith.constant 0 : i32
        %dma_wait3A_874 = tpu.memref_slice %arg4[%add3A_833, %dma_wait3A_872, %dma_wait3A_873] : memref<13312x8x128xf32, #tpu.memory_space<hbm>> -> memref<1x8x128xf32, #tpu.memory_space<hbm>>
        %dma_wait3A_875 = tpu.memref_squeeze %dma_wait3A_874 : memref<1x8x128xf32, #tpu.memory_space<hbm>> -> memref<8x128xf32, #tpu.memory_space<hbm>>
        %dma_wait3A_876 = arith.constant 0 : i32
        %dma_wait3A_877 = arith.constant 0 : i32
        %dma_wait3A_878 = tpu.memref_slice %arg4[%add3A_833, %dma_wait3A_876, %dma_wait3A_877] : memref<13312x8x128xf32, #tpu.memory_space<hbm>> -> memref<1x8x128xf32, #tpu.memory_space<hbm>>
        %dma_wait3A_879 = tpu.memref_squeeze %dma_wait3A_878 : memref<1x8x128xf32, #tpu.memory_space<hbm>> -> memref<8x128xf32, #tpu.memory_space<hbm>>
        %dma_wait3A_880 = arith.constant 16 : i32
        %dma_wait3A_881 = arith.constant 0 : i32
        %dma_wait3A_882 = tpu.memref_slice %arg12[%dma_wait3A_880, %dma_wait3A_881] : memref<32x129xf32, #tpu.memory_space<vmem>> -> memref<8x128xf32, #tpu.memory_space<vmem>>
        tpu.wait_dma2 semaphore(%arg17 : memref<!tpu.dma_semaphore, #tpu.memory_space<semaphore_mem>>) src(%dma_wait3A_882 : memref<8x128xf32, #tpu.memory_space<vmem>>) dst(%dma_wait3A_879 : memref<8x128xf32, #tpu.memory_space<hbm>>)
        %dma_wait3A_883 = arith.constant 24 : i32
        %dma_wait3A_884 = arith.constant 0 : i32
        %dma_wait3A_885 = tpu.memref_slice %arg12[%dma_wait3A_883, %dma_wait3A_884] : memref<32x129xf32, #tpu.memory_space<vmem>> -> memref<8x128xf32, #tpu.memory_space<vmem>>
        %dma_wait3A_886 = arith.constant 0 : i32
        %dma_wait3A_887 = arith.constant 0 : i32
        %dma_wait3A_888 = tpu.memref_slice %arg4[%add3A_840, %dma_wait3A_886, %dma_wait3A_887] : memref<13312x8x128xf32, #tpu.memory_space<hbm>> -> memref<1x8x128xf32, #tpu.memory_space<hbm>>
        %dma_wait3A_889 = tpu.memref_squeeze %dma_wait3A_888 : memref<1x8x128xf32, #tpu.memory_space<hbm>> -> memref<8x128xf32, #tpu.memory_space<hbm>>
        %dma_wait3A_890 = arith.constant 0 : i32
        %dma_wait3A_891 = arith.constant 0 : i32
        %dma_wait3A_892 = tpu.memref_slice %arg4[%add3A_840, %dma_wait3A_890, %dma_wait3A_891] : memref<13312x8x128xf32, #tpu.memory_space<hbm>> -> memref<1x8x128xf32, #tpu.memory_space<hbm>>
        %dma_wait3A_893 = tpu.memref_squeeze %dma_wait3A_892 : memref<1x8x128xf32, #tpu.memory_space<hbm>> -> memref<8x128xf32, #tpu.memory_space<hbm>>
        %dma_wait3A_894 = arith.constant 24 : i32
        %dma_wait3A_895 = arith.constant 0 : i32
        %dma_wait3A_896 = tpu.memref_slice %arg12[%dma_wait3A_894, %dma_wait3A_895] : memref<32x129xf32, #tpu.memory_space<vmem>> -> memref<8x128xf32, #tpu.memory_space<vmem>>
        tpu.wait_dma2 semaphore(%arg17 : memref<!tpu.dma_semaphore, #tpu.memory_space<semaphore_mem>>) src(%dma_wait3A_896 : memref<8x128xf32, #tpu.memory_space<vmem>>) dst(%dma_wait3A_893 : memref<8x128xf32, #tpu.memory_space<hbm>>)
      } else {
      }
      %parallel_loop3A_641 = arith.constant 0 : i32
      %parallel_loop3A_642 = arith.constant 128 : i32
      %parallel_loop3A_643 = arith.constant 1 : i32
      scf.for %parallel_loop3A_770 = %parallel_loop3A_641 to %parallel_loop3A_642 step %parallel_loop3A_643  : i32 {
        %parallel_loop3A_771 = vector.broadcast %parallel_loop3A_770 : i32 to vector<16xi32>
        %parallel_loop3A_772 = arith.index_cast %parallel_loop3A_770 : i32 to index
        %parallel_loop3A_773 = arith.constant 0 : index
        %parallel_loop3A_774 = tpu.vector_load %arg10[%parallel_loop3A_772, %parallel_loop3A_773] {strides = array<i32>} : memref<128x32xf32, #tpu.memory_space<vmem>>, vector<16xf32>,
        tpu.vector_store_idx %arg12[%iota3A, %parallel_loop3A_771], %parallel_loop3A_774 : memref<32x129xf32, #tpu.memory_space<vmem>>[vector<16xi32>, vector<16xi32>], vector<16xf32>,
        %parallel_loop3A_775 = arith.index_cast %parallel_loop3A_770 : i32 to index
        %parallel_loop3A_776 = arith.constant 16 : index
        %parallel_loop3A_777 = tpu.vector_load %arg10[%parallel_loop3A_775, %parallel_loop3A_776] {strides = array<i32>} : memref<128x32xf32, #tpu.memory_space<vmem>>, vector<16xf32>,
        tpu.vector_store_idx %arg12[%add3A_5, %parallel_loop3A_771], %parallel_loop3A_777 : memref<32x129xf32, #tpu.memory_space<vmem>>[vector<16xi32>, vector<16xi32>], vector<16xf32>,
      } {sc.loop_unroll_factor = 4 : i64, sc.parallel_access}
      %add3A_644 = arith.addi %mul3A_2, %add3A_451 : i32
      %jit3A_645 = arith.constant 128 : i32
      %div3A_646 = arith.divsi %add3A_644, %jit3A_645 : i32
      %sign3A_647 = arith.constant 0 : i32
      %sign3A_648 = arith.cmpi sgt, %add3A_644, %sign3A_647 : i32
      %sign3A_649 = arith.extui %sign3A_648 : i1 to i32
      %sign3A_650 = arith.constant 0 : i32
      %sign3A_651 = arith.cmpi slt, %add3A_644, %sign3A_650 : i32
      %sign3A_652 = arith.extui %sign3A_651 : i1 to i32
      %sign3A_653 = arith.subi %sign3A_649, %sign3A_652 : i32
      %sign3A_654 = arith.constant 0 : i32
      %sign3A_655 = arith.cmpi sgt, %jit3A_645, %sign3A_654 : i32
      %sign3A_656 = arith.extui %sign3A_655 : i1 to i32
      %sign3A_657 = arith.constant 0 : i32
      %sign3A_658 = arith.cmpi slt, %jit3A_645, %sign3A_657 : i32
      %sign3A_659 = arith.extui %sign3A_658 : i1 to i32
      %sign3A_660 = arith.subi %sign3A_656, %sign3A_659 : i32
      %ne3A_661 = arith.cmpi ne, %sign3A_653, %sign3A_660 : i32
      %rem3A_662 = arith.remsi %add3A_644, %jit3A_645 : i32
      %ne3A_663 = arith.constant 0 : i32
      %ne3A_664 = arith.cmpi ne, %rem3A_662, %ne3A_663 : i32
      %and3A_665 = arith.andi %ne3A_661, %ne3A_664 : i1
      %sub3A_666 = arith.constant 1 : i32
      %sub3A_667 = arith.subi %div3A_646, %sub3A_666 : i32
      %select_n3A_668 = arith.select %and3A_665, %sub3A_667, %div3A_646 : i32
      %jit3A_669 = arith.constant 128 : i32
      %eq3A_670 = arith.constant 0 : i32
      %eq3A_671 = arith.cmpi eq, %jit3A_669, %eq3A_670 : i32
      %jit3A_672 = arith.constant 1 : i32
      %select_n3A_673 = arith.select %eq3A_671, %jit3A_672, %jit3A_669 : i32
      %rem3A_674 = arith.remsi %add3A_644, %select_n3A_673 : i32
      %ne3A_675 = arith.constant 0 : i32
      %ne3A_676 = arith.cmpi ne, %rem3A_674, %ne3A_675 : i32
      %lt3A_677 = arith.constant 0 : i32
      %lt3A_678 = arith.cmpi slt, %rem3A_674, %lt3A_677 : i32
      %lt3A_679 = arith.constant 0 : i32
      %lt3A_680 = arith.cmpi slt, %select_n3A_673, %lt3A_679 : i32
      %ne3A_681 = arith.xori %lt3A_678, %lt3A_680 : i1
      %and3A_682 = arith.andi %ne3A_681, %ne3A_676 : i1
      %add3A_683 = arith.addi %rem3A_674, %select_n3A_673 : i32
      %select_n3A_684 = arith.select %and3A_682, %add3A_683, %rem3A_674 : i32
      %mul3A_685 = arith.constant 4 : i32
      %mul3A_686 = arith.muli %select_n3A_668, %mul3A_685 : i32
      %add3A_687 = arith.constant 0 : i32
      %add3A_688 = arith.addi %mul3A_686, %add3A_687 : i32
      %mul3A_689 = arith.constant 128 : i32
      %mul3A_690 = arith.muli %add3A_688, %mul3A_689 : i32
      %add3A_691 = arith.addi %mul3A_690, %select_n3A_684 : i32
      %mul3A_692 = arith.constant 4 : i32
      %mul3A_693 = arith.muli %select_n3A_668, %mul3A_692 : i32
      %add3A_694 = arith.constant 1 : i32
      %add3A_695 = arith.addi %mul3A_693, %add3A_694 : i32
      %mul3A_696 = arith.constant 128 : i32
      %mul3A_697 = arith.muli %add3A_695, %mul3A_696 : i32
      %add3A_698 = arith.addi %mul3A_697, %select_n3A_684 : i32
      %mul3A_699 = arith.constant 4 : i32
      %mul3A_700 = arith.muli %select_n3A_668, %mul3A_699 : i32
      %add3A_701 = arith.constant 2 : i32
      %add3A_702 = arith.addi %mul3A_700, %add3A_701 : i32
      %mul3A_703 = arith.constant 128 : i32
      %mul3A_704 = arith.muli %add3A_702, %mul3A_703 : i32
      %add3A_705 = arith.addi %mul3A_704, %select_n3A_684 : i32
      %mul3A_706 = arith.constant 4 : i32
      %mul3A_707 = arith.muli %select_n3A_668, %mul3A_706 : i32
      %add3A_708 = arith.constant 3 : i32
      %add3A_709 = arith.addi %mul3A_707, %add3A_708 : i32
      %mul3A_710 = arith.constant 128 : i32
      %mul3A_711 = arith.muli %add3A_709, %mul3A_710 : i32
      %add3A_712 = arith.addi %mul3A_711, %select_n3A_684 : i32
      %dma_start3A_713 = arith.constant 0 : i32
      %dma_start3A_714 = arith.constant 0 : i32
      %dma_start3A_715 = tpu.memref_slice %arg12[%dma_start3A_713, %dma_start3A_714] : memref<32x129xf32, #tpu.memory_space<vmem>> -> memref<8x128xf32, #tpu.memory_space<vmem>>
      %dma_start3A_716 = arith.constant 0 : i32
      %dma_start3A_717 = arith.constant 0 : i32
      %dma_start3A_718 = tpu.memref_slice %arg4[%add3A_691, %dma_start3A_716, %dma_start3A_717] : memref<13312x8x128xf32, #tpu.memory_space<hbm>> -> memref<1x8x128xf32, #tpu.memory_space<hbm>>
      %dma_start3A_719 = tpu.memref_squeeze %dma_start3A_718 : memref<1x8x128xf32, #tpu.memory_space<hbm>> -> memref<8x128xf32, #tpu.memory_space<hbm>>
      %dma_start3A_720 = arith.constant 0 : i32
      %dma_start3A_721 = arith.constant 0 : i32
      %dma_start3A_722 = tpu.memref_slice %arg4[%add3A_691, %dma_start3A_720, %dma_start3A_721] : memref<13312x8x128xf32, #tpu.memory_space<hbm>> -> memref<1x8x128xf32, #tpu.memory_space<hbm>>
      %dma_start3A_723 = tpu.memref_squeeze %dma_start3A_722 : memref<1x8x128xf32, #tpu.memory_space<hbm>> -> memref<8x128xf32, #tpu.memory_space<hbm>>
      %dma_start3A_724 = arith.constant 0 : i32
      %dma_start3A_725 = arith.constant 0 : i32
      %dma_start3A_726 = tpu.memref_slice %arg12[%dma_start3A_724, %dma_start3A_725] : memref<32x129xf32, #tpu.memory_space<vmem>> -> memref<8x128xf32, #tpu.memory_space<vmem>>
      tpu.enqueue_dma source(%dma_start3A_726 : memref<8x128xf32, #tpu.memory_space<vmem>>) target(%dma_start3A_723 : memref<8x128xf32, #tpu.memory_space<hbm>>) target_semaphore(%arg17 : memref<!tpu.dma_semaphore, #tpu.memory_space<semaphore_mem>>)
      %dma_start3A_727 = arith.constant 8 : i32
      %dma_start3A_728 = arith.constant 0 : i32
      %dma_start3A_729 = tpu.memref_slice %arg12[%dma_start3A_727, %dma_start3A_728] : memref<32x129xf32, #tpu.memory_space<vmem>> -> memref<8x128xf32, #tpu.memory_space<vmem>>
      %dma_start3A_730 = arith.constant 0 : i32
      %dma_start3A_731 = arith.constant 0 : i32
      %dma_start3A_732 = tpu.memref_slice %arg4[%add3A_698, %dma_start3A_730, %dma_start3A_731] : memref<13312x8x128xf32, #tpu.memory_space<hbm>> -> memref<1x8x128xf32, #tpu.memory_space<hbm>>
      %dma_start3A_733 = tpu.memref_squeeze %dma_start3A_732 : memref<1x8x128xf32, #tpu.memory_space<hbm>> -> memref<8x128xf32, #tpu.memory_space<hbm>>
      %dma_start3A_734 = arith.constant 0 : i32
      %dma_start3A_735 = arith.constant 0 : i32
      %dma_start3A_736 = tpu.memref_slice %arg4[%add3A_698, %dma_start3A_734, %dma_start3A_735] : memref<13312x8x128xf32, #tpu.memory_space<hbm>> -> memref<1x8x128xf32, #tpu.memory_space<hbm>>
      %dma_start3A_737 = tpu.memref_squeeze %dma_start3A_736 : memref<1x8x128xf32, #tpu.memory_space<hbm>> -> memref<8x128xf32, #tpu.memory_space<hbm>>
      %dma_start3A_738 = arith.constant 8 : i32
      %dma_start3A_739 = arith.constant 0 : i32
      %dma_start3A_740 = tpu.memref_slice %arg12[%dma_start3A_738, %dma_start3A_739] : memref<32x129xf32, #tpu.memory_space<vmem>> -> memref<8x128xf32, #tpu.memory_space<vmem>>
      tpu.enqueue_dma source(%dma_start3A_740 : memref<8x128xf32, #tpu.memory_space<vmem>>) target(%dma_start3A_737 : memref<8x128xf32, #tpu.memory_space<hbm>>) target_semaphore(%arg17 : memref<!tpu.dma_semaphore, #tpu.memory_space<semaphore_mem>>)
      %dma_start3A_741 = arith.constant 16 : i32
      %dma_start3A_742 = arith.constant 0 : i32
      %dma_start3A_743 = tpu.memref_slice %arg12[%dma_start3A_741, %dma_start3A_742] : memref<32x129xf32, #tpu.memory_space<vmem>> -> memref<8x128xf32, #tpu.memory_space<vmem>>
      %dma_start3A_744 = arith.constant 0 : i32
      %dma_start3A_745 = arith.constant 0 : i32
      %dma_start3A_746 = tpu.memref_slice %arg4[%add3A_705, %dma_start3A_744, %dma_start3A_745] : memref<13312x8x128xf32, #tpu.memory_space<hbm>> -> memref<1x8x128xf32, #tpu.memory_space<hbm>>
      %dma_start3A_747 = tpu.memref_squeeze %dma_start3A_746 : memref<1x8x128xf32, #tpu.memory_space<hbm>> -> memref<8x128xf32, #tpu.memory_space<hbm>>
      %dma_start3A_748 = arith.constant 0 : i32
      %dma_start3A_749 = arith.constant 0 : i32
      %dma_start3A_750 = tpu.memref_slice %arg4[%add3A_705, %dma_start3A_748, %dma_start3A_749] : memref<13312x8x128xf32, #tpu.memory_space<hbm>> -> memref<1x8x128xf32, #tpu.memory_space<hbm>>
      %dma_start3A_751 = tpu.memref_squeeze %dma_start3A_750 : memref<1x8x128xf32, #tpu.memory_space<hbm>> -> memref<8x128xf32, #tpu.memory_space<hbm>>
      %dma_start3A_752 = arith.constant 16 : i32
      %dma_start3A_753 = arith.constant 0 : i32
      %dma_start3A_754 = tpu.memref_slice %arg12[%dma_start3A_752, %dma_start3A_753] : memref<32x129xf32, #tpu.memory_space<vmem>> -> memref<8x128xf32, #tpu.memory_space<vmem>>
      tpu.enqueue_dma source(%dma_start3A_754 : memref<8x128xf32, #tpu.memory_space<vmem>>) target(%dma_start3A_751 : memref<8x128xf32, #tpu.memory_space<hbm>>) target_semaphore(%arg17 : memref<!tpu.dma_semaphore, #tpu.memory_space<semaphore_mem>>)
      %dma_start3A_755 = arith.constant 24 : i32
      %dma_start3A_756 = arith.constant 0 : i32
      %dma_start3A_757 = tpu.memref_slice %arg12[%dma_start3A_755, %dma_start3A_756] : memref<32x129xf32, #tpu.memory_space<vmem>> -> memref<8x128xf32, #tpu.memory_space<vmem>>
      %dma_start3A_758 = arith.constant 0 : i32
      %dma_start3A_759 = arith.constant 0 : i32
      %dma_start3A_760 = tpu.memref_slice %arg4[%add3A_712, %dma_start3A_758, %dma_start3A_759] : memref<13312x8x128xf32, #tpu.memory_space<hbm>> -> memref<1x8x128xf32, #tpu.memory_space<hbm>>
      %dma_start3A_761 = tpu.memref_squeeze %dma_start3A_760 : memref<1x8x128xf32, #tpu.memory_space<hbm>> -> memref<8x128xf32, #tpu.memory_space<hbm>>
      %dma_start3A_762 = arith.constant 0 : i32
      %dma_start3A_763 = arith.constant 0 : i32
      %dma_start3A_764 = tpu.memref_slice %arg4[%add3A_712, %dma_start3A_762, %dma_start3A_763] : memref<13312x8x128xf32, #tpu.memory_space<hbm>> -> memref<1x8x128xf32, #tpu.memory_space<hbm>>
      %dma_start3A_765 = tpu.memref_squeeze %dma_start3A_764 : memref<1x8x128xf32, #tpu.memory_space<hbm>> -> memref<8x128xf32, #tpu.memory_space<hbm>>
      %dma_start3A_766 = arith.constant 24 : i32
      %dma_start3A_767 = arith.constant 0 : i32
      %dma_start3A_768 = tpu.memref_slice %arg12[%dma_start3A_766, %dma_start3A_767] : memref<32x129xf32, #tpu.memory_space<vmem>> -> memref<8x128xf32, #tpu.memory_space<vmem>>
      tpu.enqueue_dma source(%dma_start3A_768 : memref<8x128xf32, #tpu.memory_space<vmem>>) target(%dma_start3A_765 : memref<8x128xf32, #tpu.memory_space<hbm>>) target_semaphore(%arg17 : memref<!tpu.dma_semaphore, #tpu.memory_space<semaphore_mem>>)
      %scan3A_769 = arith.constant 0 : i32
      scf.yield %scan3A_769 : i32
    }
    %scan3A_193 = arith.constant 52 : i32
    %add3A_194 = arith.constant 102 : i32
    %add3A_195 = arith.addi %mul3A_2, %add3A_194 : i32
    %jit3A_196 = arith.constant 128 : i32
    %div3A_197 = arith.divsi %add3A_195, %jit3A_196 : i32
    %sign3A_198 = arith.constant 0 : i32
    %sign3A_199 = arith.cmpi sgt, %add3A_195, %sign3A_198 : i32
    %sign3A_200 = arith.extui %sign3A_199 : i1 to i32
    %sign3A_201 = arith.constant 0 : i32
    %sign3A_202 = arith.cmpi slt, %add3A_195, %sign3A_201 : i32
    %sign3A_203 = arith.extui %sign3A_202 : i1 to i32
    %sign3A_204 = arith.subi %sign3A_200, %sign3A_203 : i32
    %sign3A_205 = arith.constant 0 : i32
    %sign3A_206 = arith.cmpi sgt, %jit3A_196, %sign3A_205 : i32
    %sign3A_207 = arith.extui %sign3A_206 : i1 to i32
    %sign3A_208 = arith.constant 0 : i32
    %sign3A_209 = arith.cmpi slt, %jit3A_196, %sign3A_208 : i32
    %sign3A_210 = arith.extui %sign3A_209 : i1 to i32
    %sign3A_211 = arith.subi %sign3A_207, %sign3A_210 : i32
    %ne3A_212 = arith.cmpi ne, %sign3A_204, %sign3A_211 : i32
    %rem3A_213 = arith.remsi %add3A_195, %jit3A_196 : i32
    %ne3A_214 = arith.constant 0 : i32
    %ne3A_215 = arith.cmpi ne, %rem3A_213, %ne3A_214 : i32
    %and3A_216 = arith.andi %ne3A_212, %ne3A_215 : i1
    %sub3A_217 = arith.constant 1 : i32
    %sub3A_218 = arith.subi %div3A_197, %sub3A_217 : i32
    %select_n3A_219 = arith.select %and3A_216, %sub3A_218, %div3A_197 : i32
    %jit3A_220 = arith.constant 128 : i32
    %eq3A_221 = arith.constant 0 : i32
    %eq3A_222 = arith.cmpi eq, %jit3A_220, %eq3A_221 : i32
    %jit3A_223 = arith.constant 1 : i32
    %select_n3A_224 = arith.select %eq3A_222, %jit3A_223, %jit3A_220 : i32
    %rem3A_225 = arith.remsi %add3A_195, %select_n3A_224 : i32
    %ne3A_226 = arith.constant 0 : i32
    %ne3A_227 = arith.cmpi ne, %rem3A_225, %ne3A_226 : i32
    %lt3A_228 = arith.constant 0 : i32
    %lt3A_229 = arith.cmpi slt, %rem3A_225, %lt3A_228 : i32
    %lt3A_230 = arith.constant 0 : i32
    %lt3A_231 = arith.cmpi slt, %select_n3A_224, %lt3A_230 : i32
    %ne3A_232 = arith.xori %lt3A_229, %lt3A_231 : i1
    %and3A_233 = arith.andi %ne3A_232, %ne3A_227 : i1
    %add3A_234 = arith.addi %rem3A_225, %select_n3A_224 : i32
    %select_n3A_235 = arith.select %and3A_233, %add3A_234, %rem3A_225 : i32
    %mul3A_236 = arith.constant 4 : i32
    %mul3A_237 = arith.muli %select_n3A_219, %mul3A_236 : i32
    %add3A_238 = arith.constant 0 : i32
    %add3A_239 = arith.addi %mul3A_237, %add3A_238 : i32
    %mul3A_240 = arith.constant 128 : i32
    %mul3A_241 = arith.muli %add3A_239, %mul3A_240 : i32
    %add3A_242 = arith.addi %mul3A_241, %select_n3A_235 : i32
    %mul3A_243 = arith.constant 4 : i32
    %mul3A_244 = arith.muli %select_n3A_219, %mul3A_243 : i32
    %add3A_245 = arith.constant 1 : i32
    %add3A_246 = arith.addi %mul3A_244, %add3A_245 : i32
    %mul3A_247 = arith.constant 128 : i32
    %mul3A_248 = arith.muli %add3A_246, %mul3A_247 : i32
    %add3A_249 = arith.addi %mul3A_248, %select_n3A_235 : i32
    %mul3A_250 = arith.constant 4 : i32
    %mul3A_251 = arith.muli %select_n3A_219, %mul3A_250 : i32
    %add3A_252 = arith.constant 2 : i32
    %add3A_253 = arith.addi %mul3A_251, %add3A_252 : i32
    %mul3A_254 = arith.constant 128 : i32
    %mul3A_255 = arith.muli %add3A_253, %mul3A_254 : i32
    %add3A_256 = arith.addi %mul3A_255, %select_n3A_235 : i32
    %mul3A_257 = arith.constant 4 : i32
    %mul3A_258 = arith.muli %select_n3A_219, %mul3A_257 : i32
    %add3A_259 = arith.constant 3 : i32
    %add3A_260 = arith.addi %mul3A_258, %add3A_259 : i32
    %mul3A_261 = arith.constant 128 : i32
    %mul3A_262 = arith.muli %add3A_260, %mul3A_261 : i32
    %add3A_263 = arith.addi %mul3A_262, %select_n3A_235 : i32
    %dma_wait3A_264 = arith.constant 0 : i32
    %dma_wait3A_265 = arith.constant 0 : i32
    %dma_wait3A_266 = tpu.memref_slice %arg11[%dma_wait3A_264, %dma_wait3A_265] : memref<32x129xf32, #tpu.memory_space<vmem>> -> memref<8x128xf32, #tpu.memory_space<vmem>>
    %dma_wait3A_267 = arith.constant 0 : i32
    %dma_wait3A_268 = arith.constant 0 : i32
    %dma_wait3A_269 = tpu.memref_slice %arg4[%add3A_242, %dma_wait3A_267, %dma_wait3A_268] : memref<13312x8x128xf32, #tpu.memory_space<hbm>> -> memref<1x8x128xf32, #tpu.memory_space<hbm>>
    %dma_wait3A_270 = tpu.memref_squeeze %dma_wait3A_269 : memref<1x8x128xf32, #tpu.memory_space<hbm>> -> memref<8x128xf32, #tpu.memory_space<hbm>>
    %dma_wait3A_271 = arith.constant 0 : i32
    %dma_wait3A_272 = arith.constant 0 : i32
    %dma_wait3A_273 = tpu.memref_slice %arg4[%add3A_242, %dma_wait3A_271, %dma_wait3A_272] : memref<13312x8x128xf32, #tpu.memory_space<hbm>> -> memref<1x8x128xf32, #tpu.memory_space<hbm>>
    %dma_wait3A_274 = tpu.memref_squeeze %dma_wait3A_273 : memref<1x8x128xf32, #tpu.memory_space<hbm>> -> memref<8x128xf32, #tpu.memory_space<hbm>>
    %dma_wait3A_275 = arith.constant 0 : i32
    %dma_wait3A_276 = arith.constant 0 : i32
    %dma_wait3A_277 = tpu.memref_slice %arg11[%dma_wait3A_275, %dma_wait3A_276] : memref<32x129xf32, #tpu.memory_space<vmem>> -> memref<8x128xf32, #tpu.memory_space<vmem>>
    tpu.wait_dma2 semaphore(%arg16 : memref<!tpu.dma_semaphore, #tpu.memory_space<semaphore_mem>>) src(%dma_wait3A_277 : memref<8x128xf32, #tpu.memory_space<vmem>>) dst(%dma_wait3A_274 : memref<8x128xf32, #tpu.memory_space<hbm>>)
    %dma_wait3A_278 = arith.constant 8 : i32
    %dma_wait3A_279 = arith.constant 0 : i32
    %dma_wait3A_280 = tpu.memref_slice %arg11[%dma_wait3A_278, %dma_wait3A_279] : memref<32x129xf32, #tpu.memory_space<vmem>> -> memref<8x128xf32, #tpu.memory_space<vmem>>
    %dma_wait3A_281 = arith.constant 0 : i32
    %dma_wait3A_282 = arith.constant 0 : i32
    %dma_wait3A_283 = tpu.memref_slice %arg4[%add3A_249, %dma_wait3A_281, %dma_wait3A_282] : memref<13312x8x128xf32, #tpu.memory_space<hbm>> -> memref<1x8x128xf32, #tpu.memory_space<hbm>>
    %dma_wait3A_284 = tpu.memref_squeeze %dma_wait3A_283 : memref<1x8x128xf32, #tpu.memory_space<hbm>> -> memref<8x128xf32, #tpu.memory_space<hbm>>
    %dma_wait3A_285 = arith.constant 0 : i32
    %dma_wait3A_286 = arith.constant 0 : i32
    %dma_wait3A_287 = tpu.memref_slice %arg4[%add3A_249, %dma_wait3A_285, %dma_wait3A_286] : memref<13312x8x128xf32, #tpu.memory_space<hbm>> -> memref<1x8x128xf32, #tpu.memory_space<hbm>>
    %dma_wait3A_288 = tpu.memref_squeeze %dma_wait3A_287 : memref<1x8x128xf32, #tpu.memory_space<hbm>> -> memref<8x128xf32, #tpu.memory_space<hbm>>
    %dma_wait3A_289 = arith.constant 8 : i32
    %dma_wait3A_290 = arith.constant 0 : i32
    %dma_wait3A_291 = tpu.memref_slice %arg11[%dma_wait3A_289, %dma_wait3A_290] : memref<32x129xf32, #tpu.memory_space<vmem>> -> memref<8x128xf32, #tpu.memory_space<vmem>>
    tpu.wait_dma2 semaphore(%arg16 : memref<!tpu.dma_semaphore, #tpu.memory_space<semaphore_mem>>) src(%dma_wait3A_291 : memref<8x128xf32, #tpu.memory_space<vmem>>) dst(%dma_wait3A_288 : memref<8x128xf32, #tpu.memory_space<hbm>>)
    %dma_wait3A_292 = arith.constant 16 : i32
    %dma_wait3A_293 = arith.constant 0 : i32
    %dma_wait3A_294 = tpu.memref_slice %arg11[%dma_wait3A_292, %dma_wait3A_293] : memref<32x129xf32, #tpu.memory_space<vmem>> -> memref<8x128xf32, #tpu.memory_space<vmem>>
    %dma_wait3A_295 = arith.constant 0 : i32
    %dma_wait3A_296 = arith.constant 0 : i32
    %dma_wait3A_297 = tpu.memref_slice %arg4[%add3A_256, %dma_wait3A_295, %dma_wait3A_296] : memref<13312x8x128xf32, #tpu.memory_space<hbm>> -> memref<1x8x128xf32, #tpu.memory_space<hbm>>
    %dma_wait3A_298 = tpu.memref_squeeze %dma_wait3A_297 : memref<1x8x128xf32, #tpu.memory_space<hbm>> -> memref<8x128xf32, #tpu.memory_space<hbm>>
    %dma_wait3A_299 = arith.constant 0 : i32
    %dma_wait3A_300 = arith.constant 0 : i32
    %dma_wait3A_301 = tpu.memref_slice %arg4[%add3A_256, %dma_wait3A_299, %dma_wait3A_300] : memref<13312x8x128xf32, #tpu.memory_space<hbm>> -> memref<1x8x128xf32, #tpu.memory_space<hbm>>
    %dma_wait3A_302 = tpu.memref_squeeze %dma_wait3A_301 : memref<1x8x128xf32, #tpu.memory_space<hbm>> -> memref<8x128xf32, #tpu.memory_space<hbm>>
    %dma_wait3A_303 = arith.constant 16 : i32
    %dma_wait3A_304 = arith.constant 0 : i32
    %dma_wait3A_305 = tpu.memref_slice %arg11[%dma_wait3A_303, %dma_wait3A_304] : memref<32x129xf32, #tpu.memory_space<vmem>> -> memref<8x128xf32, #tpu.memory_space<vmem>>
    tpu.wait_dma2 semaphore(%arg16 : memref<!tpu.dma_semaphore, #tpu.memory_space<semaphore_mem>>) src(%dma_wait3A_305 : memref<8x128xf32, #tpu.memory_space<vmem>>) dst(%dma_wait3A_302 : memref<8x128xf32, #tpu.memory_space<hbm>>)
    %dma_wait3A_306 = arith.constant 24 : i32
    %dma_wait3A_307 = arith.constant 0 : i32
    %dma_wait3A_308 = tpu.memref_slice %arg11[%dma_wait3A_306, %dma_wait3A_307] : memref<32x129xf32, #tpu.memory_space<vmem>> -> memref<8x128xf32, #tpu.memory_space<vmem>>
    %dma_wait3A_309 = arith.constant 0 : i32
    %dma_wait3A_310 = arith.constant 0 : i32
    %dma_wait3A_311 = tpu.memref_slice %arg4[%add3A_263, %dma_wait3A_309, %dma_wait3A_310] : memref<13312x8x128xf32, #tpu.memory_space<hbm>> -> memref<1x8x128xf32, #tpu.memory_space<hbm>>
    %dma_wait3A_312 = tpu.memref_squeeze %dma_wait3A_311 : memref<1x8x128xf32, #tpu.memory_space<hbm>> -> memref<8x128xf32, #tpu.memory_space<hbm>>
    %dma_wait3A_313 = arith.constant 0 : i32
    %dma_wait3A_314 = arith.constant 0 : i32
    %dma_wait3A_315 = tpu.memref_slice %arg4[%add3A_263, %dma_wait3A_313, %dma_wait3A_314] : memref<13312x8x128xf32, #tpu.memory_space<hbm>> -> memref<1x8x128xf32, #tpu.memory_space<hbm>>
    %dma_wait3A_316 = tpu.memref_squeeze %dma_wait3A_315 : memref<1x8x128xf32, #tpu.memory_space<hbm>> -> memref<8x128xf32, #tpu.memory_space<hbm>>
    %dma_wait3A_317 = arith.constant 24 : i32
    %dma_wait3A_318 = arith.constant 0 : i32
    %dma_wait3A_319 = tpu.memref_slice %arg11[%dma_wait3A_317, %dma_wait3A_318] : memref<32x129xf32, #tpu.memory_space<vmem>> -> memref<8x128xf32, #tpu.memory_space<vmem>>
    tpu.wait_dma2 semaphore(%arg16 : memref<!tpu.dma_semaphore, #tpu.memory_space<semaphore_mem>>) src(%dma_wait3A_319 : memref<8x128xf32, #tpu.memory_space<vmem>>) dst(%dma_wait3A_316 : memref<8x128xf32, #tpu.memory_space<hbm>>)
    %add3A_320 = arith.constant 103 : i32
    %add3A_321 = arith.addi %mul3A_2, %add3A_320 : i32
    %jit3A_322 = arith.constant 128 : i32
    %div3A_323 = arith.divsi %add3A_321, %jit3A_322 : i32
    %sign3A_324 = arith.constant 0 : i32
    %sign3A_325 = arith.cmpi sgt, %add3A_321, %sign3A_324 : i32
    %sign3A_326 = arith.extui %sign3A_325 : i1 to i32
    %sign3A_327 = arith.constant 0 : i32
    %sign3A_328 = arith.cmpi slt, %add3A_321, %sign3A_327 : i32
    %sign3A_329 = arith.extui %sign3A_328 : i1 to i32
    %sign3A_330 = arith.subi %sign3A_326, %sign3A_329 : i32
    %sign3A_331 = arith.constant 0 : i32
    %sign3A_332 = arith.cmpi sgt, %jit3A_322, %sign3A_331 : i32
    %sign3A_333 = arith.extui %sign3A_332 : i1 to i32
    %sign3A_334 = arith.constant 0 : i32
    %sign3A_335 = arith.cmpi slt, %jit3A_322, %sign3A_334 : i32
    %sign3A_336 = arith.extui %sign3A_335 : i1 to i32
    %sign3A_337 = arith.subi %sign3A_333, %sign3A_336 : i32
    %ne3A_338 = arith.cmpi ne, %sign3A_330, %sign3A_337 : i32
    %rem3A_339 = arith.remsi %add3A_321, %jit3A_322 : i32
    %ne3A_340 = arith.constant 0 : i32
    %ne3A_341 = arith.cmpi ne, %rem3A_339, %ne3A_340 : i32
    %and3A_342 = arith.andi %ne3A_338, %ne3A_341 : i1
    %sub3A_343 = arith.constant 1 : i32
    %sub3A_344 = arith.subi %div3A_323, %sub3A_343 : i32
    %select_n3A_345 = arith.select %and3A_342, %sub3A_344, %div3A_323 : i32
    %jit3A_346 = arith.constant 128 : i32
    %eq3A_347 = arith.constant 0 : i32
    %eq3A_348 = arith.cmpi eq, %jit3A_346, %eq3A_347 : i32
    %jit3A_349 = arith.constant 1 : i32
    %select_n3A_350 = arith.select %eq3A_348, %jit3A_349, %jit3A_346 : i32
    %rem3A_351 = arith.remsi %add3A_321, %select_n3A_350 : i32
    %ne3A_352 = arith.constant 0 : i32
    %ne3A_353 = arith.cmpi ne, %rem3A_351, %ne3A_352 : i32
    %lt3A_354 = arith.constant 0 : i32
    %lt3A_355 = arith.cmpi slt, %rem3A_351, %lt3A_354 : i32
    %lt3A_356 = arith.constant 0 : i32
    %lt3A_357 = arith.cmpi slt, %select_n3A_350, %lt3A_356 : i32
    %ne3A_358 = arith.xori %lt3A_355, %lt3A_357 : i1
    %and3A_359 = arith.andi %ne3A_358, %ne3A_353 : i1
    %add3A_360 = arith.addi %rem3A_351, %select_n3A_350 : i32
    %select_n3A_361 = arith.select %and3A_359, %add3A_360, %rem3A_351 : i32
    %mul3A_362 = arith.constant 4 : i32
    %mul3A_363 = arith.muli %select_n3A_345, %mul3A_362 : i32
    %add3A_364 = arith.constant 0 : i32
    %add3A_365 = arith.addi %mul3A_363, %add3A_364 : i32
    %mul3A_366 = arith.constant 128 : i32
    %mul3A_367 = arith.muli %add3A_365, %mul3A_366 : i32
    %add3A_368 = arith.addi %mul3A_367, %select_n3A_361 : i32
    %mul3A_369 = arith.constant 4 : i32
    %mul3A_370 = arith.muli %select_n3A_345, %mul3A_369 : i32
    %add3A_371 = arith.constant 1 : i32
    %add3A_372 = arith.addi %mul3A_370, %add3A_371 : i32
    %mul3A_373 = arith.constant 128 : i32
    %mul3A_374 = arith.muli %add3A_372, %mul3A_373 : i32
    %add3A_375 = arith.addi %mul3A_374, %select_n3A_361 : i32
    %mul3A_376 = arith.constant 4 : i32
    %mul3A_377 = arith.muli %select_n3A_345, %mul3A_376 : i32
    %add3A_378 = arith.constant 2 : i32
    %add3A_379 = arith.addi %mul3A_377, %add3A_378 : i32
    %mul3A_380 = arith.constant 128 : i32
    %mul3A_381 = arith.muli %add3A_379, %mul3A_380 : i32
    %add3A_382 = arith.addi %mul3A_381, %select_n3A_361 : i32
    %mul3A_383 = arith.constant 4 : i32
    %mul3A_384 = arith.muli %select_n3A_345, %mul3A_383 : i32
    %add3A_385 = arith.constant 3 : i32
    %add3A_386 = arith.addi %mul3A_384, %add3A_385 : i32
    %mul3A_387 = arith.constant 128 : i32
    %mul3A_388 = arith.muli %add3A_386, %mul3A_387 : i32
    %add3A_389 = arith.addi %mul3A_388, %select_n3A_361 : i32
    %dma_wait3A_390 = arith.constant 0 : i32
    %dma_wait3A_391 = arith.constant 0 : i32
    %dma_wait3A_392 = tpu.memref_slice %arg12[%dma_wait3A_390, %dma_wait3A_391] : memref<32x129xf32, #tpu.memory_space<vmem>> -> memref<8x128xf32, #tpu.memory_space<vmem>>
    %dma_wait3A_393 = arith.constant 0 : i32
    %dma_wait3A_394 = arith.constant 0 : i32
    %dma_wait3A_395 = tpu.memref_slice %arg4[%add3A_368, %dma_wait3A_393, %dma_wait3A_394] : memref<13312x8x128xf32, #tpu.memory_space<hbm>> -> memref<1x8x128xf32, #tpu.memory_space<hbm>>
    %dma_wait3A_396 = tpu.memref_squeeze %dma_wait3A_395 : memref<1x8x128xf32, #tpu.memory_space<hbm>> -> memref<8x128xf32, #tpu.memory_space<hbm>>
    %dma_wait3A_397 = arith.constant 0 : i32
    %dma_wait3A_398 = arith.constant 0 : i32
    %dma_wait3A_399 = tpu.memref_slice %arg4[%add3A_368, %dma_wait3A_397, %dma_wait3A_398] : memref<13312x8x128xf32, #tpu.memory_space<hbm>> -> memref<1x8x128xf32, #tpu.memory_space<hbm>>
    %dma_wait3A_400 = tpu.memref_squeeze %dma_wait3A_399 : memref<1x8x128xf32, #tpu.memory_space<hbm>> -> memref<8x128xf32, #tpu.memory_space<hbm>>
    %dma_wait3A_401 = arith.constant 0 : i32
    %dma_wait3A_402 = arith.constant 0 : i32
    %dma_wait3A_403 = tpu.memref_slice %arg12[%dma_wait3A_401, %dma_wait3A_402] : memref<32x129xf32, #tpu.memory_space<vmem>> -> memref<8x128xf32, #tpu.memory_space<vmem>>
    tpu.wait_dma2 semaphore(%arg17 : memref<!tpu.dma_semaphore, #tpu.memory_space<semaphore_mem>>) src(%dma_wait3A_403 : memref<8x128xf32, #tpu.memory_space<vmem>>) dst(%dma_wait3A_400 : memref<8x128xf32, #tpu.memory_space<hbm>>)
    %dma_wait3A_404 = arith.constant 8 : i32
    %dma_wait3A_405 = arith.constant 0 : i32
    %dma_wait3A_406 = tpu.memref_slice %arg12[%dma_wait3A_404, %dma_wait3A_405] : memref<32x129xf32, #tpu.memory_space<vmem>> -> memref<8x128xf32, #tpu.memory_space<vmem>>
    %dma_wait3A_407 = arith.constant 0 : i32
    %dma_wait3A_408 = arith.constant 0 : i32
    %dma_wait3A_409 = tpu.memref_slice %arg4[%add3A_375, %dma_wait3A_407, %dma_wait3A_408] : memref<13312x8x128xf32, #tpu.memory_space<hbm>> -> memref<1x8x128xf32, #tpu.memory_space<hbm>>
    %dma_wait3A_410 = tpu.memref_squeeze %dma_wait3A_409 : memref<1x8x128xf32, #tpu.memory_space<hbm>> -> memref<8x128xf32, #tpu.memory_space<hbm>>
    %dma_wait3A_411 = arith.constant 0 : i32
    %dma_wait3A_412 = arith.constant 0 : i32
    %dma_wait3A_413 = tpu.memref_slice %arg4[%add3A_375, %dma_wait3A_411, %dma_wait3A_412] : memref<13312x8x128xf32, #tpu.memory_space<hbm>> -> memref<1x8x128xf32, #tpu.memory_space<hbm>>
    %dma_wait3A_414 = tpu.memref_squeeze %dma_wait3A_413 : memref<1x8x128xf32, #tpu.memory_space<hbm>> -> memref<8x128xf32, #tpu.memory_space<hbm>>
    %dma_wait3A_415 = arith.constant 8 : i32
    %dma_wait3A_416 = arith.constant 0 : i32
    %dma_wait3A_417 = tpu.memref_slice %arg12[%dma_wait3A_415, %dma_wait3A_416] : memref<32x129xf32, #tpu.memory_space<vmem>> -> memref<8x128xf32, #tpu.memory_space<vmem>>
    tpu.wait_dma2 semaphore(%arg17 : memref<!tpu.dma_semaphore, #tpu.memory_space<semaphore_mem>>) src(%dma_wait3A_417 : memref<8x128xf32, #tpu.memory_space<vmem>>) dst(%dma_wait3A_414 : memref<8x128xf32, #tpu.memory_space<hbm>>)
    %dma_wait3A_418 = arith.constant 16 : i32
    %dma_wait3A_419 = arith.constant 0 : i32
    %dma_wait3A_420 = tpu.memref_slice %arg12[%dma_wait3A_418, %dma_wait3A_419] : memref<32x129xf32, #tpu.memory_space<vmem>> -> memref<8x128xf32, #tpu.memory_space<vmem>>
    %dma_wait3A_421 = arith.constant 0 : i32
    %dma_wait3A_422 = arith.constant 0 : i32
    %dma_wait3A_423 = tpu.memref_slice %arg4[%add3A_382, %dma_wait3A_421, %dma_wait3A_422] : memref<13312x8x128xf32, #tpu.memory_space<hbm>> -> memref<1x8x128xf32, #tpu.memory_space<hbm>>
    %dma_wait3A_424 = tpu.memref_squeeze %dma_wait3A_423 : memref<1x8x128xf32, #tpu.memory_space<hbm>> -> memref<8x128xf32, #tpu.memory_space<hbm>>
    %dma_wait3A_425 = arith.constant 0 : i32
    %dma_wait3A_426 = arith.constant 0 : i32
    %dma_wait3A_427 = tpu.memref_slice %arg4[%add3A_382, %dma_wait3A_425, %dma_wait3A_426] : memref<13312x8x128xf32, #tpu.memory_space<hbm>> -> memref<1x8x128xf32, #tpu.memory_space<hbm>>
    %dma_wait3A_428 = tpu.memref_squeeze %dma_wait3A_427 : memref<1x8x128xf32, #tpu.memory_space<hbm>> -> memref<8x128xf32, #tpu.memory_space<hbm>>
    %dma_wait3A_429 = arith.constant 16 : i32
    %dma_wait3A_430 = arith.constant 0 : i32
    %dma_wait3A_431 = tpu.memref_slice %arg12[%dma_wait3A_429, %dma_wait3A_430] : memref<32x129xf32, #tpu.memory_space<vmem>> -> memref<8x128xf32, #tpu.memory_space<vmem>>
    tpu.wait_dma2 semaphore(%arg17 : memref<!tpu.dma_semaphore, #tpu.memory_space<semaphore_mem>>) src(%dma_wait3A_431 : memref<8x128xf32, #tpu.memory_space<vmem>>) dst(%dma_wait3A_428 : memref<8x128xf32, #tpu.memory_space<hbm>>)
    %dma_wait3A_432 = arith.constant 24 : i32
    %dma_wait3A_433 = arith.constant 0 : i32
    %dma_wait3A_434 = tpu.memref_slice %arg12[%dma_wait3A_432, %dma_wait3A_433] : memref<32x129xf32, #tpu.memory_space<vmem>> -> memref<8x128xf32, #tpu.memory_space<vmem>>
    %dma_wait3A_435 = arith.constant 0 : i32
    %dma_wait3A_436 = arith.constant 0 : i32
    %dma_wait3A_437 = tpu.memref_slice %arg4[%add3A_389, %dma_wait3A_435, %dma_wait3A_436] : memref<13312x8x128xf32, #tpu.memory_space<hbm>> -> memref<1x8x128xf32, #tpu.memory_space<hbm>>
    %dma_wait3A_438 = tpu.memref_squeeze %dma_wait3A_437 : memref<1x8x128xf32, #tpu.memory_space<hbm>> -> memref<8x128xf32, #tpu.memory_space<hbm>>
    %dma_wait3A_439 = arith.constant 0 : i32
    %dma_wait3A_440 = arith.constant 0 : i32
    %dma_wait3A_441 = tpu.memref_slice %arg4[%add3A_389, %dma_wait3A_439, %dma_wait3A_440] : memref<13312x8x128xf32, #tpu.memory_space<hbm>> -> memref<1x8x128xf32, #tpu.memory_space<hbm>>
    %dma_wait3A_442 = tpu.memref_squeeze %dma_wait3A_441 : memref<1x8x128xf32, #tpu.memory_space<hbm>> -> memref<8x128xf32, #tpu.memory_space<hbm>>
    %dma_wait3A_443 = arith.constant 24 : i32
    %dma_wait3A_444 = arith.constant 0 : i32
    %dma_wait3A_445 = tpu.memref_slice %arg12[%dma_wait3A_443, %dma_wait3A_444] : memref<32x129xf32, #tpu.memory_space<vmem>> -> memref<8x128xf32, #tpu.memory_space<vmem>>
    tpu.wait_dma2 semaphore(%arg17 : memref<!tpu.dma_semaphore, #tpu.memory_space<semaphore_mem>>) src(%dma_wait3A_445 : memref<8x128xf32, #tpu.memory_space<vmem>>) dst(%dma_wait3A_442 : memref<8x128xf32, #tpu.memory_space<hbm>>)
    return
  }
}

</mosaic_0001>

<sc_bundles>
// kernel: kernel.4.cloned.1.call-start
scs
__scs_entry_jumppad:
0x0: {  	(pc) =	sbr.rel $0x88, $3  }
0x1: {  	(tag) =	ssettag $0x0;
	lr =	simm.s32 $0x1  }
0x2: {  	[smem:$0x3F9F] =	sst lr;
	_ =	strace $0xD0000000  }
0x3: {  	_ = 	snop  }
0x4: {  	_ = 	snop  }
0x5: {  	_ = 	snop  }
0x6: {  	_ = 	snop  }
0x7: {  	_ = 	snop  }
__scs_overlays_trampoline_lowered:
0x8: {  	[smem:$0x3FAE] =	sst s0  }
0x9: {  	[smem:$0x3FAF] =	sst s1  }
0xa: {  	[smem:$0x3FB0] =	sst s2  }
0xb: {  	[smem:$0x3FB1] =	sst s3  }
0xc: {  	[smem:$0x3FB2] =	sst s4  }
0xd: {  	[smem:$0x3FB3] =	sst s5  }
0xe: {  	[smem:$0x3FB4] =	sst s6  }
0xf: {  	[smem:$0x3FB5] =	sst s7  }
0x10: {  	[smem:$0x3FB6] =	sst s8  }
0x11: {  	[smem:$0x3FB7] =	sst s9;
	s0 =	simm.s32 @!p0 $0x0  }
0x12: {  	s1 =	sld [smem:$0x3F9D];
	s0 =	simm.s32 @p0 $0x1  }
0x13: {  	[smem:$0x3FB8] =	sst s0;
	s0 =	simm.s32 @!p1 $0x0  }
0x14: {  	s2 =	sld [smem:$0x3F9C];
	s0 =	simm.s32 @p1 $0x1  }
0x15: {  	[smem:$0x3FB9] =	sst s0;
	s0 =	simm.s32 @!p2 $0x0  }
0x16: {  	s3 =	sld [smem:$0x3FDB];
	s0 =	simm.s32 @p2 $0x1  }
0x17: {  	s4 =	simm.s32 $0x1BF5;
	[smem:$0x3FBB] =	sst s0  }
0x18: {  	s0 =	sld [smem:$0x3F9E];
	_ =	swait.ge [sflag:s4], $0x0  }
0x19: {  	s7 =	sld [smem:$0x3F9F]  }
0x1a: {  	s8 =	sadd.s32 $0xFFFFE003, lr  }
0x1b: {  	s9 =	sadd.s32 $0xFFFFFEF7, lr;
	s5 =	simm.s32 $0xFFFFFFFF;
	p2 =	slt.u32 s8, $0xFFFFF086  }
0x1c: {  	p1 =	slt.u32 s9, $0xF7A;
	s5 =	simm.s32 @!p2 $0x0  }
0x1d: {  	s5 =	simm.s32 @p1 $0x1;
	p0 =	seq.s32 s7, s2  }
0x1e: {  	s7 =	smul.u32 @!p0 $0xF7A, s2;
	p2 =	seq.s32 @!p0 s5, $0x0  }
0x1f: {  	s9 =	smul.u32 $0xF7A, s1;
	s8 =	simm.s32 @!p0 $0x1BF5;
	p2 =	por !p2, p0  }
0x20: {  	[sflag:s8] =	ssyncset.s32 @!p0 $0xFFFFF086;
	s6 =	sadd.s32 @!p0 s3, s7;
	s7 =	simm.s32 @!p0 $0x108  }
0x21: {  	s3 =	sadd.s32 s3, s9;
	s6 =	sadd.s32 @!p0 $0x88, s6;
	s7 =	simm.s32 @p2 $0x1082  }
0x22: {  	[simem:s7], [sflag:s8] =	dma.local @!p0 [hbm:s6], $0xF7A  }
0x23: {  	s9 =	sor.u32 $0xD0000000, s2;
	s6 =	simm.s32 $0x108;
	_ =	swait.ge @!p0 [sflag:s8], $0x0  }
0x24: {  	s3 =	sadd.s32 $0x88, s3;
	s6 =	simm.s32 @!p1 $0x1082;
	[sflag:s4] =	ssyncset.s32 $0xFFFFF086  }
0x25: {  	[simem:s6], [sflag:s4] =	dma.local [hbm:s3], $0xF7A  }
0x26: {  	[smem:$0x3F9F] =	sst s1;
	(tag) =	ssettag s2;
	_ =	strace s9  }
0x27: {  	s1 =	sld [smem:$0x3FAF]  }
0x28: {  	s2 =	sld [smem:$0x3FB0]  }
0x29: {  	s4 =	sld [smem:$0x3FB2]  }
0x2a: {  	p0 =	seq.s32 s5, $0x0;
	s5 =	sld [smem:$0x3FB3]  }
0x2b: {  	s6 =	sld [smem:$0x3FB4]  }
0x2c: {  	s7 =	sld [smem:$0x3FB5]  }
0x2d: {  	s3 =	simm.s32 $0x108;
	s8 =	sld [smem:$0x3FB6]  }
0x2e: {  	s3 =	simm.s32 @!p0 $0x1082;
	s9 =	sld [smem:$0x3FB7]  }
0x2f: {  	lr =	sadd.s32 s0, s3;
	s0 =	sld [smem:$0x3FAE]  }
0x30: {  	s3 =	sld [smem:$0x3FB1]  }
0x31: {  	[smem:$0x3FBA] =	sst s10  }
0x32: {  	s10 =	sld [smem:$0x3FB8];
	_ =	sdelay $0x3  }
0x33: {  	p0 =	seq.s32 s10, $0x1;
	s10 =	sld [smem:$0x3FBA];
	_ =	sdelay $0x3  }
0x34: {  	[smem:$0x3FBA] =	sst s10  }
0x35: {  	s10 =	sld [smem:$0x3FB9];
	_ =	sdelay $0x3  }
0x36: {  	p1 =	seq.s32 s10, $0x1;
	s10 =	sld [smem:$0x3FBA];
	_ =	sdelay $0x3  }
0x37: {  	[smem:$0x3FBA] =	sst s10  }
0x38: {  	s10 =	sld [smem:$0x3FBB]  }
0x39: {  	_ = 	snop;
	(pc) =	sbr.ind lr, $3  }
0x3a: {  	_ = 	snop  }
0x3b: {  	_ = 	snop  }
0x3c: {  	p2 =	seq.s32 s10, $0x1;
	s10 =	sld [smem:$0x3FBA]  }
0x3d: {  	_ =	shalt  }
0x3e: {  	_ =	shalt  }
0x3f: {  	_ =	shalt  }
0x40: {  	_ =	shalt  }
0x41: {  	_ =	shalt  }
0x42: {  	_ =	shalt  }
0x43: {  	_ =	shalt  }
0x44: {  	_ =	shalt  }
0x45: {  	_ =	shalt  }
0x46: {  	_ =	shalt  }
0x47: {  	_ =	shalt  }
0x48: {  	_ =	shalt  }
0x49: {  	_ =	shalt  }
0x4a: {  	_ =	shalt  }
0x4b: {  	_ =	shalt  }
0x4c: {  	_ =	shalt  }
0x4d: {  	_ =	shalt  }
0x4e: {  	_ =	shalt  }
0x4f: {  	_ =	shalt  }
0x50: {  	_ =	shalt  }
0x51: {  	_ =	shalt  }
0x52: {  	_ =	shalt  }
0x53: {  	_ =	shalt  }
0x54: {  	_ =	shalt  }
0x55: {  	_ =	shalt  }
0x56: {  	_ =	shalt  }
0x57: {  	_ =	shalt  }
0x58: {  	_ =	shalt  }
0x59: {  	_ =	shalt  }
0x5a: {  	_ =	shalt  }
0x5b: {  	_ =	shalt  }
0x5c: {  	_ =	shalt  }
0x5d: {  	_ =	shalt  }
0x5e: {  	_ =	shalt  }
0x5f: {  	_ =	shalt  }
0x60: {  	_ =	shalt  }
0x61: {  	_ =	shalt  }
0x62: {  	_ =	shalt  }
0x63: {  	_ =	shalt  }
0x64: {  	_ =	shalt  }
0x65: {  	_ =	shalt  }
0x66: {  	_ =	shalt  }
0x67: {  	_ =	shalt  }
0x68: {  	_ =	shalt  }
0x69: {  	_ =	shalt  }
0x6a: {  	_ =	shalt  }
0x6b: {  	_ =	shalt  }
0x6c: {  	_ =	shalt  }
0x6d: {  	_ =	shalt  }
0x6e: {  	_ =	shalt  }
0x6f: {  	_ =	shalt  }
0x70: {  	_ =	shalt  }
0x71: {  	_ =	shalt  }
0x72: {  	_ =	shalt  }
0x73: {  	_ =	shalt  }
0x74: {  	_ =	shalt  }
0x75: {  	_ =	shalt  }
0x76: {  	_ =	shalt  }
0x77: {  	_ =	shalt  }
0x78: {  	_ =	shalt  }
0x79: {  	_ =	shalt  }
0x7a: {  	_ =	shalt  }
0x7b: {  	_ =	shalt  }
0x7c: {  	_ =	shalt  }
0x7d: {  	_ =	shalt  }
0x7e: {  	_ =	shalt  }
0x7f: {  	_ =	shalt  }
0x80: {  	_ =	shalt  }
0x81: {  	_ =	shalt  }
0x82: {  	_ =	shalt  }
0x83: {  	_ =	shalt  }
0x84: {  	_ =	shalt  }
0x85: {  	_ =	shalt  }
0x86: {  	_ =	shalt  }
0x87: {  	_ =	shalt  }
.Lfunc_end0:
.L_simem_size_0:
called_computation_lowered:
.L_overlay_start_0:
0x88: {  	s2 =	sld [smem:$0x3FD9]  }
0x89: {  	s3 =	sld [smem:$0x3FFE];
	_ =	sdelay $0x1  }
0x8a: {  	s1 =	srdreg.scid  }
0x8b: {  	s0 =	sand.u32 $0x1, s1  }
0x8c: {  	s17 =	sshll.u32 s0, $0xA;
	s2 =	sadd.s32 s3, s2  }
0x8d: {  	s2 =	sadd.s32 s2, s17  }
0x8e: {  	[smem:$0x3FC6] =	sst s2  }
0x8f: {  	_ = 	snop  }
0x90: {  	s2 =	sld [smem:$0x3FC8];
	(tm) =	ssettm $0x1  }
0x91: {  	s18 =	sld [smem:$0x3FFB];
	_ =	sdelay $0x3  }
0x92: {  	_ =	strace s18  }
0x93: {  	s3 =	sld [smem:$0x3FFC];
	_ =	sdelay $0x3  }
0x94: {  	_ =	strace s3  }
0x95: {  	s3 =	sld [smem:$0x3FFD];
	_ =	sdelay $0x3  }
0x96: {  	_ =	strace s3  }
0x97: {  	_ =	strace $0x8FFFFFFF  }
0x98: {  	s19 =	sld [smem:$0x3FDB];
	_ =	sdelay $0x1  }
0x99: {  	s4 =	simm.s32 $_scs_section_size  }
0x9a: {  	s5 =	simm.s32 $_size__tile_overlayer_lowered;
	s6 =	simm.s32 $_tile_overlayer_lowered  }
0x9b: {  	s22 =	simm.s32 $0x1BFF;
	s21 =	sshll.u32 s6, $0x1;
	s3 =	sadd.s32 s4, s19  }
0x9c: {  	s7 =	simm.s32 $0x0;
	s20 =	sshll.u32 s5, $0x1;
	s5 =	sadd.s32 s21, s3  }
0x9d: {  	[timem:s7], [sflag:s22] =	dma.local [hbm:s5], s20  }
0x9e: {  	_ =	swait.ge [sflag:s22], s20  }
0x9f: {  	s4 =	ssub.s32 $0x0, s20;
	[sflag:s22] =	ssyncset.done $0x0  }
0xa0: {  	[sflag:s22] =	ssyncadd.s32 s4;
	_ =	sdelay $0x1  }
0xa1: {  	s23 =	simm.s32 $0x1B8B  }
0xa2: {  	_ =	swait.ge [sflag:s23], $0x1  }
0xa3: {  	[sflag:s23] =	ssyncset.done $0x0  }
0xa4: {  	s25 =	simm.s32 $0x1B8E;
	s24 =	sld [smem:$0x3FFE];
	[sflag:s23] =	ssyncadd.s32 $0xFFFFFFFF  }
0xa5: {  	s26 =	simm.s32 $execute0_lowered;
	[smem:$0x3FD2] =	sst s25  }
0xa6: {  	s5 =	sshll.u32 s26, $0x1;
	_ =	strace $0x80000046;
	[dreg:$0x1] =	wrdreg $0xFFFFFFFF  }
0xa7: {  	s28 =	simm.s32 $_size_execute0_lowered;
	s3 =	sadd.s32 s3, s5;
	[dreg:$0x0] =	wrdreg $0x0  }
0xa8: {  	s5 =	sshll.u32 s28, $0x1;
	[dreg:$0x2] =	wrdreg s3  }
0xa9: {  	[dreg:$0x3] =	wrdreg s5  }
0xaa: {  	[dreg:$0x4] =	wrdreg $0xC0  }
0xab: {  	_ =	task [dreg:s7], $0x5FFFF  }
0xac: {  	[dreg:$0x1] =	wrdreg $0xFFFFFFFF  }
0xad: {  	[dreg:$0x0] =	wrdreg $0x60  }
0xae: {  	[dreg:$0x2] =	wrdreg s2  }
0xaf: {  	[dreg:$0x3] =	wrdreg s24  }
0xb0: {  	[dreg:$0x4] =	wrdreg $0x9  }
0xb1: {  	_ =	task.clear_ibuf [dreg:s7], $0x5FFFF;
	_ =	strace $0x90000046  }
0xb2: {  	s29 =	simm.s32 $0x9;
	_ =	strace $0x80000048  }
0xb3: {  	_ =	swait.ge [sflag:s29], $0x1  }
0xb4: {  	[sflag:s29] =	ssyncadd.s32 $0xFFFFFFFF  }
0xb5: {  	_ =	strace $0x90000048  }
0xb6: {  	_ =	sfence  }
0xb7: {  	s30 =	sld [smem:$0x0];
	_ =	sdelay $0x2  }
0xb8: {  	s31 =	sshll.u32 s1, $0xD;
	s1 =	sshrl.u32 s1, $0x2  }
0xb9: {  	s3 =	sand.u32 $0x4000, s31;
	s1 =	sadd.s32 s1, s30  }
0xba: {  	s0 =	sor.u32 s3, s0;
	s1 =	sshll.u32 s1, $0x11  }
0xbb: {  	s0 =	sor.u32 s1, s0  }
0xbc: {  	s0 =	sadd.s32 $0x8F2B, s0  }
0xbd: {  	[sflag:s0] =	ssyncadd.remote.s32 $0x1  }
0xbe: {  	_ =	sfence.sel $0xFFFF  }
0xbf: {  	[dreg:$0x0] =	wrdreg $0xFFFFFFFF;
	(pc) =	sbr.abs _section_cstart, $3  }
0xc0: {  	[dreg:$0x1] =	wrdreg $0xFFFFFFFF  }
0xc1: {  	_ =	task.clear_ibuf [dreg:s7], $0x2FFFF;
	_ =	strace $0x9FFFFFFF  }
0xc2: {  	(tm) =	ssettm $0x7FFFFFFF  }
0xc3: {  	_ =	shalt  }
tec
execute0_lowered:
.L_overlay_start_1:
0x0: {  	(tag) =	ssettag $0x1  }
0x1: {  	s31 =	rddreg [dreg:$0x0]  }
0x2: {  	s0 =	srdreg.scid;
	s7 =	stileid.u32  }
0x3: {  	s1 =	rddreg [dreg:$0x1];
	s3 =	simm.s32 $0x0;
	s2 =	sand.u32 $0x1, s0  }
0x4: {  	s18 =	sshll.u32 s7, $0x1;
	[smem:$0x7FF] =	sst s3;
	s24 =	sadd.s32 $0x1E8480, s31  }
0x5: {  	v0 =	vimm.s32 $0xB80;
	s26 =	sadd.s32 $0x2DC700, s31;
	_ =	strace $0x80000047;
	[dreg:$0xd] =	wrdreg s24  }
0x6: {  	vm0 =	vcmask $0x300;
	vm1 =	vcmask $0x704;
	v1 =	vimm.s32 $0x1B80;
	s8 =	sadd.s32 $0xA00, s1;
	s28 =	sadd.s32 $0xF4200, s31;
	[dreg:$0xe] =	wrdreg s26  }
0x7: {  	vm2 =	vcmask $0xB08;
	v0 =	vsel vm0, $0x0, v0;
	v1 =	vsel vm0, $0x1000, v1;
	s29 =	sadd.s32 $0x3D0980, s31;
	s1 =	sadd.s32 $0x3D1200, s1;
	[dreg:$0x3] =	wrdreg s8  }
0x8: {  	vm4 =	vcmask $0xF0C;
	s0 =	sor.u32 s2, s18;
	v0 =	vsel vm1, $0x80, v0;
	s2 =	ssub.s32 $0x2, s2;
	v1 =	vsel vm1, $0x1080, v1;
	[dreg:$0x10] =	wrdreg s28  }
0x9: {  	vm5 =	vcmask $0x1310;
	[dreg:$0x11] =	wrdreg s29;
	s5 =	sor.u32 $0x1E80, s0;
	v0 =	vsel vm2, $0x100, v0;
	v1 =	vsel vm2, $0x1100, v1;
	s21 =	smul.u32 $0xF4, s0  }
0xa: {  	vm6 =	vcmask $0x1714;
	[dreg:$0x12] =	wrdreg s1;
	s19 =	sshrl.u32 s2, $0x1;
	s6 =	sshll.u32 s5, $0x7;
	v0 =	vsel vm4, $0x180, v0;
	v1 =	vsel vm4, $0x1180, v1  }
0xb: {  	vm7 =	vcmask $0x1B18;
	s2 =	ssub.s32 s2, s19;
	s6 =	sadd.s32 s31, s6;
	[dreg:$0x8] =	wrdreg s21;
	v0 =	vsel vm5, $0x200, v0;
	v1 =	vsel vm5, $0x1200, v1  }
0xc: {  	vm8 =	vcmask $0x1F1C;
	s4 =	smul.u32 $0x3D000, s0;
	s30 =	smax.u32 s2, $0x1;
	[dreg:$0x5] =	wrdreg s6;
	v0 =	vsel vm6, $0x280, v0;
	v1 =	vsel vm6, $0x1280, v1  }
0xd: {  	vm9 =	vcmask $0x2320;
	s20 =	sadd.s32 $0x1E8500, s6;
	[dreg:$0x13] =	wrdreg s30;
	v0 =	vsel vm7, $0x300, v0;
	v1 =	vsel vm7, $0x1300, v1  }
0xe: {  	vm10 =	vcmask $0x2724;
	s4 =	sshrl.u32 s4, $0x3;
	s23 =	sadd.s32 $0x2DC780, s6;
	[dreg:$0x7] =	wrdreg s20;
	v0 =	vsel vm8, $0x380, v0;
	v1 =	vsel vm8, $0x1380, v1  }
0xf: {  	vm11 =	vcmask $0x2B28;
	s9 =	sadd.s32 s31, s4;
	[dreg:$0xa] =	wrdreg s23;
	v0 =	vsel vm9, $0x800, v0;
	v1 =	vsel vm9, $0x1800, v1  }
0x10: {  	vm12 =	vcmask $0x2F2C;
	s25 =	sshll.u32 s5, $0x9;
	s6 =	sadd.s32 $0xF4280, s6;
	[dreg:$0x4] =	wrdreg s9;
	v0 =	vsel vm10, $0x880, v0;
	v1 =	vsel vm10, $0x1880, v1  }
.Ltmp0:
0x11: {  	vm13 =	vcmask $0x3330;
	s4 =	sadd.s32 s8, s25;
	[dreg:$0xc] =	wrdreg s6;
	v0 =	vsel vm11, $0x900, v0;
	v1 =	vsel vm11, $0x1900, v1;
	(pc) =	sbr.rel .LBB2_1-.Ltmp0, $4  }
0x12: {  	vm14 =	vcmask $0x3734;
	s11 =	simm.s32 $0x6000;
	s10 =	sadd.s32 $0x1E8500, s9;
	[dreg:$0xf] =	wrdreg s4;
	v0 =	vsel vm12, $0x980, v0;
	v1 =	vsel vm12, $0x1980, v1  }
0x13: {  	vm15 =	vcmask $0x3B38;
	p1 =	sgt.u32 s7, $0x1;
	s22 =	sadd.s32 $0x2DC780, s9;
	[dreg:$0x6] =	wrdreg s10;
	v0 =	vsel vm13, $0xA00, v0;
	v1 =	vsel vm13, $0x1A00, v1  }
0x14: {  	v2 =	vlaneseq.u32;
	s24 =	simm.s32 $0x2000;
	s9 =	sadd.s32 $0xF4280, s9;
	[dreg:$0x9] =	wrdreg s22;
	v0 =	vsel vm14, $0xA80, v0;
	v1 =	vsel vm14, $0x1A80, v1  }
0x15: {  	v2 =	vmul.u32 $0x80, v2;
	s1 =	simm.s32 $0x0;
	p0 =	sne.s32 s0, $0x4;
	[dreg:$0xb] =	wrdreg s9;
	v0 =	vsel vm15, $0xB00, v0;
	v1 =	vsel vm15, $0x1B00, v1  }
.LBB2_15:
0x16: {  	s1 =	sadd.s32 $0x1, s1;
	s0 =	rddreg [dreg:$0x13]  }
0x17: {  	p2 =	sne.s32 s1, s0  }
.Ltmp1:
0x18: {  	_ = 	snop;
	(pc) =	sbr.rel @!p2 .LBB2_16-.Ltmp1, $1  }
0x19: {  	_ =	sdelay $0x3  }
.LBB2_1:
0x1a: {  	[dreg:$0x14] =	wrdreg s1  }
0x1b: {  	s0 =	rddreg [dreg:$0x4]  }
0x1c: {  	[tilespmem:s3], [sflag:$0x1] =	stream.linear.gather [hbm4b:s0+s3], $0x400, $0x38;
	[tilespmem:$0x7800] =	vst v63  }
0x1d: {  	s23 =	rddreg [dreg:$0xb];
	s25 =	simm.s32 $0x800  }
0x1e: {  	[tilespmem:s25], [sflag:$0x1] =	stream.linear.gather [hbm4b:s23+s3], $0x400, $0x38;
	[tilespmem:$0x7800] =	vst v63  }
0x1f: {  	s26 =	rddreg [dreg:$0x6];
	s28 =	simm.s32 $0x1000  }
0x20: {  	[tilespmem:s28], [sflag:$0x1] =	stream.linear.gather [hbm4b:s26+s3], $0x400, $0x38;
	[tilespmem:$0x7800] =	vst v63  }
0x21: {  	s29 =	rddreg [dreg:$0x9];
	s30 =	simm.s32 $0x1800;
	s16 =	simm.s32 $0x0  }
0x22: {  	[tilespmem:s30], [sflag:$0x1] =	stream.linear.gather [hbm4b:s29+s3], $0x400, $0x38;
	[tilespmem:$0x7800] =	vst v63  }
.LBB2_2:
0x23: {  	s0 =	sshll.u32 s16, $0x1;
	s1 =	rddreg [dreg:$0x8]  }
0x24: {  	s17 =	sadd.s32 s1, s0  }
0x25: {  	s0 =	sor.u32 $0x1, s17  }
0x26: {  	[dreg:$0x15] =	wrdreg s0;
	s0 =	sshll.u32 s0, $0x7  }
0x27: {  	s14 =	sadd.s32 s31, s0;
	s0 =	sand.u32 $0x1FFFFF80, s0  }
0x28: {  	[tilespmem:s24], [sflag:$0x2] =	stream.linear.gather [hbm4b:s14+s3], $0x400, $0x38;
	[tilespmem:$0x7800] =	vst v63  }
0x29: {  	s0 =	sadd.s32 s31, s0  }
0x2a: {  	s2 =	simm.s32 $0x2800;
	s15 =	sadd.s32 $0xF4280, s0  }
0x2b: {  	[tilespmem:s2], [sflag:$0x2] =	stream.linear.gather [hbm4b:s15+s3], $0x400, $0x38;
	[tilespmem:$0x7800] =	vst v63  }
0x2c: {  	s19 =	simm.s32 $0x3000;
	s18 =	sadd.s32 $0x1E8500, s0  }
0x2d: {  	[tilespmem:s19], [sflag:$0x2] =	stream.linear.gather [hbm4b:s18+s3], $0x400, $0x38;
	[tilespmem:$0x7800] =	vst v63  }
0x2e: {  	s20 =	simm.s32 $0x3800;
	s21 =	simm.s32 $0x1;
	s0 =	sadd.s32 $0x2DC780, s0  }
0x2f: {  	[tilespmem:s20], [sflag:$0x2] =	stream.linear.gather [hbm4b:s0+s3], $0x400, $0x38;
	[tilespmem:$0x7800] =	vst v63  }
0x30: {  	_ =	swait.ge [sflag:s21], $0x400  }
0x31: {  	[sflag:s21] =	ssyncset.done $0x0  }
0x32: {  	[sflag:s21] =	ssyncadd.s32 $0xFFFFFC00  }
0x33: {  	_ =	swait.ge [sflag:s21], $0x400  }
0x34: {  	[sflag:s21] =	ssyncset.done $0x0  }
0x35: {  	[sflag:s21] =	ssyncadd.s32 $0xFFFFFC00  }
0x36: {  	_ =	swait.ge [sflag:s21], $0x400  }
0x37: {  	[sflag:s21] =	ssyncset.done $0x0  }
0x38: {  	[sflag:s21] =	ssyncadd.s32 $0xFFFFFC00  }
0x39: {  	s22 =	simm.s32 $0x1C;
	_ =	swait.ge [sflag:s21], $0x400  }
0x3a: {  	p2 =	seq.s32 s16, $0x0;
	s23 =	simm.s32 $0x4;
	v3 =	vor.u32 s22, v0;
	[sflag:s21] =	ssyncset.done $0x0  }
0x3b: {  	s4 =	simm.s32 $0x8;
	v4 =	vor.u32 s23, v0;
	s2 =	simm.s32 @!p2 $0x3;
	[sflag:s21] =	ssyncadd.s32 $0xFFFFFC00  }
0x3c: {  	s5 =	simm.s32 $0x0;
	v5 =	vor.u32 s4, v0;
	_ =	swait.ge @!p2 [sflag:s2], $0x1000  }
0x3d: {  	s6 =	simm.s32 $0xC;
	v6 =	vor.u32 s5, v0;
	[sflag:s2] =	ssyncset.done @!p2 $0x0  }
0x3e: {  	s25 =	simm.s32 $0x10;
	v7 =	vor.u32 s6, v0;
	[sflag:s2] =	ssyncadd.s32 @!p2 $0xFFFFF000  }
0x3f: {  	s7 =	simm.s32 $0x14;
	v8 =	vor.u32 s25, v0;
	v3 =	vld.idx.msk [tilespmem:v3+s3+$0x0], $0xffff  }
0x40: {  	s26 =	simm.s32 $0x18;
	v9 =	vor.u32 s7, v0;
	v4 =	vld.idx.msk [tilespmem:v4+s3+$0x0], $0xffff  }
0x41: {  	v11 =	vor.u32 s26, v0;
	v5 =	vld.idx.msk [tilespmem:v5+s3+$0x0], $0xffff  }
0x42: {  	v10 =	vor.u32 s22, v1;
	v6 =	vld.idx.msk [tilespmem:v6+s3+$0x0], $0xffff  }
0x43: {  	s28 =	simm.s32 $0x1D;
	v12 =	vor.u32 s23, v1;
	v13 =	vor.u32 s4, v1;
	v14 =	vor.u32 s5, v1;
	s18 =	simm.s32 $0x4200;
	v7 =	vld.idx.msk [tilespmem:v7+s3+$0x0], $0xffff  }
0x44: {  	v15 =	vor.u32 s6, v1;
	v16 =	vmov s28;
	v8 =	vld.idx.msk [tilespmem:v8+s3+$0x0], $0xffff;
	[tilespmem:s18+$0x180] =	vst v3  }
0x45: {  	s30 =	simm.s32 $0x5;
	v17 =	vor.u32 s25, v1;
	v18 =	vor.u32 s7, v1;
	v9 =	vld.idx.msk [tilespmem:v9+s3+$0x0], $0xffff;
	[tilespmem:s18+$0xFFFFFE80] =	vst v4  }
0x46: {  	v58 =	vor.u32 s26, v1;
	v19 =	vmov s30;
	s4 =	simm.s32 $0xD;
	s6 =	simm.s32 $0x1;
	[tilespmem:s18+$0xFFFFFF00] =	vst v5;
	v5 =	vld.idx.msk [tilespmem:v11+s3+$0x0], $0xffff  }
0x47: {  	s29 =	smov.u32 s31;
	v19 =	vshll.u32 v19, $0x3;
	v60 =	vmov s4;
	v61 =	vor.u32 s6, v0;
	s31 =	simm.s32 $0x9;
	[tilespmem:s18+$0xFFFFFE00] =	vst v6;
	v4 =	vld.idx.msk [tilespmem:v10+s3+$0x0], $0xffff  }
0x48: {  	v3 =	vshll.u32 v16, $0x3;
	v11 =	vand.u32 $0x7FFFFC00, v19;
	[tilespmem:s18+$0xFFFFFF80] =	vst v7;
	v10 =	vmov s31;
	v6 =	vld.idx.msk [tilespmem:v12+s3+$0x0], $0xffff  }
0x49: {  	v19 =	vshll.u32 v60, $0x3;
	[tilespmem:s18+$0x0] =	vst v8;
	v3 =	vand.u32 $0x7FFFFC00, v3;
	v14 =	vld.idx.msk [tilespmem:v14+s3+$0x0], $0xffff;
	v10 =	vshll.u32 v10, $0x3  }
0x4a: {  	s5 =	simm.s32 $0x11;
	[tilespmem:s18+$0x80] =	vst v9;
	v11 =	vadd.s32 s30, v11;
	v13 =	vld.idx.msk [tilespmem:v13+s3+$0x0], $0xffff;
	v3 =	vadd.s32 s28, v3;
	v10 =	vand.u32 $0x7FFFFC00, v10  }
0x4b: {  	v15 =	vld.idx.msk [tilespmem:v15+s3+$0x0], $0xffff;
	v59 =	vadd.s32 v0, v3;
	v7 =	vadd.s32 s31, v10;
	v10 =	vmov s5;
	[tilespmem:s18+$0x100] =	vst v5  }
0x4c: {  	v17 =	vld.idx.msk [tilespmem:v17+s3+$0x0], $0xffff;
	v8 =	vshll.u32 v10, $0x3;
	v10 =	vand.u32 $0x7FFFFC00, v19;
	v20 =	vadd.s32 v0, v7;
	[tilespmem:s18+$0x190] =	vst v4  }
0x4d: {  	s7 =	simm.s32 $0x15;
	v9 =	vadd.s32 s4, v10;
	v8 =	vand.u32 $0x7FFFFC00, v8;
	v10 =	vadd.s32 v0, v11;
	[tilespmem:s18+$0xFFFFFE90] =	vst v6;
	v6 =	vld.idx.msk [tilespmem:v18+s3+$0x0], $0xffff  }
0x4e: {  	s8 =	simm.s32 $0x19;
	[tilespmem:s18+$0xFFFFFE10] =	vst v14;
	v63 =	vld.idx.msk [tilespmem:v58+s3+$0x0], $0xffff;
	v4 =	vadd.s32 s5, v8;
	v8 =	vmov s7;
	v21 =	vadd.s32 v0, v9  }
0x4f: {  	v62 =	vmov s8;
	[tilespmem:s18+$0xFFFFFF10] =	vst v13;
	v25 =	vld.idx.msk [tilespmem:v61+s3+$0x0], $0xffff;
	v8 =	vshll.u32 v8, $0x3;
	v24 =	vadd.s32 v0, v4  }
0x50: {  	v30 =	vor.u32 s6, v1;
	v12 =	vshll.u32 v62, $0x3;
	[tilespmem:s18+$0xFFFFFF90] =	vst v15;
	v5 =	vld.idx.msk [tilespmem:v59+s3+$0x0], $0xffff;
	v8 =	vand.u32 $0x7FFFFC00, v8  }
0x51: {  	v12 =	vand.u32 $0x7FFFFC00, v12;
	v3 =	vadd.s32 v1, v3;
	[tilespmem:s18+$0x10] =	vst v17;
	v8 =	vadd.s32 s7, v8;
	v28 =	vld.idx.msk [tilespmem:v20+s3+$0x0], $0xffff  }
0x52: {  	v12 =	vadd.s32 s8, v12;
	v26 =	vadd.s32 v0, v8;
	v10 =	vld.idx.msk [tilespmem:v10+s3+$0x0], $0xffff;
	[tilespmem:s18+$0x90] =	vst v6  }
0x53: {  	s9 =	simm.s32 $0x1E;
	v27 =	vadd.s32 v0, v12;
	[tilespmem:s18+$0x110] =	vst v63;
	v21 =	vld.idx.msk [tilespmem:v21+s3+$0x0], $0xffff  }
0x54: {  	s10 =	simm.s32 $0x6;
	s12 =	simm.s32 $0xA;
	v29 =	vmov s9;
	v6 =	vadd.s32 v1, v7;
	v7 =	vadd.s32 v1, v9;
	[tilespmem:s18+$0xFFFFFE20] =	vst v25;
	v9 =	vld.idx.msk [tilespmem:v24+s3+$0x0], $0xffff  }
0x55: {  	s13 =	simm.s32 $0xE;
	v31 =	vmov s10;
	v32 =	vmov s12;
	v11 =	vadd.s32 v1, v11;
	[tilespmem:s18+$0x1A0] =	vst v5;
	v18 =	vld.idx.msk [tilespmem:v30+s3+$0x0], $0xffff  }
0x56: {  	v35 =	vmov s13;
	v33 =	vshll.u32 v31, $0x3;
	s14 =	simm.s32 $0x12;
	v5 =	vshll.u32 v29, $0x3;
	v3 =	vld.idx.msk [tilespmem:v3+s3+$0x0], $0xffff;
	[tilespmem:s18+$0xFFFFFF20] =	vst v28  }
0x57: {  	v36 =	vmov s14;
	s15 =	simm.s32 $0x2;
	v4 =	vadd.s32 v1, v4;
	v5 =	vand.u32 $0x7FFFFC00, v5;
	v13 =	vld.idx.msk [tilespmem:v26+s3+$0x0], $0xffff;
	[tilespmem:s18+$0xFFFFFEA0] =	vst v10  }
0x58: {  	v37 =	vshll.u32 v36, $0x3;
	v38 =	vor.u32 s15, v0;
	s19 =	simm.s32 $0x16;
	v5 =	vadd.s32 s9, v5;
	v10 =	vld.idx.msk [tilespmem:v27+s3+$0x0], $0xffff;
	[tilespmem:s18+$0xFFFFFFA0] =	vst v21  }
0x59: {  	v39 =	vmov s19;
	v14 =	vshll.u32 v32, $0x3;
	v34 =	vadd.s32 v0, v5;
	v6 =	vld.idx.msk [tilespmem:v6+s3+$0x0], $0xffff;
	[tilespmem:s18+$0x20] =	vst v9  }
0x5a: {  	v16 =	vand.u32 $0x7FFFFC00, v33;
	v14 =	vand.u32 $0x7FFFFC00, v14;
	v8 =	vadd.s32 v1, v8;
	v11 =	vld.idx.msk [tilespmem:v11+s3+$0x0], $0xffff;
	[tilespmem:s18+$0xFFFFFE30] =	vst v18  }
0x5b: {  	v12 =	vadd.s32 v1, v12;
	v15 =	vshll.u32 v35, $0x3;
	v14 =	vadd.s32 s12, v14;
	v7 =	vld.idx.msk [tilespmem:v7+s3+$0x0], $0xffff;
	[tilespmem:s18+$0x1B0] =	vst v3  }
0x5c: {  	v16 =	vadd.s32 s10, v16;
	v15 =	vand.u32 $0x7FFFFC00, v15;
	v43 =	vadd.s32 v0, v14;
	v4 =	vld.idx.msk [tilespmem:v4+s3+$0x0], $0xffff;
	[tilespmem:s18+$0xA0] =	vst v13  }
0x5d: {  	v40 =	vadd.s32 v0, v16;
	v3 =	vadd.s32 s13, v15;
	v15 =	vand.u32 $0x7FFFFC00, v37;
	v19 =	vld.idx.msk [tilespmem:v38+s3+$0x0], $0xffff;
	[tilespmem:s18+$0x120] =	vst v10  }
0x5e: {  	s20 =	simm.s32 $0x1A;
	v42 =	vshll.u32 v39, $0x3;
	v41 =	vadd.s32 s14, v15;
	v44 =	vadd.s32 v0, v3;
	v9 =	vld.idx.msk [tilespmem:v34+s3+$0x0], $0xffff;
	[tilespmem:s18+$0xFFFFFF30] =	vst v6  }
0x5f: {  	s21 =	simm.s32 $0x1F;
	v15 =	vand.u32 $0x7FFFFC00, v42;
	v10 =	vmov s20;
	v45 =	vadd.s32 v0, v41;
	v8 =	vld.idx.msk [tilespmem:v8+s3+$0x0], $0xffff;
	[tilespmem:s18+$0xFFFFFEB0] =	vst v11  }
0x60: {  	v5 =	vadd.s32 v1, v5;
	v15 =	vadd.s32 s19, v15;
	v6 =	vmov s21;
	v11 =	vld.idx.msk [tilespmem:v12+s3+$0x0], $0xffff;
	[tilespmem:s18+$0xFFFFFFB0] =	vst v7  }
0x61: {  	v10 =	vshll.u32 v10, $0x3;
	v46 =	vadd.s32 v0, v15;
	v6 =	vshll.u32 v6, $0x3;
	v17 =	vld.idx.msk [tilespmem:v43+s3+$0x0], $0xffff;
	[tilespmem:s18+$0x30] =	vst v4  }
0x62: {  	v10 =	vand.u32 $0x7FFFFC00, v10;
	v20 =	vld.idx.msk [tilespmem:v40+s3+$0x0], $0xffff;
	v6 =	vand.u32 $0x7FFFFC00, v6;
	v7 =	vor.u32 s15, v1;
	[tilespmem:s18+$0xFFFFFE40] =	vst v19  }
0x63: {  	v16 =	vadd.s32 v1, v16;
	v10 =	vadd.s32 s20, v10;
	v4 =	vadd.s32 s21, v6;
	v6 =	vld.idx.msk [tilespmem:v44+s3+$0x0], $0xffff;
	[tilespmem:s18+$0x1C0] =	vst v9  }
0x64: {  	v9 =	vadd.s32 v0, v10;
	v12 =	vld.idx.msk [tilespmem:v45+s3+$0x0], $0xffff;
	[tilespmem:s18+$0xB0] =	vst v8  }
0x65: {  	s22 =	simm.s32 $0x7;
	s23 =	simm.s32 $0xB;
	v3 =	vadd.s32 v1, v3;
	v5 =	vld.idx.msk [tilespmem:v5+s3+$0x0], $0xffff;
	[tilespmem:s18+$0x130] =	vst v11  }
0x66: {  	s26 =	simm.s32 $0x13;
	v47 =	vmov s22;
	v50 =	vmov s23;
	v8 =	vadd.s32 v0, v4;
	[tilespmem:s18+$0xFFFFFF40] =	vst v17;
	v49 =	vld.idx.msk [tilespmem:v46+s3+$0x0], $0xffff  }
0x67: {  	v51 =	vmov s26;
	v48 =	vshll.u32 v47, $0x3;
	s30 =	simm.s32 $0x17;
	s28 =	simm.s32 $0x3;
	v11 =	vadd.s32 v1, v14;
	[tilespmem:s18+$0xFFFFFEC0] =	vst v20;
	v7 =	vld.idx.msk [tilespmem:v7+s3+$0x0], $0xffff  }
0x68: {  	v53 =	vmov s30;
	v52 =	vor.u32 s28, v0;
	v13 =	vadd.s32 v1, v41;
	v16 =	vld.idx.msk [tilespmem:v16+s3+$0x0], $0xffff;
	[tilespmem:s18+$0xFFFFFFC0] =	vst v6  }
0x69: {  	v15 =	vadd.s32 v1, v15;
	v19 =	vshll.u32 v50, $0x3;
	v14 =	vand.u32 $0x7FFFFC00, v48;
	v9 =	vld.idx.msk [tilespmem:v9+s3+$0x0], $0xffff;
	[tilespmem:s18+$0x40] =	vst v12  }
0x6a: {  	s25 =	simm.s32 $0xF;
	v19 =	vand.u32 $0x7FFFFC00, v19;
	v10 =	vadd.s32 v1, v10;
	v14 =	vadd.s32 s22, v14;
	v3 =	vld.idx.msk [tilespmem:v3+s3+$0x0], $0xffff;
	[tilespmem:s18+$0x1D0] =	vst v5  }
0x6b: {  	v19 =	vadd.s32 s23, v19;
	v54 =	vadd.s32 v0, v14;
	v5 =	vmov s25;
	v8 =	vld.idx.msk [tilespmem:v8+s3+$0x0], $0xffff;
	[tilespmem:s18+$0xC0] =	vst v49  }
0x6c: {  	v4 =	vadd.s32 v1, v4;
	v17 =	vshll.u32 v53, $0x3;
	v11 =	vld.idx.msk [tilespmem:v11+s3+$0x0], $0xffff;
	v5 =	vshll.u32 v5, $0x3;
	[tilespmem:s18+$0xFFFFFE50] =	vst v7  }
0x6d: {  	s31 =	simm.s32 $0x1B;
	v55 =	vadd.s32 v0, v19;
	v6 =	vshll.u32 v51, $0x3;
	v13 =	vld.idx.msk [tilespmem:v13+s3+$0x0], $0xffff;
	v5 =	vand.u32 $0x7FFFFC00, v5;
	[tilespmem:s18+$0xFFFFFED0] =	vst v16  }
0x6e: {  	v6 =	vand.u32 $0x7FFFFC00, v6;
	v7 =	vld.idx.msk [tilespmem:v15+s3+$0x0], $0xffff;
	v5 =	vadd.s32 s25, v5;
	[tilespmem:s18+$0x140] =	vst v9;
	v9 =	vmov s31  }
0x6f: {  	v6 =	vadd.s32 s26, v6;
	v12 =	vld.idx.msk [tilespmem:v52+s3+$0x0], $0xffff;
	v57 =	vadd.s32 v0, v5;
	[tilespmem:s18+$0xFFFFFFD0] =	vst v3;
	v9 =	vshll.u32 v9, $0x3  }
0x70: {  	v56 =	vand.u32 $0x7FFFFC00, v17;
	v18 =	vld.idx.msk [tilespmem:v54+s3+$0x0], $0xffff;
	[tilespmem:s18+$0x1E0] =	vst v8;
	v8 =	vand.u32 $0x7FFFFC00, v9;
	v9 =	vadd.s32 v0, v6  }
0x71: {  	v15 =	vadd.s32 s30, v56;
	v3 =	vor.u32 s28, v1;
	v10 =	vld.idx.msk [tilespmem:v10+s3+$0x0], $0xffff;
	[tilespmem:s18+$0xFFFFFF50] =	vst v11  }
0x72: {  	v20 =	vld.idx.msk [tilespmem:v55+s3+$0x0], $0xffff;
	v58 =	vadd.s32 s31, v8;
	v8 =	vadd.s32 v0, v15  }
0x73: {  	[tilespmem:s18+$0x50] =	vst v13;
	v4 =	vld.idx.msk [tilespmem:v4+s3+$0x0], $0xffff;
	v59 =	vadd.s32 v0, v58  }
0x74: {  	v60 =	vadd.s32 v1, v14;
	[tilespmem:s18+$0xD0] =	vst v7;
	v61 =	vld.idx.msk [tilespmem:v57+s3+$0x0], $0xffff  }
0x75: {  	v7 =	vadd.s32 v1, v19;
	[tilespmem:s18+$0xFFFFFE60] =	vst v12;
	v62 =	vld.idx.msk [tilespmem:v9+s3+$0x0], $0xffff  }
0x76: {  	v63 =	vadd.s32 v1, v5;
	[tilespmem:s18+$0xFFFFFEE0] =	vst v18;
	v9 =	vld.idx.msk [tilespmem:v3+s3+$0x0], $0xffff  }
0x77: {  	v5 =	vadd.s32 v1, v6;
	[tilespmem:s18+$0x150] =	vst v10;
	v11 =	vld.idx.msk [tilespmem:v8+s3+$0x0], $0xffff  }
0x78: {  	[tilespmem:s18+$0x1F0] =	vst v4;
	v4 =	vadd.s32 v1, v15;
	v10 =	vld.idx.msk [tilespmem:v59+s3+$0x0], $0xffff  }
0x79: {  	[tilespmem:s18+$0xFFFFFF60] =	vst v20;
	v3 =	vadd.s32 v1, v58;
	v8 =	vld.idx.msk [tilespmem:v60+s3+$0x0], $0xffff  }
0x7a: {  	v7 =	vld.idx.msk [tilespmem:v7+s3+$0x0], $0xffff;
	[tilespmem:s18+$0xFFFFFFE0] =	vst v61  }
0x7b: {  	s6 =	simm.s32 $0x3F;
	s19 =	simm.s32 $0x0;
	v6 =	vld.idx.msk [tilespmem:v63+s3+$0x0], $0xffff;
	[tilespmem:s18+$0x60] =	vst v62  }
.LBB2_3:
0x7c: {  	s0 =	sadd.s32 $0xFFFFFFE5, s6;
	s10 =	sadd.s32 $0xFFFFFFFD, s6;
	s19 =	sadd.s32 $0x8, s19;
	v5 =	vld.idx.msk [tilespmem:v5+s3+$0x0], $0xffff;
	[tilespmem:s18+$0xE0] =	vst v11  }
0x7d: {  	s1 =	sadd.s32 $0xFFFFFFED, s6;
	v11 =	vor.u32 s0, v0;
	v12 =	vor.u32 s0, v1;
	s0 =	sadd.s32 $0xFFFFFFE9, s6;
	v13 =	vor.u32 s10, v0;
	p3 =	slt.u32 s19, $0x18;
	v4 =	vld.idx.msk [tilespmem:v4+s3+$0x0], $0xffff;
	[tilespmem:s18+$0x160] =	vst v10  }
0x7e: {  	s5 =	sadd.s32 $0xFFFFFFF1, s6;
	s7 =	sadd.s32 $0xFFFFFFF5, s6;
	s8 =	sadd.s32 $0xFFFFFFF9, s6;
	v15 =	vor.u32 s1, v0;
	v10 =	vor.u32 s0, v0;
	v14 =	vor.u32 s0, v1;
	[tilespmem:s18+$0xFFFFFE70] =	vst v9;
	v3 =	vld.idx.msk [tilespmem:v3+s3+$0x0], $0xffff  }
0x7f: {  	s2 =	sadd.s32 $0xFFFFFFE6, s6;
	s4 =	sadd.s32 $0xFFFFFFEA, s6;
	v16 =	vor.u32 s7, v0;
	v17 =	vor.u32 s8, v0;
	s0 =	sadd.s32 $0xFFFFFFE1, s6;
	v9 =	vor.u32 s5, v0;
	[tilespmem:s18+$0xFFFFFEF0] =	vst v8  }
0x80: {  	s15 =	sadd.s32 $0xFFFFFFEE, s6;
	s30 =	sadd.s32 $0xFFFFFFF6, s6;
	v19 =	vor.u32 s1, v1;
	s1 =	sadd.s32 $0xFFFFFFF2, s6;
	v8 =	vor.u32 s0, v0;
	v18 =	vor.u32 s0, v1;
	[tilespmem:s18+$0xFFFFFF70] =	vst v7  }
0x81: {  	s28 =	sadd.s32 $0xFFFFFFE2, s6;
	s9 =	sadd.s32 $0xFFFFFFFA, s6;
	v20 =	vor.u32 s7, v1;
	v21 =	vor.u32 s8, v1;
	s0 =	sadd.s32 $0xFFFFFFE7, s6;
	v7 =	vor.u32 s5, v1;
	[tilespmem:s18+$0xFFFFFFF0] =	vst v6  }
0x82: {  	s14 =	sadd.s32 $0xFFFFFFEB, s6;
	s25 =	sadd.s32 $0xFFFFFFEF, s6;
	v22 =	vmov s4;
	v23 =	vmov s15;
	s8 =	sadd.s32 $0xFFFFFFF3, s6;
	v6 =	vmov s2;
	v13 =	vld.idx.msk [tilespmem:v13+s3+$0x0], $0xffff  }
0x83: {  	s26 =	sadd.s32 $0xFFFFFFF7, s6;
	s13 =	sadd.s32 $0xFFFFFFFB, s6;
	v25 =	vmov s30;
	v26 =	vmov s9;
	v24 =	vmov s1;
	s5 =	sadd.s32 $0xFFFFFFE3, s6;
	v11 =	vld.idx.msk [tilespmem:v11+s3+$0x0], $0xffff  }
0x84: {  	s20 =	sadd.s32 $0xFFFFFFE8, s6;
	s23 =	sadd.s32 $0xFFFFFFEC, s6;
	s7 =	sadd.s32 $0xFFFFFFF0, s6;
	v27 =	vor.u32 s10, v1;
	v22 =	vshll.u32 v22, $0x3;
	v6 =	vshll.u32 v6, $0x3;
	v10 =	vld.idx.msk [tilespmem:v10+s3+$0x0], $0xffff;
	[tilespmem:s18+$0x70] =	vst v5  }
0x85: {  	s12 =	sadd.s32 $0xFFFFFFF8, s6;
	s22 =	sadd.s32 $0xFFFFFFFC, s6;
	s10 =	sadd.s32 $0xFFFFFFF4, s6;
	v5 =	vld.idx.msk [tilespmem:v8+s3+$0x0], $0xffff;
	v8 =	vshll.u32 v23, $0x3;
	v23 =	vshll.u32 v24, $0x3;
	v24 =	vshll.u32 v25, $0x3;
	[tilespmem:s18+$0xF0] =	vst v4  }
0x86: {  	s21 =	sadd.s32 $0xFFFFFFE4, s6;
	s31 =	sadd.s32 $0xFFFFFFFE, s6;
	v4 =	vand.u32 $0x7FFFFC00, v6;
	v6 =	vand.u32 $0x7FFFFC00, v22;
	v22 =	vshll.u32 v26, $0x3;
	v15 =	vld.idx.msk [tilespmem:v15+s3+$0x0], $0xffff;
	[tilespmem:s18+$0x170] =	vst v3  }
0x87: {  	v3 =	vand.u32 $0x7FFFFC00, v8;
	s18 =	sadd.s32 $0x400, s18;
	v8 =	vld.idx.msk [tilespmem:v9+s3+$0x0], $0xffff;
	v9 =	vand.u32 $0x7FFFFC00, v23;
	v23 =	vmov s31  }
0x88: {  	v24 =	vand.u32 $0x7FFFFC00, v24;
	v22 =	vand.u32 $0x7FFFFC00, v22;
	v16 =	vld.idx.msk [tilespmem:v16+s3+$0x0], $0xffff;
	[tilespmem:s18+$0x180] =	vst v13;
	v13 =	vshll.u32 v23, $0x3  }
0x89: {  	v4 =	vadd.s32 s2, v4;
	v6 =	vadd.s32 s4, v6;
	[tilespmem:s18+$0xFFFFFE80] =	vst v11;
	v11 =	vld.idx.msk [tilespmem:v27+s3+$0x0], $0xffff;
	v13 =	vand.u32 $0x7FFFFC00, v13  }
0x8a: {  	v3 =	vadd.s32 s15, v3;
	v23 =	vadd.s32 v0, v4;
	[tilespmem:s18+$0xFFFFFF00] =	vst v10;
	v10 =	vld.idx.msk [tilespmem:v17+s3+$0x0], $0xffff;
	v13 =	vadd.s32 s31, v13  }
0x8b: {  	v9 =	vadd.s32 s1, v9;
	[tilespmem:s18+$0xFFFFFE00] =	vst v5;
	v5 =	vld.idx.msk [tilespmem:v12+s3+$0x0], $0xffff;
	v12 =	vadd.s32 s30, v24;
	v17 =	vadd.s32 v0, v13  }
0x8c: {  	v22 =	vadd.s32 s9, v22;
	v24 =	vadd.s32 v0, v6;
	v18 =	vld.idx.msk [tilespmem:v18+s3+$0x0], $0xffff;
	[tilespmem:s18+$0xFFFFFF80] =	vst v15;
	v15 =	vadd.s32 v0, v3  }
0x8d: {  	v25 =	vor.u32 s28, v0;
	v26 =	vadd.s32 v0, v12;
	v14 =	vld.idx.msk [tilespmem:v14+s3+$0x0], $0xffff;
	[tilespmem:s18+$0x0] =	vst v8;
	v8 =	vadd.s32 v0, v9  }
0x8e: {  	v4 =	vadd.s32 v1, v4;
	v27 =	vor.u32 s28, v1;
	v19 =	vld.idx.msk [tilespmem:v19+s3+$0x0], $0xffff;
	[tilespmem:s18+$0x80] =	vst v16;
	v16 =	vadd.s32 v0, v22  }
0x8f: {  	v28 =	vmov s0;
	v6 =	vadd.s32 v1, v6;
	v3 =	vadd.s32 v1, v3;
	v7 =	vld.idx.msk [tilespmem:v7+s3+$0x0], $0xffff;
	[tilespmem:s18+$0x190] =	vst v11  }
0x90: {  	v12 =	vadd.s32 v1, v12;
	v9 =	vadd.s32 v1, v9;
	v11 =	vmov s14;
	[tilespmem:s18+$0x100] =	vst v10;
	v10 =	vld.idx.msk [tilespmem:v17+s3+$0x0], $0xffff  }
0x91: {  	v22 =	vadd.s32 v1, v22;
	v17 =	vmov s8;
	[tilespmem:s18+$0xFFFFFE90] =	vst v5;
	v5 =	vmov s25;
	v20 =	vld.idx.msk [tilespmem:v20+s3+$0x0], $0xffff  }
0x92: {  	v29 =	vmov s13;
	v13 =	vadd.s32 v1, v13;
	[tilespmem:s18+$0xFFFFFE10] =	vst v18;
	v18 =	vmov s26;
	v21 =	vld.idx.msk [tilespmem:v21+s3+$0x0], $0xffff  }
0x93: {  	v28 =	vshll.u32 v28, $0x3;
	v11 =	vshll.u32 v11, $0x3;
	v5 =	vshll.u32 v5, $0x3;
	v25 =	vld.idx.msk [tilespmem:v25+s3+$0x0], $0xffff;
	[tilespmem:s18+$0xFFFFFF10] =	vst v14  }
0x94: {  	s1 =	sadd.s32 $0xFFFFFFFF, s6;
	v17 =	vshll.u32 v17, $0x3;
	v18 =	vshll.u32 v18, $0x3;
	v14 =	vld.idx.msk [tilespmem:v23+s3+$0x0], $0xffff;
	[tilespmem:s18+$0xFFFFFF90] =	vst v19;
	v19 =	vshll.u32 v29, $0x3  }
0x95: {  	v11 =	vand.u32 $0x7FFFFC00, v11;
	v23 =	vand.u32 $0x7FFFFC00, v28;
	v24 =	vld.idx.msk [tilespmem:v24+s3+$0x0], $0xffff;
	[tilespmem:s18+$0x10] =	vst v7;
	v7 =	vmov s1  }
0x96: {  	v17 =	vand.u32 $0x7FFFFC00, v17;
	v5 =	vand.u32 $0x7FFFFC00, v5;
	v15 =	vld.idx.msk [tilespmem:v15+s3+$0x0], $0xffff;
	[tilespmem:s18+$0x1A0] =	vst v10;
	v7 =	vshll.u32 v7, $0x3  }
0x97: {  	v10 =	vand.u32 $0x7FFFFC00, v18;
	v18 =	vand.u32 $0x7FFFFC00, v19;
	[tilespmem:s18+$0x90] =	vst v20;
	v13 =	vld.idx.msk [tilespmem:v13+s3+$0x0], $0xffff;
	v7 =	vand.u32 $0x7FFFFC00, v7  }
0x98: {  	v19 =	vadd.s32 s0, v23;
	v8 =	vld.idx.msk [tilespmem:v8+s3+$0x0], $0xffff;
	[tilespmem:s18+$0x110] =	vst v21;
	v7 =	vadd.s32 s1, v7  }
0x99: {  	v11 =	vadd.s32 s14, v11;
	v5 =	vadd.s32 s25, v5;
	[tilespmem:s18+$0xFFFFFE20] =	vst v25;
	v20 =	vld.idx.msk [tilespmem:v26+s3+$0x0], $0xffff;
	v21 =	vadd.s32 v0, v7  }
0x9a: {  	v17 =	vadd.s32 s8, v17;
	v10 =	vadd.s32 s26, v10;
	[tilespmem:s18+$0xFFFFFEA0] =	vst v14;
	v14 =	vadd.s32 v0, v19;
	v16 =	vld.idx.msk [tilespmem:v16+s3+$0x0], $0xffff  }
0x9b: {  	v18 =	vadd.s32 s13, v18;
	v25 =	vadd.s32 v0, v5;
	v23 =	vld.idx.msk [tilespmem:v27+s3+$0x0], $0xffff;
	[tilespmem:s18+$0xFFFFFF20] =	vst v24;
	v24 =	vadd.s32 v0, v11  }
0x9c: {  	v26 =	vor.u32 s5, v0;
	v27 =	vadd.s32 v0, v10;
	v4 =	vld.idx.msk [tilespmem:v4+s3+$0x0], $0xffff;
	[tilespmem:s18+$0xFFFFFFA0] =	vst v15;
	v15 =	vadd.s32 v0, v17  }
0x9d: {  	v28 =	vor.u32 s5, v1;
	v29 =	vadd.s32 v0, v18;
	v19 =	vadd.s32 v1, v19;
	v6 =	vld.idx.msk [tilespmem:v6+s3+$0x0], $0xffff;
	[tilespmem:s18+$0x1B0] =	vst v13  }
0x9e: {  	v30 =	vadd.s32 v1, v5;
	v11 =	vadd.s32 v1, v11;
	v13 =	vmov s20;
	[tilespmem:s18+$0x20] =	vst v8;
	v5 =	vld.idx.msk [tilespmem:v21+s3+$0x0], $0xffff  }
0x9f: {  	v10 =	vadd.s32 v1, v10;
	v17 =	vadd.s32 v1, v17;
	v8 =	vmov s23;
	v3 =	vld.idx.msk [tilespmem:v3+s3+$0x0], $0xffff;
	[tilespmem:s18+$0xA0] =	vst v20  }
0xa0: {  	v7 =	vadd.s32 v1, v7;
	v20 =	vmov s7;
	v9 =	vld.idx.msk [tilespmem:v9+s3+$0x0], $0xffff;
	[tilespmem:s18+$0x120] =	vst v16;
	v16 =	vadd.s32 v1, v18  }
0xa1: {  	v13 =	vshll.u32 v13, $0x3;
	v21 =	vmov s12;
	v18 =	vmov s10;
	[tilespmem:s18+$0xFFFFFE30] =	vst v23;
	v12 =	vld.idx.msk [tilespmem:v12+s3+$0x0], $0xffff  }
0xa2: {  	[tilespmem:s18+$0xFFFFFEB0] =	vst v4;
	v4 =	vshll.u32 v8, $0x3;
	v8 =	vshll.u32 v20, $0x3;
	v20 =	vld.idx.msk [tilespmem:v22+s3+$0x0], $0xffff;
	v22 =	vmov s22  }
0xa3: {  	v23 =	vld.idx.msk [tilespmem:v26+s3+$0x0], $0xffff;
	[tilespmem:s18+$0xFFFFFF30] =	vst v6;
	v6 =	vshll.u32 v18, $0x3;
	v18 =	vshll.u32 v21, $0x3;
	v21 =	vmov s6  }
0xa4: {  	v13 =	vand.u32 $0x7FFFFC00, v13;
	v22 =	vshll.u32 v22, $0x3;
	v14 =	vld.idx.msk [tilespmem:v14+s3+$0x0], $0xffff;
	[tilespmem:s18+$0x1C0] =	vst v5;
	v5 =	vshll.u32 v21, $0x3  }
0xa5: {  	v4 =	vand.u32 $0x7FFFFC00, v4;
	[tilespmem:s18+$0xFFFFFFB0] =	vst v3;
	v3 =	vand.u32 $0x7FFFFC00, v8;
	v7 =	vld.idx.msk [tilespmem:v7+s3+$0x0], $0xffff;
	v5 =	vand.u32 $0x7FFFFC00, v5  }
0xa6: {  	v6 =	vand.u32 $0x7FFFFC00, v6;
	v8 =	vld.idx.msk [tilespmem:v24+s3+$0x0], $0xffff;
	[tilespmem:s18+$0x30] =	vst v9;
	v9 =	vand.u32 $0x7FFFFC00, v18;
	v18 =	vadd.s32 s6, v5  }
0xa7: {  	v5 =	vadd.s32 s20, v13;
	v13 =	vld.idx.msk [tilespmem:v25+s3+$0x0], $0xffff;
	[tilespmem:s18+$0xB0] =	vst v12;
	v12 =	vand.u32 $0x7FFFFC00, v22;
	v21 =	vadd.s32 v0, v18  }
0xa8: {  	v4 =	vadd.s32 s23, v4;
	v3 =	vadd.s32 s7, v3;
	v22 =	vadd.s32 v0, v5;
	v15 =	vld.idx.msk [tilespmem:v15+s3+$0x0], $0xffff;
	[tilespmem:s18+$0x130] =	vst v20  }
0xa9: {  	v6 =	vadd.s32 s10, v6;
	v9 =	vadd.s32 s12, v9;
	v20 =	vadd.s32 v0, v4;
	[tilespmem:s18+$0xFFFFFE40] =	vst v23;
	v23 =	vld.idx.msk [tilespmem:v27+s3+$0x0], $0xffff  }
0xaa: {  	v24 =	vadd.s32 v0, v6;
	v12 =	vadd.s32 s22, v12;
	[tilespmem:s18+$0xFFFFFEC0] =	vst v14;
	v14 =	vadd.s32 v0, v3;
	v25 =	vld.idx.msk [tilespmem:v29+s3+$0x0], $0xffff  }
0xab: {  	v27 =	vor.u32 s21, v0;
	v29 =	vadd.s32 v0, v12;
	v26 =	vld.idx.msk [tilespmem:v28+s3+$0x0], $0xffff;
	v28 =	vadd.s32 v0, v9;
	[tilespmem:s18+$0x1D0] =	vst v7  }
0xac: {  	v32 =	vadd.s32 v1, v4;
	v31 =	vadd.s32 v1, v5;
	v7 =	vor.u32 s21, v1;
	[tilespmem:s18+$0xFFFFFF40] =	vst v8;
	v8 =	vld.idx.msk [tilespmem:v21+s3+$0x0], $0xffff  }
0xad: {  	v5 =	vadd.s32 v1, v6;
	v19 =	vld.idx.msk [tilespmem:v19+s3+$0x0], $0xffff;
	[tilespmem:s18+$0xFFFFFFC0] =	vst v13;
	v13 =	vadd.s32 v1, v3  }
0xae: {  	v4 =	vadd.s32 v1, v9;
	v9 =	vadd.s32 v1, v18;
	v6 =	vld.idx.msk [tilespmem:v11+s3+$0x0], $0xffff;
	[tilespmem:s18+$0x40] =	vst v15  }
0xaf: {  	v3 =	vadd.s32 v1, v12;
	v11 =	vld.idx.msk [tilespmem:v30+s3+$0x0], $0xffff;
	[tilespmem:s18+$0xC0] =	vst v23  }
0xb0: {  	v12 =	vld.idx.msk [tilespmem:v17+s3+$0x0], $0xffff;
	[tilespmem:s18+$0x140] =	vst v25  }
0xb1: {  	[tilespmem:s18+$0xFFFFFE50] =	vst v26;
	v10 =	vld.idx.msk [tilespmem:v10+s3+$0x0], $0xffff  }
0xb2: {  	v15 =	vld.idx.msk [tilespmem:v16+s3+$0x0], $0xffff;
	[tilespmem:s18+$0x1E0] =	vst v8  }
0xb3: {  	[tilespmem:s18+$0xFFFFFED0] =	vst v19;
	v8 =	vld.idx.msk [tilespmem:v9+s3+$0x0], $0xffff  }
0xb4: {  	v9 =	vld.idx.msk [tilespmem:v27+s3+$0x0], $0xffff;
	[tilespmem:s18+$0xFFFFFF50] =	vst v6  }
0xb5: {  	v6 =	vld.idx.msk [tilespmem:v22+s3+$0x0], $0xffff;
	[tilespmem:s18+$0xFFFFFFD0] =	vst v11  }
0xb6: {  	v16 =	vld.idx.msk [tilespmem:v20+s3+$0x0], $0xffff;
	[tilespmem:s18+$0x50] =	vst v12  }
0xb7: {  	v12 =	vld.idx.msk [tilespmem:v14+s3+$0x0], $0xffff;
	[tilespmem:s18+$0xD0] =	vst v10  }
0xb8: {  	v14 =	vld.idx.msk [tilespmem:v24+s3+$0x0], $0xffff;
	[tilespmem:s18+$0x150] =	vst v15  }
0xb9: {  	v11 =	vld.idx.msk [tilespmem:v28+s3+$0x0], $0xffff;
	[tilespmem:s18+$0x1F0] =	vst v8  }
.Ltmp2:
0xba: {  	[tilespmem:s18+$0xFFFFFE60] =	vst v9;
	v10 =	vld.idx.msk [tilespmem:v29+s3+$0x0], $0xffff;
	(pc) =	sbr.rel @p3 .LBB2_3-.Ltmp2, $4  }
0xbb: {  	v9 =	vld.idx.msk [tilespmem:v7+s3+$0x0], $0xffff;
	[tilespmem:s18+$0xFFFFFEE0] =	vst v6  }
0xbc: {  	v8 =	vld.idx.msk [tilespmem:v31+s3+$0x0], $0xffff;
	[tilespmem:s18+$0xFFFFFF60] =	vst v16  }
0xbd: {  	v7 =	vld.idx.msk [tilespmem:v32+s3+$0x0], $0xffff;
	[tilespmem:s18+$0xFFFFFFE0] =	vst v12  }
0xbe: {  	s6 =	sadd.s32 $0x20, s6;
	v6 =	vld.idx.msk [tilespmem:v13+s3+$0x0], $0xffff;
	[tilespmem:s18+$0x60] =	vst v14  }
0xbf: {  	_ =	sdelay $0x2  }
0xc0: {  	[tilespmem:s18+$0xE0] =	vst v11  }
0xc1: {  	v5 =	vld.idx.msk [tilespmem:v5+s3+$0x0], $0xffff;
	[tilespmem:s18+$0x160] =	vst v10  }
0xc2: {  	v4 =	vld.idx.msk [tilespmem:v4+s3+$0x0], $0xffff;
	[tilespmem:s18+$0xFFFFFE70] =	vst v9  }
0xc3: {  	v3 =	vld.idx.msk [tilespmem:v3+s3+$0x0], $0xffff;
	[tilespmem:s18+$0xFFFFFEF0] =	vst v8  }
0xc4: {  	[tilespmem:s18+$0xFFFFFF70] =	vst v7  }
0xc5: {  	[tilespmem:s18+$0xFFFFFFF0] =	vst v6  }
0xc6: {  	[tilespmem:s18+$0x70] =	vst v5  }
0xc7: {  	[tilespmem:s18+$0xF0] =	vst v4  }
0xc8: {  	[tilespmem:s18+$0x170] =	vst v3  }
0xc9: {  	s0 =	sshll.u32 s17, $0x9;
	s1 =	rddreg [dreg:$0x3]  }
0xca: {  	s20 =	simm.s32 $0x4000;
	p3 =	seq.s32 s16, $0x79;
	s0 =	sadd.s32 s1, s0  }
0xcb: {  	[hbm4b:s0+s3] =	stream.linear.scatter [tilespmem:s20], [sflag:$0x3], $0x1000, $0x38;
	[tilespmem:$0x7800] =	vst v63  }
0xcc: {  	s0 =	sshll.u32 @!p3 s17, $0x7  }
0xcd: {  	s0 =	sand.u32 @!p3 $0x1FFFFF80, s0  }
0xce: {  	s0 =	sadd.s32 @!p3 s29, s0  }
0xcf: {  	s2 =	simm.s32 @!p3 $0x0;
	s1 =	sadd.s32 @!p3 $0x100, s0  }
0xd0: {  	[tilespmem:s2], [sflag:$0x1] =	stream.linear.gather @!p3 [hbm4b:s1+s2], $0x400, $0x38;
	[tilespmem:$0x7800] =	vst v63  }
0xd1: {  	s4 =	simm.s32 @!p3 $0x800;
	s1 =	sadd.s32 @!p3 $0xF4380, s0  }
0xd2: {  	[tilespmem:s4], [sflag:$0x1] =	stream.linear.gather @!p3 [hbm4b:s1+s2], $0x400, $0x38;
	[tilespmem:$0x7800] =	vst v63  }
0xd3: {  	s1 =	sadd.s32 @!p3 $0x1E8600, s0;
	s4 =	simm.s32 @!p3 $0x1000  }
0xd4: {  	[tilespmem:s4], [sflag:$0x1] =	stream.linear.gather @!p3 [hbm4b:s1+s2], $0x400, $0x38;
	[tilespmem:$0x7800] =	vst v63  }
0xd5: {  	s21 =	simm.s32 $0x2;
	s0 =	sadd.s32 @!p3 $0x2DC880, s0;
	s1 =	simm.s32 @!p3 $0x1800  }
0xd6: {  	[tilespmem:s1], [sflag:$0x1] =	stream.linear.gather @!p3 [hbm4b:s0+s2], $0x400, $0x38;
	[tilespmem:$0x7800] =	vst v63  }
0xd7: {  	_ =	swait.ge [sflag:s21], $0x400  }
0xd8: {  	[sflag:s21] =	ssyncset.done $0x0  }
0xd9: {  	[sflag:s21] =	ssyncadd.s32 $0xFFFFFC00  }
0xda: {  	_ =	swait.ge [sflag:s21], $0x400  }
0xdb: {  	[sflag:s21] =	ssyncset.done $0x0  }
0xdc: {  	[sflag:s21] =	ssyncadd.s32 $0xFFFFFC00  }
0xdd: {  	_ =	swait.ge [sflag:s21], $0x400  }
0xde: {  	[sflag:s21] =	ssyncset.done $0x0  }
0xdf: {  	[sflag:s21] =	ssyncadd.s32 $0xFFFFFC00  }
0xe0: {  	s22 =	simm.s32 $0x1C;
	_ =	swait.ge [sflag:s21], $0x400  }
0xe1: {  	s23 =	simm.s32 $0x4;
	v3 =	vor.u32 s22, v0;
	[sflag:s21] =	ssyncset.done $0x0  }
0xe2: {  	s25 =	simm.s32 $0x8;
	v4 =	vor.u32 s23, v0;
	s2 =	simm.s32 @!p2 $0x4;
	[sflag:s21] =	ssyncadd.s32 $0xFFFFFC00  }
0xe3: {  	s5 =	simm.s32 $0x0;
	v5 =	vor.u32 s25, v0;
	_ =	swait.ge @!p2 [sflag:s2], $0x1000  }
0xe4: {  	s6 =	simm.s32 $0xC;
	v6 =	vor.u32 s5, v0;
	[sflag:s2] =	ssyncset.done @!p2 $0x0  }
0xe5: {  	s26 =	simm.s32 $0x10;
	v7 =	vor.u32 s6, v0;
	[sflag:s2] =	ssyncadd.s32 @!p2 $0xFFFFF000  }
0xe6: {  	s7 =	simm.s32 $0x14;
	v8 =	vor.u32 s26, v0;
	v3 =	vld.idx.msk [tilespmem:v3+s24+$0x0], $0xffff  }
0xe7: {  	s28 =	simm.s32 $0x18;
	v9 =	vor.u32 s7, v0;
	v4 =	vld.idx.msk [tilespmem:v4+s24+$0x0], $0xffff  }
0xe8: {  	v11 =	vor.u32 s28, v0;
	v5 =	vld.idx.msk [tilespmem:v5+s24+$0x0], $0xffff  }
0xe9: {  	v10 =	vor.u32 s22, v1;
	v6 =	vld.idx.msk [tilespmem:v6+s24+$0x0], $0xffff  }
0xea: {  	v12 =	vor.u32 s23, v1;
	v13 =	vor.u32 s25, v1;
	v14 =	vor.u32 s5, v1;
	s17 =	simm.s32 $0x5200;
	v7 =	vld.idx.msk [tilespmem:v7+s24+$0x0], $0xffff  }
0xeb: {  	v15 =	vor.u32 s6, v1;
	v17 =	vor.u32 s26, v1;
	v8 =	vld.idx.msk [tilespmem:v8+s24+$0x0], $0xffff;
	[tilespmem:s17+$0x180] =	vst v3  }
0xec: {  	s30 =	simm.s32 $0x5;
	v18 =	vor.u32 s7, v1;
	v58 =	vor.u32 s28, v1;
	s7 =	simm.s32 $0x1;
	v9 =	vld.idx.msk [tilespmem:v9+s24+$0x0], $0xffff;
	[tilespmem:s17+$0xFFFFFE80] =	vst v4  }
0xed: {  	s31 =	smov.u32 s29;
	v19 =	vmov s30;
	v61 =	vor.u32 s7, v0;
	s5 =	simm.s32 $0xD;
	s29 =	simm.s32 $0x1D;
	[tilespmem:s17+$0xFFFFFF00] =	vst v5;
	v5 =	vld.idx.msk [tilespmem:v11+s24+$0x0], $0xffff  }
0xee: {  	v19 =	vshll.u32 v19, $0x3;
	v60 =	vmov s5;
	v16 =	vmov s29;
	s4 =	simm.s32 $0x9;
	[tilespmem:s17+$0xFFFFFE00] =	vst v6;
	v4 =	vld.idx.msk [tilespmem:v10+s24+$0x0], $0xffff  }
0xef: {  	v3 =	vshll.u32 v16, $0x3;
	v11 =	vand.u32 $0x7FFFFC00, v19;
	[tilespmem:s17+$0xFFFFFF80] =	vst v7;
	v10 =	vmov s4;
	v6 =	vld.idx.msk [tilespmem:v12+s24+$0x0], $0xffff  }
0xf0: {  	v19 =	vshll.u32 v60, $0x3;
	[tilespmem:s17+$0x0] =	vst v8;
	v3 =	vand.u32 $0x7FFFFC00, v3;
	v14 =	vld.idx.msk [tilespmem:v14+s24+$0x0], $0xffff;
	v10 =	vshll.u32 v10, $0x3  }
0xf1: {  	s6 =	simm.s32 $0x11;
	[tilespmem:s17+$0x80] =	vst v9;
	v11 =	vadd.s32 s30, v11;
	v13 =	vld.idx.msk [tilespmem:v13+s24+$0x0], $0xffff;
	v3 =	vadd.s32 s29, v3;
	v10 =	vand.u32 $0x7FFFFC00, v10  }
0xf2: {  	v15 =	vld.idx.msk [tilespmem:v15+s24+$0x0], $0xffff;
	v59 =	vadd.s32 v0, v3;
	v7 =	vadd.s32 s4, v10;
	v10 =	vmov s6;
	[tilespmem:s17+$0x100] =	vst v5  }
0xf3: {  	v17 =	vld.idx.msk [tilespmem:v17+s24+$0x0], $0xffff;
	v8 =	vshll.u32 v10, $0x3;
	v10 =	vand.u32 $0x7FFFFC00, v19;
	v20 =	vadd.s32 v0, v7;
	[tilespmem:s17+$0x190] =	vst v4  }
0xf4: {  	s8 =	simm.s32 $0x15;
	v9 =	vadd.s32 s5, v10;
	v8 =	vand.u32 $0x7FFFFC00, v8;
	v10 =	vadd.s32 v0, v11;
	[tilespmem:s17+$0xFFFFFE90] =	vst v6;
	v6 =	vld.idx.msk [tilespmem:v18+s24+$0x0], $0xffff  }
0xf5: {  	s9 =	simm.s32 $0x19;
	[tilespmem:s17+$0xFFFFFE10] =	vst v14;
	v63 =	vld.idx.msk [tilespmem:v58+s24+$0x0], $0xffff;
	v4 =	vadd.s32 s6, v8;
	v8 =	vmov s8;
	v21 =	vadd.s32 v0, v9  }
0xf6: {  	v62 =	vmov s9;
	[tilespmem:s17+$0xFFFFFF10] =	vst v13;
	v25 =	vld.idx.msk [tilespmem:v61+s24+$0x0], $0xffff;
	v8 =	vshll.u32 v8, $0x3;
	v24 =	vadd.s32 v0, v4  }
0xf7: {  	v30 =	vor.u32 s7, v1;
	v12 =	vshll.u32 v62, $0x3;
	[tilespmem:s17+$0xFFFFFF90] =	vst v15;
	v5 =	vld.idx.msk [tilespmem:v59+s24+$0x0], $0xffff;
	v8 =	vand.u32 $0x7FFFFC00, v8  }
0xf8: {  	v12 =	vand.u32 $0x7FFFFC00, v12;
	v3 =	vadd.s32 v1, v3;
	[tilespmem:s17+$0x10] =	vst v17;
	v8 =	vadd.s32 s8, v8;
	v28 =	vld.idx.msk [tilespmem:v20+s24+$0x0], $0xffff  }
0xf9: {  	v12 =	vadd.s32 s9, v12;
	v26 =	vadd.s32 v0, v8;
	v10 =	vld.idx.msk [tilespmem:v10+s24+$0x0], $0xffff;
	[tilespmem:s17+$0x90] =	vst v6  }
0xfa: {  	s10 =	simm.s32 $0x1E;
	v27 =	vadd.s32 v0, v12;
	[tilespmem:s17+$0x110] =	vst v63;
	v21 =	vld.idx.msk [tilespmem:v21+s24+$0x0], $0xffff  }
0xfb: {  	s12 =	simm.s32 $0x6;
	s13 =	simm.s32 $0xA;
	v29 =	vmov s10;
	v6 =	vadd.s32 v1, v7;
	v7 =	vadd.s32 v1, v9;
	[tilespmem:s17+$0xFFFFFE20] =	vst v25;
	v9 =	vld.idx.msk [tilespmem:v24+s24+$0x0], $0xffff  }
0xfc: {  	s14 =	simm.s32 $0xE;
	s15 =	simm.s32 $0x12;
	v31 =	vmov s12;
	v32 =	vmov s13;
	v11 =	vadd.s32 v1, v11;
	[tilespmem:s17+$0x1A0] =	vst v5;
	v18 =	vld.idx.msk [tilespmem:v30+s24+$0x0], $0xffff  }
0xfd: {  	s19 =	simm.s32 $0x16;
	v35 =	vmov s14;
	v36 =	vmov s15;
	v5 =	vshll.u32 v29, $0x3;
	v3 =	vld.idx.msk [tilespmem:v3+s24+$0x0], $0xffff;
	[tilespmem:s17+$0xFFFFFF20] =	vst v28  }
0xfe: {  	v39 =	vmov s19;
	s18 =	simm.s32 $0x2;
	v4 =	vadd.s32 v1, v4;
	v5 =	vand.u32 $0x7FFFFC00, v5;
	v13 =	vld.idx.msk [tilespmem:v26+s24+$0x0], $0xffff;
	[tilespmem:s17+$0xFFFFFEA0] =	vst v10  }
0xff: {  	v33 =	vshll.u32 v31, $0x3;
	v38 =	vor.u32 s18, v0;
	v5 =	vadd.s32 s10, v5;
	v10 =	vld.idx.msk [tilespmem:v27+s24+$0x0], $0xffff;
	[tilespmem:s17+$0xFFFFFFA0] =	vst v21  }
0x100: {  	v37 =	vshll.u32 v36, $0x3;
	v14 =	vshll.u32 v32, $0x3;
	v34 =	vadd.s32 v0, v5;
	v6 =	vld.idx.msk [tilespmem:v6+s24+$0x0], $0xffff;
	[tilespmem:s17+$0x20] =	vst v9  }
0x101: {  	v16 =	vand.u32 $0x7FFFFC00, v33;
	v14 =	vand.u32 $0x7FFFFC00, v14;
	v8 =	vadd.s32 v1, v8;
	v11 =	vld.idx.msk [tilespmem:v11+s24+$0x0], $0xffff;
	[tilespmem:s17+$0xFFFFFE30] =	vst v18  }
0x102: {  	v12 =	vadd.s32 v1, v12;
	v15 =	vshll.u32 v35, $0x3;
	v14 =	vadd.s32 s13, v14;
	v7 =	vld.idx.msk [tilespmem:v7+s24+$0x0], $0xffff;
	[tilespmem:s17+$0x1B0] =	vst v3  }
0x103: {  	v16 =	vadd.s32 s12, v16;
	v15 =	vand.u32 $0x7FFFFC00, v15;
	v43 =	vadd.s32 v0, v14;
	v4 =	vld.idx.msk [tilespmem:v4+s24+$0x0], $0xffff;
	[tilespmem:s17+$0xA0] =	vst v13  }
0x104: {  	v40 =	vadd.s32 v0, v16;
	v3 =	vadd.s32 s14, v15;
	v15 =	vand.u32 $0x7FFFFC00, v37;
	v19 =	vld.idx.msk [tilespmem:v38+s24+$0x0], $0xffff;
	[tilespmem:s17+$0x120] =	vst v10  }
0x105: {  	v42 =	vshll.u32 v39, $0x3;
	s20 =	simm.s32 $0x1A;
	v41 =	vadd.s32 s15, v15;
	v44 =	vadd.s32 v0, v3;
	v9 =	vld.idx.msk [tilespmem:v34+s24+$0x0], $0xffff;
	[tilespmem:s17+$0xFFFFFF30] =	vst v6  }
0x106: {  	s21 =	simm.s32 $0x1F;
	v15 =	vand.u32 $0x7FFFFC00, v42;
	v10 =	vmov s20;
	v45 =	vadd.s32 v0, v41;
	v8 =	vld.idx.msk [tilespmem:v8+s24+$0x0], $0xffff;
	[tilespmem:s17+$0xFFFFFEB0] =	vst v11  }
0x107: {  	v5 =	vadd.s32 v1, v5;
	v15 =	vadd.s32 s19, v15;
	v6 =	vmov s21;
	v11 =	vld.idx.msk [tilespmem:v12+s24+$0x0], $0xffff;
	[tilespmem:s17+$0xFFFFFFB0] =	vst v7  }
0x108: {  	v10 =	vshll.u32 v10, $0x3;
	v46 =	vadd.s32 v0, v15;
	v6 =	vshll.u32 v6, $0x3;
	v17 =	vld.idx.msk [tilespmem:v43+s24+$0x0], $0xffff;
	[tilespmem:s17+$0x30] =	vst v4  }
0x109: {  	v10 =	vand.u32 $0x7FFFFC00, v10;
	v20 =	vld.idx.msk [tilespmem:v40+s24+$0x0], $0xffff;
	v6 =	vand.u32 $0x7FFFFC00, v6;
	v7 =	vor.u32 s18, v1;
	[tilespmem:s17+$0xFFFFFE40] =	vst v19  }
0x10a: {  	v16 =	vadd.s32 v1, v16;
	v10 =	vadd.s32 s20, v10;
	v4 =	vadd.s32 s21, v6;
	v6 =	vld.idx.msk [tilespmem:v44+s24+$0x0], $0xffff;
	[tilespmem:s17+$0x1C0] =	vst v9  }
0x10b: {  	v9 =	vadd.s32 v0, v10;
	v12 =	vld.idx.msk [tilespmem:v45+s24+$0x0], $0xffff;
	[tilespmem:s17+$0xB0] =	vst v8  }
0x10c: {  	s28 =	simm.s32 $0x3;
	s26 =	simm.s32 $0x13;
	v3 =	vadd.s32 v1, v3;
	v5 =	vld.idx.msk [tilespmem:v5+s24+$0x0], $0xffff;
	[tilespmem:s17+$0x130] =	vst v11  }
0x10d: {  	v52 =	vor.u32 s28, v0;
	v51 =	vmov s26;
	s22 =	simm.s32 $0x7;
	s23 =	simm.s32 $0xB;
	v8 =	vadd.s32 v0, v4;
	[tilespmem:s17+$0xFFFFFF40] =	vst v17;
	v49 =	vld.idx.msk [tilespmem:v46+s24+$0x0], $0xffff  }
0x10e: {  	v47 =	vmov s22;
	v50 =	vmov s23;
	s29 =	simm.s32 $0x17;
	v11 =	vadd.s32 v1, v14;
	[tilespmem:s17+$0xFFFFFEC0] =	vst v20;
	v7 =	vld.idx.msk [tilespmem:v7+s24+$0x0], $0xffff  }
0x10f: {  	v48 =	vshll.u32 v47, $0x3;
	v53 =	vmov s29;
	v13 =	vadd.s32 v1, v41;
	v16 =	vld.idx.msk [tilespmem:v16+s24+$0x0], $0xffff;
	[tilespmem:s17+$0xFFFFFFC0] =	vst v6  }
0x110: {  	v15 =	vadd.s32 v1, v15;
	v19 =	vshll.u32 v50, $0x3;
	v14 =	vand.u32 $0x7FFFFC00, v48;
	v9 =	vld.idx.msk [tilespmem:v9+s24+$0x0], $0xffff;
	[tilespmem:s17+$0x40] =	vst v12  }
0x111: {  	s25 =	simm.s32 $0xF;
	v19 =	vand.u32 $0x7FFFFC00, v19;
	v10 =	vadd.s32 v1, v10;
	v14 =	vadd.s32 s22, v14;
	v3 =	vld.idx.msk [tilespmem:v3+s24+$0x0], $0xffff;
	[tilespmem:s17+$0x1D0] =	vst v5  }
0x112: {  	v19 =	vadd.s32 s23, v19;
	v54 =	vadd.s32 v0, v14;
	v5 =	vmov s25;
	v8 =	vld.idx.msk [tilespmem:v8+s24+$0x0], $0xffff;
	[tilespmem:s17+$0xC0] =	vst v49  }
0x113: {  	v4 =	vadd.s32 v1, v4;
	v17 =	vshll.u32 v53, $0x3;
	v11 =	vld.idx.msk [tilespmem:v11+s24+$0x0], $0xffff;
	v5 =	vshll.u32 v5, $0x3;
	[tilespmem:s17+$0xFFFFFE50] =	vst v7  }
0x114: {  	s30 =	simm.s32 $0x1B;
	v55 =	vadd.s32 v0, v19;
	v6 =	vshll.u32 v51, $0x3;
	v13 =	vld.idx.msk [tilespmem:v13+s24+$0x0], $0xffff;
	v5 =	vand.u32 $0x7FFFFC00, v5;
	[tilespmem:s17+$0xFFFFFED0] =	vst v16  }
0x115: {  	v6 =	vand.u32 $0x7FFFFC00, v6;
	v7 =	vld.idx.msk [tilespmem:v15+s24+$0x0], $0xffff;
	v5 =	vadd.s32 s25, v5;
	[tilespmem:s17+$0x140] =	vst v9;
	v9 =	vmov s30  }
0x116: {  	v6 =	vadd.s32 s26, v6;
	v12 =	vld.idx.msk [tilespmem:v52+s24+$0x0], $0xffff;
	v57 =	vadd.s32 v0, v5;
	[tilespmem:s17+$0xFFFFFFD0] =	vst v3;
	v9 =	vshll.u32 v9, $0x3  }
0x117: {  	v56 =	vand.u32 $0x7FFFFC00, v17;
	v18 =	vld.idx.msk [tilespmem:v54+s24+$0x0], $0xffff;
	[tilespmem:s17+$0x1E0] =	vst v8;
	v8 =	vand.u32 $0x7FFFFC00, v9;
	v9 =	vadd.s32 v0, v6  }
0x118: {  	v15 =	vadd.s32 s29, v56;
	v3 =	vor.u32 s28, v1;
	v10 =	vld.idx.msk [tilespmem:v10+s24+$0x0], $0xffff;
	[tilespmem:s17+$0xFFFFFF50] =	vst v11  }
0x119: {  	v20 =	vld.idx.msk [tilespmem:v55+s24+$0x0], $0xffff;
	v58 =	vadd.s32 s30, v8;
	v8 =	vadd.s32 v0, v15  }
0x11a: {  	[tilespmem:s17+$0x50] =	vst v13;
	v4 =	vld.idx.msk [tilespmem:v4+s24+$0x0], $0xffff;
	v59 =	vadd.s32 v0, v58  }
0x11b: {  	v60 =	vadd.s32 v1, v14;
	[tilespmem:s17+$0xD0] =	vst v7;
	v61 =	vld.idx.msk [tilespmem:v57+s24+$0x0], $0xffff  }
0x11c: {  	v7 =	vadd.s32 v1, v19;
	[tilespmem:s17+$0xFFFFFE60] =	vst v12;
	v62 =	vld.idx.msk [tilespmem:v9+s24+$0x0], $0xffff  }
0x11d: {  	v63 =	vadd.s32 v1, v5;
	[tilespmem:s17+$0xFFFFFEE0] =	vst v18;
	v9 =	vld.idx.msk [tilespmem:v3+s24+$0x0], $0xffff  }
0x11e: {  	v5 =	vadd.s32 v1, v6;
	[tilespmem:s17+$0x150] =	vst v10;
	v11 =	vld.idx.msk [tilespmem:v8+s24+$0x0], $0xffff  }
0x11f: {  	[tilespmem:s17+$0x1F0] =	vst v4;
	v4 =	vadd.s32 v1, v15;
	v10 =	vld.idx.msk [tilespmem:v59+s24+$0x0], $0xffff  }
0x120: {  	[tilespmem:s17+$0xFFFFFF60] =	vst v20;
	v3 =	vadd.s32 v1, v58;
	v8 =	vld.idx.msk [tilespmem:v60+s24+$0x0], $0xffff  }
0x121: {  	v6 =	vld.idx.msk [tilespmem:v7+s24+$0x0], $0xffff;
	[tilespmem:s17+$0xFFFFFFE0] =	vst v61  }
0x122: {  	s16 =	sadd.s32 $0x1, s16;
	s6 =	simm.s32 $0x3F;
	s18 =	simm.s32 $0x0;
	v7 =	vld.idx.msk [tilespmem:v63+s24+$0x0], $0xffff;
	[tilespmem:s17+$0x60] =	vst v62  }
.LBB2_5:
0x123: {  	s0 =	sadd.s32 $0xFFFFFFE5, s6;
	s10 =	sadd.s32 $0xFFFFFFFD, s6;
	s18 =	sadd.s32 $0x8, s18;
	v5 =	vld.idx.msk [tilespmem:v5+s24+$0x0], $0xffff;
	[tilespmem:s17+$0xE0] =	vst v11  }
0x124: {  	s1 =	sadd.s32 $0xFFFFFFED, s6;
	v11 =	vor.u32 s0, v0;
	v12 =	vor.u32 s0, v1;
	s0 =	sadd.s32 $0xFFFFFFE9, s6;
	v13 =	vor.u32 s10, v0;
	p2 =	slt.u32 s18, $0x18;
	v4 =	vld.idx.msk [tilespmem:v4+s24+$0x0], $0xffff;
	[tilespmem:s17+$0x160] =	vst v10  }
0x125: {  	s5 =	sadd.s32 $0xFFFFFFF1, s6;
	s7 =	sadd.s32 $0xFFFFFFF5, s6;
	s8 =	sadd.s32 $0xFFFFFFF9, s6;
	v15 =	vor.u32 s1, v0;
	v10 =	vor.u32 s0, v0;
	v14 =	vor.u32 s0, v1;
	[tilespmem:s17+$0xFFFFFE70] =	vst v9;
	v3 =	vld.idx.msk [tilespmem:v3+s24+$0x0], $0xffff  }
0x126: {  	s2 =	sadd.s32 $0xFFFFFFE6, s6;
	s4 =	sadd.s32 $0xFFFFFFEA, s6;
	v16 =	vor.u32 s7, v0;
	v17 =	vor.u32 s8, v0;
	s0 =	sadd.s32 $0xFFFFFFE1, s6;
	v9 =	vor.u32 s5, v0;
	[tilespmem:s17+$0xFFFFFEF0] =	vst v8  }
0x127: {  	s15 =	sadd.s32 $0xFFFFFFEE, s6;
	s28 =	sadd.s32 $0xFFFFFFF6, s6;
	v19 =	vor.u32 s1, v1;
	s1 =	sadd.s32 $0xFFFFFFF2, s6;
	v8 =	vor.u32 s0, v0;
	v18 =	vor.u32 s0, v1;
	[tilespmem:s17+$0xFFFFFF70] =	vst v6  }
0x128: {  	s26 =	sadd.s32 $0xFFFFFFE2, s6;
	s9 =	sadd.s32 $0xFFFFFFFA, s6;
	v20 =	vor.u32 s7, v1;
	v21 =	vor.u32 s8, v1;
	s0 =	sadd.s32 $0xFFFFFFE7, s6;
	v6 =	vor.u32 s5, v1;
	[tilespmem:s17+$0xFFFFFFF0] =	vst v7  }
0x129: {  	s14 =	sadd.s32 $0xFFFFFFEB, s6;
	s23 =	sadd.s32 $0xFFFFFFEF, s6;
	v22 =	vmov s4;
	v23 =	vmov s15;
	s8 =	sadd.s32 $0xFFFFFFF3, s6;
	v7 =	vmov s2;
	v13 =	vld.idx.msk [tilespmem:v13+s24+$0x0], $0xffff  }
0x12a: {  	s25 =	sadd.s32 $0xFFFFFFF7, s6;
	s13 =	sadd.s32 $0xFFFFFFFB, s6;
	v25 =	vmov s28;
	v26 =	vmov s9;
	v24 =	vmov s1;
	s5 =	sadd.s32 $0xFFFFFFE3, s6;
	v11 =	vld.idx.msk [tilespmem:v11+s24+$0x0], $0xffff  }
0x12b: {  	s20 =	sadd.s32 $0xFFFFFFE8, s6;
	s22 =	sadd.s32 $0xFFFFFFF0, s6;
	s7 =	sadd.s32 $0xFFFFFFEC, s6;
	v27 =	vor.u32 s10, v1;
	v22 =	vshll.u32 v22, $0x3;
	v7 =	vshll.u32 v7, $0x3;
	v10 =	vld.idx.msk [tilespmem:v10+s24+$0x0], $0xffff;
	[tilespmem:s17+$0x70] =	vst v5  }
0x12c: {  	s12 =	sadd.s32 $0xFFFFFFF8, s6;
	s21 =	sadd.s32 $0xFFFFFFFC, s6;
	s10 =	sadd.s32 $0xFFFFFFF4, s6;
	v5 =	vld.idx.msk [tilespmem:v8+s24+$0x0], $0xffff;
	v8 =	vshll.u32 v23, $0x3;
	v23 =	vshll.u32 v24, $0x3;
	v24 =	vshll.u32 v25, $0x3;
	[tilespmem:s17+$0xF0] =	vst v4  }
0x12d: {  	s19 =	sadd.s32 $0xFFFFFFE4, s6;
	s30 =	sadd.s32 $0xFFFFFFFE, s6;
	v4 =	vand.u32 $0x7FFFFC00, v7;
	v7 =	vand.u32 $0x7FFFFC00, v22;
	v22 =	vshll.u32 v26, $0x3;
	v15 =	vld.idx.msk [tilespmem:v15+s24+$0x0], $0xffff;
	[tilespmem:s17+$0x170] =	vst v3  }
0x12e: {  	v3 =	vand.u32 $0x7FFFFC00, v8;
	s17 =	sadd.s32 $0x400, s17;
	v8 =	vld.idx.msk [tilespmem:v9+s24+$0x0], $0xffff;
	v9 =	vand.u32 $0x7FFFFC00, v23;
	v23 =	vmov s30  }
0x12f: {  	v24 =	vand.u32 $0x7FFFFC00, v24;
	v22 =	vand.u32 $0x7FFFFC00, v22;
	v16 =	vld.idx.msk [tilespmem:v16+s24+$0x0], $0xffff;
	[tilespmem:s17+$0x180] =	vst v13;
	v13 =	vshll.u32 v23, $0x3  }
0x130: {  	v4 =	vadd.s32 s2, v4;
	v7 =	vadd.s32 s4, v7;
	[tilespmem:s17+$0xFFFFFE80] =	vst v11;
	v11 =	vld.idx.msk [tilespmem:v27+s24+$0x0], $0xffff;
	v13 =	vand.u32 $0x7FFFFC00, v13  }
0x131: {  	v3 =	vadd.s32 s15, v3;
	v23 =	vadd.s32 v0, v4;
	[tilespmem:s17+$0xFFFFFF00] =	vst v10;
	v10 =	vld.idx.msk [tilespmem:v17+s24+$0x0], $0xffff;
	v13 =	vadd.s32 s30, v13  }
0x132: {  	v9 =	vadd.s32 s1, v9;
	[tilespmem:s17+$0xFFFFFE00] =	vst v5;
	v5 =	vld.idx.msk [tilespmem:v12+s24+$0x0], $0xffff;
	v12 =	vadd.s32 s28, v24;
	v17 =	vadd.s32 v0, v13  }
0x133: {  	v22 =	vadd.s32 s9, v22;
	v24 =	vadd.s32 v0, v7;
	v18 =	vld.idx.msk [tilespmem:v18+s24+$0x0], $0xffff;
	[tilespmem:s17+$0xFFFFFF80] =	vst v15;
	v15 =	vadd.s32 v0, v3  }
0x134: {  	v25 =	vor.u32 s26, v0;
	v26 =	vadd.s32 v0, v12;
	v14 =	vld.idx.msk [tilespmem:v14+s24+$0x0], $0xffff;
	[tilespmem:s17+$0x0] =	vst v8;
	v8 =	vadd.s32 v0, v9  }
0x135: {  	v4 =	vadd.s32 v1, v4;
	v27 =	vor.u32 s26, v1;
	v19 =	vld.idx.msk [tilespmem:v19+s24+$0x0], $0xffff;
	[tilespmem:s17+$0x80] =	vst v16;
	v16 =	vadd.s32 v0, v22  }
0x136: {  	v28 =	vmov s0;
	v7 =	vadd.s32 v1, v7;
	v3 =	vadd.s32 v1, v3;
	v6 =	vld.idx.msk [tilespmem:v6+s24+$0x0], $0xffff;
	[tilespmem:s17+$0x190] =	vst v11  }
0x137: {  	v12 =	vadd.s32 v1, v12;
	v9 =	vadd.s32 v1, v9;
	v11 =	vmov s14;
	[tilespmem:s17+$0x100] =	vst v10;
	v10 =	vld.idx.msk [tilespmem:v17+s24+$0x0], $0xffff  }
0x138: {  	v22 =	vadd.s32 v1, v22;
	v17 =	vmov s8;
	[tilespmem:s17+$0xFFFFFE90] =	vst v5;
	v5 =	vmov s23;
	v20 =	vld.idx.msk [tilespmem:v20+s24+$0x0], $0xffff  }
0x139: {  	v29 =	vmov s13;
	v13 =	vadd.s32 v1, v13;
	[tilespmem:s17+$0xFFFFFE10] =	vst v18;
	v18 =	vmov s25;
	v21 =	vld.idx.msk [tilespmem:v21+s24+$0x0], $0xffff  }
0x13a: {  	v28 =	vshll.u32 v28, $0x3;
	v11 =	vshll.u32 v11, $0x3;
	v5 =	vshll.u32 v5, $0x3;
	v25 =	vld.idx.msk [tilespmem:v25+s24+$0x0], $0xffff;
	[tilespmem:s17+$0xFFFFFF10] =	vst v14  }
0x13b: {  	s1 =	sadd.s32 $0xFFFFFFFF, s6;
	v17 =	vshll.u32 v17, $0x3;
	v18 =	vshll.u32 v18, $0x3;
	v14 =	vld.idx.msk [tilespmem:v23+s24+$0x0], $0xffff;
	[tilespmem:s17+$0xFFFFFF90] =	vst v19;
	v19 =	vshll.u32 v29, $0x3  }
0x13c: {  	v11 =	vand.u32 $0x7FFFFC00, v11;
	v23 =	vand.u32 $0x7FFFFC00, v28;
	v24 =	vld.idx.msk [tilespmem:v24+s24+$0x0], $0xffff;
	[tilespmem:s17+$0x10] =	vst v6;
	v6 =	vmov s1  }
0x13d: {  	v17 =	vand.u32 $0x7FFFFC00, v17;
	v5 =	vand.u32 $0x7FFFFC00, v5;
	v15 =	vld.idx.msk [tilespmem:v15+s24+$0x0], $0xffff;
	[tilespmem:s17+$0x1A0] =	vst v10;
	v6 =	vshll.u32 v6, $0x3  }
0x13e: {  	v10 =	vand.u32 $0x7FFFFC00, v18;
	v18 =	vand.u32 $0x7FFFFC00, v19;
	[tilespmem:s17+$0x90] =	vst v20;
	v13 =	vld.idx.msk [tilespmem:v13+s24+$0x0], $0xffff;
	v6 =	vand.u32 $0x7FFFFC00, v6  }
0x13f: {  	v19 =	vadd.s32 s0, v23;
	v8 =	vld.idx.msk [tilespmem:v8+s24+$0x0], $0xffff;
	[tilespmem:s17+$0x110] =	vst v21;
	v6 =	vadd.s32 s1, v6  }
0x140: {  	v11 =	vadd.s32 s14, v11;
	v5 =	vadd.s32 s23, v5;
	[tilespmem:s17+$0xFFFFFE20] =	vst v25;
	v20 =	vld.idx.msk [tilespmem:v26+s24+$0x0], $0xffff;
	v21 =	vadd.s32 v0, v6  }
0x141: {  	v17 =	vadd.s32 s8, v17;
	v10 =	vadd.s32 s25, v10;
	[tilespmem:s17+$0xFFFFFEA0] =	vst v14;
	v14 =	vadd.s32 v0, v19;
	v16 =	vld.idx.msk [tilespmem:v16+s24+$0x0], $0xffff  }
0x142: {  	v18 =	vadd.s32 s13, v18;
	v25 =	vadd.s32 v0, v5;
	v23 =	vld.idx.msk [tilespmem:v27+s24+$0x0], $0xffff;
	[tilespmem:s17+$0xFFFFFF20] =	vst v24;
	v24 =	vadd.s32 v0, v11  }
0x143: {  	v26 =	vor.u32 s5, v0;
	v27 =	vadd.s32 v0, v10;
	v4 =	vld.idx.msk [tilespmem:v4+s24+$0x0], $0xffff;
	[tilespmem:s17+$0xFFFFFFA0] =	vst v15;
	v15 =	vadd.s32 v0, v17  }
0x144: {  	v28 =	vor.u32 s5, v1;
	v29 =	vadd.s32 v0, v18;
	v19 =	vadd.s32 v1, v19;
	v7 =	vld.idx.msk [tilespmem:v7+s24+$0x0], $0xffff;
	[tilespmem:s17+$0x1B0] =	vst v13  }
0x145: {  	v30 =	vadd.s32 v1, v5;
	v11 =	vadd.s32 v1, v11;
	v13 =	vmov s20;
	[tilespmem:s17+$0x20] =	vst v8;
	v5 =	vld.idx.msk [tilespmem:v21+s24+$0x0], $0xffff  }
0x146: {  	v10 =	vadd.s32 v1, v10;
	v17 =	vadd.s32 v1, v17;
	v8 =	vmov s7;
	v3 =	vld.idx.msk [tilespmem:v3+s24+$0x0], $0xffff;
	[tilespmem:s17+$0xA0] =	vst v20  }
0x147: {  	v6 =	vadd.s32 v1, v6;
	v20 =	vmov s22;
	v9 =	vld.idx.msk [tilespmem:v9+s24+$0x0], $0xffff;
	[tilespmem:s17+$0x120] =	vst v16;
	v16 =	vadd.s32 v1, v18  }
0x148: {  	v13 =	vshll.u32 v13, $0x3;
	v21 =	vmov s12;
	v18 =	vmov s10;
	[tilespmem:s17+$0xFFFFFE30] =	vst v23;
	v12 =	vld.idx.msk [tilespmem:v12+s24+$0x0], $0xffff  }
0x149: {  	[tilespmem:s17+$0xFFFFFEB0] =	vst v4;
	v4 =	vshll.u32 v8, $0x3;
	v8 =	vshll.u32 v20, $0x3;
	v20 =	vld.idx.msk [tilespmem:v22+s24+$0x0], $0xffff;
	v22 =	vmov s21  }
0x14a: {  	v23 =	vld.idx.msk [tilespmem:v26+s24+$0x0], $0xffff;
	[tilespmem:s17+$0xFFFFFF30] =	vst v7;
	v7 =	vshll.u32 v18, $0x3;
	v18 =	vshll.u32 v21, $0x3;
	v21 =	vmov s6  }
0x14b: {  	v13 =	vand.u32 $0x7FFFFC00, v13;
	v22 =	vshll.u32 v22, $0x3;
	v14 =	vld.idx.msk [tilespmem:v14+s24+$0x0], $0xffff;
	[tilespmem:s17+$0x1C0] =	vst v5;
	v5 =	vshll.u32 v21, $0x3  }
0x14c: {  	v4 =	vand.u32 $0x7FFFFC00, v4;
	[tilespmem:s17+$0xFFFFFFB0] =	vst v3;
	v3 =	vand.u32 $0x7FFFFC00, v8;
	v6 =	vld.idx.msk [tilespmem:v6+s24+$0x0], $0xffff;
	v5 =	vand.u32 $0x7FFFFC00, v5  }
0x14d: {  	v7 =	vand.u32 $0x7FFFFC00, v7;
	v8 =	vld.idx.msk [tilespmem:v24+s24+$0x0], $0xffff;
	[tilespmem:s17+$0x30] =	vst v9;
	v9 =	vand.u32 $0x7FFFFC00, v18;
	v18 =	vadd.s32 s6, v5  }
0x14e: {  	v5 =	vadd.s32 s20, v13;
	v13 =	vld.idx.msk [tilespmem:v25+s24+$0x0], $0xffff;
	[tilespmem:s17+$0xB0] =	vst v12;
	v12 =	vand.u32 $0x7FFFFC00, v22;
	v21 =	vadd.s32 v0, v18  }
0x14f: {  	v4 =	vadd.s32 s7, v4;
	v3 =	vadd.s32 s22, v3;
	v22 =	vadd.s32 v0, v5;
	v15 =	vld.idx.msk [tilespmem:v15+s24+$0x0], $0xffff;
	[tilespmem:s17+$0x130] =	vst v20  }
0x150: {  	v7 =	vadd.s32 s10, v7;
	v9 =	vadd.s32 s12, v9;
	v20 =	vadd.s32 v0, v4;
	[tilespmem:s17+$0xFFFFFE40] =	vst v23;
	v23 =	vld.idx.msk [tilespmem:v27+s24+$0x0], $0xffff  }
0x151: {  	v24 =	vadd.s32 v0, v7;
	v12 =	vadd.s32 s21, v12;
	[tilespmem:s17+$0xFFFFFEC0] =	vst v14;
	v14 =	vadd.s32 v0, v3;
	v25 =	vld.idx.msk [tilespmem:v29+s24+$0x0], $0xffff  }
0x152: {  	v27 =	vor.u32 s19, v0;
	v29 =	vadd.s32 v0, v12;
	v26 =	vld.idx.msk [tilespmem:v28+s24+$0x0], $0xffff;
	v28 =	vadd.s32 v0, v9;
	[tilespmem:s17+$0x1D0] =	vst v6  }
0x153: {  	v32 =	vadd.s32 v1, v4;
	v31 =	vadd.s32 v1, v5;
	v6 =	vor.u32 s19, v1;
	[tilespmem:s17+$0xFFFFFF40] =	vst v8;
	v8 =	vld.idx.msk [tilespmem:v21+s24+$0x0], $0xffff  }
0x154: {  	v5 =	vadd.s32 v1, v7;
	v19 =	vld.idx.msk [tilespmem:v19+s24+$0x0], $0xffff;
	[tilespmem:s17+$0xFFFFFFC0] =	vst v13;
	v13 =	vadd.s32 v1, v3  }
0x155: {  	v4 =	vadd.s32 v1, v9;
	v9 =	vadd.s32 v1, v18;
	v7 =	vld.idx.msk [tilespmem:v11+s24+$0x0], $0xffff;
	[tilespmem:s17+$0x40] =	vst v15  }
0x156: {  	v3 =	vadd.s32 v1, v12;
	v11 =	vld.idx.msk [tilespmem:v30+s24+$0x0], $0xffff;
	[tilespmem:s17+$0xC0] =	vst v23  }
0x157: {  	v12 =	vld.idx.msk [tilespmem:v17+s24+$0x0], $0xffff;
	[tilespmem:s17+$0x140] =	vst v25  }
0x158: {  	[tilespmem:s17+$0xFFFFFE50] =	vst v26;
	v10 =	vld.idx.msk [tilespmem:v10+s24+$0x0], $0xffff  }
0x159: {  	v15 =	vld.idx.msk [tilespmem:v16+s24+$0x0], $0xffff;
	[tilespmem:s17+$0x1E0] =	vst v8  }
0x15a: {  	[tilespmem:s17+$0xFFFFFED0] =	vst v19;
	v8 =	vld.idx.msk [tilespmem:v9+s24+$0x0], $0xffff  }
0x15b: {  	v9 =	vld.idx.msk [tilespmem:v27+s24+$0x0], $0xffff;
	[tilespmem:s17+$0xFFFFFF50] =	vst v7  }
0x15c: {  	v7 =	vld.idx.msk [tilespmem:v22+s24+$0x0], $0xffff;
	[tilespmem:s17+$0xFFFFFFD0] =	vst v11  }
0x15d: {  	v16 =	vld.idx.msk [tilespmem:v20+s24+$0x0], $0xffff;
	[tilespmem:s17+$0x50] =	vst v12  }
0x15e: {  	v12 =	vld.idx.msk [tilespmem:v14+s24+$0x0], $0xffff;
	[tilespmem:s17+$0xD0] =	vst v10  }
0x15f: {  	v14 =	vld.idx.msk [tilespmem:v24+s24+$0x0], $0xffff;
	[tilespmem:s17+$0x150] =	vst v15  }
0x160: {  	v11 =	vld.idx.msk [tilespmem:v28+s24+$0x0], $0xffff;
	[tilespmem:s17+$0x1F0] =	vst v8  }
.Ltmp3:
0x161: {  	[tilespmem:s17+$0xFFFFFE60] =	vst v9;
	v10 =	vld.idx.msk [tilespmem:v29+s24+$0x0], $0xffff;
	(pc) =	sbr.rel @p2 .LBB2_5-.Ltmp3, $4  }
0x162: {  	v9 =	vld.idx.msk [tilespmem:v6+s24+$0x0], $0xffff;
	[tilespmem:s17+$0xFFFFFEE0] =	vst v7  }
0x163: {  	v8 =	vld.idx.msk [tilespmem:v31+s24+$0x0], $0xffff;
	[tilespmem:s17+$0xFFFFFF60] =	vst v16  }
0x164: {  	v6 =	vld.idx.msk [tilespmem:v32+s24+$0x0], $0xffff;
	[tilespmem:s17+$0xFFFFFFE0] =	vst v12  }
0x165: {  	s6 =	sadd.s32 $0x20, s6;
	v7 =	vld.idx.msk [tilespmem:v13+s24+$0x0], $0xffff;
	[tilespmem:s17+$0x60] =	vst v14  }
0x166: {  	_ =	sdelay $0x2  }
0x167: {  	[tilespmem:s17+$0xE0] =	vst v11  }
0x168: {  	v5 =	vld.idx.msk [tilespmem:v5+s24+$0x0], $0xffff;
	[tilespmem:s17+$0x160] =	vst v10  }
0x169: {  	v4 =	vld.idx.msk [tilespmem:v4+s24+$0x0], $0xffff;
	[tilespmem:s17+$0xFFFFFE70] =	vst v9  }
0x16a: {  	v3 =	vld.idx.msk [tilespmem:v3+s24+$0x0], $0xffff;
	[tilespmem:s17+$0xFFFFFEF0] =	vst v8  }
0x16b: {  	[tilespmem:s17+$0xFFFFFF70] =	vst v6  }
0x16c: {  	[tilespmem:s17+$0xFFFFFFF0] =	vst v7  }
0x16d: {  	p2 =	sne.s32 s16, $0x7A;
	[tilespmem:s17+$0x70] =	vst v5  }
.Ltmp4:
0x16e: {  	s0 =	rddreg [dreg:$0x15];
	[tilespmem:s17+$0xF0] =	vst v4;
	(pc) =	sbr.rel @p2 .LBB2_2-.Ltmp4, $4  }
0x16f: {  	[tilespmem:s17+$0x170] =	vst v3;
	s0 =	sshll.u32 s0, $0x9  }
0x170: {  	s1 =	rddreg [dreg:$0x3];
	s0 =	sand.u32 $0x1FFFFE00, s0  }
0x171: {  	s30 =	simm.s32 $0x5000;
	s0 =	sadd.s32 s1, s0  }
0x172: {  	[hbm4b:s0+s3] =	stream.linear.scatter [tilespmem:s30], [sflag:$0x4], $0x1000, $0x38;
	[tilespmem:$0x7800] =	vst v63  }
0x173: {  	s0 =	simm.s32 $0x3  }
0x174: {  	_ =	swait.ge [sflag:s0], $0x1000  }
.Ltmp5:
0x175: {  	[sflag:s0] =	ssyncset.done $0x0;
	(pc) =	sbr.rel @p1 .LBB2_11-.Ltmp5, $4  }
0x176: {  	s30 =	simm.s32 $0x4;
	[sflag:s0] =	ssyncadd.s32 $0xFFFFF000  }
0x177: {  	_ =	swait.ge [sflag:s30], $0x1000  }
0x178: {  	[sflag:s30] =	ssyncset.done $0x0  }
0x179: {  	[sflag:s30] =	ssyncadd.s32 $0xFFFFF000  }
0x17a: {  	s0 =	rddreg [dreg:$0x5]  }
0x17b: {  	[tilespmem:s3], [sflag:$0x1] =	stream.linear.gather [hbm4b:s0+s3], $0x400, $0x38;
	[tilespmem:$0x7800] =	vst v63  }
0x17c: {  	s20 =	rddreg [dreg:$0xc];
	s1 =	simm.s32 $0x800  }
0x17d: {  	[tilespmem:s1], [sflag:$0x1] =	stream.linear.gather [hbm4b:s20+s3], $0x400, $0x38;
	[tilespmem:$0x7800] =	vst v63  }
0x17e: {  	s21 =	rddreg [dreg:$0x7];
	s22 =	simm.s32 $0x1000  }
0x17f: {  	[tilespmem:s22], [sflag:$0x1] =	stream.linear.gather [hbm4b:s21+s3], $0x400, $0x38;
	[tilespmem:$0x7800] =	vst v63  }
0x180: {  	s23 =	rddreg [dreg:$0xa];
	s25 =	simm.s32 $0x1800;
	s6 =	simm.s32 $0x1  }
0x181: {  	[tilespmem:s25], [sflag:$0x1] =	stream.linear.gather [hbm4b:s23+s3], $0x400, $0x38;
	[tilespmem:$0x7800] =	vst v63  }
0x182: {  	_ =	swait.ge [sflag:s6], $0x400  }
0x183: {  	[sflag:s6] =	ssyncset.done $0x0  }
0x184: {  	[sflag:s6] =	ssyncadd.s32 $0xFFFFFC00  }
0x185: {  	_ =	swait.ge [sflag:s6], $0x400  }
0x186: {  	[sflag:s6] =	ssyncset.done $0x0  }
0x187: {  	[sflag:s6] =	ssyncadd.s32 $0xFFFFFC00  }
0x188: {  	s26 =	simm.s32 $0x1C;
	_ =	swait.ge [sflag:s6], $0x400  }
0x189: {  	s28 =	simm.s32 $0x4;
	v3 =	vor.u32 s26, v0;
	[sflag:s6] =	ssyncset.done $0x0  }
0x18a: {  	s2 =	simm.s32 $0x8;
	v4 =	vor.u32 s28, v0;
	[sflag:s6] =	ssyncadd.s32 $0xFFFFFC00  }
0x18b: {  	s4 =	simm.s32 $0x0;
	v5 =	vor.u32 s2, v0;
	_ =	swait.ge [sflag:s6], $0x400  }
0x18c: {  	s5 =	simm.s32 $0xC;
	v6 =	vor.u32 s4, v0;
	[sflag:s6] =	ssyncset.done $0x0  }
0x18d: {  	s29 =	simm.s32 $0x10;
	v7 =	vor.u32 s5, v0;
	[sflag:s6] =	ssyncadd.s32 $0xFFFFFC00  }
0x18e: {  	s7 =	simm.s32 $0x14;
	v8 =	vor.u32 s29, v0;
	v3 =	vld.idx.msk [tilespmem:v3+s3+$0x0], $0xffff  }
0x18f: {  	s30 =	simm.s32 $0x18;
	v9 =	vor.u32 s7, v0;
	v4 =	vld.idx.msk [tilespmem:v4+s3+$0x0], $0xffff  }
0x190: {  	v11 =	vor.u32 s30, v0;
	v5 =	vld.idx.msk [tilespmem:v5+s3+$0x0], $0xffff  }
0x191: {  	v10 =	vor.u32 s26, v1;
	v6 =	vld.idx.msk [tilespmem:v6+s3+$0x0], $0xffff  }
0x192: {  	s15 =	simm.s32 $0x4200;
	v12 =	vor.u32 s28, v1;
	v13 =	vor.u32 s2, v1;
	v14 =	vor.u32 s4, v1;
	v7 =	vld.idx.msk [tilespmem:v7+s3+$0x0], $0xffff  }
0x193: {  	v15 =	vor.u32 s5, v1;
	v17 =	vor.u32 s29, v1;
	v8 =	vld.idx.msk [tilespmem:v8+s3+$0x0], $0xffff;
	[tilespmem:s15+$0x180] =	vst v3  }
0x194: {  	s8 =	simm.s32 $0x1;
	v18 =	vor.u32 s7, v1;
	s4 =	simm.s32 $0x5;
	v58 =	vor.u32 s30, v1;
	v9 =	vld.idx.msk [tilespmem:v9+s3+$0x0], $0xffff;
	[tilespmem:s15+$0xFFFFFE80] =	vst v4  }
0x195: {  	s2 =	simm.s32 $0x1D;
	v61 =	vor.u32 s8, v0;
	v19 =	vmov s4;
	s6 =	simm.s32 $0xD;
	[tilespmem:s15+$0xFFFFFF00] =	vst v5;
	v5 =	vld.idx.msk [tilespmem:v11+s3+$0x0], $0xffff  }
0x196: {  	s5 =	simm.s32 $0x9;
	v16 =	vmov s2;
	v19 =	vshll.u32 v19, $0x3;
	v60 =	vmov s6;
	[tilespmem:s15+$0xFFFFFE00] =	vst v6;
	v4 =	vld.idx.msk [tilespmem:v10+s3+$0x0], $0xffff  }
0x197: {  	v3 =	vshll.u32 v16, $0x3;
	v11 =	vand.u32 $0x7FFFFC00, v19;
	[tilespmem:s15+$0xFFFFFF80] =	vst v7;
	v10 =	vmov s5;
	v6 =	vld.idx.msk [tilespmem:v12+s3+$0x0], $0xffff  }
0x198: {  	v19 =	vshll.u32 v60, $0x3;
	[tilespmem:s15+$0x0] =	vst v8;
	v3 =	vand.u32 $0x7FFFFC00, v3;
	v14 =	vld.idx.msk [tilespmem:v14+s3+$0x0], $0xffff;
	v10 =	vshll.u32 v10, $0x3  }
0x199: {  	s7 =	simm.s32 $0x11;
	[tilespmem:s15+$0x80] =	vst v9;
	v11 =	vadd.s32 s4, v11;
	v13 =	vld.idx.msk [tilespmem:v13+s3+$0x0], $0xffff;
	v3 =	vadd.s32 s2, v3;
	v10 =	vand.u32 $0x7FFFFC00, v10  }
0x19a: {  	v15 =	vld.idx.msk [tilespmem:v15+s3+$0x0], $0xffff;
	v59 =	vadd.s32 v0, v3;
	v7 =	vadd.s32 s5, v10;
	v10 =	vmov s7;
	[tilespmem:s15+$0x100] =	vst v5  }
0x19b: {  	v17 =	vld.idx.msk [tilespmem:v17+s3+$0x0], $0xffff;
	v8 =	vshll.u32 v10, $0x3;
	v10 =	vand.u32 $0x7FFFFC00, v19;
	v20 =	vadd.s32 v0, v7;
	[tilespmem:s15+$0x190] =	vst v4  }
0x19c: {  	s9 =	simm.s32 $0x15;
	v9 =	vadd.s32 s6, v10;
	v8 =	vand.u32 $0x7FFFFC00, v8;
	v10 =	vadd.s32 v0, v11;
	[tilespmem:s15+$0xFFFFFE90] =	vst v6;
	v6 =	vld.idx.msk [tilespmem:v18+s3+$0x0], $0xffff  }
0x19d: {  	s10 =	simm.s32 $0x19;
	[tilespmem:s15+$0xFFFFFE10] =	vst v14;
	v63 =	vld.idx.msk [tilespmem:v58+s3+$0x0], $0xffff;
	v4 =	vadd.s32 s7, v8;
	v8 =	vmov s9;
	v21 =	vadd.s32 v0, v9  }
0x19e: {  	v62 =	vmov s10;
	[tilespmem:s15+$0xFFFFFF10] =	vst v13;
	v25 =	vld.idx.msk [tilespmem:v61+s3+$0x0], $0xffff;
	v8 =	vshll.u32 v8, $0x3;
	v24 =	vadd.s32 v0, v4  }
0x19f: {  	v30 =	vor.u32 s8, v1;
	v12 =	vshll.u32 v62, $0x3;
	[tilespmem:s15+$0xFFFFFF90] =	vst v15;
	v5 =	vld.idx.msk [tilespmem:v59+s3+$0x0], $0xffff;
	v8 =	vand.u32 $0x7FFFFC00, v8  }
0x1a0: {  	v12 =	vand.u32 $0x7FFFFC00, v12;
	v3 =	vadd.s32 v1, v3;
	[tilespmem:s15+$0x10] =	vst v17;
	v8 =	vadd.s32 s9, v8;
	v28 =	vld.idx.msk [tilespmem:v20+s3+$0x0], $0xffff  }
0x1a1: {  	v12 =	vadd.s32 s10, v12;
	v26 =	vadd.s32 v0, v8;
	v10 =	vld.idx.msk [tilespmem:v10+s3+$0x0], $0xffff;
	[tilespmem:s15+$0x90] =	vst v6  }
0x1a2: {  	s12 =	simm.s32 $0x1E;
	v27 =	vadd.s32 v0, v12;
	[tilespmem:s15+$0x110] =	vst v63;
	v21 =	vld.idx.msk [tilespmem:v21+s3+$0x0], $0xffff  }
0x1a3: {  	s13 =	simm.s32 $0x6;
	s14 =	simm.s32 $0xA;
	v29 =	vmov s12;
	v6 =	vadd.s32 v1, v7;
	v7 =	vadd.s32 v1, v9;
	[tilespmem:s15+$0xFFFFFE20] =	vst v25;
	v9 =	vld.idx.msk [tilespmem:v24+s3+$0x0], $0xffff  }
0x1a4: {  	s16 =	simm.s32 $0xE;
	s17 =	simm.s32 $0x12;
	v31 =	vmov s13;
	v32 =	vmov s14;
	v11 =	vadd.s32 v1, v11;
	[tilespmem:s15+$0x1A0] =	vst v5;
	v18 =	vld.idx.msk [tilespmem:v30+s3+$0x0], $0xffff  }
0x1a5: {  	s18 =	simm.s32 $0x2;
	v35 =	vmov s16;
	v36 =	vmov s17;
	v5 =	vshll.u32 v29, $0x3;
	v3 =	vld.idx.msk [tilespmem:v3+s3+$0x0], $0xffff;
	[tilespmem:s15+$0xFFFFFF20] =	vst v28  }
0x1a6: {  	s19 =	simm.s32 $0x16;
	v38 =	vor.u32 s18, v0;
	v4 =	vadd.s32 v1, v4;
	v5 =	vand.u32 $0x7FFFFC00, v5;
	v13 =	vld.idx.msk [tilespmem:v26+s3+$0x0], $0xffff;
	[tilespmem:s15+$0xFFFFFEA0] =	vst v10  }
0x1a7: {  	v39 =	vmov s19;
	v33 =	vshll.u32 v31, $0x3;
	v5 =	vadd.s32 s12, v5;
	v10 =	vld.idx.msk [tilespmem:v27+s3+$0x0], $0xffff;
	[tilespmem:s15+$0xFFFFFFA0] =	vst v21  }
0x1a8: {  	v37 =	vshll.u32 v36, $0x3;
	v14 =	vshll.u32 v32, $0x3;
	v34 =	vadd.s32 v0, v5;
	v6 =	vld.idx.msk [tilespmem:v6+s3+$0x0], $0xffff;
	[tilespmem:s15+$0x20] =	vst v9  }
0x1a9: {  	v16 =	vand.u32 $0x7FFFFC00, v33;
	v14 =	vand.u32 $0x7FFFFC00, v14;
	v8 =	vadd.s32 v1, v8;
	v11 =	vld.idx.msk [tilespmem:v11+s3+$0x0], $0xffff;
	[tilespmem:s15+$0xFFFFFE30] =	vst v18  }
0x1aa: {  	v12 =	vadd.s32 v1, v12;
	v15 =	vshll.u32 v35, $0x3;
	v14 =	vadd.s32 s14, v14;
	v7 =	vld.idx.msk [tilespmem:v7+s3+$0x0], $0xffff;
	[tilespmem:s15+$0x1B0] =	vst v3  }
0x1ab: {  	v16 =	vadd.s32 s13, v16;
	v15 =	vand.u32 $0x7FFFFC00, v15;
	v43 =	vadd.s32 v0, v14;
	v4 =	vld.idx.msk [tilespmem:v4+s3+$0x0], $0xffff;
	[tilespmem:s15+$0xA0] =	vst v13  }
0x1ac: {  	v40 =	vadd.s32 v0, v16;
	v3 =	vadd.s32 s16, v15;
	v15 =	vand.u32 $0x7FFFFC00, v37;
	v19 =	vld.idx.msk [tilespmem:v38+s3+$0x0], $0xffff;
	[tilespmem:s15+$0x120] =	vst v10  }
0x1ad: {  	v42 =	vshll.u32 v39, $0x3;
	s20 =	simm.s32 $0x1A;
	v41 =	vadd.s32 s17, v15;
	v44 =	vadd.s32 v0, v3;
	v9 =	vld.idx.msk [tilespmem:v34+s3+$0x0], $0xffff;
	[tilespmem:s15+$0xFFFFFF30] =	vst v6  }
0x1ae: {  	s21 =	simm.s32 $0x1F;
	v15 =	vand.u32 $0x7FFFFC00, v42;
	v10 =	vmov s20;
	v45 =	vadd.s32 v0, v41;
	v8 =	vld.idx.msk [tilespmem:v8+s3+$0x0], $0xffff;
	[tilespmem:s15+$0xFFFFFEB0] =	vst v11  }
0x1af: {  	v5 =	vadd.s32 v1, v5;
	v15 =	vadd.s32 s19, v15;
	v6 =	vmov s21;
	v11 =	vld.idx.msk [tilespmem:v12+s3+$0x0], $0xffff;
	[tilespmem:s15+$0xFFFFFFB0] =	vst v7  }
0x1b0: {  	v10 =	vshll.u32 v10, $0x3;
	v46 =	vadd.s32 v0, v15;
	v6 =	vshll.u32 v6, $0x3;
	v17 =	vld.idx.msk [tilespmem:v43+s3+$0x0], $0xffff;
	[tilespmem:s15+$0x30] =	vst v4  }
0x1b1: {  	v10 =	vand.u32 $0x7FFFFC00, v10;
	v20 =	vld.idx.msk [tilespmem:v40+s3+$0x0], $0xffff;
	v6 =	vand.u32 $0x7FFFFC00, v6;
	v7 =	vor.u32 s18, v1;
	[tilespmem:s15+$0xFFFFFE40] =	vst v19  }
0x1b2: {  	v16 =	vadd.s32 v1, v16;
	v10 =	vadd.s32 s20, v10;
	v4 =	vadd.s32 s21, v6;
	v6 =	vld.idx.msk [tilespmem:v44+s3+$0x0], $0xffff;
	[tilespmem:s15+$0x1C0] =	vst v9  }
0x1b3: {  	v9 =	vadd.s32 v0, v10;
	v12 =	vld.idx.msk [tilespmem:v45+s3+$0x0], $0xffff;
	[tilespmem:s15+$0xB0] =	vst v8  }
0x1b4: {  	s26 =	simm.s32 $0x13;
	s28 =	simm.s32 $0x3;
	v3 =	vadd.s32 v1, v3;
	v5 =	vld.idx.msk [tilespmem:v5+s3+$0x0], $0xffff;
	[tilespmem:s15+$0x130] =	vst v11  }
0x1b5: {  	s29 =	simm.s32 $0x17;
	v51 =	vmov s26;
	v52 =	vor.u32 s28, v0;
	s22 =	simm.s32 $0x7;
	v8 =	vadd.s32 v0, v4;
	[tilespmem:s15+$0xFFFFFF40] =	vst v17;
	v49 =	vld.idx.msk [tilespmem:v46+s3+$0x0], $0xffff  }
0x1b6: {  	v53 =	vmov s29;
	v47 =	vmov s22;
	s23 =	simm.s32 $0xB;
	v11 =	vadd.s32 v1, v14;
	[tilespmem:s15+$0xFFFFFEC0] =	vst v20;
	v7 =	vld.idx.msk [tilespmem:v7+s3+$0x0], $0xffff  }
0x1b7: {  	v48 =	vshll.u32 v47, $0x3;
	v50 =	vmov s23;
	v13 =	vadd.s32 v1, v41;
	v16 =	vld.idx.msk [tilespmem:v16+s3+$0x0], $0xffff;
	[tilespmem:s15+$0xFFFFFFC0] =	vst v6  }
0x1b8: {  	v15 =	vadd.s32 v1, v15;
	v19 =	vshll.u32 v50, $0x3;
	v14 =	vand.u32 $0x7FFFFC00, v48;
	v9 =	vld.idx.msk [tilespmem:v9+s3+$0x0], $0xffff;
	[tilespmem:s15+$0x40] =	vst v12  }
0x1b9: {  	s25 =	simm.s32 $0xF;
	v19 =	vand.u32 $0x7FFFFC00, v19;
	v10 =	vadd.s32 v1, v10;
	v14 =	vadd.s32 s22, v14;
	v3 =	vld.idx.msk [tilespmem:v3+s3+$0x0], $0xffff;
	[tilespmem:s15+$0x1D0] =	vst v5  }
0x1ba: {  	v19 =	vadd.s32 s23, v19;
	v54 =	vadd.s32 v0, v14;
	v5 =	vmov s25;
	v8 =	vld.idx.msk [tilespmem:v8+s3+$0x0], $0xffff;
	[tilespmem:s15+$0xC0] =	vst v49  }
0x1bb: {  	v4 =	vadd.s32 v1, v4;
	v17 =	vshll.u32 v53, $0x3;
	v11 =	vld.idx.msk [tilespmem:v11+s3+$0x0], $0xffff;
	v5 =	vshll.u32 v5, $0x3;
	[tilespmem:s15+$0xFFFFFE50] =	vst v7  }
0x1bc: {  	s30 =	simm.s32 $0x1B;
	v55 =	vadd.s32 v0, v19;
	v6 =	vshll.u32 v51, $0x3;
	v13 =	vld.idx.msk [tilespmem:v13+s3+$0x0], $0xffff;
	v5 =	vand.u32 $0x7FFFFC00, v5;
	[tilespmem:s15+$0xFFFFFED0] =	vst v16  }
0x1bd: {  	v6 =	vand.u32 $0x7FFFFC00, v6;
	v7 =	vld.idx.msk [tilespmem:v15+s3+$0x0], $0xffff;
	v5 =	vadd.s32 s25, v5;
	[tilespmem:s15+$0x140] =	vst v9;
	v9 =	vmov s30  }
0x1be: {  	v6 =	vadd.s32 s26, v6;
	v12 =	vld.idx.msk [tilespmem:v52+s3+$0x0], $0xffff;
	v57 =	vadd.s32 v0, v5;
	[tilespmem:s15+$0xFFFFFFD0] =	vst v3;
	v9 =	vshll.u32 v9, $0x3  }
0x1bf: {  	v56 =	vand.u32 $0x7FFFFC00, v17;
	v18 =	vld.idx.msk [tilespmem:v54+s3+$0x0], $0xffff;
	[tilespmem:s15+$0x1E0] =	vst v8;
	v8 =	vand.u32 $0x7FFFFC00, v9;
	v9 =	vadd.s32 v0, v6  }
0x1c0: {  	v15 =	vadd.s32 s29, v56;
	v3 =	vor.u32 s28, v1;
	v10 =	vld.idx.msk [tilespmem:v10+s3+$0x0], $0xffff;
	[tilespmem:s15+$0xFFFFFF50] =	vst v11  }
0x1c1: {  	v20 =	vld.idx.msk [tilespmem:v55+s3+$0x0], $0xffff;
	v58 =	vadd.s32 s30, v8;
	v8 =	vadd.s32 v0, v15  }
0x1c2: {  	[tilespmem:s15+$0x50] =	vst v13;
	v4 =	vld.idx.msk [tilespmem:v4+s3+$0x0], $0xffff;
	v59 =	vadd.s32 v0, v58  }
0x1c3: {  	v60 =	vadd.s32 v1, v14;
	[tilespmem:s15+$0xD0] =	vst v7;
	v61 =	vld.idx.msk [tilespmem:v57+s3+$0x0], $0xffff  }
0x1c4: {  	v7 =	vadd.s32 v1, v19;
	[tilespmem:s15+$0xFFFFFE60] =	vst v12;
	v62 =	vld.idx.msk [tilespmem:v9+s3+$0x0], $0xffff  }
0x1c5: {  	v63 =	vadd.s32 v1, v5;
	[tilespmem:s15+$0xFFFFFEE0] =	vst v18;
	v9 =	vld.idx.msk [tilespmem:v3+s3+$0x0], $0xffff  }
0x1c6: {  	v5 =	vadd.s32 v1, v6;
	[tilespmem:s15+$0x150] =	vst v10;
	v11 =	vld.idx.msk [tilespmem:v8+s3+$0x0], $0xffff  }
0x1c7: {  	[tilespmem:s15+$0x1F0] =	vst v4;
	v4 =	vadd.s32 v1, v15;
	v10 =	vld.idx.msk [tilespmem:v59+s3+$0x0], $0xffff  }
0x1c8: {  	[tilespmem:s15+$0xFFFFFF60] =	vst v20;
	v3 =	vadd.s32 v1, v58;
	v8 =	vld.idx.msk [tilespmem:v60+s3+$0x0], $0xffff  }
0x1c9: {  	v7 =	vld.idx.msk [tilespmem:v7+s3+$0x0], $0xffff;
	[tilespmem:s15+$0xFFFFFFE0] =	vst v61  }
0x1ca: {  	s6 =	simm.s32 $0x3F;
	s16 =	simm.s32 $0x0;
	v6 =	vld.idx.msk [tilespmem:v63+s3+$0x0], $0xffff;
	[tilespmem:s15+$0x60] =	vst v62  }
.LBB2_9:
0x1cb: {  	s0 =	sadd.s32 $0xFFFFFFE5, s6;
	s10 =	sadd.s32 $0xFFFFFFFD, s6;
	s16 =	sadd.s32 $0x8, s16;
	v5 =	vld.idx.msk [tilespmem:v5+s3+$0x0], $0xffff;
	[tilespmem:s15+$0xE0] =	vst v11  }
0x1cc: {  	s1 =	sadd.s32 $0xFFFFFFED, s6;
	v11 =	vor.u32 s0, v0;
	v12 =	vor.u32 s0, v1;
	s0 =	sadd.s32 $0xFFFFFFE9, s6;
	v13 =	vor.u32 s10, v0;
	p2 =	slt.u32 s16, $0x18;
	v4 =	vld.idx.msk [tilespmem:v4+s3+$0x0], $0xffff;
	[tilespmem:s15+$0x160] =	vst v10  }
0x1cd: {  	s5 =	sadd.s32 $0xFFFFFFF1, s6;
	s7 =	sadd.s32 $0xFFFFFFF5, s6;
	s8 =	sadd.s32 $0xFFFFFFF9, s6;
	v15 =	vor.u32 s1, v0;
	v10 =	vor.u32 s0, v0;
	v14 =	vor.u32 s0, v1;
	[tilespmem:s15+$0xFFFFFE70] =	vst v9;
	v3 =	vld.idx.msk [tilespmem:v3+s3+$0x0], $0xffff  }
0x1ce: {  	s2 =	sadd.s32 $0xFFFFFFE6, s6;
	s4 =	sadd.s32 $0xFFFFFFEA, s6;
	v16 =	vor.u32 s7, v0;
	v17 =	vor.u32 s8, v0;
	s0 =	sadd.s32 $0xFFFFFFE1, s6;
	v9 =	vor.u32 s5, v0;
	[tilespmem:s15+$0xFFFFFEF0] =	vst v8  }
0x1cf: {  	s26 =	sadd.s32 $0xFFFFFFEE, s6;
	s25 =	sadd.s32 $0xFFFFFFF6, s6;
	v19 =	vor.u32 s1, v1;
	s1 =	sadd.s32 $0xFFFFFFF2, s6;
	v8 =	vor.u32 s0, v0;
	v18 =	vor.u32 s0, v1;
	[tilespmem:s15+$0xFFFFFF70] =	vst v7  }
0x1d0: {  	s23 =	sadd.s32 $0xFFFFFFE2, s6;
	s9 =	sadd.s32 $0xFFFFFFFA, s6;
	v20 =	vor.u32 s7, v1;
	v21 =	vor.u32 s8, v1;
	s0 =	sadd.s32 $0xFFFFFFE7, s6;
	v7 =	vor.u32 s5, v1;
	[tilespmem:s15+$0xFFFFFFF0] =	vst v6  }
0x1d1: {  	s14 =	sadd.s32 $0xFFFFFFEB, s6;
	s21 =	sadd.s32 $0xFFFFFFEF, s6;
	v22 =	vmov s4;
	v23 =	vmov s26;
	s8 =	sadd.s32 $0xFFFFFFF3, s6;
	v6 =	vmov s2;
	v13 =	vld.idx.msk [tilespmem:v13+s3+$0x0], $0xffff  }
0x1d2: {  	s22 =	sadd.s32 $0xFFFFFFF7, s6;
	s13 =	sadd.s32 $0xFFFFFFFB, s6;
	v25 =	vmov s25;
	v26 =	vmov s9;
	v24 =	vmov s1;
	s5 =	sadd.s32 $0xFFFFFFE3, s6;
	v11 =	vld.idx.msk [tilespmem:v11+s3+$0x0], $0xffff  }
0x1d3: {  	s20 =	sadd.s32 $0xFFFFFFE8, s6;
	s19 =	sadd.s32 $0xFFFFFFF0, s6;
	s7 =	sadd.s32 $0xFFFFFFEC, s6;
	v27 =	vor.u32 s10, v1;
	v22 =	vshll.u32 v22, $0x3;
	v6 =	vshll.u32 v6, $0x3;
	v10 =	vld.idx.msk [tilespmem:v10+s3+$0x0], $0xffff;
	[tilespmem:s15+$0x70] =	vst v5  }
0x1d4: {  	s12 =	sadd.s32 $0xFFFFFFF8, s6;
	s18 =	sadd.s32 $0xFFFFFFFC, s6;
	s10 =	sadd.s32 $0xFFFFFFF4, s6;
	v5 =	vld.idx.msk [tilespmem:v8+s3+$0x0], $0xffff;
	v8 =	vshll.u32 v23, $0x3;
	v23 =	vshll.u32 v24, $0x3;
	v24 =	vshll.u32 v25, $0x3;
	[tilespmem:s15+$0xF0] =	vst v4  }
0x1d5: {  	s17 =	sadd.s32 $0xFFFFFFE4, s6;
	s28 =	sadd.s32 $0xFFFFFFFE, s6;
	v4 =	vand.u32 $0x7FFFFC00, v6;
	v6 =	vand.u32 $0x7FFFFC00, v22;
	v22 =	vshll.u32 v26, $0x3;
	v15 =	vld.idx.msk [tilespmem:v15+s3+$0x0], $0xffff;
	[tilespmem:s15+$0x170] =	vst v3  }
0x1d6: {  	v3 =	vand.u32 $0x7FFFFC00, v8;
	s15 =	sadd.s32 $0x400, s15;
	v8 =	vld.idx.msk [tilespmem:v9+s3+$0x0], $0xffff;
	v9 =	vand.u32 $0x7FFFFC00, v23;
	v23 =	vmov s28  }
0x1d7: {  	v24 =	vand.u32 $0x7FFFFC00, v24;
	v22 =	vand.u32 $0x7FFFFC00, v22;
	v16 =	vld.idx.msk [tilespmem:v16+s3+$0x0], $0xffff;
	[tilespmem:s15+$0x180] =	vst v13;
	v13 =	vshll.u32 v23, $0x3  }
0x1d8: {  	v4 =	vadd.s32 s2, v4;
	v6 =	vadd.s32 s4, v6;
	[tilespmem:s15+$0xFFFFFE80] =	vst v11;
	v11 =	vld.idx.msk [tilespmem:v27+s3+$0x0], $0xffff;
	v13 =	vand.u32 $0x7FFFFC00, v13  }
0x1d9: {  	v3 =	vadd.s32 s26, v3;
	v23 =	vadd.s32 v0, v4;
	[tilespmem:s15+$0xFFFFFF00] =	vst v10;
	v10 =	vld.idx.msk [tilespmem:v17+s3+$0x0], $0xffff;
	v13 =	vadd.s32 s28, v13  }
0x1da: {  	v9 =	vadd.s32 s1, v9;
	[tilespmem:s15+$0xFFFFFE00] =	vst v5;
	v5 =	vld.idx.msk [tilespmem:v12+s3+$0x0], $0xffff;
	v12 =	vadd.s32 s25, v24;
	v17 =	vadd.s32 v0, v13  }
0x1db: {  	v22 =	vadd.s32 s9, v22;
	v24 =	vadd.s32 v0, v6;
	v18 =	vld.idx.msk [tilespmem:v18+s3+$0x0], $0xffff;
	[tilespmem:s15+$0xFFFFFF80] =	vst v15;
	v15 =	vadd.s32 v0, v3  }
0x1dc: {  	v25 =	vor.u32 s23, v0;
	v26 =	vadd.s32 v0, v12;
	v14 =	vld.idx.msk [tilespmem:v14+s3+$0x0], $0xffff;
	[tilespmem:s15+$0x0] =	vst v8;
	v8 =	vadd.s32 v0, v9  }
0x1dd: {  	v4 =	vadd.s32 v1, v4;
	v27 =	vor.u32 s23, v1;
	v19 =	vld.idx.msk [tilespmem:v19+s3+$0x0], $0xffff;
	[tilespmem:s15+$0x80] =	vst v16;
	v16 =	vadd.s32 v0, v22  }
0x1de: {  	v28 =	vmov s0;
	v6 =	vadd.s32 v1, v6;
	v3 =	vadd.s32 v1, v3;
	v7 =	vld.idx.msk [tilespmem:v7+s3+$0x0], $0xffff;
	[tilespmem:s15+$0x190] =	vst v11  }
0x1df: {  	v12 =	vadd.s32 v1, v12;
	v9 =	vadd.s32 v1, v9;
	v11 =	vmov s14;
	[tilespmem:s15+$0x100] =	vst v10;
	v10 =	vld.idx.msk [tilespmem:v17+s3+$0x0], $0xffff  }
0x1e0: {  	v22 =	vadd.s32 v1, v22;
	v17 =	vmov s8;
	[tilespmem:s15+$0xFFFFFE90] =	vst v5;
	v5 =	vmov s21;
	v20 =	vld.idx.msk [tilespmem:v20+s3+$0x0], $0xffff  }
0x1e1: {  	v29 =	vmov s13;
	v13 =	vadd.s32 v1, v13;
	[tilespmem:s15+$0xFFFFFE10] =	vst v18;
	v18 =	vmov s22;
	v21 =	vld.idx.msk [tilespmem:v21+s3+$0x0], $0xffff  }
0x1e2: {  	v28 =	vshll.u32 v28, $0x3;
	v11 =	vshll.u32 v11, $0x3;
	v5 =	vshll.u32 v5, $0x3;
	v25 =	vld.idx.msk [tilespmem:v25+s3+$0x0], $0xffff;
	[tilespmem:s15+$0xFFFFFF10] =	vst v14  }
0x1e3: {  	s1 =	sadd.s32 $0xFFFFFFFF, s6;
	v17 =	vshll.u32 v17, $0x3;
	v18 =	vshll.u32 v18, $0x3;
	v14 =	vld.idx.msk [tilespmem:v23+s3+$0x0], $0xffff;
	[tilespmem:s15+$0xFFFFFF90] =	vst v19;
	v19 =	vshll.u32 v29, $0x3  }
0x1e4: {  	v11 =	vand.u32 $0x7FFFFC00, v11;
	v23 =	vand.u32 $0x7FFFFC00, v28;
	v24 =	vld.idx.msk [tilespmem:v24+s3+$0x0], $0xffff;
	[tilespmem:s15+$0x10] =	vst v7;
	v7 =	vmov s1  }
0x1e5: {  	v17 =	vand.u32 $0x7FFFFC00, v17;
	v5 =	vand.u32 $0x7FFFFC00, v5;
	v15 =	vld.idx.msk [tilespmem:v15+s3+$0x0], $0xffff;
	[tilespmem:s15+$0x1A0] =	vst v10;
	v7 =	vshll.u32 v7, $0x3  }
0x1e6: {  	v10 =	vand.u32 $0x7FFFFC00, v18;
	v18 =	vand.u32 $0x7FFFFC00, v19;
	[tilespmem:s15+$0x90] =	vst v20;
	v13 =	vld.idx.msk [tilespmem:v13+s3+$0x0], $0xffff;
	v7 =	vand.u32 $0x7FFFFC00, v7  }
0x1e7: {  	v19 =	vadd.s32 s0, v23;
	v8 =	vld.idx.msk [tilespmem:v8+s3+$0x0], $0xffff;
	[tilespmem:s15+$0x110] =	vst v21;
	v7 =	vadd.s32 s1, v7  }
0x1e8: {  	v11 =	vadd.s32 s14, v11;
	v5 =	vadd.s32 s21, v5;
	[tilespmem:s15+$0xFFFFFE20] =	vst v25;
	v20 =	vld.idx.msk [tilespmem:v26+s3+$0x0], $0xffff;
	v21 =	vadd.s32 v0, v7  }
0x1e9: {  	v17 =	vadd.s32 s8, v17;
	v10 =	vadd.s32 s22, v10;
	[tilespmem:s15+$0xFFFFFEA0] =	vst v14;
	v14 =	vadd.s32 v0, v19;
	v16 =	vld.idx.msk [tilespmem:v16+s3+$0x0], $0xffff  }
0x1ea: {  	v18 =	vadd.s32 s13, v18;
	v25 =	vadd.s32 v0, v5;
	v23 =	vld.idx.msk [tilespmem:v27+s3+$0x0], $0xffff;
	[tilespmem:s15+$0xFFFFFF20] =	vst v24;
	v24 =	vadd.s32 v0, v11  }
0x1eb: {  	v26 =	vor.u32 s5, v0;
	v27 =	vadd.s32 v0, v10;
	v4 =	vld.idx.msk [tilespmem:v4+s3+$0x0], $0xffff;
	[tilespmem:s15+$0xFFFFFFA0] =	vst v15;
	v15 =	vadd.s32 v0, v17  }
0x1ec: {  	v28 =	vor.u32 s5, v1;
	v29 =	vadd.s32 v0, v18;
	v19 =	vadd.s32 v1, v19;
	v6 =	vld.idx.msk [tilespmem:v6+s3+$0x0], $0xffff;
	[tilespmem:s15+$0x1B0] =	vst v13  }
0x1ed: {  	v30 =	vadd.s32 v1, v5;
	v11 =	vadd.s32 v1, v11;
	v13 =	vmov s20;
	[tilespmem:s15+$0x20] =	vst v8;
	v5 =	vld.idx.msk [tilespmem:v21+s3+$0x0], $0xffff  }
0x1ee: {  	v10 =	vadd.s32 v1, v10;
	v17 =	vadd.s32 v1, v17;
	v8 =	vmov s7;
	v3 =	vld.idx.msk [tilespmem:v3+s3+$0x0], $0xffff;
	[tilespmem:s15+$0xA0] =	vst v20  }
0x1ef: {  	v7 =	vadd.s32 v1, v7;
	v20 =	vmov s19;
	v9 =	vld.idx.msk [tilespmem:v9+s3+$0x0], $0xffff;
	[tilespmem:s15+$0x120] =	vst v16;
	v16 =	vadd.s32 v1, v18  }
0x1f0: {  	v13 =	vshll.u32 v13, $0x3;
	v21 =	vmov s12;
	v18 =	vmov s10;
	[tilespmem:s15+$0xFFFFFE30] =	vst v23;
	v12 =	vld.idx.msk [tilespmem:v12+s3+$0x0], $0xffff  }
0x1f1: {  	[tilespmem:s15+$0xFFFFFEB0] =	vst v4;
	v4 =	vshll.u32 v8, $0x3;
	v8 =	vshll.u32 v20, $0x3;
	v20 =	vld.idx.msk [tilespmem:v22+s3+$0x0], $0xffff;
	v22 =	vmov s18  }
0x1f2: {  	v23 =	vld.idx.msk [tilespmem:v26+s3+$0x0], $0xffff;
	[tilespmem:s15+$0xFFFFFF30] =	vst v6;
	v6 =	vshll.u32 v18, $0x3;
	v18 =	vshll.u32 v21, $0x3;
	v21 =	vmov s6  }
0x1f3: {  	v13 =	vand.u32 $0x7FFFFC00, v13;
	v22 =	vshll.u32 v22, $0x3;
	v14 =	vld.idx.msk [tilespmem:v14+s3+$0x0], $0xffff;
	[tilespmem:s15+$0x1C0] =	vst v5;
	v5 =	vshll.u32 v21, $0x3  }
0x1f4: {  	v4 =	vand.u32 $0x7FFFFC00, v4;
	[tilespmem:s15+$0xFFFFFFB0] =	vst v3;
	v3 =	vand.u32 $0x7FFFFC00, v8;
	v7 =	vld.idx.msk [tilespmem:v7+s3+$0x0], $0xffff;
	v5 =	vand.u32 $0x7FFFFC00, v5  }
0x1f5: {  	v6 =	vand.u32 $0x7FFFFC00, v6;
	v8 =	vld.idx.msk [tilespmem:v24+s3+$0x0], $0xffff;
	[tilespmem:s15+$0x30] =	vst v9;
	v9 =	vand.u32 $0x7FFFFC00, v18;
	v18 =	vadd.s32 s6, v5  }
0x1f6: {  	v5 =	vadd.s32 s20, v13;
	v13 =	vld.idx.msk [tilespmem:v25+s3+$0x0], $0xffff;
	[tilespmem:s15+$0xB0] =	vst v12;
	v12 =	vand.u32 $0x7FFFFC00, v22;
	v21 =	vadd.s32 v0, v18  }
0x1f7: {  	v4 =	vadd.s32 s7, v4;
	v3 =	vadd.s32 s19, v3;
	v22 =	vadd.s32 v0, v5;
	v15 =	vld.idx.msk [tilespmem:v15+s3+$0x0], $0xffff;
	[tilespmem:s15+$0x130] =	vst v20  }
0x1f8: {  	v6 =	vadd.s32 s10, v6;
	v9 =	vadd.s32 s12, v9;
	v20 =	vadd.s32 v0, v4;
	[tilespmem:s15+$0xFFFFFE40] =	vst v23;
	v23 =	vld.idx.msk [tilespmem:v27+s3+$0x0], $0xffff  }
0x1f9: {  	v24 =	vadd.s32 v0, v6;
	v12 =	vadd.s32 s18, v12;
	[tilespmem:s15+$0xFFFFFEC0] =	vst v14;
	v14 =	vadd.s32 v0, v3;
	v25 =	vld.idx.msk [tilespmem:v29+s3+$0x0], $0xffff  }
0x1fa: {  	v27 =	vor.u32 s17, v0;
	v29 =	vadd.s32 v0, v12;
	v26 =	vld.idx.msk [tilespmem:v28+s3+$0x0], $0xffff;
	v28 =	vadd.s32 v0, v9;
	[tilespmem:s15+$0x1D0] =	vst v7  }
0x1fb: {  	v32 =	vadd.s32 v1, v4;
	v31 =	vadd.s32 v1, v5;
	v7 =	vor.u32 s17, v1;
	[tilespmem:s15+$0xFFFFFF40] =	vst v8;
	v8 =	vld.idx.msk [tilespmem:v21+s3+$0x0], $0xffff  }
0x1fc: {  	v5 =	vadd.s32 v1, v6;
	v19 =	vld.idx.msk [tilespmem:v19+s3+$0x0], $0xffff;
	[tilespmem:s15+$0xFFFFFFC0] =	vst v13;
	v13 =	vadd.s32 v1, v3  }
0x1fd: {  	v4 =	vadd.s32 v1, v9;
	v9 =	vadd.s32 v1, v18;
	v6 =	vld.idx.msk [tilespmem:v11+s3+$0x0], $0xffff;
	[tilespmem:s15+$0x40] =	vst v15  }
0x1fe: {  	v3 =	vadd.s32 v1, v12;
	v11 =	vld.idx.msk [tilespmem:v30+s3+$0x0], $0xffff;
	[tilespmem:s15+$0xC0] =	vst v23  }
0x1ff: {  	v12 =	vld.idx.msk [tilespmem:v17+s3+$0x0], $0xffff;
	[tilespmem:s15+$0x140] =	vst v25  }
0x200: {  	[tilespmem:s15+$0xFFFFFE50] =	vst v26;
	v10 =	vld.idx.msk [tilespmem:v10+s3+$0x0], $0xffff  }
0x201: {  	v15 =	vld.idx.msk [tilespmem:v16+s3+$0x0], $0xffff;
	[tilespmem:s15+$0x1E0] =	vst v8  }
0x202: {  	[tilespmem:s15+$0xFFFFFED0] =	vst v19;
	v8 =	vld.idx.msk [tilespmem:v9+s3+$0x0], $0xffff  }
0x203: {  	v9 =	vld.idx.msk [tilespmem:v27+s3+$0x0], $0xffff;
	[tilespmem:s15+$0xFFFFFF50] =	vst v6  }
0x204: {  	v6 =	vld.idx.msk [tilespmem:v22+s3+$0x0], $0xffff;
	[tilespmem:s15+$0xFFFFFFD0] =	vst v11  }
0x205: {  	v16 =	vld.idx.msk [tilespmem:v20+s3+$0x0], $0xffff;
	[tilespmem:s15+$0x50] =	vst v12  }
0x206: {  	v12 =	vld.idx.msk [tilespmem:v14+s3+$0x0], $0xffff;
	[tilespmem:s15+$0xD0] =	vst v10  }
0x207: {  	v14 =	vld.idx.msk [tilespmem:v24+s3+$0x0], $0xffff;
	[tilespmem:s15+$0x150] =	vst v15  }
0x208: {  	v11 =	vld.idx.msk [tilespmem:v28+s3+$0x0], $0xffff;
	[tilespmem:s15+$0x1F0] =	vst v8  }
.Ltmp6:
0x209: {  	[tilespmem:s15+$0xFFFFFE60] =	vst v9;
	v10 =	vld.idx.msk [tilespmem:v29+s3+$0x0], $0xffff;
	(pc) =	sbr.rel @p2 .LBB2_9-.Ltmp6, $4  }
0x20a: {  	v9 =	vld.idx.msk [tilespmem:v7+s3+$0x0], $0xffff;
	[tilespmem:s15+$0xFFFFFEE0] =	vst v6  }
0x20b: {  	v8 =	vld.idx.msk [tilespmem:v31+s3+$0x0], $0xffff;
	[tilespmem:s15+$0xFFFFFF60] =	vst v16  }
0x20c: {  	v7 =	vld.idx.msk [tilespmem:v32+s3+$0x0], $0xffff;
	[tilespmem:s15+$0xFFFFFFE0] =	vst v12  }
0x20d: {  	s6 =	sadd.s32 $0x20, s6;
	v6 =	vld.idx.msk [tilespmem:v13+s3+$0x0], $0xffff;
	[tilespmem:s15+$0x60] =	vst v14  }
0x20e: {  	_ =	sdelay $0x2  }
0x20f: {  	[tilespmem:s15+$0xE0] =	vst v11  }
0x210: {  	v5 =	vld.idx.msk [tilespmem:v5+s3+$0x0], $0xffff;
	[tilespmem:s15+$0x160] =	vst v10  }
0x211: {  	v4 =	vld.idx.msk [tilespmem:v4+s3+$0x0], $0xffff;
	[tilespmem:s15+$0xFFFFFE70] =	vst v9  }
0x212: {  	v3 =	vld.idx.msk [tilespmem:v3+s3+$0x0], $0xffff;
	[tilespmem:s15+$0xFFFFFEF0] =	vst v8  }
0x213: {  	[tilespmem:s15+$0xFFFFFF70] =	vst v7  }
0x214: {  	[tilespmem:s15+$0xFFFFFFF0] =	vst v6  }
0x215: {  	[tilespmem:s15+$0x70] =	vst v5  }
0x216: {  	[tilespmem:s15+$0xF0] =	vst v4  }
0x217: {  	[tilespmem:s15+$0x170] =	vst v3  }
0x218: {  	s1 =	simm.s32 $0x4000;
	s30 =	simm.s32 $0x3;
	s0 =	rddreg [dreg:$0xf]  }
0x219: {  	[hbm4b:s0+s3] =	stream.linear.scatter [tilespmem:s1], [sflag:$0x3], $0x1000, $0x38;
	[tilespmem:$0x7800] =	vst v63  }
0x21a: {  	_ =	swait.ge [sflag:s30], $0x1000  }
0x21b: {  	[sflag:s30] =	ssyncset.done $0x0  }
0x21c: {  	[sflag:s30] =	ssyncadd.s32 $0xFFFFF000  }
.LBB2_11:
.Ltmp7:
0x21d: {  	(pc) =	sbr.rel @p0 .LBB2_15-.Ltmp7, $2  }
0x21e: {  	_ =	sdelay $0x2  }
0x21f: {  	s1 =	rddreg [dreg:$0x14]  }
0x220: {  	s0 =	simm.s32 $0x0;
	s1 =	rddreg [dreg:$0x10];
	s2 =	simm.s32 $0x5  }
0x221: {  	[tilespmem:s11], [sflag:$0x5] =	stream.linear.gather [hbm4b:s1+s0], $0x400, $0x38;
	[tilespmem:$0x7800] =	vst v63  }
0x222: {  	_ =	swait.ge [sflag:s2], $0x400  }
0x223: {  	[sflag:s2] =	ssyncset.done $0x0  }
0x224: {  	s4 =	simm.s32 $0x6400;
	s25 =	rddreg [dreg:$0xd];
	[sflag:s2] =	ssyncadd.s32 $0xFFFFFC00  }
0x225: {  	[tilespmem:s4], [sflag:$0x5] =	stream.linear.gather [hbm4b:s25+s0], $0x400, $0x38;
	[tilespmem:$0x7800] =	vst v63  }
0x226: {  	_ =	swait.ge [sflag:s2], $0x400  }
0x227: {  	[sflag:s2] =	ssyncset.done $0x0  }
0x228: {  	s28 =	simm.s32 $0x6800;
	s26 =	rddreg [dreg:$0xe];
	[sflag:s2] =	ssyncadd.s32 $0xFFFFFC00  }
0x229: {  	[tilespmem:s28], [sflag:$0x5] =	stream.linear.gather [hbm4b:s26+s0], $0x400, $0x38;
	[tilespmem:$0x7800] =	vst v63  }
0x22a: {  	_ =	swait.ge [sflag:s2], $0x400  }
0x22b: {  	[sflag:s2] =	ssyncset.done $0x0  }
0x22c: {  	s30 =	simm.s32 $0x6C00;
	s29 =	rddreg [dreg:$0x11];
	[sflag:s2] =	ssyncadd.s32 $0xFFFFFC00  }
0x22d: {  	[tilespmem:s30], [sflag:$0x5] =	stream.linear.gather [hbm4b:s29+s0], $0x400, $0x38;
	[tilespmem:$0x7800] =	vst v63  }
0x22e: {  	_ =	swait.ge [sflag:s2], $0x400  }
0x22f: {  	[sflag:s2] =	ssyncset.done $0x0  }
0x230: {  	p2 =	por $0x1, $0x1;
	[sflag:s2] =	ssyncadd.s32 $0xFFFFFC00  }
.LBB2_13:
0x231: {  	s1 =	sshll.u32 s0, $0x2;
	s2 =	sor.u32 $0x1, s0  }
0x232: {  	v3 =	vmov s1;
	s4 =	sshll.u32 s2, $0x2  }
0x233: {  	v3 =	vand.u32 $0x60, v3;
	v4 =	vmov s4  }
0x234: {  	v5 =	vbroadcast v3, $0x0;
	v3 =	vand.u32 $0x64, v4  }
0x235: {  	v4 =	vbroadcast v3, $0x0  }
0x236: {  	v3 =	vor.u32 v2, v5  }
0x237: {  	v6 =	vor.u32 v2, v4;
	_ =	sdelay $0x3  }
0x238: {  	v7 =	vld.idx.msk [tilespmem:v3+s11+$0x0], $0xffff;
	v3 =	vor.u32 $0x800, v2  }
0x239: {  	v5 =	vor.u32 v3, v5;
	v6 =	vld.idx.msk [tilespmem:v6+s11+$0x0], $0xffff  }
0x23a: {  	s5 =	sor.u32 $0x1, s1;
	v4 =	vor.u32 v3, v4  }
0x23b: {  	s6 =	sshll.u32 s0, $0x7;
	v8 =	vmov s5;
	s7 =	sor.u32 $0x1, s4  }
0x23c: {  	s26 =	sand.u32 $0x3FFFFF80, s6;
	s28 =	sshll.u32 s2, $0x7;
	v8 =	vand.u32 $0x61, v8;
	v9 =	vmov s7  }
0x23d: {  	s6 =	sand.u32 $0x3FFFFF80, s28;
	v18 =	vbroadcast v8, $0x0;
	v19 =	vand.u32 $0x65, v9;
	[tilespmem:s26+$0x7000] =	vst v7  }
0x23e: {  	v20 =	vbroadcast v19, $0x0;
	v5 =	vld.idx.msk [tilespmem:v5+s11+$0x0], $0xffff;
	[tilespmem:s6+$0x7000] =	vst v6  }
0x23f: {  	v21 =	vor.u32 v2, v18;
	v4 =	vld.idx.msk [tilespmem:v4+s11+$0x0], $0xffff  }
0x240: {  	v22 =	vor.u32 v2, v20;
	_ =	sdelay $0x2  }
0x241: {  	[tilespmem:s26+$0x7010] =	vst v5  }
0x242: {  	v5 =	vld.idx.msk [tilespmem:v21+s11+$0x0], $0xffff;
	[tilespmem:s6+$0x7010] =	vst v4  }
0x243: {  	v23 =	vor.u32 v3, v18;
	v24 =	vld.idx.msk [tilespmem:v22+s11+$0x0], $0xffff  }
0x244: {  	s1 =	sor.u32 $0x2, s1;
	v6 =	vor.u32 v3, v20  }
0x245: {  	v25 =	vmov s1;
	s29 =	sor.u32 $0x2, s4  }
0x246: {  	v26 =	vmov s29;
	v8 =	vand.u32 $0x62, v25  }
0x247: {  	v28 =	vand.u32 $0x66, v26;
	v27 =	vbroadcast v8, $0x0;
	[tilespmem:s26+$0x7020] =	vst v5  }
0x248: {  	v29 =	vbroadcast v28, $0x0;
	v4 =	vld.idx.msk [tilespmem:v23+s11+$0x0], $0xffff;
	[tilespmem:s6+$0x7020] =	vst v24  }
0x249: {  	v30 =	vor.u32 v2, v27;
	v6 =	vld.idx.msk [tilespmem:v6+s11+$0x0], $0xffff  }
0x24a: {  	v31 =	vor.u32 v2, v29;
	_ =	sdelay $0x2  }
0x24b: {  	[tilespmem:s26+$0x7030] =	vst v4  }
0x24c: {  	v4 =	vld.idx.msk [tilespmem:v30+s11+$0x0], $0xffff;
	[tilespmem:s6+$0x7030] =	vst v6  }
0x24d: {  	s30 =	sshllo.u32 s0, $0x2;
	v5 =	vor.u32 v3, v27;
	v6 =	vld.idx.msk [tilespmem:v31+s11+$0x0], $0xffff  }
0x24e: {  	s12 =	sor.u32 $0x3, s0;
	s17 =	sor.u32 $0x4, s0;
	s2 =	sshllo.u32 s2, $0x2;
	v7 =	vor.u32 v3, v29  }
0x24f: {  	s21 =	sor.u32 $0x6, s0;
	v32 =	vmov s30;
	s8 =	sshll.u32 s12, $0x2;
	s14 =	sshll.u32 s17, $0x2;
	v33 =	vmov s2  }
0x250: {  	s20 =	sor.u32 $0x7, s0;
	s23 =	sshll.u32 s21, $0x2;
	v11 =	vmov s8;
	v43 =	vmov s14;
	v8 =	vand.u32 $0x63, v32  }
0x251: {  	s16 =	sor.u32 $0x2, s0;
	s18 =	sor.u32 $0x5, s0;
	s0 =	sshll.u32 s20, $0x2;
	v14 =	vmov s23;
	v35 =	vand.u32 $0x67, v33;
	v34 =	vbroadcast v8, $0x0;
	[tilespmem:s26+$0x7040] =	vst v4  }
0x252: {  	v15 =	vmov s0;
	v40 =	vand.u32 $0x6C, v11;
	v36 =	vbroadcast v35, $0x0;
	v5 =	vld.idx.msk [tilespmem:v5+s11+$0x0], $0xffff;
	[tilespmem:s6+$0x7040] =	vst v6  }
0x253: {  	v14 =	vand.u32 $0x78, v14;
	v41 =	vbroadcast v40, $0x0;
	v37 =	vor.u32 v2, v34;
	v7 =	vld.idx.msk [tilespmem:v7+s11+$0x0], $0xffff  }
0x254: {  	v15 =	vand.u32 $0x7C, v15;
	v14 =	vbroadcast v14, $0x0;
	v38 =	vor.u32 v2, v36  }
0x255: {  	v11 =	vand.u32 $0x70, v43;
	v15 =	vbroadcast v15, $0x0;
	v12 =	vor.u32 v2, v41  }
0x256: {  	s13 =	sshll.u32 s16, $0x2;
	v11 =	vbroadcast v11, $0x0;
	v16 =	vor.u32 v2, v14  }
0x257: {  	s22 =	sshll.u32 s18, $0x2;
	v10 =	vmov s13;
	v18 =	vor.u32 v2, v15;
	[tilespmem:s26+$0x7050] =	vst v5  }
0x258: {  	v13 =	vmov s22;
	v10 =	vand.u32 $0x68, v10;
	v44 =	vor.u32 v2, v11;
	v8 =	vld.idx.msk [tilespmem:v37+s11+$0x0], $0xffff;
	[tilespmem:s6+$0x7050] =	vst v7  }
0x259: {  	v13 =	vand.u32 $0x74, v13;
	v39 =	vbroadcast v10, $0x0;
	v4 =	vor.u32 v3, v34;
	v9 =	vld.idx.msk [tilespmem:v38+s11+$0x0], $0xffff  }
0x25a: {  	v13 =	vbroadcast v13, $0x0;
	v12 =	vld.idx.msk [tilespmem:v12+s11+$0x0], $0xffff;
	v6 =	vor.u32 v3, v36  }
0x25b: {  	v42 =	vor.u32 v2, v39;
	v16 =	vld.idx.msk [tilespmem:v16+s11+$0x0], $0xffff  }
0x25c: {  	s10 =	sshll.u32 s12, $0x7;
	s19 =	sshll.u32 s17, $0x7;
	s4 =	sor.u32 $0x1, s13;
	v45 =	vor.u32 v2, v13;
	v18 =	vld.idx.msk [tilespmem:v18+s11+$0x0], $0xffff  }
0x25d: {  	s15 =	sor.u32 $0x1, s14;
	s25 =	sor.u32 $0x1, s22;
	s7 =	sor.u32 $0x1, s8;
	[tilespmem:s26+$0x7060] =	vst v8;
	v8 =	vld.idx.msk [tilespmem:v44+s11+$0x0], $0xffff  }
0x25e: {  	s28 =	sor.u32 $0x1, s23;
	s29 =	sshll.u32 s21, $0x7;
	v19 =	vmov s7;
	s7 =	sand.u32 $0x3FFFFF80, s10;
	v7 =	vor.u32 v3, v41;
	v4 =	vld.idx.msk [tilespmem:v4+s11+$0x0], $0xffff;
	[tilespmem:s6+$0x7060] =	vst v9  }
0x25f: {  	s2 =	sshll.u32 s20, $0x7;
	v17 =	vmov s4;
	v49 =	vmov s15;
	s10 =	sand.u32 $0x3FFFFF80, s19;
	s19 =	sand.u32 $0x3FFFFF80, s29;
	v15 =	vor.u32 v3, v15;
	[tilespmem:s7+$0x7000] =	vst v12;
	v6 =	vld.idx.msk [tilespmem:v6+s11+$0x0], $0xffff  }
0x260: {  	s30 =	sor.u32 $0x1, s0;
	v51 =	vmov s25;
	v54 =	vmov s28;
	s5 =	sand.u32 $0x3FFFFF80, s2;
	v10 =	vld.idx.msk [tilespmem:v42+s11+$0x0], $0xffff;
	v11 =	vor.u32 v3, v11;
	[tilespmem:s19+$0x7000] =	vst v16  }
0x261: {  	v57 =	vmov s30;
	v19 =	vand.u32 $0x6D, v19;
	[tilespmem:s5+$0x7000] =	vst v18;
	v5 =	vor.u32 v3, v39;
	v9 =	vld.idx.msk [tilespmem:v45+s11+$0x0], $0xffff  }
0x262: {  	v58 =	vand.u32 $0x7D, v57;
	v46 =	vbroadcast v19, $0x0;
	v13 =	vor.u32 v3, v13;
	[tilespmem:s10+$0x7000] =	vst v8  }
0x263: {  	s9 =	sshll.u32 s16, $0x7;
	v50 =	vand.u32 $0x71, v49;
	v14 =	vor.u32 v3, v14;
	v16 =	vbroadcast v58, $0x0;
	v7 =	vld.idx.msk [tilespmem:v7+s11+$0x0], $0xffff;
	[tilespmem:s26+$0x7070] =	vst v4  }
0x264: {  	v17 =	vand.u32 $0x69, v17;
	v52 =	vbroadcast v50, $0x0;
	v48 =	vor.u32 v2, v46;
	v15 =	vld.idx.msk [tilespmem:v15+s11+$0x0], $0xffff;
	s26 =	sshll.u32 s18, $0x7;
	[tilespmem:s6+$0x7070] =	vst v6;
	s6 =	sand.u32 $0x3FFFFF80, s9  }
0x265: {  	v53 =	vand.u32 $0x75, v51;
	v17 =	vbroadcast v17, $0x0;
	v61 =	vor.u32 v2, v16;
	v11 =	vld.idx.msk [tilespmem:v11+s11+$0x0], $0xffff;
	s15 =	sand.u32 $0x3FFFFF80, s26;
	[tilespmem:s6+$0x7000] =	vst v10  }
0x266: {  	v56 =	vand.u32 $0x79, v54;
	v55 =	vbroadcast v53, $0x0;
	v20 =	vor.u32 v2, v52;
	[tilespmem:s15+$0x7000] =	vst v9;
	v5 =	vld.idx.msk [tilespmem:v5+s11+$0x0], $0xffff  }
0x267: {  	v47 =	vor.u32 v2, v17;
	v12 =	vbroadcast v56, $0x0;
	v13 =	vld.idx.msk [tilespmem:v13+s11+$0x0], $0xffff  }
0x268: {  	v59 =	vor.u32 v2, v55;
	v14 =	vld.idx.msk [tilespmem:v14+s11+$0x0], $0xffff;
	[tilespmem:s7+$0x7010] =	vst v7  }
0x269: {  	s4 =	sor.u32 $0x2, s13;
	v60 =	vor.u32 v2, v12;
	[tilespmem:s5+$0x7010] =	vst v15;
	v10 =	vld.idx.msk [tilespmem:v48+s11+$0x0], $0xffff  }
0x26a: {  	s0 =	sor.u32 $0x2, s0;
	v62 =	vmov s4;
	v7 =	vld.idx.msk [tilespmem:v61+s11+$0x0], $0xffff;
	v4 =	vor.u32 v3, v46;
	[tilespmem:s10+$0x7010] =	vst v11  }
0x26b: {  	v25 =	vmov s0;
	v17 =	vor.u32 v3, v17;
	v16 =	vor.u32 v3, v16;
	s9 =	sor.u32 $0x2, s8;
	v20 =	vld.idx.msk [tilespmem:v20+s11+$0x0], $0xffff;
	[tilespmem:s6+$0x7010] =	vst v5  }
0x26c: {  	s13 =	sor.u32 $0x2, s14;
	v12 =	vor.u32 v3, v12;
	v8 =	vor.u32 v3, v52;
	v63 =	vmov s9;
	[tilespmem:s15+$0x7010] =	vst v13;
	v6 =	vld.idx.msk [tilespmem:v47+s11+$0x0], $0xffff  }
0x26d: {  	v18 =	vand.u32 $0x6A, v62;
	v21 =	vmov s13;
	[tilespmem:s19+$0x7010] =	vst v14;
	v11 =	vand.u32 $0x6E, v63;
	v19 =	vld.idx.msk [tilespmem:v59+s11+$0x0], $0xffff  }
0x26e: {  	v14 =	vand.u32 $0x7E, v25;
	v9 =	vor.u32 v3, v55;
	v28 =	vbroadcast v11, $0x0;
	[tilespmem:s7+$0x7020] =	vst v10;
	v5 =	vld.idx.msk [tilespmem:v60+s11+$0x0], $0xffff  }
0x26f: {  	s14 =	sor.u32 $0x2, s22;
	v26 =	vbroadcast v18, $0x0;
	v29 =	vand.u32 $0x72, v21;
	v36 =	vbroadcast v14, $0x0;
	[tilespmem:s5+$0x7020] =	vst v7;
	v4 =	vld.idx.msk [tilespmem:v4+s11+$0x0], $0xffff  }
0x270: {  	s22 =	sor.u32 $0x2, s23;
	v24 =	vmov s14;
	v38 =	vld.idx.msk [tilespmem:v16+s11+$0x0], $0xffff;
	v11 =	vbroadcast v29, $0x0;
	v31 =	vor.u32 v2, v28;
	[tilespmem:s10+$0x7020] =	vst v20  }
0x271: {  	v22 =	vmov s22;
	v40 =	vor.u32 v2, v36;
	v13 =	vand.u32 $0x76, v24;
	v8 =	vld.idx.msk [tilespmem:v8+s11+$0x0], $0xffff;
	[tilespmem:s6+$0x7020] =	vst v6  }
0x272: {  	v32 =	vand.u32 $0x7A, v22;
	v33 =	vor.u32 v2, v11;
	v13 =	vbroadcast v13, $0x0;
	[tilespmem:s15+$0x7020] =	vst v19;
	v27 =	vld.idx.msk [tilespmem:v17+s11+$0x0], $0xffff  }
0x273: {  	v30 =	vor.u32 v2, v26;
	v34 =	vbroadcast v32, $0x0;
	[tilespmem:s19+$0x7020] =	vst v5;
	v9 =	vld.idx.msk [tilespmem:v9+s11+$0x0], $0xffff  }
0x274: {  	v35 =	vor.u32 v2, v13;
	[tilespmem:s7+$0x7030] =	vst v4;
	v12 =	vld.idx.msk [tilespmem:v12+s11+$0x0], $0xffff  }
0x275: {  	s25 =	sshllo.u32 s12, $0x2;
	v37 =	vor.u32 v2, v34;
	[tilespmem:s5+$0x7030] =	vst v38;
	v18 =	vld.idx.msk [tilespmem:v31+s11+$0x0], $0xffff  }
0x276: {  	s23 =	sshllo.u32 s16, $0x2;
	s28 =	sshllo.u32 s18, $0x2;
	v42 =	vmov s25;
	v10 =	vor.u32 v3, v28;
	v4 =	vld.idx.msk [tilespmem:v40+s11+$0x0], $0xffff;
	[tilespmem:s10+$0x7030] =	vst v8  }
0x277: {  	s30 =	sshllo.u32 s20, $0x2;
	s29 =	sshllo.u32 s21, $0x2;
	v41 =	vmov s23;
	v44 =	vmov s28;
	v7 =	vor.u32 v3, v36;
	v20 =	vld.idx.msk [tilespmem:v33+s11+$0x0], $0xffff;
	[tilespmem:s6+$0x7030] =	vst v27  }
0x278: {  	v45 =	vmov s29;
	v46 =	vmov s30;
	s26 =	sshllo.u32 s17, $0x2;
	v11 =	vor.u32 v3, v11;
	[tilespmem:s15+$0x7030] =	vst v9;
	v39 =	vld.idx.msk [tilespmem:v30+s11+$0x0], $0xffff  }
0x279: {  	v43 =	vmov s26;
	v6 =	vor.u32 v3, v26;
	v8 =	vand.u32 $0x6F, v42;
	[tilespmem:s19+$0x7030] =	vst v12;
	v19 =	vld.idx.msk [tilespmem:v35+s11+$0x0], $0xffff  }
0x27a: {  	v13 =	vor.u32 v3, v13;
	v8 =	vbroadcast v8, $0x0;
	[tilespmem:s7+$0x7040] =	vst v18;
	v12 =	vand.u32 $0x7F, v46;
	v14 =	vld.idx.msk [tilespmem:v37+s11+$0x0], $0xffff  }
0x27b: {  	v48 =	vand.u32 $0x73, v43;
	v5 =	vor.u32 v3, v34;
	[tilespmem:s5+$0x7040] =	vst v4;
	v10 =	vld.idx.msk [tilespmem:v10+s11+$0x0], $0xffff;
	v12 =	vbroadcast v12, $0x0  }
0x27c: {  	v16 =	vbroadcast v48, $0x0;
	v47 =	vand.u32 $0x6B, v41;
	v7 =	vld.idx.msk [tilespmem:v7+s11+$0x0], $0xffff;
	v50 =	vor.u32 v2, v8;
	[tilespmem:s10+$0x7040] =	vst v20  }
0x27d: {  	v15 =	vbroadcast v47, $0x0;
	v9 =	vand.u32 $0x77, v44;
	v55 =	vor.u32 v2, v12;
	v11 =	vld.idx.msk [tilespmem:v11+s11+$0x0], $0xffff;
	[tilespmem:s6+$0x7040] =	vst v39  }
0x27e: {  	v51 =	vand.u32 $0x7B, v45;
	v52 =	vor.u32 v2, v16;
	v9 =	vbroadcast v9, $0x0;
	[tilespmem:s15+$0x7040] =	vst v19;
	v6 =	vld.idx.msk [tilespmem:v6+s11+$0x0], $0xffff  }
0x27f: {  	v49 =	vor.u32 v2, v15;
	[tilespmem:s19+$0x7040] =	vst v14;
	v19 =	vbroadcast v51, $0x0;
	v13 =	vld.idx.msk [tilespmem:v13+s11+$0x0], $0xffff  }
0x280: {  	v59 =	vor.u32 v3, v16;
	v53 =	vor.u32 v2, v9;
	[tilespmem:s7+$0x7050] =	vst v10;
	v5 =	vld.idx.msk [tilespmem:v5+s11+$0x0], $0xffff  }
0x281: {  	v56 =	vor.u32 v3, v15;
	[tilespmem:s5+$0x7050] =	vst v7;
	v57 =	vld.idx.msk [tilespmem:v50+s11+$0x0], $0xffff;
	v54 =	vor.u32 v2, v19  }
0x282: {  	v8 =	vor.u32 v3, v8;
	v60 =	vor.u32 v3, v9;
	v10 =	vld.idx.msk [tilespmem:v55+s11+$0x0], $0xffff;
	[tilespmem:s10+$0x7050] =	vst v11  }
0x283: {  	v61 =	vor.u32 v3, v19;
	v3 =	vor.u32 v3, v12;
	v58 =	vld.idx.msk [tilespmem:v52+s11+$0x0], $0xffff;
	[tilespmem:s6+$0x7050] =	vst v6  }
0x284: {  	[tilespmem:s15+$0x7050] =	vst v13;
	v17 =	vld.idx.msk [tilespmem:v49+s11+$0x0], $0xffff  }
0x285: {  	[tilespmem:s19+$0x7050] =	vst v5;
	v4 =	vld.idx.msk [tilespmem:v53+s11+$0x0], $0xffff  }
0x286: {  	[tilespmem:s7+$0x7060] =	vst v57;
	v6 =	vld.idx.msk [tilespmem:v54+s11+$0x0], $0xffff  }
0x287: {  	v8 =	vld.idx.msk [tilespmem:v8+s11+$0x0], $0xffff;
	[tilespmem:s5+$0x7060] =	vst v10  }
0x288: {  	v3 =	vld.idx.msk [tilespmem:v3+s11+$0x0], $0xffff;
	[tilespmem:s10+$0x7060] =	vst v58  }
0x289: {  	v62 =	vld.idx.msk [tilespmem:v59+s11+$0x0], $0xffff;
	[tilespmem:s6+$0x7060] =	vst v17  }
0x28a: {  	[tilespmem:s15+$0x7060] =	vst v4;
	v11 =	vld.idx.msk [tilespmem:v56+s11+$0x0], $0xffff  }
0x28b: {  	[tilespmem:s19+$0x7060] =	vst v6;
	v63 =	vld.idx.msk [tilespmem:v60+s11+$0x0], $0xffff  }
0x28c: {  	p3 =	por p2, p2;
	[tilespmem:s7+$0x7070] =	vst v8;
	v6 =	vld.idx.msk [tilespmem:v61+s11+$0x0], $0xffff  }
.Ltmp8:
0x28d: {  	[tilespmem:s5+$0x7070] =	vst v3;
	(pc) =	sbr.rel @p3 .LBB2_13-.Ltmp8, $4  }
0x28e: {  	[tilespmem:s10+$0x7070] =	vst v62  }
0x28f: {  	[tilespmem:s6+$0x7070] =	vst v11  }
0x290: {  	[tilespmem:s15+$0x7070] =	vst v63  }
0x291: {  	p2 =	por $0x0, $0x0;
	s0 =	simm.s32 $0x8;
	[tilespmem:s19+$0x7070] =	vst v6  }
0x292: {  	s0 =	rddreg [dreg:$0x12]  }
.Ltmp9:
0x293: {  	s1 =	simm.s32 $0x7000;
	s30 =	simm.s32 $0x5;
	(pc) =	sbr.rel .LBB2_15-.Ltmp9, $4  }
0x294: {  	[hbm4b:s0+s3] =	stream.linear.scatter [tilespmem:s1], [sflag:$0x5], $0x800, $0x38;
	[tilespmem:$0x7800] =	vst v63  }
0x295: {  	_ =	swait.ge [sflag:s30], $0x800  }
0x296: {  	[sflag:s30] =	ssyncset.done $0x0  }
0x297: {  	s1 =	rddreg [dreg:$0x14];
	[sflag:s30] =	ssyncadd.s32 $0xFFFFF800  }
.LBB2_16:
0x298: {  	_ =	sfence.sel $0x180000  }
0x299: {  	[bflag:$0x0] =	sbarrier.arrive $0xFFFF  }
0x29a: {  	_ =	strace $0x90000047  }
0x29b: {  	s0 =	stileid.u32;
	[bflag:$0x2] =	sbarrier.arrive $0xFFFF  }
0x29c: {  	p0 =	sne.s32 s0, $0x0;
	s0 =	rddreg [dreg:$0x2]  }
0x29d: {  	s0 =	sadd.s32 @!p0 $0x100000, s0  }
0x29e: {  	[sflag:s0] =	ssyncadd.tile.s32 @!p0 $0x1;
	_ =	shalt  }
.Lfunc_end2:
_tile_overlayer_lowered:
.L_overlay_start_2:
0x29f: {  	(tag) =	ssettag $0x2  }
0x2a0: {  	s0 =	rddreg [dreg:$0x0];
	s2 =	stileid.u32  }
0x2a1: {  	s1 =	rddreg [dreg:$0x1];
	p0 =	sne.s32 s2, $0x0  }
0x2a2: {  	s3 =	rddreg [dreg:$0x2];
	[bflag:$0x3] =	sbarrier.arrive $0xFFFF;
	s2 =	simm.s32 @!p0 $0x1C05  }
0x2a3: {  	[timem:s3], [sflag:s2] =	dma.local @!p0 [hbm:s0], s1  }
0x2a4: {  	s0 =	simm.s32 @!p0 $0x5  }
0x2a5: {  	_ =	swait.ge @!p0 [sflag:s0], s1  }
0x2a6: {  	s1 =	ssub.s32 @!p0 $0x0, s1;
	[sflag:s0] =	ssyncset.done @!p0 $0x0  }
0x2a7: {  	[sflag:s0] =	ssyncadd.s32 @!p0 s1  }
0x2a8: {  	[bflag:$0x3] =	sbarrier.arrive $0xFFFF  }
0x2a9: {  	_ =	shalt  }

// kernel: kernel.7.cloned.1.call-start
scs
__scs_entry_jumppad:
0x0: {  	(pc) =	sbr.rel $0x88, $3  }
0x1: {  	(tag) =	ssettag $0x0;
	lr =	simm.s32 $0x1  }
0x2: {  	[smem:$0x3F9F] =	sst lr;
	_ =	strace $0xD0000000  }
0x3: {  	_ = 	snop  }
0x4: {  	_ = 	snop  }
0x5: {  	_ = 	snop  }
0x6: {  	_ = 	snop  }
0x7: {  	_ = 	snop  }
__scs_overlays_trampoline_lowered:
0x8: {  	[smem:$0x3FAE] =	sst s0  }
0x9: {  	[smem:$0x3FAF] =	sst s1  }
0xa: {  	[smem:$0x3FB0] =	sst s2  }
0xb: {  	[smem:$0x3FB1] =	sst s3  }
0xc: {  	[smem:$0x3FB2] =	sst s4  }
0xd: {  	[smem:$0x3FB3] =	sst s5  }
0xe: {  	[smem:$0x3FB4] =	sst s6  }
0xf: {  	[smem:$0x3FB5] =	sst s7  }
0x10: {  	[smem:$0x3FB6] =	sst s8  }
0x11: {  	[smem:$0x3FB7] =	sst s9;
	s0 =	simm.s32 @!p0 $0x0  }
0x12: {  	s1 =	sld [smem:$0x3F9D];
	s0 =	simm.s32 @p0 $0x1  }
0x13: {  	[smem:$0x3FB8] =	sst s0;
	s0 =	simm.s32 @!p1 $0x0  }
0x14: {  	s2 =	sld [smem:$0x3F9C];
	s0 =	simm.s32 @p1 $0x1  }
0x15: {  	[smem:$0x3FB9] =	sst s0;
	s0 =	simm.s32 @!p2 $0x0  }
0x16: {  	s3 =	sld [smem:$0x3FDB];
	s0 =	simm.s32 @p2 $0x1  }
0x17: {  	s4 =	simm.s32 $0x1BF5;
	[smem:$0x3FBB] =	sst s0  }
0x18: {  	s0 =	sld [smem:$0x3F9E];
	_ =	swait.ge [sflag:s4], $0x0  }
0x19: {  	s7 =	sld [smem:$0x3F9F]  }
0x1a: {  	s8 =	sadd.s32 $0xFFFFE003, lr  }
0x1b: {  	s9 =	sadd.s32 $0xFFFFFEF7, lr;
	s5 =	simm.s32 $0xFFFFFFFF;
	p2 =	slt.u32 s8, $0xFFFFF086  }
0x1c: {  	p1 =	slt.u32 s9, $0xF7A;
	s5 =	simm.s32 @!p2 $0x0  }
0x1d: {  	s5 =	simm.s32 @p1 $0x1;
	p0 =	seq.s32 s7, s2  }
0x1e: {  	s7 =	smul.u32 @!p0 $0xF7A, s2;
	p2 =	seq.s32 @!p0 s5, $0x0  }
0x1f: {  	s9 =	smul.u32 $0xF7A, s1;
	s8 =	simm.s32 @!p0 $0x1BF5;
	p2 =	por !p2, p0  }
0x20: {  	[sflag:s8] =	ssyncset.s32 @!p0 $0xFFFFF086;
	s6 =	sadd.s32 @!p0 s3, s7;
	s7 =	simm.s32 @!p0 $0x108  }
0x21: {  	s3 =	sadd.s32 s3, s9;
	s6 =	sadd.s32 @!p0 $0x88, s6;
	s7 =	simm.s32 @p2 $0x1082  }
0x22: {  	[simem:s7], [sflag:s8] =	dma.local @!p0 [hbm:s6], $0xF7A  }
0x23: {  	s9 =	sor.u32 $0xD0000000, s2;
	s6 =	simm.s32 $0x108;
	_ =	swait.ge @!p0 [sflag:s8], $0x0  }
0x24: {  	s3 =	sadd.s32 $0x88, s3;
	s6 =	simm.s32 @!p1 $0x1082;
	[sflag:s4] =	ssyncset.s32 $0xFFFFF086  }
0x25: {  	[simem:s6], [sflag:s4] =	dma.local [hbm:s3], $0xF7A  }
0x26: {  	[smem:$0x3F9F] =	sst s1;
	(tag) =	ssettag s2;
	_ =	strace s9  }
0x27: {  	s1 =	sld [smem:$0x3FAF]  }
0x28: {  	s2 =	sld [smem:$0x3FB0]  }
0x29: {  	s4 =	sld [smem:$0x3FB2]  }
0x2a: {  	p0 =	seq.s32 s5, $0x0;
	s5 =	sld [smem:$0x3FB3]  }
0x2b: {  	s6 =	sld [smem:$0x3FB4]  }
0x2c: {  	s7 =	sld [smem:$0x3FB5]  }
0x2d: {  	s3 =	simm.s32 $0x108;
	s8 =	sld [smem:$0x3FB6]  }
0x2e: {  	s3 =	simm.s32 @!p0 $0x1082;
	s9 =	sld [smem:$0x3FB7]  }
0x2f: {  	lr =	sadd.s32 s0, s3;
	s0 =	sld [smem:$0x3FAE]  }
0x30: {  	s3 =	sld [smem:$0x3FB1]  }
0x31: {  	[smem:$0x3FBA] =	sst s10  }
0x32: {  	s10 =	sld [smem:$0x3FB8];
	_ =	sdelay $0x3  }
0x33: {  	p0 =	seq.s32 s10, $0x1;
	s10 =	sld [smem:$0x3FBA];
	_ =	sdelay $0x3  }
0x34: {  	[smem:$0x3FBA] =	sst s10  }
0x35: {  	s10 =	sld [smem:$0x3FB9];
	_ =	sdelay $0x3  }
0x36: {  	p1 =	seq.s32 s10, $0x1;
	s10 =	sld [smem:$0x3FBA];
	_ =	sdelay $0x3  }
0x37: {  	[smem:$0x3FBA] =	sst s10  }
0x38: {  	s10 =	sld [smem:$0x3FBB]  }
0x39: {  	_ = 	snop;
	(pc) =	sbr.ind lr, $3  }
0x3a: {  	_ = 	snop  }
0x3b: {  	_ = 	snop  }
0x3c: {  	p2 =	seq.s32 s10, $0x1;
	s10 =	sld [smem:$0x3FBA]  }
0x3d: {  	_ =	shalt  }
0x3e: {  	_ =	shalt  }
0x3f: {  	_ =	shalt  }
0x40: {  	_ =	shalt  }
0x41: {  	_ =	shalt  }
0x42: {  	_ =	shalt  }
0x43: {  	_ =	shalt  }
0x44: {  	_ =	shalt  }
0x45: {  	_ =	shalt  }
0x46: {  	_ =	shalt  }
0x47: {  	_ =	shalt  }
0x48: {  	_ =	shalt  }
0x49: {  	_ =	shalt  }
0x4a: {  	_ =	shalt  }
0x4b: {  	_ =	shalt  }
0x4c: {  	_ =	shalt  }
0x4d: {  	_ =	shalt  }
0x4e: {  	_ =	shalt  }
0x4f: {  	_ =	shalt  }
0x50: {  	_ =	shalt  }
0x51: {  	_ =	shalt  }
0x52: {  	_ =	shalt  }
0x53: {  	_ =	shalt  }
0x54: {  	_ =	shalt  }
0x55: {  	_ =	shalt  }
0x56: {  	_ =	shalt  }
0x57: {  	_ =	shalt  }
0x58: {  	_ =	shalt  }
0x59: {  	_ =	shalt  }
0x5a: {  	_ =	shalt  }
0x5b: {  	_ =	shalt  }
0x5c: {  	_ =	shalt  }
0x5d: {  	_ =	shalt  }
0x5e: {  	_ =	shalt  }
0x5f: {  	_ =	shalt  }
0x60: {  	_ =	shalt  }
0x61: {  	_ =	shalt  }
0x62: {  	_ =	shalt  }
0x63: {  	_ =	shalt  }
0x64: {  	_ =	shalt  }
0x65: {  	_ =	shalt  }
0x66: {  	_ =	shalt  }
0x67: {  	_ =	shalt  }
0x68: {  	_ =	shalt  }
0x69: {  	_ =	shalt  }
0x6a: {  	_ =	shalt  }
0x6b: {  	_ =	shalt  }
0x6c: {  	_ =	shalt  }
0x6d: {  	_ =	shalt  }
0x6e: {  	_ =	shalt  }
0x6f: {  	_ =	shalt  }
0x70: {  	_ =	shalt  }
0x71: {  	_ =	shalt  }
0x72: {  	_ =	shalt  }
0x73: {  	_ =	shalt  }
0x74: {  	_ =	shalt  }
0x75: {  	_ =	shalt  }
0x76: {  	_ =	shalt  }
0x77: {  	_ =	shalt  }
0x78: {  	_ =	shalt  }
0x79: {  	_ =	shalt  }
0x7a: {  	_ =	shalt  }
0x7b: {  	_ =	shalt  }
0x7c: {  	_ =	shalt  }
0x7d: {  	_ =	shalt  }
0x7e: {  	_ =	shalt  }
0x7f: {  	_ =	shalt  }
0x80: {  	_ =	shalt  }
0x81: {  	_ =	shalt  }
0x82: {  	_ =	shalt  }
0x83: {  	_ =	shalt  }
0x84: {  	_ =	shalt  }
0x85: {  	_ =	shalt  }
0x86: {  	_ =	shalt  }
0x87: {  	_ =	shalt  }
.Lfunc_end0:
.L_simem_size_0:
called_computation.1_lowered:
.L_overlay_start_0:
0x88: {  	s2 =	sld [smem:$0x3FD9]  }
0x89: {  	s3 =	sld [smem:$0x3FFE];
	_ =	sdelay $0x1  }
0x8a: {  	s1 =	srdreg.scid  }
0x8b: {  	s0 =	sand.u32 $0x1, s1  }
0x8c: {  	s17 =	sshll.u32 s0, $0xA;
	s2 =	sadd.s32 s3, s2  }
0x8d: {  	s2 =	sadd.s32 s2, s17  }
0x8e: {  	[smem:$0x3FC6] =	sst s2  }
0x8f: {  	_ = 	snop  }
0x90: {  	s2 =	sld [smem:$0x3FD0];
	(tm) =	ssettm $0x1  }
0x91: {  	s18 =	sld [smem:$0x3FFB];
	_ =	sdelay $0x3  }
0x92: {  	_ =	strace s18  }
0x93: {  	s3 =	sld [smem:$0x3FFC];
	_ =	sdelay $0x3  }
0x94: {  	_ =	strace s3  }
0x95: {  	s3 =	sld [smem:$0x3FFD];
	_ =	sdelay $0x3  }
0x96: {  	_ =	strace s3  }
0x97: {  	_ =	strace $0x8FFFFFFF  }
0x98: {  	s19 =	sld [smem:$0x3FDB];
	_ =	sdelay $0x1  }
0x99: {  	s4 =	simm.s32 $_scs_section_size  }
0x9a: {  	s5 =	simm.s32 $_size__tile_overlayer_lowered;
	s6 =	simm.s32 $_tile_overlayer_lowered  }
0x9b: {  	s22 =	simm.s32 $0x1BFF;
	s21 =	sshll.u32 s6, $0x1;
	s3 =	sadd.s32 s4, s19  }
0x9c: {  	s7 =	simm.s32 $0x0;
	s20 =	sshll.u32 s5, $0x1;
	s5 =	sadd.s32 s21, s3  }
0x9d: {  	[timem:s7], [sflag:s22] =	dma.local [hbm:s5], s20  }
0x9e: {  	_ =	swait.ge [sflag:s22], s20  }
0x9f: {  	s4 =	ssub.s32 $0x0, s20;
	[sflag:s22] =	ssyncset.done $0x0  }
0xa0: {  	[sflag:s22] =	ssyncadd.s32 s4;
	_ =	sdelay $0x1  }
0xa1: {  	s23 =	simm.s32 $0x1B8B  }
0xa2: {  	_ =	swait.ge [sflag:s23], $0x1  }
0xa3: {  	[sflag:s23] =	ssyncset.done $0x0  }
0xa4: {  	s25 =	simm.s32 $0x1B8E;
	s24 =	sld [smem:$0x3FFE];
	[sflag:s23] =	ssyncadd.s32 $0xFFFFFFFF  }
0xa5: {  	s26 =	simm.s32 $execute0_lowered;
	[smem:$0x3FD2] =	sst s25  }
0xa6: {  	s5 =	sshll.u32 s26, $0x1;
	_ =	strace $0x80000049;
	[dreg:$0x1] =	wrdreg $0xFFFFFFFF  }
0xa7: {  	s28 =	simm.s32 $_size_execute0_lowered;
	s3 =	sadd.s32 s3, s5;
	[dreg:$0x0] =	wrdreg $0x0  }
0xa8: {  	s5 =	sshll.u32 s28, $0x1;
	[dreg:$0x2] =	wrdreg s3  }
0xa9: {  	[dreg:$0x3] =	wrdreg s5  }
0xaa: {  	[dreg:$0x4] =	wrdreg $0xC0  }
0xab: {  	_ =	task [dreg:s7], $0x5FFFF  }
0xac: {  	[dreg:$0x1] =	wrdreg $0xFFFFFFFF  }
0xad: {  	[dreg:$0x0] =	wrdreg $0x60  }
0xae: {  	[dreg:$0x2] =	wrdreg s24  }
0xaf: {  	[dreg:$0x3] =	wrdreg s2  }
0xb0: {  	[dreg:$0x4] =	wrdreg $0x9  }
0xb1: {  	_ =	task.clear_ibuf [dreg:s7], $0x5FFFF;
	_ =	strace $0x90000049  }
0xb2: {  	s29 =	simm.s32 $0x9;
	_ =	strace $0x8000004B  }
0xb3: {  	_ =	swait.ge [sflag:s29], $0x1  }
0xb4: {  	[sflag:s29] =	ssyncadd.s32 $0xFFFFFFFF  }
0xb5: {  	_ =	strace $0x9000004B  }
0xb6: {  	_ =	sfence  }
0xb7: {  	s30 =	sld [smem:$0x0];
	_ =	sdelay $0x2  }
0xb8: {  	s31 =	sshll.u32 s1, $0xD;
	s1 =	sshrl.u32 s1, $0x2  }
0xb9: {  	s3 =	sand.u32 $0x4000, s31;
	s1 =	sadd.s32 s1, s30  }
0xba: {  	s0 =	sor.u32 s3, s0;
	s1 =	sshll.u32 s1, $0x11  }
0xbb: {  	s0 =	sor.u32 s1, s0  }
0xbc: {  	s0 =	sadd.s32 $0x8F2B, s0  }
0xbd: {  	[sflag:s0] =	ssyncadd.remote.s32 $0x1  }
0xbe: {  	_ =	sfence.sel $0xFFFF  }
0xbf: {  	[dreg:$0x0] =	wrdreg $0xFFFFFFFF;
	(pc) =	sbr.abs _section_cstart, $3  }
0xc0: {  	[dreg:$0x1] =	wrdreg $0xFFFFFFFF  }
0xc1: {  	_ =	task.clear_ibuf [dreg:s7], $0x2FFFF;
	_ =	strace $0x9FFFFFFF  }
0xc2: {  	(tm) =	ssettm $0x7FFFFFFF  }
0xc3: {  	_ =	shalt  }
tec
execute0_lowered:
.L_overlay_start_1:
0x0: {  	(tag) =	ssettag $0x1  }
0x1: {  	s0 =	rddreg [dreg:$0x0];
	s1 =	srdreg.scid  }
0x2: {  	s3 =	stileid.u32;
	s2 =	rddreg [dreg:$0x1];
	s12 =	simm.s32 $0x1  }
0x3: {  	s13 =	simm.s32 $0x80;
	s18 =	simm.s32 $0x2;
	s19 =	simm.s32 $0x2300  }
0x4: {  	s11 =	simm.s32 $0x5;
	s10 =	simm.s32 $0x3400;
	s24 =	simm.s32 $0x4148  }
0x5: {  	s25 =	simm.s32 $0x41D0;
	s28 =	simm.s32 $0x42E0;
	s29 =	simm.s32 $0x4368  }
0x6: {  	s30 =	simm.s32 $0x43F0;
	s31 =	simm.s32 $0x4478;
	s14 =	simm.s32 $0x0  }
0x7: {  	s1 =	sand.u32 $0x1, s1;
	s4 =	sshll.u32 s3, $0x1;
	s3 =	simm.s32 $0x0  }
0x8: {  	s8 =	sadd.s32 $0x8000, s2;
	s9 =	sadd.s32 $0xC000, s2;
	s5 =	sor.u32 s1, s4  }
0x9: {  	[smem:$0x7FF] =	sst s3;
	s1 =	ssub.s32 $0x2, s1;
	s6 =	smul.u32 $0x680, s5  }
0xa: {  	v0 =	vlaneseq.u32;
	s4 =	sadd.s32 $0xA00, s0;
	_ =	strace $0x8000004A;
	s7 =	sshrl.u32 s1, $0x1  }
0xb: {  	v0 =	vmul.u32 $0x88, v0;
	s5 =	smul.u32 $0x68, s5;
	s1 =	ssub.s32 s1, s7;
	s0 =	sadd.s32 s6, s0  }
0xc: {  	s7 =	sadd.s32 $0x4000, s2;
	s26 =	smax.u32 s1, $0x1;
	s6 =	sadd.s32 $0x3D1400, s0  }
0xd: {  	v1 =	vadd.s32 $0x880, v0;
	[dreg:$0x3] =	wrdreg s26;
	s0 =	simm.s32 $0x3;
	s26 =	simm.s32 $0x4258  }
.LBB2_1:
0xe: {  	[dreg:$0x4] =	wrdreg s14;
	s1 =	simm.s32 $0x100  }
0xf: {  	[tilespmem:s1], [sflag:$0x1] =	stream.linear.gather [hbm4b:s6+s3], $0x100, $0x38;
	[tilespmem:$0x4500] =	vst v63  }
0x10: {  	_ =	swait.ge [sflag:s12], $0x100  }
0x11: {  	[sflag:s12] =	ssyncset.done $0x0  }
0x12: {  	[sflag:s12] =	ssyncadd.s32 $0xFFFFFF00  }
0x13: {  	v2 =	vld [tilespmem:$0x110]  }
0x14: {  	v3 =	vld [tilespmem:$0x120]  }
0x15: {  	v4 =	vld [tilespmem:$0x130]  }
0x16: {  	v5 =	vld [tilespmem:$0x140]  }
0x17: {  	v6 =	vld [tilespmem:$0x150]  }
0x18: {  	v53 =	vld [tilespmem:$0x180];
	[tilespmem:$0x10] =	vst v2  }
0x19: {  	v54 =	vld [tilespmem:$0x190];
	[tilespmem:$0x20] =	vst v3  }
0x1a: {  	v55 =	vld [tilespmem:$0x1A0];
	[tilespmem:$0x30] =	vst v4  }
0x1b: {  	v2 =	vld [tilespmem:$0x160];
	[tilespmem:$0x40] =	vst v5  }
0x1c: {  	v56 =	vld [tilespmem:$0x1C0];
	[tilespmem:$0x50] =	vst v6  }
0x1d: {  	v57 =	vld [tilespmem:$0x1D0];
	[tilespmem:$0x80] =	vst v53  }
0x1e: {  	v3 =	vld [tilespmem:$0x170];
	[tilespmem:$0x90] =	vst v54  }
0x1f: {  	v58 =	vld [tilespmem:$0x1E0];
	[tilespmem:$0xA0] =	vst v55  }
0x20: {  	[tilespmem:$0x60] =	vst v2;
	v2 =	vld [tilespmem:$0x1B0]  }
0x21: {  	[tilespmem:$0xC0] =	vst v56;
	v59 =	vld [tilespmem:$0x10]  }
0x22: {  	[tilespmem:$0xD0] =	vst v57;
	v60 =	vld [tilespmem:$0x20]  }
0x23: {  	[tilespmem:$0x70] =	vst v3;
	v3 =	vld [tilespmem:$0x100]  }
0x24: {  	[tilespmem:$0xE0] =	vst v58  }
0x25: {  	[tilespmem:$0xB0] =	vst v2;
	v2 =	vld [tilespmem:$0x1F0]  }
0x26: {  	v61 =	vld [tilespmem:$0x30];
	[tilespmem:$0x210] =	vst v59  }
0x27: {  	v62 =	vld [tilespmem:$0x60];
	[tilespmem:$0x220] =	vst v60  }
0x28: {  	v63 =	vld [tilespmem:$0x70];
	[tilespmem:$0x0] =	vst v3  }
0x29: {  	[tilespmem:$0x200] =	vst v3;
	v3 =	vld [tilespmem:$0x50]  }
0x2a: {  	[tilespmem:$0xF0] =	vst v2;
	v2 =	vld [tilespmem:$0x40]  }
0x2b: {  	[tilespmem:$0x230] =	vst v61  }
0x2c: {  	[tilespmem:$0x260] =	vst v62  }
0x2d: {  	[tilespmem:$0x270] =	vst v63  }
0x2e: {  	[tilespmem:$0x250] =	vst v3  }
0x2f: {  	s22 =	simm.s32 $0x200;
	s23 =	simm.s32 $0x300;
	s1 =	simm.s32 $0x0;
	[tilespmem:$0x240] =	vst v2  }
0x30: {  	[tilespmem:s23], [sflag:$0x2] =	stream.indirect.gather [hbm4b:s4+s13], $0x20, s22, s13, $0xb8;
	[tilespmem:$0x4500] =	vst v63  }
.LBB2_2:
0x31: {  	s15 =	sadd.s32 $0x1, s1;
	p0 =	seq.s32 s1, $0x33  }
0x32: {  	s14 =	sshll.u32 @!p0 s15, $0x5  }
0x33: {  	s16 =	simm.s32 @!p0 $0x0;
	s17 =	simm.s32 @!p0 $0x100;
	s14 =	sadd.s32 @!p0 s14, s6  }
0x34: {  	[tilespmem:s17], [sflag:$0x1] =	stream.linear.gather @!p0 [hbm4b:s14+s16], $0x100, $0x38;
	[tilespmem:$0x4500] =	vst v63  }
0x35: {  	v2 =	vld [tilespmem:$0x80]  }
0x36: {  	v3 =	vld [tilespmem:$0x90]  }
0x37: {  	v4 =	vld [tilespmem:$0xA0]  }
0x38: {  	v5 =	vld [tilespmem:$0xB0]  }
0x39: {  	v6 =	vld [tilespmem:$0xC0]  }
0x3a: {  	[tilespmem:$0x280] =	vst v2;
	v2 =	vld [tilespmem:$0xD0]  }
0x3b: {  	[tilespmem:$0x290] =	vst v3;
	v3 =	vld [tilespmem:$0xE0]  }
0x3c: {  	[tilespmem:$0x2A0] =	vst v4;
	v4 =	vld [tilespmem:$0xF0]  }
0x3d: {  	[tilespmem:$0x2B0] =	vst v5  }
0x3e: {  	[tilespmem:$0x2C0] =	vst v6  }
0x3f: {  	[tilespmem:$0x2D0] =	vst v2  }
0x40: {  	[tilespmem:$0x2E0] =	vst v3  }
0x41: {  	s20 =	simm.s32 $0x1300;
	s17 =	simm.s32 $0x280;
	[tilespmem:$0x2F0] =	vst v4  }
0x42: {  	[tilespmem:s20], [sflag:$0x3] =	stream.indirect.gather [hbm4b:s4+s13], $0x20, s17, s13, $0xb8;
	[tilespmem:$0x4500] =	vst v63  }
0x43: {  	_ =	swait.ge [sflag:s18], $0x1000  }
0x44: {  	p0 =	seq.s32 s1, $0x0;
	[sflag:s18] =	ssyncset.done $0x0  }
0x45: {  	s14 =	simm.s32 @!p0 $0x4;
	[sflag:s18] =	ssyncadd.s32 $0xFFFFF000  }
0x46: {  	_ =	swait.ge @!p0 [sflag:s14], $0x400  }
0x47: {  	[sflag:s14] =	ssyncset.done @!p0 $0x0  }
0x48: {  	[sflag:s14] =	ssyncadd.s32 @!p0 $0xFFFFFC00  }
0x49: {  	_ =	swait.ge @!p0 [sflag:s14], $0x400  }
0x4a: {  	[sflag:s14] =	ssyncset.done @!p0 $0x0  }
0x4b: {  	[sflag:s14] =	ssyncadd.s32 @!p0 $0xFFFFFC00  }
0x4c: {  	_ =	swait.ge @!p0 [sflag:s14], $0x400  }
0x4d: {  	[sflag:s14] =	ssyncset.done @!p0 $0x0  }
0x4e: {  	[sflag:s14] =	ssyncadd.s32 @!p0 $0xFFFFFC00  }
0x4f: {  	s21 =	simm.s32 $0x3;
	_ =	swait.ge @!p0 [sflag:s14], $0x400  }
0x50: {  	s22 =	simm.s32 $0x0;
	v2 =	vmov s21;
	[sflag:s14] =	ssyncset.done @!p0 $0x0  }
0x51: {  	v3 =	vmov s22;
	s20 =	simm.s32 $0x340;
	v2 =	vand.u32 $0x7F, v2;
	[sflag:s14] =	ssyncadd.s32 @!p0 $0xFFFFFC00  }
0x52: {  	v3 =	vand.u32 $0x7C, v3;
	v5 =	vadd.s32 v0, v2;
	v4 =	vld [tilespmem:s20+$0x20]  }
0x53: {  	v7 =	vadd.s32 v0, v3;
	v6 =	vld [tilespmem:s20+$0xFFFFFFC0]  }
0x54: {  	s23 =	simm.s32 $0x1  }
0x55: {  	v8 =	vmov s23  }
0x56: {  	v8 =	vand.u32 $0x7D, v8;
	s16 =	simm.s32 $0x2  }
0x57: {  	v11 =	vadd.s32 v0, v8;
	v9 =	vmov s16;
	v10 =	vld [tilespmem:s20+$0xFFFFFFE0];
	[tilespmem:v5+s19+$0x0] =	vst.idx.msk $0xffff, v4  }
0x58: {  	v16 =	vand.u32 $0x7E, v9;
	s17 =	simm.s32 $0x7;
	v14 =	vadd.s32 v1, v2;
	[tilespmem:v7+s19+$0x0] =	vst.idx.msk $0xffff, v6;
	v7 =	vld [tilespmem:s20+$0x30]  }
0x59: {  	v12 =	vadd.s32 v0, v16;
	s21 =	simm.s32 $0x4;
	v9 =	vld [tilespmem:s20+$0x0];
	v4 =	vmov s17  }
0x5a: {  	s22 =	simm.s32 $0x5;
	v18 =	vadd.s32 v1, v3;
	v2 =	vmov s21;
	s17 =	simm.s32 $0x3C0;
	v4 =	vand.u32 $0x7F, v4;
	v17 =	vld [tilespmem:s20+$0xFFFFFFD0]  }
0x5b: {  	s23 =	simm.s32 $0x6;
	v5 =	vand.u32 $0x7C, v2;
	v2 =	vmov s22;
	v19 =	vld [tilespmem:s17+$0x20];
	v20 =	vadd.s32 v0, v4  }
0x5c: {  	[tilespmem:v11+s19+$0x0] =	vst.idx.msk $0xffff, v10;
	v6 =	vmov s23;
	v13 =	vld [tilespmem:s17+$0xFFFFFFC0];
	v15 =	vadd.s32 v0, v5;
	v3 =	vand.u32 $0x7D, v2  }
0x5d: {  	v10 =	vld [tilespmem:s17+$0xFFFFFFE0];
	v2 =	vand.u32 $0x7E, v6;
	[tilespmem:v14+s19+$0x0] =	vst.idx.msk $0xffff, v7;
	v14 =	vadd.s32 v0, v3  }
0x5e: {  	[tilespmem:v12+s19+$0x0] =	vst.idx.msk $0xffff, v9;
	v6 =	vld [tilespmem:s17+$0x0];
	v12 =	vadd.s32 v0, v2  }
0x5f: {  	v8 =	vadd.s32 v1, v8;
	s16 =	sshll.u32 s1, $0x1;
	s21 =	simm.s32 $0x8;
	s14 =	sshllo.u32 s1, $0x1;
	[tilespmem:v18+s19+$0x0] =	vst.idx.msk $0xffff, v17;
	v7 =	vld [tilespmem:s20+$0xFFFFFFF0]  }
0x60: {  	s23 =	simm.s32 $0xB;
	s22 =	simm.s32 $0xC;
	v11 =	vadd.s32 v1, v16;
	v9 =	vld [tilespmem:s20+$0x10];
	s20 =	simm.s32 $0x3C0;
	[tilespmem:v20+s19+$0x0] =	vst.idx.msk $0xffff, v19  }
.LBB2_3:
0x61: {  	p1 =	slt.u32 s22, $0x7C;
	v16 =	vmov s23;
	[tilespmem:v15+s19+$0x0] =	vst.idx.msk $0xffff, v13;
	v17 =	vld [tilespmem:s17+$0x30];
	v18 =	vadd.s32 v1, v4  }
0x62: {  	v13 =	vmov s21;
	s23 =	sadd.s32 $0x1, s21;
	v19 =	vadd.s32 v1, v5;
	s17 =	sadd.s32 $0x80, s17;
	v4 =	vand.u32 $0x7F, v16;
	v16 =	vld [tilespmem:s20+$0xFFFFFFD0];
	[tilespmem:v14+s19+$0x0] =	vst.idx.msk $0xffff, v10  }
0x63: {  	v5 =	vand.u32 $0x7C, v13;
	v10 =	vmov s23;
	s23 =	sadd.s32 $0x2, s21;
	s21 =	smov.u32 s22;
	v20 =	vld [tilespmem:s17+$0x20];
	v21 =	vadd.s32 v0, v4;
	[tilespmem:v12+s19+$0x0] =	vst.idx.msk $0xffff, v6  }
.Ltmp0:
0x64: {  	v15 =	vadd.s32 v0, v5;
	v22 =	vand.u32 $0x7D, v10;
	v6 =	vmov s23;
	v13 =	vld [tilespmem:s17+$0xFFFFFFC0];
	[tilespmem:v8+s19+$0x0] =	vst.idx.msk $0xffff, v7;
	(pc) =	sbr.rel @p1 .LBB2_3-.Ltmp0, $4  }
0x65: {  	v14 =	vadd.s32 v0, v22;
	v23 =	vand.u32 $0x7E, v6;
	v10 =	vld [tilespmem:s17+$0xFFFFFFE0];
	[tilespmem:v11+s19+$0x0] =	vst.idx.msk $0xffff, v9  }
0x66: {  	v12 =	vadd.s32 v0, v23;
	v6 =	vld [tilespmem:s17+$0x0];
	[tilespmem:v18+s19+$0x0] =	vst.idx.msk $0xffff, v17  }
0x67: {  	v8 =	vadd.s32 v1, v3;
	v3 =	vmov v22;
	[tilespmem:v19+s19+$0x0] =	vst.idx.msk $0xffff, v16;
	v7 =	vld [tilespmem:s20+$0xFFFFFFF0]  }
0x68: {  	s22 =	sadd.s32 $0x4, s22;
	s23 =	sadd.s32 $0x3, s21;
	v11 =	vadd.s32 v1, v2;
	v2 =	vmov v23;
	[tilespmem:v21+s19+$0x0] =	vst.idx.msk $0xffff, v20;
	v9 =	vld [tilespmem:s20+$0x10];
	s20 =	smov.u32 s17  }
0x69: {  	_ =	sdelay $0x3  }
0x6a: {  	v16 =	vmov s23;
	[tilespmem:v15+s19+$0x0] =	vst.idx.msk $0xffff, v13;
	v46 =	vld [tilespmem:s17+$0x30];
	v4 =	vadd.s32 v1, v4  }
0x6b: {  	v47 =	vmov s21;
	s22 =	sadd.s32 $0x1, s21;
	v5 =	vadd.s32 v1, v5;
	s17 =	sadd.s32 $0x80, s17;
	v16 =	vand.u32 $0x7F, v16;
	v17 =	vld [tilespmem:s20+$0xFFFFFFD0];
	[tilespmem:v14+s19+$0x0] =	vst.idx.msk $0xffff, v10  }
0x6c: {  	s23 =	sadd.s32 $0x2, s21;
	v48 =	vmov s22;
	v49 =	vand.u32 $0x7C, v47;
	v50 =	vld [tilespmem:s17+$0x20];
	v18 =	vadd.s32 v0, v16;
	[tilespmem:v12+s19+$0x0] =	vst.idx.msk $0xffff, v6  }
0x6d: {  	v51 =	vmov s23;
	v52 =	vld [tilespmem:s17+$0xFFFFFFC0];
	v19 =	vadd.s32 v0, v49;
	v10 =	vand.u32 $0x7D, v48;
	[tilespmem:v8+s19+$0x0] =	vst.idx.msk $0xffff, v7  }
0x6e: {  	v53 =	vld [tilespmem:s17+$0xFFFFFFE0];
	v6 =	vand.u32 $0x7E, v51;
	v54 =	vadd.s32 v0, v10;
	[tilespmem:v11+s19+$0x0] =	vst.idx.msk $0xffff, v9  }
0x6f: {  	v55 =	vld [tilespmem:s17+$0x0];
	v56 =	vadd.s32 v0, v6;
	[tilespmem:v4+s19+$0x0] =	vst.idx.msk $0xffff, v46  }
0x70: {  	v3 =	vadd.s32 v1, v3;
	v57 =	vld [tilespmem:s20+$0xFFFFFFF0];
	[tilespmem:v5+s19+$0x0] =	vst.idx.msk $0xffff, v17  }
0x71: {  	v2 =	vadd.s32 v1, v2;
	v58 =	vld [tilespmem:s20+$0x10];
	[tilespmem:v18+s19+$0x0] =	vst.idx.msk $0xffff, v50  }
0x72: {  	v60 =	vadd.s32 v1, v16;
	[tilespmem:v19+s19+$0x0] =	vst.idx.msk $0xffff, v52;
	v59 =	vld [tilespmem:s17+$0x30]  }
0x73: {  	v14 =	vadd.s32 v1, v49;
	v61 =	vld [tilespmem:s17+$0xFFFFFFD0];
	[tilespmem:v54+s19+$0x0] =	vst.idx.msk $0xffff, v53  }
0x74: {  	v62 =	vadd.s32 v1, v10;
	[tilespmem:v56+s19+$0x0] =	vst.idx.msk $0xffff, v55;
	v7 =	vld [tilespmem:s17+$0xFFFFFFF0]  }
0x75: {  	v63 =	vadd.s32 v1, v6;
	[tilespmem:v3+s19+$0x0] =	vst.idx.msk $0xffff, v57;
	v3 =	vld [tilespmem:s17+$0x10]  }
0x76: {  	s16 =	sadd.s32 s5, s16;
	[tilespmem:v2+s19+$0x0] =	vst.idx.msk $0xffff, v58  }
0x77: {  	s21 =	sshll.u32 s16, $0x9;
	s16 =	sshll.u32 s16, $0x7;
	[tilespmem:v60+s19+$0x0] =	vst.idx.msk $0xffff, v59  }
0x78: {  	s16 =	sand.u32 $0x3F00, s16;
	s17 =	sand.u32 $0x7FFF0000, s21;
	[tilespmem:v14+s19+$0x0] =	vst.idx.msk $0xffff, v61  }
0x79: {  	s16 =	sor.u32 s16, s17;
	[tilespmem:v62+s19+$0x0] =	vst.idx.msk $0xffff, v7  }
0x7a: {  	s17 =	sadd.s32 s2, s16;
	[tilespmem:v63+s19+$0x0] =	vst.idx.msk $0xffff, v3  }
0x7b: {  	[hbm4b:s17+s3] =	stream.linear.scatter [tilespmem:s19], [sflag:$0x4], $0x80, $0x38;
	[tilespmem:$0x4500] =	vst v63  }
0x7c: {  	s23 =	simm.s32 $0x2388;
	s22 =	sadd.s32 $0x10, s17  }
0x7d: {  	[hbm4b:s22+s3] =	stream.linear.scatter [tilespmem:s23], [sflag:$0x4], $0x80, $0x38;
	[tilespmem:$0x4500] =	vst v63  }
0x7e: {  	s22 =	sadd.s32 $0x20, s17;
	s23 =	simm.s32 $0x2410  }
0x7f: {  	[hbm4b:s22+s3] =	stream.linear.scatter [tilespmem:s23], [sflag:$0x4], $0x80, $0x38;
	[tilespmem:$0x4500] =	vst v63  }
0x80: {  	s22 =	sadd.s32 $0x30, s17;
	s23 =	simm.s32 $0x2498  }
0x81: {  	[hbm4b:s22+s3] =	stream.linear.scatter [tilespmem:s23], [sflag:$0x4], $0x80, $0x38;
	[tilespmem:$0x4500] =	vst v63  }
0x82: {  	s22 =	sadd.s32 $0x40, s17;
	s23 =	simm.s32 $0x2520  }
0x83: {  	[hbm4b:s22+s3] =	stream.linear.scatter [tilespmem:s23], [sflag:$0x4], $0x80, $0x38;
	[tilespmem:$0x4500] =	vst v63  }
0x84: {  	s22 =	sadd.s32 $0x50, s17;
	s23 =	simm.s32 $0x25A8  }
0x85: {  	[hbm4b:s22+s3] =	stream.linear.scatter [tilespmem:s23], [sflag:$0x4], $0x80, $0x38;
	[tilespmem:$0x4500] =	vst v63  }
0x86: {  	s21 =	sadd.s32 $0x60, s17;
	s22 =	simm.s32 $0x2630  }
0x87: {  	[hbm4b:s21+s3] =	stream.linear.scatter [tilespmem:s22], [sflag:$0x4], $0x80, $0x38;
	[tilespmem:$0x4500] =	vst v63  }
0x88: {  	s17 =	sadd.s32 $0x70, s17;
	s23 =	simm.s32 $0x26B8  }
0x89: {  	[hbm4b:s17+s3] =	stream.linear.scatter [tilespmem:s23], [sflag:$0x4], $0x80, $0x38;
	[tilespmem:$0x4500] =	vst v63  }
0x8a: {  	s21 =	simm.s32 $0x2740;
	s17 =	sadd.s32 s16, s7  }
0x8b: {  	[hbm4b:s17+s3] =	stream.linear.scatter [tilespmem:s21], [sflag:$0x4], $0x80, $0x38;
	[tilespmem:$0x4500] =	vst v63  }
0x8c: {  	s23 =	simm.s32 $0x27C8;
	s22 =	sadd.s32 $0x10, s17  }
0x8d: {  	[hbm4b:s22+s3] =	stream.linear.scatter [tilespmem:s23], [sflag:$0x4], $0x80, $0x38;
	[tilespmem:$0x4500] =	vst v63  }
0x8e: {  	s22 =	sadd.s32 $0x20, s17;
	s23 =	simm.s32 $0x2850  }
0x8f: {  	[hbm4b:s22+s3] =	stream.linear.scatter [tilespmem:s23], [sflag:$0x4], $0x80, $0x38;
	[tilespmem:$0x4500] =	vst v63  }
0x90: {  	s22 =	sadd.s32 $0x30, s17;
	s23 =	simm.s32 $0x28D8  }
0x91: {  	[hbm4b:s22+s3] =	stream.linear.scatter [tilespmem:s23], [sflag:$0x4], $0x80, $0x38;
	[tilespmem:$0x4500] =	vst v63  }
0x92: {  	s22 =	sadd.s32 $0x40, s17;
	s23 =	simm.s32 $0x2960  }
0x93: {  	[hbm4b:s22+s3] =	stream.linear.scatter [tilespmem:s23], [sflag:$0x4], $0x80, $0x38;
	[tilespmem:$0x4500] =	vst v63  }
0x94: {  	s22 =	sadd.s32 $0x50, s17;
	s23 =	simm.s32 $0x29E8  }
0x95: {  	[hbm4b:s22+s3] =	stream.linear.scatter [tilespmem:s23], [sflag:$0x4], $0x80, $0x38;
	[tilespmem:$0x4500] =	vst v63  }
0x96: {  	s21 =	sadd.s32 $0x60, s17;
	s22 =	simm.s32 $0x2A70  }
0x97: {  	[hbm4b:s21+s3] =	stream.linear.scatter [tilespmem:s22], [sflag:$0x4], $0x80, $0x38;
	[tilespmem:$0x4500] =	vst v63  }
0x98: {  	s17 =	sadd.s32 $0x70, s17;
	s23 =	simm.s32 $0x2AF8  }
0x99: {  	[hbm4b:s17+s3] =	stream.linear.scatter [tilespmem:s23], [sflag:$0x4], $0x80, $0x38;
	[tilespmem:$0x4500] =	vst v63  }
0x9a: {  	s21 =	simm.s32 $0x2B80;
	s17 =	sadd.s32 s16, s8  }
0x9b: {  	[hbm4b:s17+s3] =	stream.linear.scatter [tilespmem:s21], [sflag:$0x4], $0x80, $0x38;
	[tilespmem:$0x4500] =	vst v63  }
0x9c: {  	s23 =	simm.s32 $0x2C08;
	s22 =	sadd.s32 $0x10, s17  }
0x9d: {  	[hbm4b:s22+s3] =	stream.linear.scatter [tilespmem:s23], [sflag:$0x4], $0x80, $0x38;
	[tilespmem:$0x4500] =	vst v63  }
0x9e: {  	s22 =	sadd.s32 $0x20, s17;
	s23 =	simm.s32 $0x2C90  }
0x9f: {  	[hbm4b:s22+s3] =	stream.linear.scatter [tilespmem:s23], [sflag:$0x4], $0x80, $0x38;
	[tilespmem:$0x4500] =	vst v63  }
0xa0: {  	s22 =	sadd.s32 $0x30, s17;
	s23 =	simm.s32 $0x2D18  }
0xa1: {  	[hbm4b:s22+s3] =	stream.linear.scatter [tilespmem:s23], [sflag:$0x4], $0x80, $0x38;
	[tilespmem:$0x4500] =	vst v63  }
0xa2: {  	s22 =	sadd.s32 $0x40, s17;
	s23 =	simm.s32 $0x2DA0  }
0xa3: {  	[hbm4b:s22+s3] =	stream.linear.scatter [tilespmem:s23], [sflag:$0x4], $0x80, $0x38;
	[tilespmem:$0x4500] =	vst v63  }
0xa4: {  	s22 =	sadd.s32 $0x50, s17;
	s23 =	simm.s32 $0x2E28  }
0xa5: {  	[hbm4b:s22+s3] =	stream.linear.scatter [tilespmem:s23], [sflag:$0x4], $0x80, $0x38;
	[tilespmem:$0x4500] =	vst v63  }
0xa6: {  	s21 =	sadd.s32 $0x60, s17;
	s22 =	simm.s32 $0x2EB0  }
0xa7: {  	[hbm4b:s21+s3] =	stream.linear.scatter [tilespmem:s22], [sflag:$0x4], $0x80, $0x38;
	[tilespmem:$0x4500] =	vst v63  }
0xa8: {  	s17 =	sadd.s32 $0x70, s17;
	s23 =	simm.s32 $0x2F38  }
0xa9: {  	[hbm4b:s17+s3] =	stream.linear.scatter [tilespmem:s23], [sflag:$0x4], $0x80, $0x38;
	[tilespmem:$0x4500] =	vst v63  }
0xaa: {  	s16 =	sadd.s32 s16, s9;
	s21 =	simm.s32 $0x2FC0  }
0xab: {  	[hbm4b:s16+s3] =	stream.linear.scatter [tilespmem:s21], [sflag:$0x4], $0x80, $0x38;
	[tilespmem:$0x4500] =	vst v63  }
0xac: {  	s22 =	sadd.s32 $0x10, s16;
	s23 =	simm.s32 $0x3048  }
0xad: {  	[hbm4b:s22+s3] =	stream.linear.scatter [tilespmem:s23], [sflag:$0x4], $0x80, $0x38;
	[tilespmem:$0x4500] =	vst v63  }
0xae: {  	s20 =	sadd.s32 $0x20, s16;
	s21 =	simm.s32 $0x30D0  }
0xaf: {  	[hbm4b:s20+s3] =	stream.linear.scatter [tilespmem:s21], [sflag:$0x4], $0x80, $0x38;
	[tilespmem:$0x4500] =	vst v63  }
0xb0: {  	s22 =	sadd.s32 $0x30, s16;
	s23 =	simm.s32 $0x3158  }
0xb1: {  	[hbm4b:s22+s3] =	stream.linear.scatter [tilespmem:s23], [sflag:$0x4], $0x80, $0x38;
	[tilespmem:$0x4500] =	vst v63  }
0xb2: {  	s20 =	sadd.s32 $0x40, s16;
	s21 =	simm.s32 $0x31E0  }
0xb3: {  	[hbm4b:s20+s3] =	stream.linear.scatter [tilespmem:s21], [sflag:$0x4], $0x80, $0x38;
	[tilespmem:$0x4500] =	vst v63  }
0xb4: {  	p1 =	sne.s32 s1, $0x33;
	s22 =	sadd.s32 $0x50, s16;
	s23 =	simm.s32 $0x3268  }
0xb5: {  	[hbm4b:s22+s3] =	stream.linear.scatter [tilespmem:s23], [sflag:$0x4], $0x80, $0x38;
	[tilespmem:$0x4500] =	vst v63  }
.Ltmp1:
0xb6: {  	_ = 	snop;
	(pc) =	sbr.rel @p1 .LBB2_6-.Ltmp1, $4  }
0xb7: {  	s21 =	sadd.s32 $0x60, s16;
	s22 =	simm.s32 $0x32F0  }
0xb8: {  	[hbm4b:s21+s3] =	stream.linear.scatter [tilespmem:s22], [sflag:$0x4], $0x80, $0x38;
	[tilespmem:$0x4500] =	vst v63  }
0xb9: {  	s16 =	sadd.s32 $0x70, s16;
	s23 =	simm.s32 $0x3378  }
0xba: {  	[hbm4b:s16+s3] =	stream.linear.scatter [tilespmem:s23], [sflag:$0x4], $0x80, $0x38;
	[tilespmem:$0x4500] =	vst v63  }
.Ltmp2:
0xbb: {  	(pc) =	sbr.rel .LBB2_7-.Ltmp2, $4  }
0xbc: {  	_ = 	snop  }
0xbd: {  	_ =	swait.ge [sflag:s0], $0x1000  }
0xbe: {  	[sflag:s0] =	ssyncset.done $0x0  }
0xbf: {  	[sflag:s0] =	ssyncadd.s32 $0xFFFFF000  }
.LBB2_6:
0xc0: {  	_ =	swait.ge [sflag:s12], $0x100  }
0xc1: {  	[sflag:s12] =	ssyncset.done $0x0  }
0xc2: {  	[sflag:s12] =	ssyncadd.s32 $0xFFFFFF00  }
0xc3: {  	v2 =	vld [tilespmem:$0x110]  }
0xc4: {  	v3 =	vld [tilespmem:$0x120]  }
0xc5: {  	v4 =	vld [tilespmem:$0x130]  }
0xc6: {  	v5 =	vld [tilespmem:$0x140]  }
0xc7: {  	v6 =	vld [tilespmem:$0x150]  }
0xc8: {  	v53 =	vld [tilespmem:$0x180];
	[tilespmem:$0x10] =	vst v2  }
0xc9: {  	v54 =	vld [tilespmem:$0x190];
	[tilespmem:$0x20] =	vst v3  }
0xca: {  	v55 =	vld [tilespmem:$0x1A0];
	[tilespmem:$0x30] =	vst v4  }
0xcb: {  	v2 =	vld [tilespmem:$0x160];
	[tilespmem:$0x40] =	vst v5  }
0xcc: {  	v56 =	vld [tilespmem:$0x1C0];
	[tilespmem:$0x50] =	vst v6  }
0xcd: {  	v57 =	vld [tilespmem:$0x1D0];
	[tilespmem:$0x80] =	vst v53  }
0xce: {  	v3 =	vld [tilespmem:$0x170];
	[tilespmem:$0x90] =	vst v54  }
0xcf: {  	v58 =	vld [tilespmem:$0x1E0];
	[tilespmem:$0xA0] =	vst v55  }
0xd0: {  	[tilespmem:$0x60] =	vst v2;
	v2 =	vld [tilespmem:$0x1B0]  }
0xd1: {  	[tilespmem:$0xC0] =	vst v56;
	v59 =	vld [tilespmem:$0x10]  }
0xd2: {  	[tilespmem:$0xD0] =	vst v57;
	v60 =	vld [tilespmem:$0x20]  }
0xd3: {  	[tilespmem:$0x70] =	vst v3;
	v3 =	vld [tilespmem:$0x100]  }
0xd4: {  	[tilespmem:$0xE0] =	vst v58  }
0xd5: {  	[tilespmem:$0xB0] =	vst v2;
	v2 =	vld [tilespmem:$0x1F0]  }
0xd6: {  	v61 =	vld [tilespmem:$0x30];
	[tilespmem:$0x210] =	vst v59  }
0xd7: {  	v62 =	vld [tilespmem:$0x60];
	[tilespmem:$0x220] =	vst v60  }
0xd8: {  	v63 =	vld [tilespmem:$0x70];
	[tilespmem:$0x0] =	vst v3  }
0xd9: {  	[tilespmem:$0x200] =	vst v3;
	v3 =	vld [tilespmem:$0x50]  }
0xda: {  	[tilespmem:$0xF0] =	vst v2;
	v2 =	vld [tilespmem:$0x40]  }
0xdb: {  	[tilespmem:$0x230] =	vst v61  }
0xdc: {  	[tilespmem:$0x260] =	vst v62  }
0xdd: {  	[tilespmem:$0x270] =	vst v63  }
0xde: {  	[tilespmem:$0x250] =	vst v3  }
.Ltmp3:
0xdf: {  	s1 =	simm.s32 $0x200;
	s16 =	simm.s32 $0x300;
	[tilespmem:$0x240] =	vst v2;
	(pc) =	sbr.rel @p0 .LBB2_8-.Ltmp3, $4  }
0xe0: {  	[tilespmem:s16], [sflag:$0x2] =	stream.indirect.gather [hbm4b:s4+s13], $0x20, s1, s13, $0xb8;
	[tilespmem:$0x4500] =	vst v63  }
0xe1: {  	_ =	swait.ge [sflag:s0], $0x1000  }
0xe2: {  	[sflag:s0] =	ssyncset.done $0x0  }
0xe3: {  	[sflag:s0] =	ssyncadd.s32 $0xFFFFF000  }
.LBB2_7:
0xe4: {  	_ =	swait.ge [sflag:s11], $0x400  }
0xe5: {  	[sflag:s11] =	ssyncset.done $0x0  }
0xe6: {  	[sflag:s11] =	ssyncadd.s32 $0xFFFFFC00  }
0xe7: {  	_ =	swait.ge [sflag:s11], $0x400  }
0xe8: {  	[sflag:s11] =	ssyncset.done $0x0  }
0xe9: {  	[sflag:s11] =	ssyncadd.s32 $0xFFFFFC00  }
0xea: {  	_ =	swait.ge [sflag:s11], $0x400  }
0xeb: {  	[sflag:s11] =	ssyncset.done $0x0  }
0xec: {  	[sflag:s11] =	ssyncadd.s32 $0xFFFFFC00  }
0xed: {  	_ =	swait.ge [sflag:s11], $0x400  }
0xee: {  	[sflag:s11] =	ssyncset.done $0x0  }
0xef: {  	[sflag:s11] =	ssyncadd.s32 $0xFFFFFC00  }
.LBB2_8:
0xf0: {  	s1 =	simm.s32 $0x3  }
0xf1: {  	s16 =	simm.s32 $0x0;
	v2 =	vmov s1  }
0xf2: {  	s22 =	simm.s32 $0x1340;
	v3 =	vmov s16;
	v2 =	vand.u32 $0x7F, v2  }
0xf3: {  	v4 =	vld [tilespmem:s22+$0x20];
	v3 =	vand.u32 $0x7C, v3;
	v5 =	vadd.s32 v0, v2  }
0xf4: {  	v6 =	vld [tilespmem:s22+$0xFFFFFFC0];
	v7 =	vadd.s32 v0, v3  }
0xf5: {  	s17 =	simm.s32 $0x2  }
0xf6: {  	v9 =	vmov s17  }
0xf7: {  	s16 =	simm.s32 $0x1;
	v16 =	vand.u32 $0x7E, v9  }
0xf8: {  	v8 =	vmov s16;
	v9 =	vld [tilespmem:s22+$0x0];
	v12 =	vadd.s32 v0, v16;
	[tilespmem:v5+s10+$0x0] =	vst.idx.msk $0xffff, v4  }
0xf9: {  	s20 =	simm.s32 $0x7;
	v8 =	vand.u32 $0x7D, v8;
	v14 =	vadd.s32 v1, v2;
	[tilespmem:v7+s10+$0x0] =	vst.idx.msk $0xffff, v6;
	v6 =	vld [tilespmem:s22+$0x30]  }
0xfa: {  	s21 =	simm.s32 $0x4;
	v10 =	vld [tilespmem:s22+$0xFFFFFFE0];
	v11 =	vadd.s32 v0, v8;
	v4 =	vmov s20  }
0xfb: {  	s23 =	simm.s32 $0x5;
	s1 =	simm.s32 $0x13C0;
	v18 =	vadd.s32 v1, v3;
	v2 =	vmov s21;
	v4 =	vand.u32 $0x7F, v4;
	v17 =	vld [tilespmem:s22+$0xFFFFFFD0]  }
0xfc: {  	s17 =	simm.s32 $0x6;
	v19 =	vld [tilespmem:s1+$0x20];
	v5 =	vand.u32 $0x7C, v2;
	v2 =	vmov s23;
	v20 =	vadd.s32 v0, v4  }
0xfd: {  	v13 =	vld [tilespmem:s1+$0xFFFFFFC0];
	[tilespmem:v12+s10+$0x0] =	vst.idx.msk $0xffff, v9;
	v7 =	vmov s17;
	v15 =	vadd.s32 v0, v5;
	v3 =	vand.u32 $0x7D, v2  }
0xfe: {  	v12 =	vld [tilespmem:s1+$0xFFFFFFE0];
	v2 =	vand.u32 $0x7E, v7;
	[tilespmem:v14+s10+$0x0] =	vst.idx.msk $0xffff, v6;
	v14 =	vadd.s32 v0, v3  }
0xff: {  	[tilespmem:v11+s10+$0x0] =	vst.idx.msk $0xffff, v10;
	v7 =	vld [tilespmem:s1+$0x0];
	v11 =	vadd.s32 v0, v2  }
0x100: {  	s16 =	simm.s32 $0x13C0;
	v8 =	vadd.s32 v1, v8;
	[tilespmem:v18+s10+$0x0] =	vst.idx.msk $0xffff, v17;
	v6 =	vld [tilespmem:s22+$0xFFFFFFF0]  }
0x101: {  	s21 =	simm.s32 $0xB;
	s17 =	simm.s32 $0x8;
	s20 =	simm.s32 $0xC;
	v9 =	vld [tilespmem:s22+$0x10];
	v10 =	vadd.s32 v1, v16;
	[tilespmem:v20+s10+$0x0] =	vst.idx.msk $0xffff, v19  }
.LBB2_9:
0x102: {  	p0 =	slt.u32 s20, $0x7C;
	v16 =	vmov s21;
	[tilespmem:v15+s10+$0x0] =	vst.idx.msk $0xffff, v13;
	v17 =	vld [tilespmem:s1+$0x30];
	v18 =	vadd.s32 v1, v4  }
0x103: {  	v13 =	vmov s17;
	s21 =	sadd.s32 $0x1, s17;
	v19 =	vadd.s32 v1, v5;
	s1 =	sadd.s32 $0x80, s1;
	v4 =	vand.u32 $0x7F, v16;
	v16 =	vld [tilespmem:s16+$0xFFFFFFD0];
	[tilespmem:v14+s10+$0x0] =	vst.idx.msk $0xffff, v12  }
0x104: {  	v5 =	vand.u32 $0x7C, v13;
	v12 =	vmov s21;
	s21 =	sadd.s32 $0x2, s17;
	s17 =	smov.u32 s20;
	v20 =	vld [tilespmem:s1+$0x20];
	v21 =	vadd.s32 v0, v4;
	[tilespmem:v11+s10+$0x0] =	vst.idx.msk $0xffff, v7  }
.Ltmp4:
0x105: {  	v15 =	vadd.s32 v0, v5;
	v22 =	vand.u32 $0x7D, v12;
	v7 =	vmov s21;
	v13 =	vld [tilespmem:s1+$0xFFFFFFC0];
	[tilespmem:v8+s10+$0x0] =	vst.idx.msk $0xffff, v6;
	(pc) =	sbr.rel @p0 .LBB2_9-.Ltmp4, $4  }
0x106: {  	v14 =	vadd.s32 v0, v22;
	v23 =	vand.u32 $0x7E, v7;
	v12 =	vld [tilespmem:s1+$0xFFFFFFE0];
	[tilespmem:v10+s10+$0x0] =	vst.idx.msk $0xffff, v9  }
0x107: {  	v11 =	vadd.s32 v0, v23;
	v7 =	vld [tilespmem:s1+$0x0];
	[tilespmem:v18+s10+$0x0] =	vst.idx.msk $0xffff, v17  }
0x108: {  	v8 =	vadd.s32 v1, v3;
	v3 =	vmov v22;
	[tilespmem:v19+s10+$0x0] =	vst.idx.msk $0xffff, v16;
	v6 =	vld [tilespmem:s16+$0xFFFFFFF0]  }
0x109: {  	s20 =	sadd.s32 $0x4, s20;
	s21 =	sadd.s32 $0x3, s17;
	v10 =	vadd.s32 v1, v2;
	v2 =	vmov v23;
	[tilespmem:v21+s10+$0x0] =	vst.idx.msk $0xffff, v20;
	v9 =	vld [tilespmem:s16+$0x10];
	s16 =	smov.u32 s1  }
0x10a: {  	_ =	sdelay $0x3  }
0x10b: {  	v16 =	vmov s21;
	[tilespmem:v15+s10+$0x0] =	vst.idx.msk $0xffff, v13;
	v46 =	vld [tilespmem:s1+$0x30];
	v4 =	vadd.s32 v1, v4  }
0x10c: {  	v47 =	vmov s17;
	s20 =	sadd.s32 $0x1, s17;
	v5 =	vadd.s32 v1, v5;
	s22 =	sadd.s32 $0x80, s1;
	v16 =	vand.u32 $0x7F, v16;
	v17 =	vld [tilespmem:s16+$0xFFFFFFD0];
	[tilespmem:v14+s10+$0x0] =	vst.idx.msk $0xffff, v12  }
0x10d: {  	s23 =	sadd.s32 $0x2, s17;
	v48 =	vmov s20;
	v49 =	vand.u32 $0x7C, v47;
	v50 =	vld [tilespmem:s22+$0x20];
	v18 =	vadd.s32 v0, v16;
	[tilespmem:v11+s10+$0x0] =	vst.idx.msk $0xffff, v7  }
0x10e: {  	v51 =	vmov s23;
	v52 =	vld [tilespmem:s22+$0xFFFFFFC0];
	v19 =	vadd.s32 v0, v49;
	v12 =	vand.u32 $0x7D, v48;
	[tilespmem:v8+s10+$0x0] =	vst.idx.msk $0xffff, v6  }
0x10f: {  	v53 =	vld [tilespmem:s22+$0xFFFFFFE0];
	v7 =	vand.u32 $0x7E, v51;
	v54 =	vadd.s32 v0, v12;
	[tilespmem:v10+s10+$0x0] =	vst.idx.msk $0xffff, v9  }
0x110: {  	v55 =	vld [tilespmem:s22+$0x0];
	v56 =	vadd.s32 v0, v7;
	[tilespmem:v4+s10+$0x0] =	vst.idx.msk $0xffff, v46  }
0x111: {  	v3 =	vadd.s32 v1, v3;
	v57 =	vld [tilespmem:s16+$0xFFFFFFF0];
	[tilespmem:v5+s10+$0x0] =	vst.idx.msk $0xffff, v17  }
0x112: {  	v2 =	vadd.s32 v1, v2;
	v58 =	vld [tilespmem:s16+$0x10];
	[tilespmem:v18+s10+$0x0] =	vst.idx.msk $0xffff, v50  }
0x113: {  	v60 =	vadd.s32 v1, v16;
	[tilespmem:v19+s10+$0x0] =	vst.idx.msk $0xffff, v52;
	v59 =	vld [tilespmem:s22+$0x30]  }
0x114: {  	v14 =	vadd.s32 v1, v49;
	v61 =	vld [tilespmem:s22+$0xFFFFFFD0];
	[tilespmem:v54+s10+$0x0] =	vst.idx.msk $0xffff, v53  }
0x115: {  	v62 =	vadd.s32 v1, v12;
	[tilespmem:v56+s10+$0x0] =	vst.idx.msk $0xffff, v55;
	v6 =	vld [tilespmem:s22+$0xFFFFFFF0]  }
0x116: {  	v63 =	vadd.s32 v1, v7;
	[tilespmem:v3+s10+$0x0] =	vst.idx.msk $0xffff, v57;
	v3 =	vld [tilespmem:s22+$0x10]  }
0x117: {  	s17 =	sadd.s32 s5, s14;
	[tilespmem:v2+s10+$0x0] =	vst.idx.msk $0xffff, v58  }
0x118: {  	s14 =	sshll.u32 s17, $0x9;
	s1 =	sshll.u32 s17, $0x7;
	[tilespmem:v60+s10+$0x0] =	vst.idx.msk $0xffff, v59  }
0x119: {  	s14 =	sand.u32 $0x7FFF0000, s14;
	s1 =	sand.u32 $0x3F80, s1;
	[tilespmem:v14+s10+$0x0] =	vst.idx.msk $0xffff, v61  }
0x11a: {  	s1 =	sor.u32 s1, s14;
	[tilespmem:v62+s10+$0x0] =	vst.idx.msk $0xffff, v6  }
0x11b: {  	s14 =	sadd.s32 s2, s1;
	[tilespmem:v63+s10+$0x0] =	vst.idx.msk $0xffff, v3  }
0x11c: {  	[hbm4b:s14+s3] =	stream.linear.scatter [tilespmem:s10], [sflag:$0x5], $0x80, $0x38;
	[tilespmem:$0x4500] =	vst v63  }
0x11d: {  	s21 =	simm.s32 $0x3488;
	s20 =	sadd.s32 $0x10, s14  }
0x11e: {  	[hbm4b:s20+s3] =	stream.linear.scatter [tilespmem:s21], [sflag:$0x5], $0x80, $0x38;
	[tilespmem:$0x4500] =	vst v63  }
0x11f: {  	s23 =	simm.s32 $0x3510;
	s22 =	sadd.s32 $0x20, s14  }
0x120: {  	[hbm4b:s22+s3] =	stream.linear.scatter [tilespmem:s23], [sflag:$0x5], $0x80, $0x38;
	[tilespmem:$0x4500] =	vst v63  }
0x121: {  	s20 =	sadd.s32 $0x30, s14;
	s21 =	simm.s32 $0x3598  }
0x122: {  	[hbm4b:s20+s3] =	stream.linear.scatter [tilespmem:s21], [sflag:$0x5], $0x80, $0x38;
	[tilespmem:$0x4500] =	vst v63  }
0x123: {  	s22 =	sadd.s32 $0x40, s14;
	s23 =	simm.s32 $0x3620  }
0x124: {  	[hbm4b:s22+s3] =	stream.linear.scatter [tilespmem:s23], [sflag:$0x5], $0x80, $0x38;
	[tilespmem:$0x4500] =	vst v63  }
0x125: {  	s17 =	sadd.s32 $0x50, s14;
	s20 =	simm.s32 $0x36A8  }
0x126: {  	[hbm4b:s17+s3] =	stream.linear.scatter [tilespmem:s20], [sflag:$0x5], $0x80, $0x38;
	[tilespmem:$0x4500] =	vst v63  }
0x127: {  	s21 =	sadd.s32 $0x60, s14;
	s22 =	simm.s32 $0x3730  }
0x128: {  	[hbm4b:s21+s3] =	stream.linear.scatter [tilespmem:s22], [sflag:$0x5], $0x80, $0x38;
	[tilespmem:$0x4500] =	vst v63  }
0x129: {  	s14 =	sadd.s32 $0x70, s14;
	s23 =	simm.s32 $0x37B8  }
0x12a: {  	[hbm4b:s14+s3] =	stream.linear.scatter [tilespmem:s23], [sflag:$0x5], $0x80, $0x38;
	[tilespmem:$0x4500] =	vst v63  }
0x12b: {  	s17 =	simm.s32 $0x3840;
	s14 =	sadd.s32 s1, s7  }
0x12c: {  	[hbm4b:s14+s3] =	stream.linear.scatter [tilespmem:s17], [sflag:$0x5], $0x80, $0x38;
	[tilespmem:$0x4500] =	vst v63  }
0x12d: {  	s21 =	simm.s32 $0x38C8;
	s20 =	sadd.s32 $0x10, s14  }
0x12e: {  	[hbm4b:s20+s3] =	stream.linear.scatter [tilespmem:s21], [sflag:$0x5], $0x80, $0x38;
	[tilespmem:$0x4500] =	vst v63  }
0x12f: {  	s23 =	simm.s32 $0x3950;
	s22 =	sadd.s32 $0x20, s14  }
0x130: {  	[hbm4b:s22+s3] =	stream.linear.scatter [tilespmem:s23], [sflag:$0x5], $0x80, $0x38;
	[tilespmem:$0x4500] =	vst v63  }
0x131: {  	s20 =	sadd.s32 $0x30, s14;
	s21 =	simm.s32 $0x39D8  }
0x132: {  	[hbm4b:s20+s3] =	stream.linear.scatter [tilespmem:s21], [sflag:$0x5], $0x80, $0x38;
	[tilespmem:$0x4500] =	vst v63  }
0x133: {  	s22 =	sadd.s32 $0x40, s14;
	s23 =	simm.s32 $0x3A60  }
0x134: {  	[hbm4b:s22+s3] =	stream.linear.scatter [tilespmem:s23], [sflag:$0x5], $0x80, $0x38;
	[tilespmem:$0x4500] =	vst v63  }
0x135: {  	s20 =	sadd.s32 $0x50, s14;
	s21 =	simm.s32 $0x3AE8  }
0x136: {  	[hbm4b:s20+s3] =	stream.linear.scatter [tilespmem:s21], [sflag:$0x5], $0x80, $0x38;
	[tilespmem:$0x4500] =	vst v63  }
0x137: {  	s22 =	sadd.s32 $0x60, s14;
	s23 =	simm.s32 $0x3B70  }
0x138: {  	[hbm4b:s22+s3] =	stream.linear.scatter [tilespmem:s23], [sflag:$0x5], $0x80, $0x38;
	[tilespmem:$0x4500] =	vst v63  }
0x139: {  	s14 =	sadd.s32 $0x70, s14;
	s20 =	simm.s32 $0x3BF8  }
0x13a: {  	[hbm4b:s14+s3] =	stream.linear.scatter [tilespmem:s20], [sflag:$0x5], $0x80, $0x38;
	[tilespmem:$0x4500] =	vst v63  }
0x13b: {  	s21 =	simm.s32 $0x3C80;
	s14 =	sadd.s32 s1, s8  }
0x13c: {  	[hbm4b:s14+s3] =	stream.linear.scatter [tilespmem:s21], [sflag:$0x5], $0x80, $0x38;
	[tilespmem:$0x4500] =	vst v63  }
0x13d: {  	s23 =	simm.s32 $0x3D08;
	s22 =	sadd.s32 $0x10, s14  }
0x13e: {  	[hbm4b:s22+s3] =	stream.linear.scatter [tilespmem:s23], [sflag:$0x5], $0x80, $0x38;
	[tilespmem:$0x4500] =	vst v63  }
0x13f: {  	s20 =	sadd.s32 $0x20, s14;
	s21 =	simm.s32 $0x3D90  }
0x140: {  	[hbm4b:s20+s3] =	stream.linear.scatter [tilespmem:s21], [sflag:$0x5], $0x80, $0x38;
	[tilespmem:$0x4500] =	vst v63  }
0x141: {  	s22 =	sadd.s32 $0x30, s14;
	s23 =	simm.s32 $0x3E18  }
0x142: {  	[hbm4b:s22+s3] =	stream.linear.scatter [tilespmem:s23], [sflag:$0x5], $0x80, $0x38;
	[tilespmem:$0x4500] =	vst v63  }
0x143: {  	s20 =	sadd.s32 $0x40, s14;
	s21 =	simm.s32 $0x3EA0  }
0x144: {  	[hbm4b:s20+s3] =	stream.linear.scatter [tilespmem:s21], [sflag:$0x5], $0x80, $0x38;
	[tilespmem:$0x4500] =	vst v63  }
0x145: {  	s22 =	sadd.s32 $0x50, s14;
	s23 =	simm.s32 $0x3F28  }
0x146: {  	[hbm4b:s22+s3] =	stream.linear.scatter [tilespmem:s23], [sflag:$0x5], $0x80, $0x38;
	[tilespmem:$0x4500] =	vst v63  }
0x147: {  	s20 =	sadd.s32 $0x60, s14;
	s21 =	simm.s32 $0x3FB0  }
0x148: {  	[hbm4b:s20+s3] =	stream.linear.scatter [tilespmem:s21], [sflag:$0x5], $0x80, $0x38;
	[tilespmem:$0x4500] =	vst v63  }
0x149: {  	s14 =	sadd.s32 $0x70, s14;
	s22 =	simm.s32 $0x4038  }
0x14a: {  	[hbm4b:s14+s3] =	stream.linear.scatter [tilespmem:s22], [sflag:$0x5], $0x80, $0x38;
	[tilespmem:$0x4500] =	vst v63  }
0x14b: {  	s1 =	sadd.s32 s1, s9;
	s23 =	simm.s32 $0x40C0  }
0x14c: {  	[hbm4b:s1+s3] =	stream.linear.scatter [tilespmem:s23], [sflag:$0x5], $0x80, $0x38;
	[tilespmem:$0x4500] =	vst v63  }
0x14d: {  	s16 =	sadd.s32 $0x10, s1  }
0x14e: {  	[hbm4b:s16+s3] =	stream.linear.scatter [tilespmem:s24], [sflag:$0x5], $0x80, $0x38;
	[tilespmem:$0x4500] =	vst v63  }
0x14f: {  	s17 =	sadd.s32 $0x20, s1  }
0x150: {  	[hbm4b:s17+s3] =	stream.linear.scatter [tilespmem:s25], [sflag:$0x5], $0x80, $0x38;
	[tilespmem:$0x4500] =	vst v63  }
0x151: {  	s20 =	sadd.s32 $0x30, s1  }
0x152: {  	[hbm4b:s20+s3] =	stream.linear.scatter [tilespmem:s26], [sflag:$0x5], $0x80, $0x38;
	[tilespmem:$0x4500] =	vst v63  }
0x153: {  	s21 =	sadd.s32 $0x40, s1  }
0x154: {  	[hbm4b:s21+s3] =	stream.linear.scatter [tilespmem:s28], [sflag:$0x5], $0x80, $0x38;
	[tilespmem:$0x4500] =	vst v63  }
0x155: {  	p0 =	sne.s32 s15, $0x34;
	s22 =	sadd.s32 $0x50, s1  }
0x156: {  	[hbm4b:s22+s3] =	stream.linear.scatter [tilespmem:s29], [sflag:$0x5], $0x80, $0x38;
	[tilespmem:$0x4500] =	vst v63  }
.Ltmp5:
0x157: {  	s23 =	sadd.s32 $0x60, s1;
	(pc) =	sbr.rel @p0 .LBB2_2-.Ltmp5, $4  }
0x158: {  	[hbm4b:s23+s3] =	stream.linear.scatter [tilespmem:s30], [sflag:$0x5], $0x80, $0x38;
	[tilespmem:$0x4500] =	vst v63  }
0x159: {  	s1 =	sadd.s32 $0x70, s1  }
0x15a: {  	[hbm4b:s1+s3] =	stream.linear.scatter [tilespmem:s31], [sflag:$0x5], $0x80, $0x38;
	[tilespmem:$0x4500] =	vst v63  }
0x15b: {  	s1 =	smov.u32 s15  }
0x15c: {  	s1 =	simm.s32 $0x4  }
0x15d: {  	_ =	swait.ge [sflag:s1], $0x400  }
0x15e: {  	[sflag:s1] =	ssyncset.done $0x0  }
0x15f: {  	[sflag:s1] =	ssyncadd.s32 $0xFFFFFC00  }
0x160: {  	_ =	swait.ge [sflag:s1], $0x400  }
0x161: {  	[sflag:s1] =	ssyncset.done $0x0  }
0x162: {  	[sflag:s1] =	ssyncadd.s32 $0xFFFFFC00  }
0x163: {  	_ =	swait.ge [sflag:s1], $0x400  }
0x164: {  	[sflag:s1] =	ssyncset.done $0x0  }
0x165: {  	[sflag:s1] =	ssyncadd.s32 $0xFFFFFC00  }
0x166: {  	_ =	swait.ge [sflag:s1], $0x400  }
0x167: {  	[sflag:s1] =	ssyncset.done $0x0  }
0x168: {  	[sflag:s1] =	ssyncadd.s32 $0xFFFFFC00  }
0x169: {  	_ =	swait.ge [sflag:s11], $0x400  }
0x16a: {  	[sflag:s11] =	ssyncset.done $0x0  }
0x16b: {  	[sflag:s11] =	ssyncadd.s32 $0xFFFFFC00  }
0x16c: {  	_ =	swait.ge [sflag:s11], $0x400  }
0x16d: {  	[sflag:s11] =	ssyncset.done $0x0  }
0x16e: {  	[sflag:s11] =	ssyncadd.s32 $0xFFFFFC00  }
0x16f: {  	_ =	swait.ge [sflag:s11], $0x400  }
0x170: {  	[sflag:s11] =	ssyncset.done $0x0  }
0x171: {  	[sflag:s11] =	ssyncadd.s32 $0xFFFFFC00  }
0x172: {  	_ =	swait.ge [sflag:s11], $0x400  }
0x173: {  	s14 =	rddreg [dreg:$0x4]  }
0x174: {  	s23 =	rddreg [dreg:$0x3];
	s14 =	sadd.s32 $0x1, s14  }
0x175: {  	p0 =	sne.s32 s14, s23  }
.Ltmp6:
0x176: {  	_ = 	snop;
	(pc) =	sbr.rel @p0 .LBB2_1-.Ltmp6, $3  }
0x177: {  	_ =	sdelay $0x1  }
0x178: {  	[sflag:s11] =	ssyncset.done $0x0  }
0x179: {  	[sflag:s11] =	ssyncadd.s32 $0xFFFFFC00  }
0x17a: {  	_ =	sfence.sel $0x180000  }
0x17b: {  	[bflag:$0x0] =	sbarrier.arrive $0xFFFF  }
0x17c: {  	_ =	strace $0x9000004A  }
0x17d: {  	s0 =	stileid.u32;
	[bflag:$0x2] =	sbarrier.arrive $0xFFFF  }
0x17e: {  	p0 =	sne.s32 s0, $0x0;
	s0 =	rddreg [dreg:$0x2]  }
0x17f: {  	s0 =	sadd.s32 @!p0 $0x100000, s0  }
0x180: {  	[sflag:s0] =	ssyncadd.tile.s32 @!p0 $0x1;
	_ =	shalt  }
.Lfunc_end2:
_tile_overlayer_lowered:
.L_overlay_start_2:
0x181: {  	(tag) =	ssettag $0x2  }
0x182: {  	s0 =	rddreg [dreg:$0x0];
	s2 =	stileid.u32  }
0x183: {  	s1 =	rddreg [dreg:$0x1];
	p0 =	sne.s32 s2, $0x0  }
0x184: {  	s3 =	rddreg [dreg:$0x2];
	[bflag:$0x3] =	sbarrier.arrive $0xFFFF;
	s2 =	simm.s32 @!p0 $0x1C06  }
0x185: {  	[timem:s3], [sflag:s2] =	dma.local @!p0 [hbm:s0], s1  }
0x186: {  	s0 =	simm.s32 @!p0 $0x6  }
0x187: {  	_ =	swait.ge @!p0 [sflag:s0], s1  }
0x188: {  	s1 =	ssub.s32 @!p0 $0x0, s1;
	[sflag:s0] =	ssyncset.done @!p0 $0x0  }
0x189: {  	[sflag:s0] =	ssyncadd.s32 @!p0 s1  }
0x18a: {  	[bflag:$0x3] =	sbarrier.arrive $0xFFFF  }
0x18b: {  	_ =	shalt  }

</sc_bundles>
